<compile_context>
chip_gen: v7x
topology: tpu7x:2x2x1
jax: 0.10.2.dev20260603
libtpu: 0.0.44.dev20260713+nightly
codegen_flags: <defaults>
</compile_context>

<pallas_src>
import functools

import jax
import jax.numpy as jnp
from jax import lax
from jax.experimental import pallas as pl
from jax.experimental.pallas import tpu as pltpu
from jax.experimental.pallas import tpu_sc as plsc

N = 10000
E = 160000
F_IN = 256
C = 128

NC = 2
NS = 16
NP = 10240
EB = 128
NB = 80
BLK8 = 8
NBLK8 = NB // BLK8
EPT = NB * EB
EP = NS * EPT
ROWS_PER_TILE = NP // NS


def _mesh():
    return plsc.VectorSubcoreMesh(
        core_axis_name="c", subcore_axis_name="s", num_cores=NC, num_subcores=NS
    )


@functools.cache
def _build_deg_kernel():
    @functools.partial(
        pl.kernel,
        out_type=jax.ShapeDtypeStruct((NP,), jnp.float32),
        mesh=_mesh(),
        scratch_types=[
            pltpu.VMEM((NB, EB), jnp.int32),
            pltpu.VMEM((EB,), jnp.float32),
            pltpu.VMEM_SHARED((NP,), jnp.float32),
        ],
    )
    def _deg_kernel(dst_hbm, zeros_hbm, deg_hbm, dst_all, ones_v, acc):
        c = lax.axis_index("c")
        s = lax.axis_index("s")

        @pl.when(c == 0)
        def _():
            for i in range(EB // 16):
                ones_v[pl.ds(i * 16, 16)] = jnp.full((16,), 1.0,
                                                     dtype=jnp.float32)
            pltpu.sync_copy(dst_hbm.at[s], dst_all)
            pltpu.sync_copy(
                zeros_hbm.at[pl.ds(s * ROWS_PER_TILE, ROWS_PER_TILE)],
                acc.at[pl.ds(s * ROWS_PER_TILE, ROWS_PER_TILE)],
            )

        plsc.subcore_barrier()

        @pl.when(c == 0)
        def _():
            def body(j, carry):
                pltpu.sync_copy(ones_v, acc.at[dst_all.at[j]], add=True)
                return carry

            lax.fori_loop(0, NB, body, 0)

        plsc.subcore_barrier()

        @pl.when(c == 0)
        def _():
            pltpu.sync_copy(
                acc.at[pl.ds(s * ROWS_PER_TILE, ROWS_PER_TILE)],
                deg_hbm.at[pl.ds(s * ROWS_PER_TILE, ROWS_PER_TILE)],
            )

    return _deg_kernel


@functools.cache
def _build_hop_kernel():
    @functools.partial(
        pl.kernel,
        out_type=jax.ShapeDtypeStruct((NP, C), jnp.float32),
        mesh=_mesh(),
        scratch_types=[
            pltpu.VMEM((NB, EB), jnp.int32),
            pltpu.VMEM((2, BLK8, EB), jnp.int32),
            pltpu.VMEM((EB, C), jnp.float32),
            pltpu.VMEM((EB, C), jnp.float32),
            pltpu.VMEM_SHARED((NP, C), jnp.float32),
            pltpu.SemaphoreType.DMA,
            pltpu.SemaphoreType.DMA,
            pltpu.SemaphoreType.DMA,
            pltpu.SemaphoreType.DMA,
            pltpu.SemaphoreType.DMA,
            pltpu.SemaphoreType.DMA,
        ],
    )
    def _hop_kernel(u_hbm, src_hbm, dst_hbm, zrows_hbm, out_hbm,
                    src_all, dring, rows0, rows1, acc,
                    sem0, sem1, dsem0, dsem1, ssem0, ssem1):
        rows = (rows0, rows1)
        sems = (sem0, sem1)
        dsems = (dsem0, dsem1)
        ssems = (ssem0, ssem1)
        c = lax.axis_index("c")
        s = lax.axis_index("s")

        @pl.when(c == 0)
        def _():
            pltpu.sync_copy(src_hbm.at[s], src_all)
            pltpu.sync_copy(dst_hbm.at[s, pl.ds(0, BLK8)], dring.at[0])
            pltpu.sync_copy(
                zrows_hbm.at[pl.ds(s * ROWS_PER_TILE, ROWS_PER_TILE)],
                acc.at[pl.ds(s * ROWS_PER_TILE, ROWS_PER_TILE)],
            )

        plsc.subcore_barrier()

        @pl.when(c == 0)
        def _():
            pltpu.async_copy(dst_hbm.at[s, pl.ds(BLK8, BLK8)],
                             dring.at[1], dsems[1])
            pltpu.async_copy(u_hbm.at[src_all.at[0]], rows[0], sems[0])

            def block2(k2, carry):
              for h in range(2):
                k = k2 * 2 + h

                @pl.when(k > 0)
                def _():
                    pltpu.make_async_copy(
                        dst_hbm.at[s, pl.ds(k * BLK8, BLK8)],
                        dring.at[h], dsems[h]).wait()

                for slot in range(BLK8):
                    b = slot % 2
                    nxt = 1 - b
                    j = k * BLK8 + slot

                    @pl.when(j + 1 < NB)
                    def _():
                        @pl.when(j >= 1)
                        def _():
                            pltpu.make_async_copy(
                                rows[nxt], acc.at[dring.at[h, slot]],
                                ssems[nxt]).wait()

                        for hh in range(2):
                            lo = hh * (EB // 2)
                            pltpu.async_copy(
                                u_hbm.at[src_all.at[j + 1, pl.ds(lo, EB // 2)]],
                                rows[nxt].at[pl.ds(lo, EB // 2)], sems[nxt])

                    pltpu.make_async_copy(u_hbm.at[src_all.at[j]],
                                          rows[b], sems[b]).wait()
                    pltpu.async_copy(rows[b], acc.at[dring.at[h, slot]],
                                     ssems[b], add=True)

                @pl.when(k + 2 < NBLK8)
                def _():
                    pltpu.async_copy(
                        dst_hbm.at[s, pl.ds((k + 2) * BLK8, BLK8)],
                        dring.at[h], dsems[h])

              return carry

            lax.fori_loop(0, NBLK8 // 2, block2, 0)
            for b in range(2):
                pltpu.make_async_copy(rows[b], acc.at[dring.at[1, 0]],
                                      ssems[b]).wait()

        plsc.subcore_barrier()

        @pl.when(c == 0)
        def _():
            pltpu.sync_copy(
                acc.at[pl.ds(s * ROWS_PER_TILE, ROWS_PER_TILE)],
                out_hbm.at[pl.ds(s * ROWS_PER_TILE, ROWS_PER_TILE)],
            )

    return _hop_kernel


_BLK = 1024
_NBLK = NP // _BLK


def _mm_body(x_ref, w_ref, deg_ref, u1_ref):
    dinv = lax.rsqrt(deg_ref[...] + 1.0)
    z = lax.dot_general(x_ref[...], w_ref[...],
                        (((1,), (1,)), ((), ())),
                        preferred_element_type=jnp.float32)
    u1_ref[...] = z * dinv[:, None]


def _mid_body(p_ref, u1_ref, deg_ref, u2_ref):
    dinv = lax.rsqrt(deg_ref[...] + 1.0)
    t = p_ref[...] + u1_ref[...]
    u2_ref[...] = t * (dinv * dinv)[:, None]


def _fin_body(q_ref, u2_ref, deg_ref, b_ref, o_ref):
    dinv = lax.rsqrt(deg_ref[...] + 1.0)
    t = q_ref[...] + u2_ref[...]
    logits = t * dinv[:, None] + b_ref[...][None, :]
    m = jnp.max(logits, axis=1, keepdims=True)
    sh = logits - m
    lse = jnp.log(jnp.sum(jnp.exp(sh), axis=1, keepdims=True))
    o_ref[...] = sh - lse


def kernel(x, edge_index, W, b):
    x = x.astype(jnp.float32)
    W = W.astype(jnp.float32)
    b = b.astype(jnp.float32)
    src = edge_index[0].astype(jnp.int32)
    dst = edge_index[1].astype(jnp.int32)

    xp = jnp.pad(x, ((0, NP - N), (0, 0)))
    pad_e = EP - E
    spread = N + (jnp.arange(pad_e, dtype=jnp.int32) % (NP - N))
    src_p = jnp.concatenate([src, spread])
    dst_p = jnp.concatenate([dst, spread])
    src3 = src_p.reshape(NS, NB, EB)
    dst3 = dst_p.reshape(NS, NB, EB)

    zeros1 = jnp.zeros((NP,), jnp.float32)
    zrows = jnp.zeros((NP, C), jnp.float32)

    deg = _build_deg_kernel()(dst3, zeros1)

    u1 = pl.pallas_call(
        _mm_body,
        grid=(_NBLK,),
        in_specs=[
            pl.BlockSpec((_BLK, F_IN), lambda i: (i, 0)),
            pl.BlockSpec((C, F_IN), lambda i: (0, 0)),
            pl.BlockSpec((_BLK,), lambda i: (i,)),
        ],
        out_specs=pl.BlockSpec((_BLK, C), lambda i: (i, 0)),
        out_shape=jax.ShapeDtypeStruct((NP, C), jnp.float32),
    )(xp, W, deg)

    p = _build_hop_kernel()(u1, src3, dst3, zrows)

    u2 = pl.pallas_call(
        _mid_body,
        grid=(_NBLK,),
        in_specs=[
            pl.BlockSpec((_BLK, C), lambda i: (i, 0)),
            pl.BlockSpec((_BLK, C), lambda i: (i, 0)),
            pl.BlockSpec((_BLK,), lambda i: (i,)),
        ],
        out_specs=pl.BlockSpec((_BLK, C), lambda i: (i, 0)),
        out_shape=jax.ShapeDtypeStruct((NP, C), jnp.float32),
    )(p, u1, deg)

    q = _build_hop_kernel()(u2, src3, dst3, zrows)

    out = pl.pallas_call(
        _fin_body,
        grid=(_NBLK,),
        in_specs=[
            pl.BlockSpec((_BLK, C), lambda i: (i, 0)),
            pl.BlockSpec((_BLK, C), lambda i: (i, 0)),
            pl.BlockSpec((_BLK,), lambda i: (i,)),
            pl.BlockSpec((C,), lambda i: (0,)),
        ],
        out_specs=pl.BlockSpec((_BLK, C), lambda i: (i, 0)),
        out_shape=jax.ShapeDtypeStruct((NP, C), jnp.float32),
    )(q, u2, deg, b)

    return out[:N]

# --- scband reference (transcript-rebuilt; emitter-appended) ---
"""Pipeline reference for scband-sgc-23270132810410 (READ-ONLY COPY).

The authoritative reference and input builder live on the scoring server;
editing this copy changes nothing except your own understanding.
"""

import jax, jax.numpy as jnp
import numpy as np

N = 10000
E = 160000
F_IN = 256
NCLASS = 128
K = 2


def setup_inputs(seed: int = 0) -> dict:
    key = jax.random.key(seed)
    k1, k2, k3 = jax.random.split(key, 3)
    x = jax.random.normal(k1, (N, F_IN), dtype=jnp.float32)
    edge_index = jax.random.randint(k2, (2, E), 0, N)
    # Learned params of SGConv's internal Linear(nfeat -> nclass, bias=True)
    W = jax.random.normal(k3, (NCLASS, F_IN), dtype=jnp.float32) * (1.0 / np.sqrt(F_IN))
    b = jnp.zeros((NCLASS,), dtype=jnp.float32)
    return {"x": x, "edge_index": edge_index, "W": W, "b": b}


def _sgc_forward(x, edge_index, W, b):
    n = x.shape[0]
    src = edge_index[0]
    dst = edge_index[1]
    # add self-loops (PyG gcn_norm with add_self_loops=True)
    loop = jnp.arange(n, dtype=src.dtype)
    src = jnp.concatenate([src, loop])
    dst = jnp.concatenate([dst, loop])
    ew = jnp.ones(src.shape[0], dtype=x.dtype)
    # symmetric normalization: D^{-1/2} (A+I) D^{-1/2}
    deg = jnp.zeros((n,), dtype=x.dtype).at[dst].add(ew)
    deg_inv_sqrt = jnp.where(deg > 0, deg ** -0.5, 0.0)
    norm = deg_inv_sqrt[src] * ew * deg_inv_sqrt[dst]
    h = x
    for _ in range(K):
        msg = norm[:, None] * h[src]
        h = jnp.zeros_like(h).at[dst].add(msg)
    out = h @ W.T + b
    return jax.nn.log_softmax(out, axis=1)


def reference(x, edge_index, W, b):
    return _sgc_forward(x, edge_index, W, b)

if __name__ == "__main__":
    import jax
    _d = setup_inputs()
    print(jax.jit(kernel)(*tuple(_d.values())))

</pallas_src>

<mosaic_0001>
#map = affine_map<(d0, d1) -> (0, 0, 0)>
#map1 = affine_map<(d0, d1) -> (0)>
module attributes {stable_mosaic.version = 14 : i64} {
  func.func @_deg_kernel(%arg0: i32, %arg1: i32, %arg2: memref<16x80x128xi32, #tpu.memory_space<hbm>>, %arg3: memref<10240xf32, #tpu.memory_space<hbm>>, %arg4: memref<10240xf32, #tpu.memory_space<hbm>>, %arg5: memref<80x128xi32, #tpu.memory_space<vmem>>, %arg6: memref<128xf32, #tpu.memory_space<vmem>>, %arg7: memref<10240xf32, #tpu.memory_space<vmem_shared>>) attributes {dimension_semantics = [#tpu.dimension_semantics<core_parallel>, #tpu.dimension_semantics<subcore_parallel>], iteration_bounds = array<i64: 2, 16>, scalar_prefetch = 0 : i64, scratch_operands = 3 : i64, tpu.core_type = #tpu.core_type<sc_vector_subcore>, window_params = [{transform_indices = #map}, {transform_indices = #map1}, {transform_indices = #map1}]} {
    %eq3A = arith.constant 0 : i32
    %eq3A_0 = arith.cmpi eq, %arg0, %eq3A : i32
    %convert_element_type3A = arith.extui %eq3A_0 : i1 to i32
    %cond3A = arith.constant 0 : i32
    %cond3A_1 = arith.cmpi ne, %convert_element_type3A, %cond3A : i32
    scf.if %cond3A_1 {
      %broadcast_in_dim3A = arith.constant 1.000000e+00 : f32
      %broadcast_in_dim3A_13 = vector.broadcast %broadcast_in_dim3A : f32 to vector<16xf32>
      %swap3A = arith.constant 0 : index
      %swap3A_14 = tpu.vector_load %arg6[%swap3A] {strides = array<i32>} : memref<128xf32, #tpu.memory_space<vmem>>, vector<16xf32>,
      %swap3A_15 = vector.shape_cast %swap3A_14 : vector<16xf32> to vector<16xf32>
      %swap3A_16 = vector.shape_cast %broadcast_in_dim3A_13 : vector<16xf32> to vector<16xf32>
      tpu.vector_store %arg6[%swap3A], %swap3A_16 {strides = array<i32>} : memref<128xf32, #tpu.memory_space<vmem>>, vector<16xf32>,
      %broadcast_in_dim3A_17 = arith.constant 1.000000e+00 : f32
      %broadcast_in_dim3A_18 = vector.broadcast %broadcast_in_dim3A_17 : f32 to vector<16xf32>
      %swap3A_19 = arith.constant 16 : index
      %swap3A_20 = tpu.vector_load %arg6[%swap3A_19] {strides = array<i32>} : memref<128xf32, #tpu.memory_space<vmem>>, vector<16xf32>,
      %swap3A_21 = vector.shape_cast %swap3A_20 : vector<16xf32> to vector<16xf32>
      %swap3A_22 = vector.shape_cast %broadcast_in_dim3A_18 : vector<16xf32> to vector<16xf32>
      tpu.vector_store %arg6[%swap3A_19], %swap3A_22 {strides = array<i32>} : memref<128xf32, #tpu.memory_space<vmem>>, vector<16xf32>,
      %broadcast_in_dim3A_23 = arith.constant 1.000000e+00 : f32
      %broadcast_in_dim3A_24 = vector.broadcast %broadcast_in_dim3A_23 : f32 to vector<16xf32>
      %swap3A_25 = arith.constant 32 : index
      %swap3A_26 = tpu.vector_load %arg6[%swap3A_25] {strides = array<i32>} : memref<128xf32, #tpu.memory_space<vmem>>, vector<16xf32>,
      %swap3A_27 = vector.shape_cast %swap3A_26 : vector<16xf32> to vector<16xf32>
      %swap3A_28 = vector.shape_cast %broadcast_in_dim3A_24 : vector<16xf32> to vector<16xf32>
      tpu.vector_store %arg6[%swap3A_25], %swap3A_28 {strides = array<i32>} : memref<128xf32, #tpu.memory_space<vmem>>, vector<16xf32>,
      %broadcast_in_dim3A_29 = arith.constant 1.000000e+00 : f32
      %broadcast_in_dim3A_30 = vector.broadcast %broadcast_in_dim3A_29 : f32 to vector<16xf32>
      %swap3A_31 = arith.constant 48 : index
      %swap3A_32 = tpu.vector_load %arg6[%swap3A_31] {strides = array<i32>} : memref<128xf32, #tpu.memory_space<vmem>>, vector<16xf32>,
      %swap3A_33 = vector.shape_cast %swap3A_32 : vector<16xf32> to vector<16xf32>
      %swap3A_34 = vector.shape_cast %broadcast_in_dim3A_30 : vector<16xf32> to vector<16xf32>
      tpu.vector_store %arg6[%swap3A_31], %swap3A_34 {strides = array<i32>} : memref<128xf32, #tpu.memory_space<vmem>>, vector<16xf32>,
      %broadcast_in_dim3A_35 = arith.constant 1.000000e+00 : f32
      %broadcast_in_dim3A_36 = vector.broadcast %broadcast_in_dim3A_35 : f32 to vector<16xf32>
      %swap3A_37 = arith.constant 64 : index
      %swap3A_38 = tpu.vector_load %arg6[%swap3A_37] {strides = array<i32>} : memref<128xf32, #tpu.memory_space<vmem>>, vector<16xf32>,
      %swap3A_39 = vector.shape_cast %swap3A_38 : vector<16xf32> to vector<16xf32>
      %swap3A_40 = vector.shape_cast %broadcast_in_dim3A_36 : vector<16xf32> to vector<16xf32>
      tpu.vector_store %arg6[%swap3A_37], %swap3A_40 {strides = array<i32>} : memref<128xf32, #tpu.memory_space<vmem>>, vector<16xf32>,
      %broadcast_in_dim3A_41 = arith.constant 1.000000e+00 : f32
      %broadcast_in_dim3A_42 = vector.broadcast %broadcast_in_dim3A_41 : f32 to vector<16xf32>
      %swap3A_43 = arith.constant 80 : index
      %swap3A_44 = tpu.vector_load %arg6[%swap3A_43] {strides = array<i32>} : memref<128xf32, #tpu.memory_space<vmem>>, vector<16xf32>,
      %swap3A_45 = vector.shape_cast %swap3A_44 : vector<16xf32> to vector<16xf32>
      %swap3A_46 = vector.shape_cast %broadcast_in_dim3A_42 : vector<16xf32> to vector<16xf32>
      tpu.vector_store %arg6[%swap3A_43], %swap3A_46 {strides = array<i32>} : memref<128xf32, #tpu.memory_space<vmem>>, vector<16xf32>,
      %broadcast_in_dim3A_47 = arith.constant 1.000000e+00 : f32
      %broadcast_in_dim3A_48 = vector.broadcast %broadcast_in_dim3A_47 : f32 to vector<16xf32>
      %swap3A_49 = arith.constant 96 : index
      %swap3A_50 = tpu.vector_load %arg6[%swap3A_49] {strides = array<i32>} : memref<128xf32, #tpu.memory_space<vmem>>, vector<16xf32>,
      %swap3A_51 = vector.shape_cast %swap3A_50 : vector<16xf32> to vector<16xf32>
      %swap3A_52 = vector.shape_cast %broadcast_in_dim3A_48 : vector<16xf32> to vector<16xf32>
      tpu.vector_store %arg6[%swap3A_49], %swap3A_52 {strides = array<i32>} : memref<128xf32, #tpu.memory_space<vmem>>, vector<16xf32>,
      %broadcast_in_dim3A_53 = arith.constant 1.000000e+00 : f32
      %broadcast_in_dim3A_54 = vector.broadcast %broadcast_in_dim3A_53 : f32 to vector<16xf32>
      %swap3A_55 = arith.constant 112 : index
      %swap3A_56 = tpu.vector_load %arg6[%swap3A_55] {strides = array<i32>} : memref<128xf32, #tpu.memory_space<vmem>>, vector<16xf32>,
      %swap3A_57 = vector.shape_cast %swap3A_56 : vector<16xf32> to vector<16xf32>
      %swap3A_58 = vector.shape_cast %broadcast_in_dim3A_54 : vector<16xf32> to vector<16xf32>
      tpu.vector_store %arg6[%swap3A_55], %swap3A_58 {strides = array<i32>} : memref<128xf32, #tpu.memory_space<vmem>>, vector<16xf32>,
      "tpu.region"() ({
        %run_scoped3A = tpu.sem_alloc : memref<!tpu.dma_semaphore, #tpu.memory_space<semaphore_mem>>
        %dma_start3A = arith.constant 0 : i32
        %dma_start3A_62 = arith.constant 0 : i32
        %dma_start3A_63 = tpu.memref_slice %arg2[%arg1, %dma_start3A, %dma_start3A_62] : memref<16x80x128xi32, #tpu.memory_space<hbm>> -> memref<1x80x128xi32, #tpu.memory_space<hbm>>
        %dma_start3A_64 = tpu.memref_squeeze %dma_start3A_63 : memref<1x80x128xi32, #tpu.memory_space<hbm>> -> memref<80x128xi32, #tpu.memory_space<hbm>>
        %dma_start3A_65 = arith.constant 0 : i32
        %dma_start3A_66 = arith.constant 0 : i32
        %dma_start3A_67 = tpu.memref_slice %arg2[%arg1, %dma_start3A_65, %dma_start3A_66] : memref<16x80x128xi32, #tpu.memory_space<hbm>> -> memref<1x80x128xi32, #tpu.memory_space<hbm>>
        %dma_start3A_68 = tpu.memref_squeeze %dma_start3A_67 : memref<1x80x128xi32, #tpu.memory_space<hbm>> -> memref<80x128xi32, #tpu.memory_space<hbm>>
        tpu.enqueue_dma source(%dma_start3A_68 : memref<80x128xi32, #tpu.memory_space<hbm>>) target(%arg5 : memref<80x128xi32, #tpu.memory_space<vmem>>) target_semaphore(%run_scoped3A : memref<!tpu.dma_semaphore, #tpu.memory_space<semaphore_mem>>)
        %dma_wait3A = arith.constant 0 : i32
        %dma_wait3A_69 = arith.constant 0 : i32
        %dma_wait3A_70 = tpu.memref_slice %arg2[%arg1, %dma_wait3A, %dma_wait3A_69] : memref<16x80x128xi32, #tpu.memory_space<hbm>> -> memref<1x80x128xi32, #tpu.memory_space<hbm>>
        %dma_wait3A_71 = tpu.memref_squeeze %dma_wait3A_70 : memref<1x80x128xi32, #tpu.memory_space<hbm>> -> memref<80x128xi32, #tpu.memory_space<hbm>>
        %dma_wait3A_72 = arith.constant 0 : i32
        %dma_wait3A_73 = arith.constant 0 : i32
        %dma_wait3A_74 = tpu.memref_slice %arg2[%arg1, %dma_wait3A_72, %dma_wait3A_73] : memref<16x80x128xi32, #tpu.memory_space<hbm>> -> memref<1x80x128xi32, #tpu.memory_space<hbm>>
        %dma_wait3A_75 = tpu.memref_squeeze %dma_wait3A_74 : memref<1x80x128xi32, #tpu.memory_space<hbm>> -> memref<80x128xi32, #tpu.memory_space<hbm>>
        tpu.wait_dma2 semaphore(%run_scoped3A : memref<!tpu.dma_semaphore, #tpu.memory_space<semaphore_mem>>) src(%dma_wait3A_75 : memref<80x128xi32, #tpu.memory_space<hbm>>) dst(%arg5 : memref<80x128xi32, #tpu.memory_space<vmem>>)
        tpu.yield
      }) : () -> ()
      %mul3A = arith.constant 640 : i32
      %mul3A_59 = arith.muli %arg1, %mul3A : i32
      %mul3A_60 = arith.constant 640 : i32
      %mul3A_61 = arith.muli %arg1, %mul3A_60 : i32
      "tpu.region"() ({
        %run_scoped3A = tpu.sem_alloc : memref<!tpu.dma_semaphore, #tpu.memory_space<semaphore_mem>>
        %dma_start3A = tpu.memref_slice %arg7[%mul3A_61] : memref<10240xf32, #tpu.memory_space<vmem_shared>> -> memref<640xf32, #tpu.memory_space<vmem_shared>>
        %dma_start3A_62 = tpu.memref_slice %arg3[%mul3A_59] : memref<10240xf32, #tpu.memory_space<hbm>> -> memref<640xf32, #tpu.memory_space<hbm>>
        tpu.enqueue_dma source(%dma_start3A_62 : memref<640xf32, #tpu.memory_space<hbm>>) target(%dma_start3A : memref<640xf32, #tpu.memory_space<vmem_shared>>) target_semaphore(%run_scoped3A : memref<!tpu.dma_semaphore, #tpu.memory_space<semaphore_mem>>)
        %dma_wait3A = tpu.memref_slice %arg7[%mul3A_61] : memref<10240xf32, #tpu.memory_space<vmem_shared>> -> memref<640xf32, #tpu.memory_space<vmem_shared>>
        %dma_wait3A_63 = tpu.memref_slice %arg3[%mul3A_59] : memref<10240xf32, #tpu.memory_space<hbm>> -> memref<640xf32, #tpu.memory_space<hbm>>
        tpu.wait_dma2 semaphore(%run_scoped3A : memref<!tpu.dma_semaphore, #tpu.memory_space<semaphore_mem>>) src(%dma_wait3A_63 : memref<640xf32, #tpu.memory_space<hbm>>) dst(%dma_wait3A : memref<640xf32, #tpu.memory_space<vmem_shared>>)
        tpu.yield
      }) : () -> ()
    } else {
    }
    %barrier3A = arith.constant 0 : index
    tpu.barrier barrier_id(%barrier3A)
    %eq3A_2 = arith.constant 0 : i32
    %eq3A_3 = arith.cmpi eq, %arg0, %eq3A_2 : i32
    %convert_element_type3A_4 = arith.extui %eq3A_3 : i1 to i32
    %cond3A_5 = arith.constant 0 : i32
    %cond3A_6 = arith.cmpi ne, %convert_element_type3A_4, %cond3A_5 : i32
    scf.if %cond3A_6 {
      %scan3A = arith.constant 0 : i32
      %scan3A_13 = arith.constant 0 : i32
      %scan3A_14 = arith.constant 80 : i32
      %scan3A_15 = arith.addi %scan3A_13, %scan3A_14 : i32
      %scan3A_16 = arith.constant 1 : i32
      scf.for %scan3A_18 = %scan3A_13 to %scan3A_15 step %scan3A_16  : i32 {
        "tpu.region"() ({
          %run_scoped3A = tpu.sem_alloc : memref<!tpu.dma_semaphore, #tpu.memory_space<semaphore_mem>>
          %dma_start3A = arith.constant 0 : i32
          %dma_start3A_19 = tpu.memref_slice %arg5[%scan3A_18, %dma_start3A] : memref<80x128xi32, #tpu.memory_space<vmem>> -> memref<1x128xi32, #tpu.memory_space<vmem>>
          %dma_start3A_20 = tpu.memref_squeeze %dma_start3A_19 : memref<1x128xi32, #tpu.memory_space<vmem>> -> memref<128xi32, #tpu.memory_space<vmem>>
          %dma_start3A_21 = arith.constant 0 : i32
          %dma_start3A_22 = tpu.memref_slice %arg7[%dma_start3A_21] : memref<10240xf32, #tpu.memory_space<vmem_shared>> -> memref<10240xf32, #tpu.memory_space<vmem_shared>>
          tpu.enqueue_indirect_dma source(%arg6 : memref<128xf32, #tpu.memory_space<vmem>>) target(%dma_start3A_22 : memref<10240xf32, #tpu.memory_space<vmem_shared>>) offsets(%dma_start3A_20 : memref<128xi32, #tpu.memory_space<vmem>>) semaphore(%run_scoped3A : memref<!tpu.dma_semaphore, #tpu.memory_space<semaphore_mem>>) {add = true}
          %dma_wait3A = arith.constant 0 : i32
          %dma_wait3A_23 = tpu.memref_slice %arg5[%scan3A_18, %dma_wait3A] : memref<80x128xi32, #tpu.memory_space<vmem>> -> memref<1x128xi32, #tpu.memory_space<vmem>>
          %dma_wait3A_24 = tpu.memref_squeeze %dma_wait3A_23 : memref<1x128xi32, #tpu.memory_space<vmem>> -> memref<128xi32, #tpu.memory_space<vmem>>
          %dma_wait3A_25 = arith.constant 0 : i32
          %dma_wait3A_26 = tpu.memref_slice %arg7[%dma_wait3A_25] : memref<10240xf32, #tpu.memory_space<vmem_shared>> -> memref<10240xf32, #tpu.memory_space<vmem_shared>>
          tpu.wait_indirect_dma semaphore(%run_scoped3A : memref<!tpu.dma_semaphore, #tpu.memory_space<semaphore_mem>>) src(%arg6 : memref<128xf32, #tpu.memory_space<vmem>>) dst(%dma_wait3A_26 : memref<10240xf32, #tpu.memory_space<vmem_shared>>)
          tpu.yield
        }) : () -> ()
      }
      %scan3A_17 = arith.constant 80 : i32
    } else {
    }
    %barrier3A_7 = arith.constant 0 : index
    tpu.barrier barrier_id(%barrier3A_7)
    %eq3A_8 = arith.constant 0 : i32
    %eq3A_9 = arith.cmpi eq, %arg0, %eq3A_8 : i32
    %convert_element_type3A_10 = arith.extui %eq3A_9 : i1 to i32
    %cond3A_11 = arith.constant 0 : i32
    %cond3A_12 = arith.cmpi ne, %convert_element_type3A_10, %cond3A_11 : i32
    scf.if %cond3A_12 {
      %mul3A = arith.constant 640 : i32
      %mul3A_13 = arith.muli %arg1, %mul3A : i32
      %mul3A_14 = arith.constant 640 : i32
      %mul3A_15 = arith.muli %arg1, %mul3A_14 : i32
      "tpu.region"() ({
        %run_scoped3A = tpu.sem_alloc : memref<!tpu.dma_semaphore, #tpu.memory_space<semaphore_mem>>
        %dma_start3A = tpu.memref_slice %arg4[%mul3A_15] : memref<10240xf32, #tpu.memory_space<hbm>> -> memref<640xf32, #tpu.memory_space<hbm>>
        %dma_start3A_16 = tpu.memref_slice %arg7[%mul3A_13] : memref<10240xf32, #tpu.memory_space<vmem_shared>> -> memref<640xf32, #tpu.memory_space<vmem_shared>>
        tpu.enqueue_dma source(%dma_start3A_16 : memref<640xf32, #tpu.memory_space<vmem_shared>>) target(%dma_start3A : memref<640xf32, #tpu.memory_space<hbm>>) target_semaphore(%run_scoped3A : memref<!tpu.dma_semaphore, #tpu.memory_space<semaphore_mem>>)
        %dma_wait3A = tpu.memref_slice %arg4[%mul3A_15] : memref<10240xf32, #tpu.memory_space<hbm>> -> memref<640xf32, #tpu.memory_space<hbm>>
        %dma_wait3A_17 = tpu.memref_slice %arg7[%mul3A_13] : memref<10240xf32, #tpu.memory_space<vmem_shared>> -> memref<640xf32, #tpu.memory_space<vmem_shared>>
        tpu.wait_dma2 semaphore(%run_scoped3A : memref<!tpu.dma_semaphore, #tpu.memory_space<semaphore_mem>>) src(%dma_wait3A_17 : memref<640xf32, #tpu.memory_space<vmem_shared>>) dst(%dma_wait3A : memref<640xf32, #tpu.memory_space<hbm>>)
        tpu.yield
      }) : () -> ()
    } else {
    }
    return
  }
}

#map = affine_map<(d0, d1) -> (0, 0)>
#map1 = affine_map<(d0, d1) -> (0, 0, 0)>
module attributes {stable_mosaic.version = 14 : i64} {
  func.func @_hop_kernel(%arg0: i32, %arg1: i32, %arg2: memref<10240x128xf32, #tpu.memory_space<hbm>>, %arg3: memref<16x80x128xi32, #tpu.memory_space<hbm>>, %arg4: memref<16x80x128xi32, #tpu.memory_space<hbm>>, %arg5: memref<10240x128xf32, #tpu.memory_space<hbm>>, %arg6: memref<10240x128xf32, #tpu.memory_space<hbm>>, %arg7: memref<80x128xi32, #tpu.memory_space<vmem>>, %arg8: memref<2x8x128xi32, #tpu.memory_space<vmem>>, %arg9: memref<128x128xf32, #tpu.memory_space<vmem>>, %arg10: memref<128x128xf32, #tpu.memory_space<vmem>>, %arg11: memref<10240x128xf32, #tpu.memory_space<vmem_shared>>, %arg12: memref<!tpu.dma_semaphore, #tpu.memory_space<semaphore_mem>>, %arg13: memref<!tpu.dma_semaphore, #tpu.memory_space<semaphore_mem>>, %arg14: memref<!tpu.dma_semaphore, #tpu.memory_space<semaphore_mem>>, %arg15: memref<!tpu.dma_semaphore, #tpu.memory_space<semaphore_mem>>, %arg16: memref<!tpu.dma_semaphore, #tpu.memory_space<semaphore_mem>>, %arg17: memref<!tpu.dma_semaphore, #tpu.memory_space<semaphore_mem>>) attributes {dimension_semantics = [#tpu.dimension_semantics<core_parallel>, #tpu.dimension_semantics<subcore_parallel>], iteration_bounds = array<i64: 2, 16>, scalar_prefetch = 0 : i64, scratch_operands = 11 : i64, tpu.core_type = #tpu.core_type<sc_vector_subcore>, window_params = [{transform_indices = #map}, {transform_indices = #map1}, {transform_indices = #map1}, {transform_indices = #map}, {transform_indices = #map}]} {
    %eq3A = arith.constant 0 : i32
    %eq3A_0 = arith.cmpi eq, %arg0, %eq3A : i32
    %convert_element_type3A = arith.extui %eq3A_0 : i1 to i32
    %cond3A = arith.constant 0 : i32
    %cond3A_1 = arith.cmpi ne, %convert_element_type3A, %cond3A : i32
    scf.if %cond3A_1 {
      "tpu.region"() ({
        %run_scoped3A_16 = tpu.sem_alloc : memref<!tpu.dma_semaphore, #tpu.memory_space<semaphore_mem>>
        %dma_start3A = arith.constant 0 : i32
        %dma_start3A_17 = arith.constant 0 : i32
        %dma_start3A_18 = tpu.memref_slice %arg3[%arg1, %dma_start3A, %dma_start3A_17] : memref<16x80x128xi32, #tpu.memory_space<hbm>> -> memref<1x80x128xi32, #tpu.memory_space<hbm>>
        %dma_start3A_19 = tpu.memref_squeeze %dma_start3A_18 : memref<1x80x128xi32, #tpu.memory_space<hbm>> -> memref<80x128xi32, #tpu.memory_space<hbm>>
        %dma_start3A_20 = arith.constant 0 : i32
        %dma_start3A_21 = arith.constant 0 : i32
        %dma_start3A_22 = tpu.memref_slice %arg3[%arg1, %dma_start3A_20, %dma_start3A_21] : memref<16x80x128xi32, #tpu.memory_space<hbm>> -> memref<1x80x128xi32, #tpu.memory_space<hbm>>
        %dma_start3A_23 = tpu.memref_squeeze %dma_start3A_22 : memref<1x80x128xi32, #tpu.memory_space<hbm>> -> memref<80x128xi32, #tpu.memory_space<hbm>>
        tpu.enqueue_dma source(%dma_start3A_23 : memref<80x128xi32, #tpu.memory_space<hbm>>) target(%arg7 : memref<80x128xi32, #tpu.memory_space<vmem>>) target_semaphore(%run_scoped3A_16 : memref<!tpu.dma_semaphore, #tpu.memory_space<semaphore_mem>>)
        %dma_wait3A = arith.constant 0 : i32
        %dma_wait3A_24 = arith.constant 0 : i32
        %dma_wait3A_25 = tpu.memref_slice %arg3[%arg1, %dma_wait3A, %dma_wait3A_24] : memref<16x80x128xi32, #tpu.memory_space<hbm>> -> memref<1x80x128xi32, #tpu.memory_space<hbm>>
        %dma_wait3A_26 = tpu.memref_squeeze %dma_wait3A_25 : memref<1x80x128xi32, #tpu.memory_space<hbm>> -> memref<80x128xi32, #tpu.memory_space<hbm>>
        %dma_wait3A_27 = arith.constant 0 : i32
        %dma_wait3A_28 = arith.constant 0 : i32
        %dma_wait3A_29 = tpu.memref_slice %arg3[%arg1, %dma_wait3A_27, %dma_wait3A_28] : memref<16x80x128xi32, #tpu.memory_space<hbm>> -> memref<1x80x128xi32, #tpu.memory_space<hbm>>
        %dma_wait3A_30 = tpu.memref_squeeze %dma_wait3A_29 : memref<1x80x128xi32, #tpu.memory_space<hbm>> -> memref<80x128xi32, #tpu.memory_space<hbm>>
        tpu.wait_dma2 semaphore(%run_scoped3A_16 : memref<!tpu.dma_semaphore, #tpu.memory_space<semaphore_mem>>) src(%dma_wait3A_30 : memref<80x128xi32, #tpu.memory_space<hbm>>) dst(%arg7 : memref<80x128xi32, #tpu.memory_space<vmem>>)
        tpu.yield
      }) : () -> ()
      %run_scoped3A = arith.constant 0 : i32
      "tpu.region"() ({
        %run_scoped3A_16 = tpu.sem_alloc : memref<!tpu.dma_semaphore, #tpu.memory_space<semaphore_mem>>
        %dma_start3A = arith.constant 0 : i32
        %dma_start3A_17 = arith.constant 0 : i32
        %dma_start3A_18 = tpu.memref_slice %arg8[%run_scoped3A, %dma_start3A, %dma_start3A_17] : memref<2x8x128xi32, #tpu.memory_space<vmem>> -> memref<1x8x128xi32, #tpu.memory_space<vmem>>
        %dma_start3A_19 = tpu.memref_squeeze %dma_start3A_18 : memref<1x8x128xi32, #tpu.memory_space<vmem>> -> memref<8x128xi32, #tpu.memory_space<vmem>>
        %dma_start3A_20 = arith.constant 0 : i32
        %dma_start3A_21 = arith.constant 0 : i32
        %dma_start3A_22 = tpu.memref_slice %arg4[%arg1, %dma_start3A_20, %dma_start3A_21] : memref<16x80x128xi32, #tpu.memory_space<hbm>> -> memref<1x8x128xi32, #tpu.memory_space<hbm>>
        %dma_start3A_23 = tpu.memref_squeeze %dma_start3A_22 : memref<1x8x128xi32, #tpu.memory_space<hbm>> -> memref<8x128xi32, #tpu.memory_space<hbm>>
        %dma_start3A_24 = arith.constant 0 : i32
        %dma_start3A_25 = arith.constant 0 : i32
        %dma_start3A_26 = tpu.memref_slice %arg8[%run_scoped3A, %dma_start3A_24, %dma_start3A_25] : memref<2x8x128xi32, #tpu.memory_space<vmem>> -> memref<1x8x128xi32, #tpu.memory_space<vmem>>
        %dma_start3A_27 = tpu.memref_squeeze %dma_start3A_26 : memref<1x8x128xi32, #tpu.memory_space<vmem>> -> memref<8x128xi32, #tpu.memory_space<vmem>>
        %dma_start3A_28 = arith.constant 0 : i32
        %dma_start3A_29 = arith.constant 0 : i32
        %dma_start3A_30 = tpu.memref_slice %arg4[%arg1, %dma_start3A_28, %dma_start3A_29] : memref<16x80x128xi32, #tpu.memory_space<hbm>> -> memref<1x8x128xi32, #tpu.memory_space<hbm>>
        %dma_start3A_31 = tpu.memref_squeeze %dma_start3A_30 : memref<1x8x128xi32, #tpu.memory_space<hbm>> -> memref<8x128xi32, #tpu.memory_space<hbm>>
        tpu.enqueue_dma source(%dma_start3A_31 : memref<8x128xi32, #tpu.memory_space<hbm>>) target(%dma_start3A_27 : memref<8x128xi32, #tpu.memory_space<vmem>>) target_semaphore(%run_scoped3A_16 : memref<!tpu.dma_semaphore, #tpu.memory_space<semaphore_mem>>)
        %dma_wait3A = arith.constant 0 : i32
        %dma_wait3A_32 = arith.constant 0 : i32
        %dma_wait3A_33 = tpu.memref_slice %arg8[%run_scoped3A, %dma_wait3A, %dma_wait3A_32] : memref<2x8x128xi32, #tpu.memory_space<vmem>> -> memref<1x8x128xi32, #tpu.memory_space<vmem>>
        %dma_wait3A_34 = tpu.memref_squeeze %dma_wait3A_33 : memref<1x8x128xi32, #tpu.memory_space<vmem>> -> memref<8x128xi32, #tpu.memory_space<vmem>>
        %dma_wait3A_35 = arith.constant 0 : i32
        %dma_wait3A_36 = arith.constant 0 : i32
        %dma_wait3A_37 = tpu.memref_slice %arg4[%arg1, %dma_wait3A_35, %dma_wait3A_36] : memref<16x80x128xi32, #tpu.memory_space<hbm>> -> memref<1x8x128xi32, #tpu.memory_space<hbm>>
        %dma_wait3A_38 = tpu.memref_squeeze %dma_wait3A_37 : memref<1x8x128xi32, #tpu.memory_space<hbm>> -> memref<8x128xi32, #tpu.memory_space<hbm>>
        %dma_wait3A_39 = arith.constant 0 : i32
        %dma_wait3A_40 = arith.constant 0 : i32
        %dma_wait3A_41 = tpu.memref_slice %arg8[%run_scoped3A, %dma_wait3A_39, %dma_wait3A_40] : memref<2x8x128xi32, #tpu.memory_space<vmem>> -> memref<1x8x128xi32, #tpu.memory_space<vmem>>
        %dma_wait3A_42 = tpu.memref_squeeze %dma_wait3A_41 : memref<1x8x128xi32, #tpu.memory_space<vmem>> -> memref<8x128xi32, #tpu.memory_space<vmem>>
        %dma_wait3A_43 = arith.constant 0 : i32
        %dma_wait3A_44 = arith.constant 0 : i32
        %dma_wait3A_45 = tpu.memref_slice %arg4[%arg1, %dma_wait3A_43, %dma_wait3A_44] : memref<16x80x128xi32, #tpu.memory_space<hbm>> -> memref<1x8x128xi32, #tpu.memory_space<hbm>>
        %dma_wait3A_46 = tpu.memref_squeeze %dma_wait3A_45 : memref<1x8x128xi32, #tpu.memory_space<hbm>> -> memref<8x128xi32, #tpu.memory_space<hbm>>
        tpu.wait_dma2 semaphore(%run_scoped3A_16 : memref<!tpu.dma_semaphore, #tpu.memory_space<semaphore_mem>>) src(%dma_wait3A_46 : memref<8x128xi32, #tpu.memory_space<hbm>>) dst(%dma_wait3A_42 : memref<8x128xi32, #tpu.memory_space<vmem>>)
        tpu.yield
      }) : () -> ()
      %mul3A = arith.constant 640 : i32
      %mul3A_13 = arith.muli %arg1, %mul3A : i32
      %mul3A_14 = arith.constant 640 : i32
      %mul3A_15 = arith.muli %arg1, %mul3A_14 : i32
      "tpu.region"() ({
        %run_scoped3A_16 = tpu.sem_alloc : memref<!tpu.dma_semaphore, #tpu.memory_space<semaphore_mem>>
        %dma_start3A = arith.constant 0 : i32
        %dma_start3A_17 = tpu.memref_slice %arg11[%mul3A_15, %dma_start3A] : memref<10240x128xf32, #tpu.memory_space<vmem_shared>> -> memref<640x128xf32, #tpu.memory_space<vmem_shared>>
        %dma_start3A_18 = arith.constant 0 : i32
        %dma_start3A_19 = tpu.memref_slice %arg5[%mul3A_13, %dma_start3A_18] : memref<10240x128xf32, #tpu.memory_space<hbm>> -> memref<640x128xf32, #tpu.memory_space<hbm>>
        tpu.enqueue_dma source(%dma_start3A_19 : memref<640x128xf32, #tpu.memory_space<hbm>>) target(%dma_start3A_17 : memref<640x128xf32, #tpu.memory_space<vmem_shared>>) target_semaphore(%run_scoped3A_16 : memref<!tpu.dma_semaphore, #tpu.memory_space<semaphore_mem>>)
        %dma_wait3A = arith.constant 0 : i32
        %dma_wait3A_20 = tpu.memref_slice %arg11[%mul3A_15, %dma_wait3A] : memref<10240x128xf32, #tpu.memory_space<vmem_shared>> -> memref<640x128xf32, #tpu.memory_space<vmem_shared>>
        %dma_wait3A_21 = arith.constant 0 : i32
        %dma_wait3A_22 = tpu.memref_slice %arg5[%mul3A_13, %dma_wait3A_21] : memref<10240x128xf32, #tpu.memory_space<hbm>> -> memref<640x128xf32, #tpu.memory_space<hbm>>
        tpu.wait_dma2 semaphore(%run_scoped3A_16 : memref<!tpu.dma_semaphore, #tpu.memory_space<semaphore_mem>>) src(%dma_wait3A_22 : memref<640x128xf32, #tpu.memory_space<hbm>>) dst(%dma_wait3A_20 : memref<640x128xf32, #tpu.memory_space<vmem_shared>>)
        tpu.yield
      }) : () -> ()
    } else {
    }
    %barrier3A = arith.constant 0 : index
    tpu.barrier barrier_id(%barrier3A)
    %eq3A_2 = arith.constant 0 : i32
    %eq3A_3 = arith.cmpi eq, %arg0, %eq3A_2 : i32
    %convert_element_type3A_4 = arith.extui %eq3A_3 : i1 to i32
    %cond3A_5 = arith.constant 0 : i32
    %cond3A_6 = arith.cmpi ne, %convert_element_type3A_4, %cond3A_5 : i32
    scf.if %cond3A_6 {
      %dma_start3A = arith.constant 1 : i32
      %dma_start3A_13 = arith.constant 0 : i32
      %dma_start3A_14 = arith.constant 0 : i32
      %dma_start3A_15 = tpu.memref_slice %arg8[%dma_start3A, %dma_start3A_13, %dma_start3A_14] : memref<2x8x128xi32, #tpu.memory_space<vmem>> -> memref<1x8x128xi32, #tpu.memory_space<vmem>>
      %dma_start3A_16 = tpu.memref_squeeze %dma_start3A_15 : memref<1x8x128xi32, #tpu.memory_space<vmem>> -> memref<8x128xi32, #tpu.memory_space<vmem>>
      %dma_start3A_17 = arith.constant 8 : i32
      %dma_start3A_18 = arith.constant 0 : i32
      %dma_start3A_19 = tpu.memref_slice %arg4[%arg1, %dma_start3A_17, %dma_start3A_18] : memref<16x80x128xi32, #tpu.memory_space<hbm>> -> memref<1x8x128xi32, #tpu.memory_space<hbm>>
      %dma_start3A_20 = tpu.memref_squeeze %dma_start3A_19 : memref<1x8x128xi32, #tpu.memory_space<hbm>> -> memref<8x128xi32, #tpu.memory_space<hbm>>
      %dma_start3A_21 = arith.constant 0 : i32
      %dma_start3A_22 = arith.constant 0 : i32
      %dma_start3A_23 = tpu.memref_slice %arg8[%dma_start3A, %dma_start3A_21, %dma_start3A_22] : memref<2x8x128xi32, #tpu.memory_space<vmem>> -> memref<1x8x128xi32, #tpu.memory_space<vmem>>
      %dma_start3A_24 = tpu.memref_squeeze %dma_start3A_23 : memref<1x8x128xi32, #tpu.memory_space<vmem>> -> memref<8x128xi32, #tpu.memory_space<vmem>>
      %dma_start3A_25 = arith.constant 8 : i32
      %dma_start3A_26 = arith.constant 0 : i32
      %dma_start3A_27 = tpu.memref_slice %arg4[%arg1, %dma_start3A_25, %dma_start3A_26] : memref<16x80x128xi32, #tpu.memory_space<hbm>> -> memref<1x8x128xi32, #tpu.memory_space<hbm>>
      %dma_start3A_28 = tpu.memref_squeeze %dma_start3A_27 : memref<1x8x128xi32, #tpu.memory_space<hbm>> -> memref<8x128xi32, #tpu.memory_space<hbm>>
      tpu.enqueue_dma source(%dma_start3A_28 : memref<8x128xi32, #tpu.memory_space<hbm>>) target(%dma_start3A_24 : memref<8x128xi32, #tpu.memory_space<vmem>>) target_semaphore(%arg15 : memref<!tpu.dma_semaphore, #tpu.memory_space<semaphore_mem>>)
      %dma_start3A_29 = arith.constant 0 : i32
      %dma_start3A_30 = arith.constant 0 : i32
      %dma_start3A_31 = tpu.memref_slice %arg7[%dma_start3A_29, %dma_start3A_30] : memref<80x128xi32, #tpu.memory_space<vmem>> -> memref<1x128xi32, #tpu.memory_space<vmem>>
      %dma_start3A_32 = tpu.memref_squeeze %dma_start3A_31 : memref<1x128xi32, #tpu.memory_space<vmem>> -> memref<128xi32, #tpu.memory_space<vmem>>
      %dma_start3A_33 = arith.constant 0 : i32
      %dma_start3A_34 = arith.constant 0 : i32
      %dma_start3A_35 = tpu.memref_slice %arg2[%dma_start3A_33, %dma_start3A_34] : memref<10240x128xf32, #tpu.memory_space<hbm>> -> memref<10240x128xf32, #tpu.memory_space<hbm>>
      tpu.enqueue_indirect_dma source(%dma_start3A_35 : memref<10240x128xf32, #tpu.memory_space<hbm>>) target(%arg9 : memref<128x128xf32, #tpu.memory_space<vmem>>) offsets(%dma_start3A_32 : memref<128xi32, #tpu.memory_space<vmem>>) semaphore(%arg12 : memref<!tpu.dma_semaphore, #tpu.memory_space<semaphore_mem>>)
      %scan3A = arith.constant 0 : i32
      %scan3A_36 = arith.constant 0 : i32
      %scan3A_37 = arith.constant 5 : i32
      %scan3A_38 = arith.addi %scan3A_36, %scan3A_37 : i32
      %scan3A_39 = arith.constant 1 : i32
      scf.for %scan3A_56 = %scan3A_36 to %scan3A_38 step %scan3A_39  : i32 {
        %mul3A = arith.constant 2 : i32
        %mul3A_57 = arith.muli %scan3A_56, %mul3A : i32
        %add3A = arith.constant 0 : i32
        %add3A_58 = arith.addi %mul3A_57, %add3A : i32
        %gt3A = arith.constant 0 : i32
        %gt3A_59 = arith.cmpi sgt, %add3A_58, %gt3A : i32
        %convert_element_type3A_60 = arith.extui %gt3A_59 : i1 to i32
        %cond3A_61 = arith.constant 0 : i32
        %cond3A_62 = arith.cmpi ne, %convert_element_type3A_60, %cond3A_61 : i32
        scf.if %cond3A_62 {
          %mul3A_485 = arith.constant 8 : i32
          %mul3A_486 = arith.muli %add3A_58, %mul3A_485 : i32
          %dma_wait3A_487 = arith.constant 0 : i32
          %dma_wait3A_488 = arith.constant 0 : i32
          %dma_wait3A_489 = arith.constant 0 : i32
          %dma_wait3A_490 = tpu.memref_slice %arg8[%dma_wait3A_487, %dma_wait3A_488, %dma_wait3A_489] : memref<2x8x128xi32, #tpu.memory_space<vmem>> -> memref<1x8x128xi32, #tpu.memory_space<vmem>>
          %dma_wait3A_491 = tpu.memref_squeeze %dma_wait3A_490 : memref<1x8x128xi32, #tpu.memory_space<vmem>> -> memref<8x128xi32, #tpu.memory_space<vmem>>
          %dma_wait3A_492 = arith.constant 0 : i32
          %dma_wait3A_493 = tpu.memref_slice %arg4[%arg1, %mul3A_486, %dma_wait3A_492] : memref<16x80x128xi32, #tpu.memory_space<hbm>> -> memref<1x8x128xi32, #tpu.memory_space<hbm>>
          %dma_wait3A_494 = tpu.memref_squeeze %dma_wait3A_493 : memref<1x8x128xi32, #tpu.memory_space<hbm>> -> memref<8x128xi32, #tpu.memory_space<hbm>>
          %dma_wait3A_495 = arith.constant 0 : i32
          %dma_wait3A_496 = arith.constant 0 : i32
          %dma_wait3A_497 = tpu.memref_slice %arg8[%dma_wait3A_487, %dma_wait3A_495, %dma_wait3A_496] : memref<2x8x128xi32, #tpu.memory_space<vmem>> -> memref<1x8x128xi32, #tpu.memory_space<vmem>>
          %dma_wait3A_498 = tpu.memref_squeeze %dma_wait3A_497 : memref<1x8x128xi32, #tpu.memory_space<vmem>> -> memref<8x128xi32, #tpu.memory_space<vmem>>
          %dma_wait3A_499 = arith.constant 0 : i32
          %dma_wait3A_500 = tpu.memref_slice %arg4[%arg1, %mul3A_486, %dma_wait3A_499] : memref<16x80x128xi32, #tpu.memory_space<hbm>> -> memref<1x8x128xi32, #tpu.memory_space<hbm>>
          %dma_wait3A_501 = tpu.memref_squeeze %dma_wait3A_500 : memref<1x8x128xi32, #tpu.memory_space<hbm>> -> memref<8x128xi32, #tpu.memory_space<hbm>>
          tpu.wait_dma2 semaphore(%arg14 : memref<!tpu.dma_semaphore, #tpu.memory_space<semaphore_mem>>) src(%dma_wait3A_501 : memref<8x128xi32, #tpu.memory_space<hbm>>) dst(%dma_wait3A_498 : memref<8x128xi32, #tpu.memory_space<vmem>>)
        } else {
        }
        %mul3A_63 = arith.constant 8 : i32
        %mul3A_64 = arith.muli %add3A_58, %mul3A_63 : i32
        %add3A_65 = arith.constant 0 : i32
        %add3A_66 = arith.addi %mul3A_64, %add3A_65 : i32
        %add3A_67 = arith.constant 1 : i32
        %add3A_68 = arith.addi %add3A_66, %add3A_67 : i32
        %lt3A = arith.constant 80 : i32
        %lt3A_69 = arith.cmpi slt, %add3A_68, %lt3A : i32
        %convert_element_type3A_70 = arith.extui %lt3A_69 : i1 to i32
        %cond3A_71 = arith.constant 0 : i32
        %cond3A_72 = arith.cmpi ne, %convert_element_type3A_70, %cond3A_71 : i32
        scf.if %cond3A_72 {
          %ge3A = arith.constant 1 : i32
          %ge3A_485 = arith.cmpi sge, %add3A_66, %ge3A : i32
          %convert_element_type3A_486 = arith.extui %ge3A_485 : i1 to i32
          %cond3A_487 = arith.constant 0 : i32
          %cond3A_488 = arith.cmpi ne, %convert_element_type3A_486, %cond3A_487 : i32
          scf.if %cond3A_488 {
            %dma_wait3A_511 = arith.constant 0 : i32
            %dma_wait3A_512 = arith.constant 0 : i32
            %dma_wait3A_513 = arith.constant 0 : i32
            %dma_wait3A_514 = tpu.memref_slice %arg8[%dma_wait3A_511, %dma_wait3A_512, %dma_wait3A_513] : memref<2x8x128xi32, #tpu.memory_space<vmem>> -> memref<1x1x128xi32, #tpu.memory_space<vmem>>
            %dma_wait3A_515 = tpu.memref_squeeze %dma_wait3A_514 : memref<1x1x128xi32, #tpu.memory_space<vmem>> -> memref<128xi32, #tpu.memory_space<vmem>>
            %dma_wait3A_516 = arith.constant 0 : i32
            %dma_wait3A_517 = arith.constant 0 : i32
            %dma_wait3A_518 = tpu.memref_slice %arg11[%dma_wait3A_516, %dma_wait3A_517] : memref<10240x128xf32, #tpu.memory_space<vmem_shared>> -> memref<10240x128xf32, #tpu.memory_space<vmem_shared>>
            tpu.wait_indirect_dma semaphore(%arg17 : memref<!tpu.dma_semaphore, #tpu.memory_space<semaphore_mem>>) src(%arg10 : memref<128x128xf32, #tpu.memory_space<vmem>>) dst(%dma_wait3A_518 : memref<10240x128xf32, #tpu.memory_space<vmem_shared>>)
          } else {
          }
          %add3A_489 = arith.constant 1 : i32
          %add3A_490 = arith.addi %add3A_66, %add3A_489 : i32
          %dma_start3A_491 = arith.constant 0 : i32
          %dma_start3A_492 = arith.constant 0 : i32
          %dma_start3A_493 = tpu.memref_slice %arg10[%dma_start3A_491, %dma_start3A_492] : memref<128x128xf32, #tpu.memory_space<vmem>> -> memref<64x128xf32, #tpu.memory_space<vmem>>
          %dma_start3A_494 = arith.constant 0 : i32
          %dma_start3A_495 = tpu.memref_slice %arg7[%add3A_490, %dma_start3A_494] : memref<80x128xi32, #tpu.memory_space<vmem>> -> memref<1x64xi32, #tpu.memory_space<vmem>>
          %dma_start3A_496 = tpu.memref_squeeze %dma_start3A_495 : memref<1x64xi32, #tpu.memory_space<vmem>> -> memref<64xi32, #tpu.memory_space<vmem>>
          %dma_start3A_497 = arith.constant 0 : i32
          %dma_start3A_498 = arith.constant 0 : i32
          %dma_start3A_499 = tpu.memref_slice %arg2[%dma_start3A_497, %dma_start3A_498] : memref<10240x128xf32, #tpu.memory_space<hbm>> -> memref<10240x128xf32, #tpu.memory_space<hbm>>
          tpu.enqueue_indirect_dma source(%dma_start3A_499 : memref<10240x128xf32, #tpu.memory_space<hbm>>) target(%dma_start3A_493 : memref<64x128xf32, #tpu.memory_space<vmem>>) offsets(%dma_start3A_496 : memref<64xi32, #tpu.memory_space<vmem>>) semaphore(%arg13 : memref<!tpu.dma_semaphore, #tpu.memory_space<semaphore_mem>>)
          %add3A_500 = arith.constant 1 : i32
          %add3A_501 = arith.addi %add3A_66, %add3A_500 : i32
          %dma_start3A_502 = arith.constant 64 : i32
          %dma_start3A_503 = arith.constant 0 : i32
          %dma_start3A_504 = tpu.memref_slice %arg10[%dma_start3A_502, %dma_start3A_503] : memref<128x128xf32, #tpu.memory_space<vmem>> -> memref<64x128xf32, #tpu.memory_space<vmem>>
          %dma_start3A_505 = arith.constant 64 : i32
          %dma_start3A_506 = tpu.memref_slice %arg7[%add3A_501, %dma_start3A_505] : memref<80x128xi32, #tpu.memory_space<vmem>> -> memref<1x64xi32, #tpu.memory_space<vmem>>
          %dma_start3A_507 = tpu.memref_squeeze %dma_start3A_506 : memref<1x64xi32, #tpu.memory_space<vmem>> -> memref<64xi32, #tpu.memory_space<vmem>>
          %dma_start3A_508 = arith.constant 0 : i32
          %dma_start3A_509 = arith.constant 0 : i32
          %dma_start3A_510 = tpu.memref_slice %arg2[%dma_start3A_508, %dma_start3A_509] : memref<10240x128xf32, #tpu.memory_space<hbm>> -> memref<10240x128xf32, #tpu.memory_space<hbm>>
          tpu.enqueue_indirect_dma source(%dma_start3A_510 : memref<10240x128xf32, #tpu.memory_space<hbm>>) target(%dma_start3A_504 : memref<64x128xf32, #tpu.memory_space<vmem>>) offsets(%dma_start3A_507 : memref<64xi32, #tpu.memory_space<vmem>>) semaphore(%arg13 : memref<!tpu.dma_semaphore, #tpu.memory_space<semaphore_mem>>)
        } else {
        }
        %dma_wait3A_73 = arith.constant 0 : i32
        %dma_wait3A_74 = tpu.memref_slice %arg7[%add3A_66, %dma_wait3A_73] : memref<80x128xi32, #tpu.memory_space<vmem>> -> memref<1x128xi32, #tpu.memory_space<vmem>>
        %dma_wait3A_75 = tpu.memref_squeeze %dma_wait3A_74 : memref<1x128xi32, #tpu.memory_space<vmem>> -> memref<128xi32, #tpu.memory_space<vmem>>
        %dma_wait3A_76 = arith.constant 0 : i32
        %dma_wait3A_77 = arith.constant 0 : i32
        %dma_wait3A_78 = tpu.memref_slice %arg2[%dma_wait3A_76, %dma_wait3A_77] : memref<10240x128xf32, #tpu.memory_space<hbm>> -> memref<10240x128xf32, #tpu.memory_space<hbm>>
        tpu.wait_indirect_dma semaphore(%arg12 : memref<!tpu.dma_semaphore, #tpu.memory_space<semaphore_mem>>) src(%dma_wait3A_78 : memref<10240x128xf32, #tpu.memory_space<hbm>>) dst(%arg9 : memref<128x128xf32, #tpu.memory_space<vmem>>)
        %dma_start3A_79 = arith.constant 0 : i32
        %dma_start3A_80 = arith.constant 0 : i32
        %dma_start3A_81 = arith.constant 0 : i32
        %dma_start3A_82 = tpu.memref_slice %arg8[%dma_start3A_79, %dma_start3A_80, %dma_start3A_81] : memref<2x8x128xi32, #tpu.memory_space<vmem>> -> memref<1x1x128xi32, #tpu.memory_space<vmem>>
        %dma_start3A_83 = tpu.memref_squeeze %dma_start3A_82 : memref<1x1x128xi32, #tpu.memory_space<vmem>> -> memref<128xi32, #tpu.memory_space<vmem>>
        %dma_start3A_84 = arith.constant 0 : i32
        %dma_start3A_85 = arith.constant 0 : i32
        %dma_start3A_86 = tpu.memref_slice %arg11[%dma_start3A_84, %dma_start3A_85] : memref<10240x128xf32, #tpu.memory_space<vmem_shared>> -> memref<10240x128xf32, #tpu.memory_space<vmem_shared>>
        tpu.enqueue_indirect_dma source(%arg9 : memref<128x128xf32, #tpu.memory_space<vmem>>) target(%dma_start3A_86 : memref<10240x128xf32, #tpu.memory_space<vmem_shared>>) offsets(%dma_start3A_83 : memref<128xi32, #tpu.memory_space<vmem>>) semaphore(%arg16 : memref<!tpu.dma_semaphore, #tpu.memory_space<semaphore_mem>>) {add = true}
        %mul3A_87 = arith.constant 8 : i32
        %mul3A_88 = arith.muli %add3A_58, %mul3A_87 : i32
        %add3A_89 = arith.constant 1 : i32
        %add3A_90 = arith.addi %mul3A_88, %add3A_89 : i32
        %add3A_91 = arith.constant 1 : i32
        %add3A_92 = arith.addi %add3A_90, %add3A_91 : i32
        %lt3A_93 = arith.constant 80 : i32
        %lt3A_94 = arith.cmpi slt, %add3A_92, %lt3A_93 : i32
        %convert_element_type3A_95 = arith.extui %lt3A_94 : i1 to i32
        %cond3A_96 = arith.constant 0 : i32
        %cond3A_97 = arith.cmpi ne, %convert_element_type3A_95, %cond3A_96 : i32
        scf.if %cond3A_97 {
          %ge3A = arith.constant 1 : i32
          %ge3A_485 = arith.cmpi sge, %add3A_90, %ge3A : i32
          %convert_element_type3A_486 = arith.extui %ge3A_485 : i1 to i32
          %cond3A_487 = arith.constant 0 : i32
          %cond3A_488 = arith.cmpi ne, %convert_element_type3A_486, %cond3A_487 : i32
          scf.if %cond3A_488 {
            %dma_wait3A_511 = arith.constant 0 : i32
            %dma_wait3A_512 = arith.constant 1 : i32
            %dma_wait3A_513 = arith.constant 0 : i32
            %dma_wait3A_514 = tpu.memref_slice %arg8[%dma_wait3A_511, %dma_wait3A_512, %dma_wait3A_513] : memref<2x8x128xi32, #tpu.memory_space<vmem>> -> memref<1x1x128xi32, #tpu.memory_space<vmem>>
            %dma_wait3A_515 = tpu.memref_squeeze %dma_wait3A_514 : memref<1x1x128xi32, #tpu.memory_space<vmem>> -> memref<128xi32, #tpu.memory_space<vmem>>
            %dma_wait3A_516 = arith.constant 0 : i32
            %dma_wait3A_517 = arith.constant 0 : i32
            %dma_wait3A_518 = tpu.memref_slice %arg11[%dma_wait3A_516, %dma_wait3A_517] : memref<10240x128xf32, #tpu.memory_space<vmem_shared>> -> memref<10240x128xf32, #tpu.memory_space<vmem_shared>>
            tpu.wait_indirect_dma semaphore(%arg16 : memref<!tpu.dma_semaphore, #tpu.memory_space<semaphore_mem>>) src(%arg9 : memref<128x128xf32, #tpu.memory_space<vmem>>) dst(%dma_wait3A_518 : memref<10240x128xf32, #tpu.memory_space<vmem_shared>>)
          } else {
          }
          %add3A_489 = arith.constant 1 : i32
          %add3A_490 = arith.addi %add3A_90, %add3A_489 : i32
          %dma_start3A_491 = arith.constant 0 : i32
          %dma_start3A_492 = arith.constant 0 : i32
          %dma_start3A_493 = tpu.memref_slice %arg9[%dma_start3A_491, %dma_start3A_492] : memref<128x128xf32, #tpu.memory_space<vmem>> -> memref<64x128xf32, #tpu.memory_space<vmem>>
          %dma_start3A_494 = arith.constant 0 : i32
          %dma_start3A_495 = tpu.memref_slice %arg7[%add3A_490, %dma_start3A_494] : memref<80x128xi32, #tpu.memory_space<vmem>> -> memref<1x64xi32, #tpu.memory_space<vmem>>
          %dma_start3A_496 = tpu.memref_squeeze %dma_start3A_495 : memref<1x64xi32, #tpu.memory_space<vmem>> -> memref<64xi32, #tpu.memory_space<vmem>>
          %dma_start3A_497 = arith.constant 0 : i32
          %dma_start3A_498 = arith.constant 0 : i32
          %dma_start3A_499 = tpu.memref_slice %arg2[%dma_start3A_497, %dma_start3A_498] : memref<10240x128xf32, #tpu.memory_space<hbm>> -> memref<10240x128xf32, #tpu.memory_space<hbm>>
          tpu.enqueue_indirect_dma source(%dma_start3A_499 : memref<10240x128xf32, #tpu.memory_space<hbm>>) target(%dma_start3A_493 : memref<64x128xf32, #tpu.memory_space<vmem>>) offsets(%dma_start3A_496 : memref<64xi32, #tpu.memory_space<vmem>>) semaphore(%arg12 : memref<!tpu.dma_semaphore, #tpu.memory_space<semaphore_mem>>)
          %add3A_500 = arith.constant 1 : i32
          %add3A_501 = arith.addi %add3A_90, %add3A_500 : i32
          %dma_start3A_502 = arith.constant 64 : i32
          %dma_start3A_503 = arith.constant 0 : i32
          %dma_start3A_504 = tpu.memref_slice %arg9[%dma_start3A_502, %dma_start3A_503] : memref<128x128xf32, #tpu.memory_space<vmem>> -> memref<64x128xf32, #tpu.memory_space<vmem>>
          %dma_start3A_505 = arith.constant 64 : i32
          %dma_start3A_506 = tpu.memref_slice %arg7[%add3A_501, %dma_start3A_505] : memref<80x128xi32, #tpu.memory_space<vmem>> -> memref<1x64xi32, #tpu.memory_space<vmem>>
          %dma_start3A_507 = tpu.memref_squeeze %dma_start3A_506 : memref<1x64xi32, #tpu.memory_space<vmem>> -> memref<64xi32, #tpu.memory_space<vmem>>
          %dma_start3A_508 = arith.constant 0 : i32
          %dma_start3A_509 = arith.constant 0 : i32
          %dma_start3A_510 = tpu.memref_slice %arg2[%dma_start3A_508, %dma_start3A_509] : memref<10240x128xf32, #tpu.memory_space<hbm>> -> memref<10240x128xf32, #tpu.memory_space<hbm>>
          tpu.enqueue_indirect_dma source(%dma_start3A_510 : memref<10240x128xf32, #tpu.memory_space<hbm>>) target(%dma_start3A_504 : memref<64x128xf32, #tpu.memory_space<vmem>>) offsets(%dma_start3A_507 : memref<64xi32, #tpu.memory_space<vmem>>) semaphore(%arg12 : memref<!tpu.dma_semaphore, #tpu.memory_space<semaphore_mem>>)
        } else {
        }
        %dma_wait3A_98 = arith.constant 0 : i32
        %dma_wait3A_99 = tpu.memref_slice %arg7[%add3A_90, %dma_wait3A_98] : memref<80x128xi32, #tpu.memory_space<vmem>> -> memref<1x128xi32, #tpu.memory_space<vmem>>
        %dma_wait3A_100 = tpu.memref_squeeze %dma_wait3A_99 : memref<1x128xi32, #tpu.memory_space<vmem>> -> memref<128xi32, #tpu.memory_space<vmem>>
        %dma_wait3A_101 = arith.constant 0 : i32
        %dma_wait3A_102 = arith.constant 0 : i32
        %dma_wait3A_103 = tpu.memref_slice %arg2[%dma_wait3A_101, %dma_wait3A_102] : memref<10240x128xf32, #tpu.memory_space<hbm>> -> memref<10240x128xf32, #tpu.memory_space<hbm>>
        tpu.wait_indirect_dma semaphore(%arg13 : memref<!tpu.dma_semaphore, #tpu.memory_space<semaphore_mem>>) src(%dma_wait3A_103 : memref<10240x128xf32, #tpu.memory_space<hbm>>) dst(%arg10 : memref<128x128xf32, #tpu.memory_space<vmem>>)
        %dma_start3A_104 = arith.constant 0 : i32
        %dma_start3A_105 = arith.constant 1 : i32
        %dma_start3A_106 = arith.constant 0 : i32
        %dma_start3A_107 = tpu.memref_slice %arg8[%dma_start3A_104, %dma_start3A_105, %dma_start3A_106] : memref<2x8x128xi32, #tpu.memory_space<vmem>> -> memref<1x1x128xi32, #tpu.memory_space<vmem>>
        %dma_start3A_108 = tpu.memref_squeeze %dma_start3A_107 : memref<1x1x128xi32, #tpu.memory_space<vmem>> -> memref<128xi32, #tpu.memory_space<vmem>>
        %dma_start3A_109 = arith.constant 0 : i32
        %dma_start3A_110 = arith.constant 0 : i32
        %dma_start3A_111 = tpu.memref_slice %arg11[%dma_start3A_109, %dma_start3A_110] : memref<10240x128xf32, #tpu.memory_space<vmem_shared>> -> memref<10240x128xf32, #tpu.memory_space<vmem_shared>>
        tpu.enqueue_indirect_dma source(%arg10 : memref<128x128xf32, #tpu.memory_space<vmem>>) target(%dma_start3A_111 : memref<10240x128xf32, #tpu.memory_space<vmem_shared>>) offsets(%dma_start3A_108 : memref<128xi32, #tpu.memory_space<vmem>>) semaphore(%arg17 : memref<!tpu.dma_semaphore, #tpu.memory_space<semaphore_mem>>) {add = true}
        %mul3A_112 = arith.constant 8 : i32
        %mul3A_113 = arith.muli %add3A_58, %mul3A_112 : i32
        %add3A_114 = arith.constant 2 : i32
        %add3A_115 = arith.addi %mul3A_113, %add3A_114 : i32
        %add3A_116 = arith.constant 1 : i32
        %add3A_117 = arith.addi %add3A_115, %add3A_116 : i32
        %lt3A_118 = arith.constant 80 : i32
        %lt3A_119 = arith.cmpi slt, %add3A_117, %lt3A_118 : i32
        %convert_element_type3A_120 = arith.extui %lt3A_119 : i1 to i32
        %cond3A_121 = arith.constant 0 : i32
        %cond3A_122 = arith.cmpi ne, %convert_element_type3A_120, %cond3A_121 : i32
        scf.if %cond3A_122 {
          %ge3A = arith.constant 1 : i32
          %ge3A_485 = arith.cmpi sge, %add3A_115, %ge3A : i32
          %convert_element_type3A_486 = arith.extui %ge3A_485 : i1 to i32
          %cond3A_487 = arith.constant 0 : i32
          %cond3A_488 = arith.cmpi ne, %convert_element_type3A_486, %cond3A_487 : i32
          scf.if %cond3A_488 {
            %dma_wait3A_511 = arith.constant 0 : i32
            %dma_wait3A_512 = arith.constant 2 : i32
            %dma_wait3A_513 = arith.constant 0 : i32
            %dma_wait3A_514 = tpu.memref_slice %arg8[%dma_wait3A_511, %dma_wait3A_512, %dma_wait3A_513] : memref<2x8x128xi32, #tpu.memory_space<vmem>> -> memref<1x1x128xi32, #tpu.memory_space<vmem>>
            %dma_wait3A_515 = tpu.memref_squeeze %dma_wait3A_514 : memref<1x1x128xi32, #tpu.memory_space<vmem>> -> memref<128xi32, #tpu.memory_space<vmem>>
            %dma_wait3A_516 = arith.constant 0 : i32
            %dma_wait3A_517 = arith.constant 0 : i32
            %dma_wait3A_518 = tpu.memref_slice %arg11[%dma_wait3A_516, %dma_wait3A_517] : memref<10240x128xf32, #tpu.memory_space<vmem_shared>> -> memref<10240x128xf32, #tpu.memory_space<vmem_shared>>
            tpu.wait_indirect_dma semaphore(%arg17 : memref<!tpu.dma_semaphore, #tpu.memory_space<semaphore_mem>>) src(%arg10 : memref<128x128xf32, #tpu.memory_space<vmem>>) dst(%dma_wait3A_518 : memref<10240x128xf32, #tpu.memory_space<vmem_shared>>)
          } else {
          }
          %add3A_489 = arith.constant 1 : i32
          %add3A_490 = arith.addi %add3A_115, %add3A_489 : i32
          %dma_start3A_491 = arith.constant 0 : i32
          %dma_start3A_492 = arith.constant 0 : i32
          %dma_start3A_493 = tpu.memref_slice %arg10[%dma_start3A_491, %dma_start3A_492] : memref<128x128xf32, #tpu.memory_space<vmem>> -> memref<64x128xf32, #tpu.memory_space<vmem>>
          %dma_start3A_494 = arith.constant 0 : i32
          %dma_start3A_495 = tpu.memref_slice %arg7[%add3A_490, %dma_start3A_494] : memref<80x128xi32, #tpu.memory_space<vmem>> -> memref<1x64xi32, #tpu.memory_space<vmem>>
          %dma_start3A_496 = tpu.memref_squeeze %dma_start3A_495 : memref<1x64xi32, #tpu.memory_space<vmem>> -> memref<64xi32, #tpu.memory_space<vmem>>
          %dma_start3A_497 = arith.constant 0 : i32
          %dma_start3A_498 = arith.constant 0 : i32
          %dma_start3A_499 = tpu.memref_slice %arg2[%dma_start3A_497, %dma_start3A_498] : memref<10240x128xf32, #tpu.memory_space<hbm>> -> memref<10240x128xf32, #tpu.memory_space<hbm>>
          tpu.enqueue_indirect_dma source(%dma_start3A_499 : memref<10240x128xf32, #tpu.memory_space<hbm>>) target(%dma_start3A_493 : memref<64x128xf32, #tpu.memory_space<vmem>>) offsets(%dma_start3A_496 : memref<64xi32, #tpu.memory_space<vmem>>) semaphore(%arg13 : memref<!tpu.dma_semaphore, #tpu.memory_space<semaphore_mem>>)
          %add3A_500 = arith.constant 1 : i32
          %add3A_501 = arith.addi %add3A_115, %add3A_500 : i32
          %dma_start3A_502 = arith.constant 64 : i32
          %dma_start3A_503 = arith.constant 0 : i32
          %dma_start3A_504 = tpu.memref_slice %arg10[%dma_start3A_502, %dma_start3A_503] : memref<128x128xf32, #tpu.memory_space<vmem>> -> memref<64x128xf32, #tpu.memory_space<vmem>>
          %dma_start3A_505 = arith.constant 64 : i32
          %dma_start3A_506 = tpu.memref_slice %arg7[%add3A_501, %dma_start3A_505] : memref<80x128xi32, #tpu.memory_space<vmem>> -> memref<1x64xi32, #tpu.memory_space<vmem>>
          %dma_start3A_507 = tpu.memref_squeeze %dma_start3A_506 : memref<1x64xi32, #tpu.memory_space<vmem>> -> memref<64xi32, #tpu.memory_space<vmem>>
          %dma_start3A_508 = arith.constant 0 : i32
          %dma_start3A_509 = arith.constant 0 : i32
          %dma_start3A_510 = tpu.memref_slice %arg2[%dma_start3A_508, %dma_start3A_509] : memref<10240x128xf32, #tpu.memory_space<hbm>> -> memref<10240x128xf32, #tpu.memory_space<hbm>>
          tpu.enqueue_indirect_dma source(%dma_start3A_510 : memref<10240x128xf32, #tpu.memory_space<hbm>>) target(%dma_start3A_504 : memref<64x128xf32, #tpu.memory_space<vmem>>) offsets(%dma_start3A_507 : memref<64xi32, #tpu.memory_space<vmem>>) semaphore(%arg13 : memref<!tpu.dma_semaphore, #tpu.memory_space<semaphore_mem>>)
        } else {
        }
        %dma_wait3A_123 = arith.constant 0 : i32
        %dma_wait3A_124 = tpu.memref_slice %arg7[%add3A_115, %dma_wait3A_123] : memref<80x128xi32, #tpu.memory_space<vmem>> -> memref<1x128xi32, #tpu.memory_space<vmem>>
        %dma_wait3A_125 = tpu.memref_squeeze %dma_wait3A_124 : memref<1x128xi32, #tpu.memory_space<vmem>> -> memref<128xi32, #tpu.memory_space<vmem>>
        %dma_wait3A_126 = arith.constant 0 : i32
        %dma_wait3A_127 = arith.constant 0 : i32
        %dma_wait3A_128 = tpu.memref_slice %arg2[%dma_wait3A_126, %dma_wait3A_127] : memref<10240x128xf32, #tpu.memory_space<hbm>> -> memref<10240x128xf32, #tpu.memory_space<hbm>>
        tpu.wait_indirect_dma semaphore(%arg12 : memref<!tpu.dma_semaphore, #tpu.memory_space<semaphore_mem>>) src(%dma_wait3A_128 : memref<10240x128xf32, #tpu.memory_space<hbm>>) dst(%arg9 : memref<128x128xf32, #tpu.memory_space<vmem>>)
        %dma_start3A_129 = arith.constant 0 : i32
        %dma_start3A_130 = arith.constant 2 : i32
        %dma_start3A_131 = arith.constant 0 : i32
        %dma_start3A_132 = tpu.memref_slice %arg8[%dma_start3A_129, %dma_start3A_130, %dma_start3A_131] : memref<2x8x128xi32, #tpu.memory_space<vmem>> -> memref<1x1x128xi32, #tpu.memory_space<vmem>>
        %dma_start3A_133 = tpu.memref_squeeze %dma_start3A_132 : memref<1x1x128xi32, #tpu.memory_space<vmem>> -> memref<128xi32, #tpu.memory_space<vmem>>
        %dma_start3A_134 = arith.constant 0 : i32
        %dma_start3A_135 = arith.constant 0 : i32
        %dma_start3A_136 = tpu.memref_slice %arg11[%dma_start3A_134, %dma_start3A_135] : memref<10240x128xf32, #tpu.memory_space<vmem_shared>> -> memref<10240x128xf32, #tpu.memory_space<vmem_shared>>
        tpu.enqueue_indirect_dma source(%arg9 : memref<128x128xf32, #tpu.memory_space<vmem>>) target(%dma_start3A_136 : memref<10240x128xf32, #tpu.memory_space<vmem_shared>>) offsets(%dma_start3A_133 : memref<128xi32, #tpu.memory_space<vmem>>) semaphore(%arg16 : memref<!tpu.dma_semaphore, #tpu.memory_space<semaphore_mem>>) {add = true}
        %mul3A_137 = arith.constant 8 : i32
        %mul3A_138 = arith.muli %add3A_58, %mul3A_137 : i32
        %add3A_139 = arith.constant 3 : i32
        %add3A_140 = arith.addi %mul3A_138, %add3A_139 : i32
        %add3A_141 = arith.constant 1 : i32
        %add3A_142 = arith.addi %add3A_140, %add3A_141 : i32
        %lt3A_143 = arith.constant 80 : i32
        %lt3A_144 = arith.cmpi slt, %add3A_142, %lt3A_143 : i32
        %convert_element_type3A_145 = arith.extui %lt3A_144 : i1 to i32
        %cond3A_146 = arith.constant 0 : i32
        %cond3A_147 = arith.cmpi ne, %convert_element_type3A_145, %cond3A_146 : i32
        scf.if %cond3A_147 {
          %ge3A = arith.constant 1 : i32
          %ge3A_485 = arith.cmpi sge, %add3A_140, %ge3A : i32
          %convert_element_type3A_486 = arith.extui %ge3A_485 : i1 to i32
          %cond3A_487 = arith.constant 0 : i32
          %cond3A_488 = arith.cmpi ne, %convert_element_type3A_486, %cond3A_487 : i32
          scf.if %cond3A_488 {
            %dma_wait3A_511 = arith.constant 0 : i32
            %dma_wait3A_512 = arith.constant 3 : i32
            %dma_wait3A_513 = arith.constant 0 : i32
            %dma_wait3A_514 = tpu.memref_slice %arg8[%dma_wait3A_511, %dma_wait3A_512, %dma_wait3A_513] : memref<2x8x128xi32, #tpu.memory_space<vmem>> -> memref<1x1x128xi32, #tpu.memory_space<vmem>>
            %dma_wait3A_515 = tpu.memref_squeeze %dma_wait3A_514 : memref<1x1x128xi32, #tpu.memory_space<vmem>> -> memref<128xi32, #tpu.memory_space<vmem>>
            %dma_wait3A_516 = arith.constant 0 : i32
            %dma_wait3A_517 = arith.constant 0 : i32
            %dma_wait3A_518 = tpu.memref_slice %arg11[%dma_wait3A_516, %dma_wait3A_517] : memref<10240x128xf32, #tpu.memory_space<vmem_shared>> -> memref<10240x128xf32, #tpu.memory_space<vmem_shared>>
            tpu.wait_indirect_dma semaphore(%arg16 : memref<!tpu.dma_semaphore, #tpu.memory_space<semaphore_mem>>) src(%arg9 : memref<128x128xf32, #tpu.memory_space<vmem>>) dst(%dma_wait3A_518 : memref<10240x128xf32, #tpu.memory_space<vmem_shared>>)
          } else {
          }
          %add3A_489 = arith.constant 1 : i32
          %add3A_490 = arith.addi %add3A_140, %add3A_489 : i32
          %dma_start3A_491 = arith.constant 0 : i32
          %dma_start3A_492 = arith.constant 0 : i32
          %dma_start3A_493 = tpu.memref_slice %arg9[%dma_start3A_491, %dma_start3A_492] : memref<128x128xf32, #tpu.memory_space<vmem>> -> memref<64x128xf32, #tpu.memory_space<vmem>>
          %dma_start3A_494 = arith.constant 0 : i32
          %dma_start3A_495 = tpu.memref_slice %arg7[%add3A_490, %dma_start3A_494] : memref<80x128xi32, #tpu.memory_space<vmem>> -> memref<1x64xi32, #tpu.memory_space<vmem>>
          %dma_start3A_496 = tpu.memref_squeeze %dma_start3A_495 : memref<1x64xi32, #tpu.memory_space<vmem>> -> memref<64xi32, #tpu.memory_space<vmem>>
          %dma_start3A_497 = arith.constant 0 : i32
          %dma_start3A_498 = arith.constant 0 : i32
          %dma_start3A_499 = tpu.memref_slice %arg2[%dma_start3A_497, %dma_start3A_498] : memref<10240x128xf32, #tpu.memory_space<hbm>> -> memref<10240x128xf32, #tpu.memory_space<hbm>>
          tpu.enqueue_indirect_dma source(%dma_start3A_499 : memref<10240x128xf32, #tpu.memory_space<hbm>>) target(%dma_start3A_493 : memref<64x128xf32, #tpu.memory_space<vmem>>) offsets(%dma_start3A_496 : memref<64xi32, #tpu.memory_space<vmem>>) semaphore(%arg12 : memref<!tpu.dma_semaphore, #tpu.memory_space<semaphore_mem>>)
          %add3A_500 = arith.constant 1 : i32
          %add3A_501 = arith.addi %add3A_140, %add3A_500 : i32
          %dma_start3A_502 = arith.constant 64 : i32
          %dma_start3A_503 = arith.constant 0 : i32
          %dma_start3A_504 = tpu.memref_slice %arg9[%dma_start3A_502, %dma_start3A_503] : memref<128x128xf32, #tpu.memory_space<vmem>> -> memref<64x128xf32, #tpu.memory_space<vmem>>
          %dma_start3A_505 = arith.constant 64 : i32
          %dma_start3A_506 = tpu.memref_slice %arg7[%add3A_501, %dma_start3A_505] : memref<80x128xi32, #tpu.memory_space<vmem>> -> memref<1x64xi32, #tpu.memory_space<vmem>>
          %dma_start3A_507 = tpu.memref_squeeze %dma_start3A_506 : memref<1x64xi32, #tpu.memory_space<vmem>> -> memref<64xi32, #tpu.memory_space<vmem>>
          %dma_start3A_508 = arith.constant 0 : i32
          %dma_start3A_509 = arith.constant 0 : i32
          %dma_start3A_510 = tpu.memref_slice %arg2[%dma_start3A_508, %dma_start3A_509] : memref<10240x128xf32, #tpu.memory_space<hbm>> -> memref<10240x128xf32, #tpu.memory_space<hbm>>
          tpu.enqueue_indirect_dma source(%dma_start3A_510 : memref<10240x128xf32, #tpu.memory_space<hbm>>) target(%dma_start3A_504 : memref<64x128xf32, #tpu.memory_space<vmem>>) offsets(%dma_start3A_507 : memref<64xi32, #tpu.memory_space<vmem>>) semaphore(%arg12 : memref<!tpu.dma_semaphore, #tpu.memory_space<semaphore_mem>>)
        } else {
        }
        %dma_wait3A_148 = arith.constant 0 : i32
        %dma_wait3A_149 = tpu.memref_slice %arg7[%add3A_140, %dma_wait3A_148] : memref<80x128xi32, #tpu.memory_space<vmem>> -> memref<1x128xi32, #tpu.memory_space<vmem>>
        %dma_wait3A_150 = tpu.memref_squeeze %dma_wait3A_149 : memref<1x128xi32, #tpu.memory_space<vmem>> -> memref<128xi32, #tpu.memory_space<vmem>>
        %dma_wait3A_151 = arith.constant 0 : i32
        %dma_wait3A_152 = arith.constant 0 : i32
        %dma_wait3A_153 = tpu.memref_slice %arg2[%dma_wait3A_151, %dma_wait3A_152] : memref<10240x128xf32, #tpu.memory_space<hbm>> -> memref<10240x128xf32, #tpu.memory_space<hbm>>
        tpu.wait_indirect_dma semaphore(%arg13 : memref<!tpu.dma_semaphore, #tpu.memory_space<semaphore_mem>>) src(%dma_wait3A_153 : memref<10240x128xf32, #tpu.memory_space<hbm>>) dst(%arg10 : memref<128x128xf32, #tpu.memory_space<vmem>>)
        %dma_start3A_154 = arith.constant 0 : i32
        %dma_start3A_155 = arith.constant 3 : i32
        %dma_start3A_156 = arith.constant 0 : i32
        %dma_start3A_157 = tpu.memref_slice %arg8[%dma_start3A_154, %dma_start3A_155, %dma_start3A_156] : memref<2x8x128xi32, #tpu.memory_space<vmem>> -> memref<1x1x128xi32, #tpu.memory_space<vmem>>
        %dma_start3A_158 = tpu.memref_squeeze %dma_start3A_157 : memref<1x1x128xi32, #tpu.memory_space<vmem>> -> memref<128xi32, #tpu.memory_space<vmem>>
        %dma_start3A_159 = arith.constant 0 : i32
        %dma_start3A_160 = arith.constant 0 : i32
        %dma_start3A_161 = tpu.memref_slice %arg11[%dma_start3A_159, %dma_start3A_160] : memref<10240x128xf32, #tpu.memory_space<vmem_shared>> -> memref<10240x128xf32, #tpu.memory_space<vmem_shared>>
        tpu.enqueue_indirect_dma source(%arg10 : memref<128x128xf32, #tpu.memory_space<vmem>>) target(%dma_start3A_161 : memref<10240x128xf32, #tpu.memory_space<vmem_shared>>) offsets(%dma_start3A_158 : memref<128xi32, #tpu.memory_space<vmem>>) semaphore(%arg17 : memref<!tpu.dma_semaphore, #tpu.memory_space<semaphore_mem>>) {add = true}
        %mul3A_162 = arith.constant 8 : i32
        %mul3A_163 = arith.muli %add3A_58, %mul3A_162 : i32
        %add3A_164 = arith.constant 4 : i32
        %add3A_165 = arith.addi %mul3A_163, %add3A_164 : i32
        %add3A_166 = arith.constant 1 : i32
        %add3A_167 = arith.addi %add3A_165, %add3A_166 : i32
        %lt3A_168 = arith.constant 80 : i32
        %lt3A_169 = arith.cmpi slt, %add3A_167, %lt3A_168 : i32
        %convert_element_type3A_170 = arith.extui %lt3A_169 : i1 to i32
        %cond3A_171 = arith.constant 0 : i32
        %cond3A_172 = arith.cmpi ne, %convert_element_type3A_170, %cond3A_171 : i32
        scf.if %cond3A_172 {
          %ge3A = arith.constant 1 : i32
          %ge3A_485 = arith.cmpi sge, %add3A_165, %ge3A : i32
          %convert_element_type3A_486 = arith.extui %ge3A_485 : i1 to i32
          %cond3A_487 = arith.constant 0 : i32
          %cond3A_488 = arith.cmpi ne, %convert_element_type3A_486, %cond3A_487 : i32
          scf.if %cond3A_488 {
            %dma_wait3A_511 = arith.constant 0 : i32
            %dma_wait3A_512 = arith.constant 4 : i32
            %dma_wait3A_513 = arith.constant 0 : i32
            %dma_wait3A_514 = tpu.memref_slice %arg8[%dma_wait3A_511, %dma_wait3A_512, %dma_wait3A_513] : memref<2x8x128xi32, #tpu.memory_space<vmem>> -> memref<1x1x128xi32, #tpu.memory_space<vmem>>
            %dma_wait3A_515 = tpu.memref_squeeze %dma_wait3A_514 : memref<1x1x128xi32, #tpu.memory_space<vmem>> -> memref<128xi32, #tpu.memory_space<vmem>>
            %dma_wait3A_516 = arith.constant 0 : i32
            %dma_wait3A_517 = arith.constant 0 : i32
            %dma_wait3A_518 = tpu.memref_slice %arg11[%dma_wait3A_516, %dma_wait3A_517] : memref<10240x128xf32, #tpu.memory_space<vmem_shared>> -> memref<10240x128xf32, #tpu.memory_space<vmem_shared>>
            tpu.wait_indirect_dma semaphore(%arg17 : memref<!tpu.dma_semaphore, #tpu.memory_space<semaphore_mem>>) src(%arg10 : memref<128x128xf32, #tpu.memory_space<vmem>>) dst(%dma_wait3A_518 : memref<10240x128xf32, #tpu.memory_space<vmem_shared>>)
          } else {
          }
          %add3A_489 = arith.constant 1 : i32
          %add3A_490 = arith.addi %add3A_165, %add3A_489 : i32
          %dma_start3A_491 = arith.constant 0 : i32
          %dma_start3A_492 = arith.constant 0 : i32
          %dma_start3A_493 = tpu.memref_slice %arg10[%dma_start3A_491, %dma_start3A_492] : memref<128x128xf32, #tpu.memory_space<vmem>> -> memref<64x128xf32, #tpu.memory_space<vmem>>
          %dma_start3A_494 = arith.constant 0 : i32
          %dma_start3A_495 = tpu.memref_slice %arg7[%add3A_490, %dma_start3A_494] : memref<80x128xi32, #tpu.memory_space<vmem>> -> memref<1x64xi32, #tpu.memory_space<vmem>>
          %dma_start3A_496 = tpu.memref_squeeze %dma_start3A_495 : memref<1x64xi32, #tpu.memory_space<vmem>> -> memref<64xi32, #tpu.memory_space<vmem>>
          %dma_start3A_497 = arith.constant 0 : i32
          %dma_start3A_498 = arith.constant 0 : i32
          %dma_start3A_499 = tpu.memref_slice %arg2[%dma_start3A_497, %dma_start3A_498] : memref<10240x128xf32, #tpu.memory_space<hbm>> -> memref<10240x128xf32, #tpu.memory_space<hbm>>
          tpu.enqueue_indirect_dma source(%dma_start3A_499 : memref<10240x128xf32, #tpu.memory_space<hbm>>) target(%dma_start3A_493 : memref<64x128xf32, #tpu.memory_space<vmem>>) offsets(%dma_start3A_496 : memref<64xi32, #tpu.memory_space<vmem>>) semaphore(%arg13 : memref<!tpu.dma_semaphore, #tpu.memory_space<semaphore_mem>>)
          %add3A_500 = arith.constant 1 : i32
          %add3A_501 = arith.addi %add3A_165, %add3A_500 : i32
          %dma_start3A_502 = arith.constant 64 : i32
          %dma_start3A_503 = arith.constant 0 : i32
          %dma_start3A_504 = tpu.memref_slice %arg10[%dma_start3A_502, %dma_start3A_503] : memref<128x128xf32, #tpu.memory_space<vmem>> -> memref<64x128xf32, #tpu.memory_space<vmem>>
          %dma_start3A_505 = arith.constant 64 : i32
          %dma_start3A_506 = tpu.memref_slice %arg7[%add3A_501, %dma_start3A_505] : memref<80x128xi32, #tpu.memory_space<vmem>> -> memref<1x64xi32, #tpu.memory_space<vmem>>
          %dma_start3A_507 = tpu.memref_squeeze %dma_start3A_506 : memref<1x64xi32, #tpu.memory_space<vmem>> -> memref<64xi32, #tpu.memory_space<vmem>>
          %dma_start3A_508 = arith.constant 0 : i32
          %dma_start3A_509 = arith.constant 0 : i32
          %dma_start3A_510 = tpu.memref_slice %arg2[%dma_start3A_508, %dma_start3A_509] : memref<10240x128xf32, #tpu.memory_space<hbm>> -> memref<10240x128xf32, #tpu.memory_space<hbm>>
          tpu.enqueue_indirect_dma source(%dma_start3A_510 : memref<10240x128xf32, #tpu.memory_space<hbm>>) target(%dma_start3A_504 : memref<64x128xf32, #tpu.memory_space<vmem>>) offsets(%dma_start3A_507 : memref<64xi32, #tpu.memory_space<vmem>>) semaphore(%arg13 : memref<!tpu.dma_semaphore, #tpu.memory_space<semaphore_mem>>)
        } else {
        }
        %dma_wait3A_173 = arith.constant 0 : i32
        %dma_wait3A_174 = tpu.memref_slice %arg7[%add3A_165, %dma_wait3A_173] : memref<80x128xi32, #tpu.memory_space<vmem>> -> memref<1x128xi32, #tpu.memory_space<vmem>>
        %dma_wait3A_175 = tpu.memref_squeeze %dma_wait3A_174 : memref<1x128xi32, #tpu.memory_space<vmem>> -> memref<128xi32, #tpu.memory_space<vmem>>
        %dma_wait3A_176 = arith.constant 0 : i32
        %dma_wait3A_177 = arith.constant 0 : i32
        %dma_wait3A_178 = tpu.memref_slice %arg2[%dma_wait3A_176, %dma_wait3A_177] : memref<10240x128xf32, #tpu.memory_space<hbm>> -> memref<10240x128xf32, #tpu.memory_space<hbm>>
        tpu.wait_indirect_dma semaphore(%arg12 : memref<!tpu.dma_semaphore, #tpu.memory_space<semaphore_mem>>) src(%dma_wait3A_178 : memref<10240x128xf32, #tpu.memory_space<hbm>>) dst(%arg9 : memref<128x128xf32, #tpu.memory_space<vmem>>)
        %dma_start3A_179 = arith.constant 0 : i32
        %dma_start3A_180 = arith.constant 4 : i32
        %dma_start3A_181 = arith.constant 0 : i32
        %dma_start3A_182 = tpu.memref_slice %arg8[%dma_start3A_179, %dma_start3A_180, %dma_start3A_181] : memref<2x8x128xi32, #tpu.memory_space<vmem>> -> memref<1x1x128xi32, #tpu.memory_space<vmem>>
        %dma_start3A_183 = tpu.memref_squeeze %dma_start3A_182 : memref<1x1x128xi32, #tpu.memory_space<vmem>> -> memref<128xi32, #tpu.memory_space<vmem>>
        %dma_start3A_184 = arith.constant 0 : i32
        %dma_start3A_185 = arith.constant 0 : i32
        %dma_start3A_186 = tpu.memref_slice %arg11[%dma_start3A_184, %dma_start3A_185] : memref<10240x128xf32, #tpu.memory_space<vmem_shared>> -> memref<10240x128xf32, #tpu.memory_space<vmem_shared>>
        tpu.enqueue_indirect_dma source(%arg9 : memref<128x128xf32, #tpu.memory_space<vmem>>) target(%dma_start3A_186 : memref<10240x128xf32, #tpu.memory_space<vmem_shared>>) offsets(%dma_start3A_183 : memref<128xi32, #tpu.memory_space<vmem>>) semaphore(%arg16 : memref<!tpu.dma_semaphore, #tpu.memory_space<semaphore_mem>>) {add = true}
        %mul3A_187 = arith.constant 8 : i32
        %mul3A_188 = arith.muli %add3A_58, %mul3A_187 : i32
        %add3A_189 = arith.constant 5 : i32
        %add3A_190 = arith.addi %mul3A_188, %add3A_189 : i32
        %add3A_191 = arith.constant 1 : i32
        %add3A_192 = arith.addi %add3A_190, %add3A_191 : i32
        %lt3A_193 = arith.constant 80 : i32
        %lt3A_194 = arith.cmpi slt, %add3A_192, %lt3A_193 : i32
        %convert_element_type3A_195 = arith.extui %lt3A_194 : i1 to i32
        %cond3A_196 = arith.constant 0 : i32
        %cond3A_197 = arith.cmpi ne, %convert_element_type3A_195, %cond3A_196 : i32
        scf.if %cond3A_197 {
          %ge3A = arith.constant 1 : i32
          %ge3A_485 = arith.cmpi sge, %add3A_190, %ge3A : i32
          %convert_element_type3A_486 = arith.extui %ge3A_485 : i1 to i32
          %cond3A_487 = arith.constant 0 : i32
          %cond3A_488 = arith.cmpi ne, %convert_element_type3A_486, %cond3A_487 : i32
          scf.if %cond3A_488 {
            %dma_wait3A_511 = arith.constant 0 : i32
            %dma_wait3A_512 = arith.constant 5 : i32
            %dma_wait3A_513 = arith.constant 0 : i32
            %dma_wait3A_514 = tpu.memref_slice %arg8[%dma_wait3A_511, %dma_wait3A_512, %dma_wait3A_513] : memref<2x8x128xi32, #tpu.memory_space<vmem>> -> memref<1x1x128xi32, #tpu.memory_space<vmem>>
            %dma_wait3A_515 = tpu.memref_squeeze %dma_wait3A_514 : memref<1x1x128xi32, #tpu.memory_space<vmem>> -> memref<128xi32, #tpu.memory_space<vmem>>
            %dma_wait3A_516 = arith.constant 0 : i32
            %dma_wait3A_517 = arith.constant 0 : i32
            %dma_wait3A_518 = tpu.memref_slice %arg11[%dma_wait3A_516, %dma_wait3A_517] : memref<10240x128xf32, #tpu.memory_space<vmem_shared>> -> memref<10240x128xf32, #tpu.memory_space<vmem_shared>>
            tpu.wait_indirect_dma semaphore(%arg16 : memref<!tpu.dma_semaphore, #tpu.memory_space<semaphore_mem>>) src(%arg9 : memref<128x128xf32, #tpu.memory_space<vmem>>) dst(%dma_wait3A_518 : memref<10240x128xf32, #tpu.memory_space<vmem_shared>>)
          } else {
          }
          %add3A_489 = arith.constant 1 : i32
          %add3A_490 = arith.addi %add3A_190, %add3A_489 : i32
          %dma_start3A_491 = arith.constant 0 : i32
          %dma_start3A_492 = arith.constant 0 : i32
          %dma_start3A_493 = tpu.memref_slice %arg9[%dma_start3A_491, %dma_start3A_492] : memref<128x128xf32, #tpu.memory_space<vmem>> -> memref<64x128xf32, #tpu.memory_space<vmem>>
          %dma_start3A_494 = arith.constant 0 : i32
          %dma_start3A_495 = tpu.memref_slice %arg7[%add3A_490, %dma_start3A_494] : memref<80x128xi32, #tpu.memory_space<vmem>> -> memref<1x64xi32, #tpu.memory_space<vmem>>
          %dma_start3A_496 = tpu.memref_squeeze %dma_start3A_495 : memref<1x64xi32, #tpu.memory_space<vmem>> -> memref<64xi32, #tpu.memory_space<vmem>>
          %dma_start3A_497 = arith.constant 0 : i32
          %dma_start3A_498 = arith.constant 0 : i32
          %dma_start3A_499 = tpu.memref_slice %arg2[%dma_start3A_497, %dma_start3A_498] : memref<10240x128xf32, #tpu.memory_space<hbm>> -> memref<10240x128xf32, #tpu.memory_space<hbm>>
          tpu.enqueue_indirect_dma source(%dma_start3A_499 : memref<10240x128xf32, #tpu.memory_space<hbm>>) target(%dma_start3A_493 : memref<64x128xf32, #tpu.memory_space<vmem>>) offsets(%dma_start3A_496 : memref<64xi32, #tpu.memory_space<vmem>>) semaphore(%arg12 : memref<!tpu.dma_semaphore, #tpu.memory_space<semaphore_mem>>)
          %add3A_500 = arith.constant 1 : i32
          %add3A_501 = arith.addi %add3A_190, %add3A_500 : i32
          %dma_start3A_502 = arith.constant 64 : i32
          %dma_start3A_503 = arith.constant 0 : i32
          %dma_start3A_504 = tpu.memref_slice %arg9[%dma_start3A_502, %dma_start3A_503] : memref<128x128xf32, #tpu.memory_space<vmem>> -> memref<64x128xf32, #tpu.memory_space<vmem>>
          %dma_start3A_505 = arith.constant 64 : i32
          %dma_start3A_506 = tpu.memref_slice %arg7[%add3A_501, %dma_start3A_505] : memref<80x128xi32, #tpu.memory_space<vmem>> -> memref<1x64xi32, #tpu.memory_space<vmem>>
          %dma_start3A_507 = tpu.memref_squeeze %dma_start3A_506 : memref<1x64xi32, #tpu.memory_space<vmem>> -> memref<64xi32, #tpu.memory_space<vmem>>
          %dma_start3A_508 = arith.constant 0 : i32
          %dma_start3A_509 = arith.constant 0 : i32
          %dma_start3A_510 = tpu.memref_slice %arg2[%dma_start3A_508, %dma_start3A_509] : memref<10240x128xf32, #tpu.memory_space<hbm>> -> memref<10240x128xf32, #tpu.memory_space<hbm>>
          tpu.enqueue_indirect_dma source(%dma_start3A_510 : memref<10240x128xf32, #tpu.memory_space<hbm>>) target(%dma_start3A_504 : memref<64x128xf32, #tpu.memory_space<vmem>>) offsets(%dma_start3A_507 : memref<64xi32, #tpu.memory_space<vmem>>) semaphore(%arg12 : memref<!tpu.dma_semaphore, #tpu.memory_space<semaphore_mem>>)
        } else {
        }
        %dma_wait3A_198 = arith.constant 0 : i32
        %dma_wait3A_199 = tpu.memref_slice %arg7[%add3A_190, %dma_wait3A_198] : memref<80x128xi32, #tpu.memory_space<vmem>> -> memref<1x128xi32, #tpu.memory_space<vmem>>
        %dma_wait3A_200 = tpu.memref_squeeze %dma_wait3A_199 : memref<1x128xi32, #tpu.memory_space<vmem>> -> memref<128xi32, #tpu.memory_space<vmem>>
        %dma_wait3A_201 = arith.constant 0 : i32
        %dma_wait3A_202 = arith.constant 0 : i32
        %dma_wait3A_203 = tpu.memref_slice %arg2[%dma_wait3A_201, %dma_wait3A_202] : memref<10240x128xf32, #tpu.memory_space<hbm>> -> memref<10240x128xf32, #tpu.memory_space<hbm>>
        tpu.wait_indirect_dma semaphore(%arg13 : memref<!tpu.dma_semaphore, #tpu.memory_space<semaphore_mem>>) src(%dma_wait3A_203 : memref<10240x128xf32, #tpu.memory_space<hbm>>) dst(%arg10 : memref<128x128xf32, #tpu.memory_space<vmem>>)
        %dma_start3A_204 = arith.constant 0 : i32
        %dma_start3A_205 = arith.constant 5 : i32
        %dma_start3A_206 = arith.constant 0 : i32
        %dma_start3A_207 = tpu.memref_slice %arg8[%dma_start3A_204, %dma_start3A_205, %dma_start3A_206] : memref<2x8x128xi32, #tpu.memory_space<vmem>> -> memref<1x1x128xi32, #tpu.memory_space<vmem>>
        %dma_start3A_208 = tpu.memref_squeeze %dma_start3A_207 : memref<1x1x128xi32, #tpu.memory_space<vmem>> -> memref<128xi32, #tpu.memory_space<vmem>>
        %dma_start3A_209 = arith.constant 0 : i32
        %dma_start3A_210 = arith.constant 0 : i32
        %dma_start3A_211 = tpu.memref_slice %arg11[%dma_start3A_209, %dma_start3A_210] : memref<10240x128xf32, #tpu.memory_space<vmem_shared>> -> memref<10240x128xf32, #tpu.memory_space<vmem_shared>>
        tpu.enqueue_indirect_dma source(%arg10 : memref<128x128xf32, #tpu.memory_space<vmem>>) target(%dma_start3A_211 : memref<10240x128xf32, #tpu.memory_space<vmem_shared>>) offsets(%dma_start3A_208 : memref<128xi32, #tpu.memory_space<vmem>>) semaphore(%arg17 : memref<!tpu.dma_semaphore, #tpu.memory_space<semaphore_mem>>) {add = true}
        %mul3A_212 = arith.constant 8 : i32
        %mul3A_213 = arith.muli %add3A_58, %mul3A_212 : i32
        %add3A_214 = arith.constant 6 : i32
        %add3A_215 = arith.addi %mul3A_213, %add3A_214 : i32
        %add3A_216 = arith.constant 1 : i32
        %add3A_217 = arith.addi %add3A_215, %add3A_216 : i32
        %lt3A_218 = arith.constant 80 : i32
        %lt3A_219 = arith.cmpi slt, %add3A_217, %lt3A_218 : i32
        %convert_element_type3A_220 = arith.extui %lt3A_219 : i1 to i32
        %cond3A_221 = arith.constant 0 : i32
        %cond3A_222 = arith.cmpi ne, %convert_element_type3A_220, %cond3A_221 : i32
        scf.if %cond3A_222 {
          %ge3A = arith.constant 1 : i32
          %ge3A_485 = arith.cmpi sge, %add3A_215, %ge3A : i32
          %convert_element_type3A_486 = arith.extui %ge3A_485 : i1 to i32
          %cond3A_487 = arith.constant 0 : i32
          %cond3A_488 = arith.cmpi ne, %convert_element_type3A_486, %cond3A_487 : i32
          scf.if %cond3A_488 {
            %dma_wait3A_511 = arith.constant 0 : i32
            %dma_wait3A_512 = arith.constant 6 : i32
            %dma_wait3A_513 = arith.constant 0 : i32
            %dma_wait3A_514 = tpu.memref_slice %arg8[%dma_wait3A_511, %dma_wait3A_512, %dma_wait3A_513] : memref<2x8x128xi32, #tpu.memory_space<vmem>> -> memref<1x1x128xi32, #tpu.memory_space<vmem>>
            %dma_wait3A_515 = tpu.memref_squeeze %dma_wait3A_514 : memref<1x1x128xi32, #tpu.memory_space<vmem>> -> memref<128xi32, #tpu.memory_space<vmem>>
            %dma_wait3A_516 = arith.constant 0 : i32
            %dma_wait3A_517 = arith.constant 0 : i32
            %dma_wait3A_518 = tpu.memref_slice %arg11[%dma_wait3A_516, %dma_wait3A_517] : memref<10240x128xf32, #tpu.memory_space<vmem_shared>> -> memref<10240x128xf32, #tpu.memory_space<vmem_shared>>
            tpu.wait_indirect_dma semaphore(%arg17 : memref<!tpu.dma_semaphore, #tpu.memory_space<semaphore_mem>>) src(%arg10 : memref<128x128xf32, #tpu.memory_space<vmem>>) dst(%dma_wait3A_518 : memref<10240x128xf32, #tpu.memory_space<vmem_shared>>)
          } else {
          }
          %add3A_489 = arith.constant 1 : i32
          %add3A_490 = arith.addi %add3A_215, %add3A_489 : i32
          %dma_start3A_491 = arith.constant 0 : i32
          %dma_start3A_492 = arith.constant 0 : i32
          %dma_start3A_493 = tpu.memref_slice %arg10[%dma_start3A_491, %dma_start3A_492] : memref<128x128xf32, #tpu.memory_space<vmem>> -> memref<64x128xf32, #tpu.memory_space<vmem>>
          %dma_start3A_494 = arith.constant 0 : i32
          %dma_start3A_495 = tpu.memref_slice %arg7[%add3A_490, %dma_start3A_494] : memref<80x128xi32, #tpu.memory_space<vmem>> -> memref<1x64xi32, #tpu.memory_space<vmem>>
          %dma_start3A_496 = tpu.memref_squeeze %dma_start3A_495 : memref<1x64xi32, #tpu.memory_space<vmem>> -> memref<64xi32, #tpu.memory_space<vmem>>
          %dma_start3A_497 = arith.constant 0 : i32
          %dma_start3A_498 = arith.constant 0 : i32
          %dma_start3A_499 = tpu.memref_slice %arg2[%dma_start3A_497, %dma_start3A_498] : memref<10240x128xf32, #tpu.memory_space<hbm>> -> memref<10240x128xf32, #tpu.memory_space<hbm>>
          tpu.enqueue_indirect_dma source(%dma_start3A_499 : memref<10240x128xf32, #tpu.memory_space<hbm>>) target(%dma_start3A_493 : memref<64x128xf32, #tpu.memory_space<vmem>>) offsets(%dma_start3A_496 : memref<64xi32, #tpu.memory_space<vmem>>) semaphore(%arg13 : memref<!tpu.dma_semaphore, #tpu.memory_space<semaphore_mem>>)
          %add3A_500 = arith.constant 1 : i32
          %add3A_501 = arith.addi %add3A_215, %add3A_500 : i32
          %dma_start3A_502 = arith.constant 64 : i32
          %dma_start3A_503 = arith.constant 0 : i32
          %dma_start3A_504 = tpu.memref_slice %arg10[%dma_start3A_502, %dma_start3A_503] : memref<128x128xf32, #tpu.memory_space<vmem>> -> memref<64x128xf32, #tpu.memory_space<vmem>>
          %dma_start3A_505 = arith.constant 64 : i32
          %dma_start3A_506 = tpu.memref_slice %arg7[%add3A_501, %dma_start3A_505] : memref<80x128xi32, #tpu.memory_space<vmem>> -> memref<1x64xi32, #tpu.memory_space<vmem>>
          %dma_start3A_507 = tpu.memref_squeeze %dma_start3A_506 : memref<1x64xi32, #tpu.memory_space<vmem>> -> memref<64xi32, #tpu.memory_space<vmem>>
          %dma_start3A_508 = arith.constant 0 : i32
          %dma_start3A_509 = arith.constant 0 : i32
          %dma_start3A_510 = tpu.memref_slice %arg2[%dma_start3A_508, %dma_start3A_509] : memref<10240x128xf32, #tpu.memory_space<hbm>> -> memref<10240x128xf32, #tpu.memory_space<hbm>>
          tpu.enqueue_indirect_dma source(%dma_start3A_510 : memref<10240x128xf32, #tpu.memory_space<hbm>>) target(%dma_start3A_504 : memref<64x128xf32, #tpu.memory_space<vmem>>) offsets(%dma_start3A_507 : memref<64xi32, #tpu.memory_space<vmem>>) semaphore(%arg13 : memref<!tpu.dma_semaphore, #tpu.memory_space<semaphore_mem>>)
        } else {
        }
        %dma_wait3A_223 = arith.constant 0 : i32
        %dma_wait3A_224 = tpu.memref_slice %arg7[%add3A_215, %dma_wait3A_223] : memref<80x128xi32, #tpu.memory_space<vmem>> -> memref<1x128xi32, #tpu.memory_space<vmem>>
        %dma_wait3A_225 = tpu.memref_squeeze %dma_wait3A_224 : memref<1x128xi32, #tpu.memory_space<vmem>> -> memref<128xi32, #tpu.memory_space<vmem>>
        %dma_wait3A_226 = arith.constant 0 : i32
        %dma_wait3A_227 = arith.constant 0 : i32
        %dma_wait3A_228 = tpu.memref_slice %arg2[%dma_wait3A_226, %dma_wait3A_227] : memref<10240x128xf32, #tpu.memory_space<hbm>> -> memref<10240x128xf32, #tpu.memory_space<hbm>>
        tpu.wait_indirect_dma semaphore(%arg12 : memref<!tpu.dma_semaphore, #tpu.memory_space<semaphore_mem>>) src(%dma_wait3A_228 : memref<10240x128xf32, #tpu.memory_space<hbm>>) dst(%arg9 : memref<128x128xf32, #tpu.memory_space<vmem>>)
        %dma_start3A_229 = arith.constant 0 : i32
        %dma_start3A_230 = arith.constant 6 : i32
        %dma_start3A_231 = arith.constant 0 : i32
        %dma_start3A_232 = tpu.memref_slice %arg8[%dma_start3A_229, %dma_start3A_230, %dma_start3A_231] : memref<2x8x128xi32, #tpu.memory_space<vmem>> -> memref<1x1x128xi32, #tpu.memory_space<vmem>>
        %dma_start3A_233 = tpu.memref_squeeze %dma_start3A_232 : memref<1x1x128xi32, #tpu.memory_space<vmem>> -> memref<128xi32, #tpu.memory_space<vmem>>
        %dma_start3A_234 = arith.constant 0 : i32
        %dma_start3A_235 = arith.constant 0 : i32
        %dma_start3A_236 = tpu.memref_slice %arg11[%dma_start3A_234, %dma_start3A_235] : memref<10240x128xf32, #tpu.memory_space<vmem_shared>> -> memref<10240x128xf32, #tpu.memory_space<vmem_shared>>
        tpu.enqueue_indirect_dma source(%arg9 : memref<128x128xf32, #tpu.memory_space<vmem>>) target(%dma_start3A_236 : memref<10240x128xf32, #tpu.memory_space<vmem_shared>>) offsets(%dma_start3A_233 : memref<128xi32, #tpu.memory_space<vmem>>) semaphore(%arg16 : memref<!tpu.dma_semaphore, #tpu.memory_space<semaphore_mem>>) {add = true}
        %mul3A_237 = arith.constant 8 : i32
        %mul3A_238 = arith.muli %add3A_58, %mul3A_237 : i32
        %add3A_239 = arith.constant 7 : i32
        %add3A_240 = arith.addi %mul3A_238, %add3A_239 : i32
        %add3A_241 = arith.constant 1 : i32
        %add3A_242 = arith.addi %add3A_240, %add3A_241 : i32
        %lt3A_243 = arith.constant 80 : i32
        %lt3A_244 = arith.cmpi slt, %add3A_242, %lt3A_243 : i32
        %convert_element_type3A_245 = arith.extui %lt3A_244 : i1 to i32
        %cond3A_246 = arith.constant 0 : i32
        %cond3A_247 = arith.cmpi ne, %convert_element_type3A_245, %cond3A_246 : i32
        scf.if %cond3A_247 {
          %ge3A = arith.constant 1 : i32
          %ge3A_485 = arith.cmpi sge, %add3A_240, %ge3A : i32
          %convert_element_type3A_486 = arith.extui %ge3A_485 : i1 to i32
          %cond3A_487 = arith.constant 0 : i32
          %cond3A_488 = arith.cmpi ne, %convert_element_type3A_486, %cond3A_487 : i32
          scf.if %cond3A_488 {
            %dma_wait3A_511 = arith.constant 0 : i32
            %dma_wait3A_512 = arith.constant 7 : i32
            %dma_wait3A_513 = arith.constant 0 : i32
            %dma_wait3A_514 = tpu.memref_slice %arg8[%dma_wait3A_511, %dma_wait3A_512, %dma_wait3A_513] : memref<2x8x128xi32, #tpu.memory_space<vmem>> -> memref<1x1x128xi32, #tpu.memory_space<vmem>>
            %dma_wait3A_515 = tpu.memref_squeeze %dma_wait3A_514 : memref<1x1x128xi32, #tpu.memory_space<vmem>> -> memref<128xi32, #tpu.memory_space<vmem>>
            %dma_wait3A_516 = arith.constant 0 : i32
            %dma_wait3A_517 = arith.constant 0 : i32
            %dma_wait3A_518 = tpu.memref_slice %arg11[%dma_wait3A_516, %dma_wait3A_517] : memref<10240x128xf32, #tpu.memory_space<vmem_shared>> -> memref<10240x128xf32, #tpu.memory_space<vmem_shared>>
            tpu.wait_indirect_dma semaphore(%arg16 : memref<!tpu.dma_semaphore, #tpu.memory_space<semaphore_mem>>) src(%arg9 : memref<128x128xf32, #tpu.memory_space<vmem>>) dst(%dma_wait3A_518 : memref<10240x128xf32, #tpu.memory_space<vmem_shared>>)
          } else {
          }
          %add3A_489 = arith.constant 1 : i32
          %add3A_490 = arith.addi %add3A_240, %add3A_489 : i32
          %dma_start3A_491 = arith.constant 0 : i32
          %dma_start3A_492 = arith.constant 0 : i32
          %dma_start3A_493 = tpu.memref_slice %arg9[%dma_start3A_491, %dma_start3A_492] : memref<128x128xf32, #tpu.memory_space<vmem>> -> memref<64x128xf32, #tpu.memory_space<vmem>>
          %dma_start3A_494 = arith.constant 0 : i32
          %dma_start3A_495 = tpu.memref_slice %arg7[%add3A_490, %dma_start3A_494] : memref<80x128xi32, #tpu.memory_space<vmem>> -> memref<1x64xi32, #tpu.memory_space<vmem>>
          %dma_start3A_496 = tpu.memref_squeeze %dma_start3A_495 : memref<1x64xi32, #tpu.memory_space<vmem>> -> memref<64xi32, #tpu.memory_space<vmem>>
          %dma_start3A_497 = arith.constant 0 : i32
          %dma_start3A_498 = arith.constant 0 : i32
          %dma_start3A_499 = tpu.memref_slice %arg2[%dma_start3A_497, %dma_start3A_498] : memref<10240x128xf32, #tpu.memory_space<hbm>> -> memref<10240x128xf32, #tpu.memory_space<hbm>>
          tpu.enqueue_indirect_dma source(%dma_start3A_499 : memref<10240x128xf32, #tpu.memory_space<hbm>>) target(%dma_start3A_493 : memref<64x128xf32, #tpu.memory_space<vmem>>) offsets(%dma_start3A_496 : memref<64xi32, #tpu.memory_space<vmem>>) semaphore(%arg12 : memref<!tpu.dma_semaphore, #tpu.memory_space<semaphore_mem>>)
          %add3A_500 = arith.constant 1 : i32
          %add3A_501 = arith.addi %add3A_240, %add3A_500 : i32
          %dma_start3A_502 = arith.constant 64 : i32
          %dma_start3A_503 = arith.constant 0 : i32
          %dma_start3A_504 = tpu.memref_slice %arg9[%dma_start3A_502, %dma_start3A_503] : memref<128x128xf32, #tpu.memory_space<vmem>> -> memref<64x128xf32, #tpu.memory_space<vmem>>
          %dma_start3A_505 = arith.constant 64 : i32
          %dma_start3A_506 = tpu.memref_slice %arg7[%add3A_501, %dma_start3A_505] : memref<80x128xi32, #tpu.memory_space<vmem>> -> memref<1x64xi32, #tpu.memory_space<vmem>>
          %dma_start3A_507 = tpu.memref_squeeze %dma_start3A_506 : memref<1x64xi32, #tpu.memory_space<vmem>> -> memref<64xi32, #tpu.memory_space<vmem>>
          %dma_start3A_508 = arith.constant 0 : i32
          %dma_start3A_509 = arith.constant 0 : i32
          %dma_start3A_510 = tpu.memref_slice %arg2[%dma_start3A_508, %dma_start3A_509] : memref<10240x128xf32, #tpu.memory_space<hbm>> -> memref<10240x128xf32, #tpu.memory_space<hbm>>
          tpu.enqueue_indirect_dma source(%dma_start3A_510 : memref<10240x128xf32, #tpu.memory_space<hbm>>) target(%dma_start3A_504 : memref<64x128xf32, #tpu.memory_space<vmem>>) offsets(%dma_start3A_507 : memref<64xi32, #tpu.memory_space<vmem>>) semaphore(%arg12 : memref<!tpu.dma_semaphore, #tpu.memory_space<semaphore_mem>>)
        } else {
        }
        %dma_wait3A_248 = arith.constant 0 : i32
        %dma_wait3A_249 = tpu.memref_slice %arg7[%add3A_240, %dma_wait3A_248] : memref<80x128xi32, #tpu.memory_space<vmem>> -> memref<1x128xi32, #tpu.memory_space<vmem>>
        %dma_wait3A_250 = tpu.memref_squeeze %dma_wait3A_249 : memref<1x128xi32, #tpu.memory_space<vmem>> -> memref<128xi32, #tpu.memory_space<vmem>>
        %dma_wait3A_251 = arith.constant 0 : i32
        %dma_wait3A_252 = arith.constant 0 : i32
        %dma_wait3A_253 = tpu.memref_slice %arg2[%dma_wait3A_251, %dma_wait3A_252] : memref<10240x128xf32, #tpu.memory_space<hbm>> -> memref<10240x128xf32, #tpu.memory_space<hbm>>
        tpu.wait_indirect_dma semaphore(%arg13 : memref<!tpu.dma_semaphore, #tpu.memory_space<semaphore_mem>>) src(%dma_wait3A_253 : memref<10240x128xf32, #tpu.memory_space<hbm>>) dst(%arg10 : memref<128x128xf32, #tpu.memory_space<vmem>>)
        %dma_start3A_254 = arith.constant 0 : i32
        %dma_start3A_255 = arith.constant 7 : i32
        %dma_start3A_256 = arith.constant 0 : i32
        %dma_start3A_257 = tpu.memref_slice %arg8[%dma_start3A_254, %dma_start3A_255, %dma_start3A_256] : memref<2x8x128xi32, #tpu.memory_space<vmem>> -> memref<1x1x128xi32, #tpu.memory_space<vmem>>
        %dma_start3A_258 = tpu.memref_squeeze %dma_start3A_257 : memref<1x1x128xi32, #tpu.memory_space<vmem>> -> memref<128xi32, #tpu.memory_space<vmem>>
        %dma_start3A_259 = arith.constant 0 : i32
        %dma_start3A_260 = arith.constant 0 : i32
        %dma_start3A_261 = tpu.memref_slice %arg11[%dma_start3A_259, %dma_start3A_260] : memref<10240x128xf32, #tpu.memory_space<vmem_shared>> -> memref<10240x128xf32, #tpu.memory_space<vmem_shared>>
        tpu.enqueue_indirect_dma source(%arg10 : memref<128x128xf32, #tpu.memory_space<vmem>>) target(%dma_start3A_261 : memref<10240x128xf32, #tpu.memory_space<vmem_shared>>) offsets(%dma_start3A_258 : memref<128xi32, #tpu.memory_space<vmem>>) semaphore(%arg17 : memref<!tpu.dma_semaphore, #tpu.memory_space<semaphore_mem>>) {add = true}
        %add3A_262 = arith.constant 2 : i32
        %add3A_263 = arith.addi %add3A_58, %add3A_262 : i32
        %lt3A_264 = arith.constant 10 : i32
        %lt3A_265 = arith.cmpi slt, %add3A_263, %lt3A_264 : i32
        %convert_element_type3A_266 = arith.extui %lt3A_265 : i1 to i32
        %cond3A_267 = arith.constant 0 : i32
        %cond3A_268 = arith.cmpi ne, %convert_element_type3A_266, %cond3A_267 : i32
        scf.if %cond3A_268 {
          %add3A_485 = arith.constant 2 : i32
          %add3A_486 = arith.addi %add3A_58, %add3A_485 : i32
          %mul3A_487 = arith.constant 8 : i32
          %mul3A_488 = arith.muli %add3A_486, %mul3A_487 : i32
          %dma_start3A_489 = arith.constant 0 : i32
          %dma_start3A_490 = arith.constant 0 : i32
          %dma_start3A_491 = arith.constant 0 : i32
          %dma_start3A_492 = tpu.memref_slice %arg8[%dma_start3A_489, %dma_start3A_490, %dma_start3A_491] : memref<2x8x128xi32, #tpu.memory_space<vmem>> -> memref<1x8x128xi32, #tpu.memory_space<vmem>>
          %dma_start3A_493 = tpu.memref_squeeze %dma_start3A_492 : memref<1x8x128xi32, #tpu.memory_space<vmem>> -> memref<8x128xi32, #tpu.memory_space<vmem>>
          %dma_start3A_494 = arith.constant 0 : i32
          %dma_start3A_495 = tpu.memref_slice %arg4[%arg1, %mul3A_488, %dma_start3A_494] : memref<16x80x128xi32, #tpu.memory_space<hbm>> -> memref<1x8x128xi32, #tpu.memory_space<hbm>>
          %dma_start3A_496 = tpu.memref_squeeze %dma_start3A_495 : memref<1x8x128xi32, #tpu.memory_space<hbm>> -> memref<8x128xi32, #tpu.memory_space<hbm>>
          %dma_start3A_497 = arith.constant 0 : i32
          %dma_start3A_498 = arith.constant 0 : i32
          %dma_start3A_499 = tpu.memref_slice %arg8[%dma_start3A_489, %dma_start3A_497, %dma_start3A_498] : memref<2x8x128xi32, #tpu.memory_space<vmem>> -> memref<1x8x128xi32, #tpu.memory_space<vmem>>
          %dma_start3A_500 = tpu.memref_squeeze %dma_start3A_499 : memref<1x8x128xi32, #tpu.memory_space<vmem>> -> memref<8x128xi32, #tpu.memory_space<vmem>>
          %dma_start3A_501 = arith.constant 0 : i32
          %dma_start3A_502 = tpu.memref_slice %arg4[%arg1, %mul3A_488, %dma_start3A_501] : memref<16x80x128xi32, #tpu.memory_space<hbm>> -> memref<1x8x128xi32, #tpu.memory_space<hbm>>
          %dma_start3A_503 = tpu.memref_squeeze %dma_start3A_502 : memref<1x8x128xi32, #tpu.memory_space<hbm>> -> memref<8x128xi32, #tpu.memory_space<hbm>>
          tpu.enqueue_dma source(%dma_start3A_503 : memref<8x128xi32, #tpu.memory_space<hbm>>) target(%dma_start3A_500 : memref<8x128xi32, #tpu.memory_space<vmem>>) target_semaphore(%arg14 : memref<!tpu.dma_semaphore, #tpu.memory_space<semaphore_mem>>)
        } else {
        }
        %mul3A_269 = arith.constant 2 : i32
        %mul3A_270 = arith.muli %scan3A_56, %mul3A_269 : i32
        %add3A_271 = arith.constant 1 : i32
        %add3A_272 = arith.addi %mul3A_270, %add3A_271 : i32
        %gt3A_273 = arith.constant 0 : i32
        %gt3A_274 = arith.cmpi sgt, %add3A_272, %gt3A_273 : i32
        %convert_element_type3A_275 = arith.extui %gt3A_274 : i1 to i32
        %cond3A_276 = arith.constant 0 : i32
        %cond3A_277 = arith.cmpi ne, %convert_element_type3A_275, %cond3A_276 : i32
        scf.if %cond3A_277 {
          %mul3A_485 = arith.constant 8 : i32
          %mul3A_486 = arith.muli %add3A_272, %mul3A_485 : i32
          %dma_wait3A_487 = arith.constant 1 : i32
          %dma_wait3A_488 = arith.constant 0 : i32
          %dma_wait3A_489 = arith.constant 0 : i32
          %dma_wait3A_490 = tpu.memref_slice %arg8[%dma_wait3A_487, %dma_wait3A_488, %dma_wait3A_489] : memref<2x8x128xi32, #tpu.memory_space<vmem>> -> memref<1x8x128xi32, #tpu.memory_space<vmem>>
          %dma_wait3A_491 = tpu.memref_squeeze %dma_wait3A_490 : memref<1x8x128xi32, #tpu.memory_space<vmem>> -> memref<8x128xi32, #tpu.memory_space<vmem>>
          %dma_wait3A_492 = arith.constant 0 : i32
          %dma_wait3A_493 = tpu.memref_slice %arg4[%arg1, %mul3A_486, %dma_wait3A_492] : memref<16x80x128xi32, #tpu.memory_space<hbm>> -> memref<1x8x128xi32, #tpu.memory_space<hbm>>
          %dma_wait3A_494 = tpu.memref_squeeze %dma_wait3A_493 : memref<1x8x128xi32, #tpu.memory_space<hbm>> -> memref<8x128xi32, #tpu.memory_space<hbm>>
          %dma_wait3A_495 = arith.constant 0 : i32
          %dma_wait3A_496 = arith.constant 0 : i32
          %dma_wait3A_497 = tpu.memref_slice %arg8[%dma_wait3A_487, %dma_wait3A_495, %dma_wait3A_496] : memref<2x8x128xi32, #tpu.memory_space<vmem>> -> memref<1x8x128xi32, #tpu.memory_space<vmem>>
          %dma_wait3A_498 = tpu.memref_squeeze %dma_wait3A_497 : memref<1x8x128xi32, #tpu.memory_space<vmem>> -> memref<8x128xi32, #tpu.memory_space<vmem>>
          %dma_wait3A_499 = arith.constant 0 : i32
          %dma_wait3A_500 = tpu.memref_slice %arg4[%arg1, %mul3A_486, %dma_wait3A_499] : memref<16x80x128xi32, #tpu.memory_space<hbm>> -> memref<1x8x128xi32, #tpu.memory_space<hbm>>
          %dma_wait3A_501 = tpu.memref_squeeze %dma_wait3A_500 : memref<1x8x128xi32, #tpu.memory_space<hbm>> -> memref<8x128xi32, #tpu.memory_space<hbm>>
          tpu.wait_dma2 semaphore(%arg15 : memref<!tpu.dma_semaphore, #tpu.memory_space<semaphore_mem>>) src(%dma_wait3A_501 : memref<8x128xi32, #tpu.memory_space<hbm>>) dst(%dma_wait3A_498 : memref<8x128xi32, #tpu.memory_space<vmem>>)
        } else {
        }
        %mul3A_278 = arith.constant 8 : i32
        %mul3A_279 = arith.muli %add3A_272, %mul3A_278 : i32
        %add3A_280 = arith.constant 0 : i32
        %add3A_281 = arith.addi %mul3A_279, %add3A_280 : i32
        %add3A_282 = arith.constant 1 : i32
        %add3A_283 = arith.addi %add3A_281, %add3A_282 : i32
        %lt3A_284 = arith.constant 80 : i32
        %lt3A_285 = arith.cmpi slt, %add3A_283, %lt3A_284 : i32
        %convert_element_type3A_286 = arith.extui %lt3A_285 : i1 to i32
        %cond3A_287 = arith.constant 0 : i32
        %cond3A_288 = arith.cmpi ne, %convert_element_type3A_286, %cond3A_287 : i32
        scf.if %cond3A_288 {
          %ge3A = arith.constant 1 : i32
          %ge3A_485 = arith.cmpi sge, %add3A_281, %ge3A : i32
          %convert_element_type3A_486 = arith.extui %ge3A_485 : i1 to i32
          %cond3A_487 = arith.constant 0 : i32
          %cond3A_488 = arith.cmpi ne, %convert_element_type3A_486, %cond3A_487 : i32
          scf.if %cond3A_488 {
            %dma_wait3A_511 = arith.constant 1 : i32
            %dma_wait3A_512 = arith.constant 0 : i32
            %dma_wait3A_513 = arith.constant 0 : i32
            %dma_wait3A_514 = tpu.memref_slice %arg8[%dma_wait3A_511, %dma_wait3A_512, %dma_wait3A_513] : memref<2x8x128xi32, #tpu.memory_space<vmem>> -> memref<1x1x128xi32, #tpu.memory_space<vmem>>
            %dma_wait3A_515 = tpu.memref_squeeze %dma_wait3A_514 : memref<1x1x128xi32, #tpu.memory_space<vmem>> -> memref<128xi32, #tpu.memory_space<vmem>>
            %dma_wait3A_516 = arith.constant 0 : i32
            %dma_wait3A_517 = arith.constant 0 : i32
            %dma_wait3A_518 = tpu.memref_slice %arg11[%dma_wait3A_516, %dma_wait3A_517] : memref<10240x128xf32, #tpu.memory_space<vmem_shared>> -> memref<10240x128xf32, #tpu.memory_space<vmem_shared>>
            tpu.wait_indirect_dma semaphore(%arg17 : memref<!tpu.dma_semaphore, #tpu.memory_space<semaphore_mem>>) src(%arg10 : memref<128x128xf32, #tpu.memory_space<vmem>>) dst(%dma_wait3A_518 : memref<10240x128xf32, #tpu.memory_space<vmem_shared>>)
          } else {
          }
          %add3A_489 = arith.constant 1 : i32
          %add3A_490 = arith.addi %add3A_281, %add3A_489 : i32
          %dma_start3A_491 = arith.constant 0 : i32
          %dma_start3A_492 = arith.constant 0 : i32
          %dma_start3A_493 = tpu.memref_slice %arg10[%dma_start3A_491, %dma_start3A_492] : memref<128x128xf32, #tpu.memory_space<vmem>> -> memref<64x128xf32, #tpu.memory_space<vmem>>
          %dma_start3A_494 = arith.constant 0 : i32
          %dma_start3A_495 = tpu.memref_slice %arg7[%add3A_490, %dma_start3A_494] : memref<80x128xi32, #tpu.memory_space<vmem>> -> memref<1x64xi32, #tpu.memory_space<vmem>>
          %dma_start3A_496 = tpu.memref_squeeze %dma_start3A_495 : memref<1x64xi32, #tpu.memory_space<vmem>> -> memref<64xi32, #tpu.memory_space<vmem>>
          %dma_start3A_497 = arith.constant 0 : i32
          %dma_start3A_498 = arith.constant 0 : i32
          %dma_start3A_499 = tpu.memref_slice %arg2[%dma_start3A_497, %dma_start3A_498] : memref<10240x128xf32, #tpu.memory_space<hbm>> -> memref<10240x128xf32, #tpu.memory_space<hbm>>
          tpu.enqueue_indirect_dma source(%dma_start3A_499 : memref<10240x128xf32, #tpu.memory_space<hbm>>) target(%dma_start3A_493 : memref<64x128xf32, #tpu.memory_space<vmem>>) offsets(%dma_start3A_496 : memref<64xi32, #tpu.memory_space<vmem>>) semaphore(%arg13 : memref<!tpu.dma_semaphore, #tpu.memory_space<semaphore_mem>>)
          %add3A_500 = arith.constant 1 : i32
          %add3A_501 = arith.addi %add3A_281, %add3A_500 : i32
          %dma_start3A_502 = arith.constant 64 : i32
          %dma_start3A_503 = arith.constant 0 : i32
          %dma_start3A_504 = tpu.memref_slice %arg10[%dma_start3A_502, %dma_start3A_503] : memref<128x128xf32, #tpu.memory_space<vmem>> -> memref<64x128xf32, #tpu.memory_space<vmem>>
          %dma_start3A_505 = arith.constant 64 : i32
          %dma_start3A_506 = tpu.memref_slice %arg7[%add3A_501, %dma_start3A_505] : memref<80x128xi32, #tpu.memory_space<vmem>> -> memref<1x64xi32, #tpu.memory_space<vmem>>
          %dma_start3A_507 = tpu.memref_squeeze %dma_start3A_506 : memref<1x64xi32, #tpu.memory_space<vmem>> -> memref<64xi32, #tpu.memory_space<vmem>>
          %dma_start3A_508 = arith.constant 0 : i32
          %dma_start3A_509 = arith.constant 0 : i32
          %dma_start3A_510 = tpu.memref_slice %arg2[%dma_start3A_508, %dma_start3A_509] : memref<10240x128xf32, #tpu.memory_space<hbm>> -> memref<10240x128xf32, #tpu.memory_space<hbm>>
          tpu.enqueue_indirect_dma source(%dma_start3A_510 : memref<10240x128xf32, #tpu.memory_space<hbm>>) target(%dma_start3A_504 : memref<64x128xf32, #tpu.memory_space<vmem>>) offsets(%dma_start3A_507 : memref<64xi32, #tpu.memory_space<vmem>>) semaphore(%arg13 : memref<!tpu.dma_semaphore, #tpu.memory_space<semaphore_mem>>)
        } else {
        }
        %dma_wait3A_289 = arith.constant 0 : i32
        %dma_wait3A_290 = tpu.memref_slice %arg7[%add3A_281, %dma_wait3A_289] : memref<80x128xi32, #tpu.memory_space<vmem>> -> memref<1x128xi32, #tpu.memory_space<vmem>>
        %dma_wait3A_291 = tpu.memref_squeeze %dma_wait3A_290 : memref<1x128xi32, #tpu.memory_space<vmem>> -> memref<128xi32, #tpu.memory_space<vmem>>
        %dma_wait3A_292 = arith.constant 0 : i32
        %dma_wait3A_293 = arith.constant 0 : i32
        %dma_wait3A_294 = tpu.memref_slice %arg2[%dma_wait3A_292, %dma_wait3A_293] : memref<10240x128xf32, #tpu.memory_space<hbm>> -> memref<10240x128xf32, #tpu.memory_space<hbm>>
        tpu.wait_indirect_dma semaphore(%arg12 : memref<!tpu.dma_semaphore, #tpu.memory_space<semaphore_mem>>) src(%dma_wait3A_294 : memref<10240x128xf32, #tpu.memory_space<hbm>>) dst(%arg9 : memref<128x128xf32, #tpu.memory_space<vmem>>)
        %dma_start3A_295 = arith.constant 1 : i32
        %dma_start3A_296 = arith.constant 0 : i32
        %dma_start3A_297 = arith.constant 0 : i32
        %dma_start3A_298 = tpu.memref_slice %arg8[%dma_start3A_295, %dma_start3A_296, %dma_start3A_297] : memref<2x8x128xi32, #tpu.memory_space<vmem>> -> memref<1x1x128xi32, #tpu.memory_space<vmem>>
        %dma_start3A_299 = tpu.memref_squeeze %dma_start3A_298 : memref<1x1x128xi32, #tpu.memory_space<vmem>> -> memref<128xi32, #tpu.memory_space<vmem>>
        %dma_start3A_300 = arith.constant 0 : i32
        %dma_start3A_301 = arith.constant 0 : i32
        %dma_start3A_302 = tpu.memref_slice %arg11[%dma_start3A_300, %dma_start3A_301] : memref<10240x128xf32, #tpu.memory_space<vmem_shared>> -> memref<10240x128xf32, #tpu.memory_space<vmem_shared>>
        tpu.enqueue_indirect_dma source(%arg9 : memref<128x128xf32, #tpu.memory_space<vmem>>) target(%dma_start3A_302 : memref<10240x128xf32, #tpu.memory_space<vmem_shared>>) offsets(%dma_start3A_299 : memref<128xi32, #tpu.memory_space<vmem>>) semaphore(%arg16 : memref<!tpu.dma_semaphore, #tpu.memory_space<semaphore_mem>>) {add = true}
        %mul3A_303 = arith.constant 8 : i32
        %mul3A_304 = arith.muli %add3A_272, %mul3A_303 : i32
        %add3A_305 = arith.constant 1 : i32
        %add3A_306 = arith.addi %mul3A_304, %add3A_305 : i32
        %add3A_307 = arith.constant 1 : i32
        %add3A_308 = arith.addi %add3A_306, %add3A_307 : i32
        %lt3A_309 = arith.constant 80 : i32
        %lt3A_310 = arith.cmpi slt, %add3A_308, %lt3A_309 : i32
        %convert_element_type3A_311 = arith.extui %lt3A_310 : i1 to i32
        %cond3A_312 = arith.constant 0 : i32
        %cond3A_313 = arith.cmpi ne, %convert_element_type3A_311, %cond3A_312 : i32
        scf.if %cond3A_313 {
          %ge3A = arith.constant 1 : i32
          %ge3A_485 = arith.cmpi sge, %add3A_306, %ge3A : i32
          %convert_element_type3A_486 = arith.extui %ge3A_485 : i1 to i32
          %cond3A_487 = arith.constant 0 : i32
          %cond3A_488 = arith.cmpi ne, %convert_element_type3A_486, %cond3A_487 : i32
          scf.if %cond3A_488 {
            %dma_wait3A_511 = arith.constant 1 : i32
            %dma_wait3A_512 = arith.constant 1 : i32
            %dma_wait3A_513 = arith.constant 0 : i32
            %dma_wait3A_514 = tpu.memref_slice %arg8[%dma_wait3A_511, %dma_wait3A_512, %dma_wait3A_513] : memref<2x8x128xi32, #tpu.memory_space<vmem>> -> memref<1x1x128xi32, #tpu.memory_space<vmem>>
            %dma_wait3A_515 = tpu.memref_squeeze %dma_wait3A_514 : memref<1x1x128xi32, #tpu.memory_space<vmem>> -> memref<128xi32, #tpu.memory_space<vmem>>
            %dma_wait3A_516 = arith.constant 0 : i32
            %dma_wait3A_517 = arith.constant 0 : i32
            %dma_wait3A_518 = tpu.memref_slice %arg11[%dma_wait3A_516, %dma_wait3A_517] : memref<10240x128xf32, #tpu.memory_space<vmem_shared>> -> memref<10240x128xf32, #tpu.memory_space<vmem_shared>>
            tpu.wait_indirect_dma semaphore(%arg16 : memref<!tpu.dma_semaphore, #tpu.memory_space<semaphore_mem>>) src(%arg9 : memref<128x128xf32, #tpu.memory_space<vmem>>) dst(%dma_wait3A_518 : memref<10240x128xf32, #tpu.memory_space<vmem_shared>>)
          } else {
          }
          %add3A_489 = arith.constant 1 : i32
          %add3A_490 = arith.addi %add3A_306, %add3A_489 : i32
          %dma_start3A_491 = arith.constant 0 : i32
          %dma_start3A_492 = arith.constant 0 : i32
          %dma_start3A_493 = tpu.memref_slice %arg9[%dma_start3A_491, %dma_start3A_492] : memref<128x128xf32, #tpu.memory_space<vmem>> -> memref<64x128xf32, #tpu.memory_space<vmem>>
          %dma_start3A_494 = arith.constant 0 : i32
          %dma_start3A_495 = tpu.memref_slice %arg7[%add3A_490, %dma_start3A_494] : memref<80x128xi32, #tpu.memory_space<vmem>> -> memref<1x64xi32, #tpu.memory_space<vmem>>
          %dma_start3A_496 = tpu.memref_squeeze %dma_start3A_495 : memref<1x64xi32, #tpu.memory_space<vmem>> -> memref<64xi32, #tpu.memory_space<vmem>>
          %dma_start3A_497 = arith.constant 0 : i32
          %dma_start3A_498 = arith.constant 0 : i32
          %dma_start3A_499 = tpu.memref_slice %arg2[%dma_start3A_497, %dma_start3A_498] : memref<10240x128xf32, #tpu.memory_space<hbm>> -> memref<10240x128xf32, #tpu.memory_space<hbm>>
          tpu.enqueue_indirect_dma source(%dma_start3A_499 : memref<10240x128xf32, #tpu.memory_space<hbm>>) target(%dma_start3A_493 : memref<64x128xf32, #tpu.memory_space<vmem>>) offsets(%dma_start3A_496 : memref<64xi32, #tpu.memory_space<vmem>>) semaphore(%arg12 : memref<!tpu.dma_semaphore, #tpu.memory_space<semaphore_mem>>)
          %add3A_500 = arith.constant 1 : i32
          %add3A_501 = arith.addi %add3A_306, %add3A_500 : i32
          %dma_start3A_502 = arith.constant 64 : i32
          %dma_start3A_503 = arith.constant 0 : i32
          %dma_start3A_504 = tpu.memref_slice %arg9[%dma_start3A_502, %dma_start3A_503] : memref<128x128xf32, #tpu.memory_space<vmem>> -> memref<64x128xf32, #tpu.memory_space<vmem>>
          %dma_start3A_505 = arith.constant 64 : i32
          %dma_start3A_506 = tpu.memref_slice %arg7[%add3A_501, %dma_start3A_505] : memref<80x128xi32, #tpu.memory_space<vmem>> -> memref<1x64xi32, #tpu.memory_space<vmem>>
          %dma_start3A_507 = tpu.memref_squeeze %dma_start3A_506 : memref<1x64xi32, #tpu.memory_space<vmem>> -> memref<64xi32, #tpu.memory_space<vmem>>
          %dma_start3A_508 = arith.constant 0 : i32
          %dma_start3A_509 = arith.constant 0 : i32
          %dma_start3A_510 = tpu.memref_slice %arg2[%dma_start3A_508, %dma_start3A_509] : memref<10240x128xf32, #tpu.memory_space<hbm>> -> memref<10240x128xf32, #tpu.memory_space<hbm>>
          tpu.enqueue_indirect_dma source(%dma_start3A_510 : memref<10240x128xf32, #tpu.memory_space<hbm>>) target(%dma_start3A_504 : memref<64x128xf32, #tpu.memory_space<vmem>>) offsets(%dma_start3A_507 : memref<64xi32, #tpu.memory_space<vmem>>) semaphore(%arg12 : memref<!tpu.dma_semaphore, #tpu.memory_space<semaphore_mem>>)
        } else {
        }
        %dma_wait3A_314 = arith.constant 0 : i32
        %dma_wait3A_315 = tpu.memref_slice %arg7[%add3A_306, %dma_wait3A_314] : memref<80x128xi32, #tpu.memory_space<vmem>> -> memref<1x128xi32, #tpu.memory_space<vmem>>
        %dma_wait3A_316 = tpu.memref_squeeze %dma_wait3A_315 : memref<1x128xi32, #tpu.memory_space<vmem>> -> memref<128xi32, #tpu.memory_space<vmem>>
        %dma_wait3A_317 = arith.constant 0 : i32
        %dma_wait3A_318 = arith.constant 0 : i32
        %dma_wait3A_319 = tpu.memref_slice %arg2[%dma_wait3A_317, %dma_wait3A_318] : memref<10240x128xf32, #tpu.memory_space<hbm>> -> memref<10240x128xf32, #tpu.memory_space<hbm>>
        tpu.wait_indirect_dma semaphore(%arg13 : memref<!tpu.dma_semaphore, #tpu.memory_space<semaphore_mem>>) src(%dma_wait3A_319 : memref<10240x128xf32, #tpu.memory_space<hbm>>) dst(%arg10 : memref<128x128xf32, #tpu.memory_space<vmem>>)
        %dma_start3A_320 = arith.constant 1 : i32
        %dma_start3A_321 = arith.constant 1 : i32
        %dma_start3A_322 = arith.constant 0 : i32
        %dma_start3A_323 = tpu.memref_slice %arg8[%dma_start3A_320, %dma_start3A_321, %dma_start3A_322] : memref<2x8x128xi32, #tpu.memory_space<vmem>> -> memref<1x1x128xi32, #tpu.memory_space<vmem>>
        %dma_start3A_324 = tpu.memref_squeeze %dma_start3A_323 : memref<1x1x128xi32, #tpu.memory_space<vmem>> -> memref<128xi32, #tpu.memory_space<vmem>>
        %dma_start3A_325 = arith.constant 0 : i32
        %dma_start3A_326 = arith.constant 0 : i32
        %dma_start3A_327 = tpu.memref_slice %arg11[%dma_start3A_325, %dma_start3A_326] : memref<10240x128xf32, #tpu.memory_space<vmem_shared>> -> memref<10240x128xf32, #tpu.memory_space<vmem_shared>>
        tpu.enqueue_indirect_dma source(%arg10 : memref<128x128xf32, #tpu.memory_space<vmem>>) target(%dma_start3A_327 : memref<10240x128xf32, #tpu.memory_space<vmem_shared>>) offsets(%dma_start3A_324 : memref<128xi32, #tpu.memory_space<vmem>>) semaphore(%arg17 : memref<!tpu.dma_semaphore, #tpu.memory_space<semaphore_mem>>) {add = true}
        %mul3A_328 = arith.constant 8 : i32
        %mul3A_329 = arith.muli %add3A_272, %mul3A_328 : i32
        %add3A_330 = arith.constant 2 : i32
        %add3A_331 = arith.addi %mul3A_329, %add3A_330 : i32
        %add3A_332 = arith.constant 1 : i32
        %add3A_333 = arith.addi %add3A_331, %add3A_332 : i32
        %lt3A_334 = arith.constant 80 : i32
        %lt3A_335 = arith.cmpi slt, %add3A_333, %lt3A_334 : i32
        %convert_element_type3A_336 = arith.extui %lt3A_335 : i1 to i32
        %cond3A_337 = arith.constant 0 : i32
        %cond3A_338 = arith.cmpi ne, %convert_element_type3A_336, %cond3A_337 : i32
        scf.if %cond3A_338 {
          %ge3A = arith.constant 1 : i32
          %ge3A_485 = arith.cmpi sge, %add3A_331, %ge3A : i32
          %convert_element_type3A_486 = arith.extui %ge3A_485 : i1 to i32
          %cond3A_487 = arith.constant 0 : i32
          %cond3A_488 = arith.cmpi ne, %convert_element_type3A_486, %cond3A_487 : i32
          scf.if %cond3A_488 {
            %dma_wait3A_511 = arith.constant 1 : i32
            %dma_wait3A_512 = arith.constant 2 : i32
            %dma_wait3A_513 = arith.constant 0 : i32
            %dma_wait3A_514 = tpu.memref_slice %arg8[%dma_wait3A_511, %dma_wait3A_512, %dma_wait3A_513] : memref<2x8x128xi32, #tpu.memory_space<vmem>> -> memref<1x1x128xi32, #tpu.memory_space<vmem>>
            %dma_wait3A_515 = tpu.memref_squeeze %dma_wait3A_514 : memref<1x1x128xi32, #tpu.memory_space<vmem>> -> memref<128xi32, #tpu.memory_space<vmem>>
            %dma_wait3A_516 = arith.constant 0 : i32
            %dma_wait3A_517 = arith.constant 0 : i32
            %dma_wait3A_518 = tpu.memref_slice %arg11[%dma_wait3A_516, %dma_wait3A_517] : memref<10240x128xf32, #tpu.memory_space<vmem_shared>> -> memref<10240x128xf32, #tpu.memory_space<vmem_shared>>
            tpu.wait_indirect_dma semaphore(%arg17 : memref<!tpu.dma_semaphore, #tpu.memory_space<semaphore_mem>>) src(%arg10 : memref<128x128xf32, #tpu.memory_space<vmem>>) dst(%dma_wait3A_518 : memref<10240x128xf32, #tpu.memory_space<vmem_shared>>)
          } else {
          }
          %add3A_489 = arith.constant 1 : i32
          %add3A_490 = arith.addi %add3A_331, %add3A_489 : i32
          %dma_start3A_491 = arith.constant 0 : i32
          %dma_start3A_492 = arith.constant 0 : i32
          %dma_start3A_493 = tpu.memref_slice %arg10[%dma_start3A_491, %dma_start3A_492] : memref<128x128xf32, #tpu.memory_space<vmem>> -> memref<64x128xf32, #tpu.memory_space<vmem>>
          %dma_start3A_494 = arith.constant 0 : i32
          %dma_start3A_495 = tpu.memref_slice %arg7[%add3A_490, %dma_start3A_494] : memref<80x128xi32, #tpu.memory_space<vmem>> -> memref<1x64xi32, #tpu.memory_space<vmem>>
          %dma_start3A_496 = tpu.memref_squeeze %dma_start3A_495 : memref<1x64xi32, #tpu.memory_space<vmem>> -> memref<64xi32, #tpu.memory_space<vmem>>
          %dma_start3A_497 = arith.constant 0 : i32
          %dma_start3A_498 = arith.constant 0 : i32
          %dma_start3A_499 = tpu.memref_slice %arg2[%dma_start3A_497, %dma_start3A_498] : memref<10240x128xf32, #tpu.memory_space<hbm>> -> memref<10240x128xf32, #tpu.memory_space<hbm>>
          tpu.enqueue_indirect_dma source(%dma_start3A_499 : memref<10240x128xf32, #tpu.memory_space<hbm>>) target(%dma_start3A_493 : memref<64x128xf32, #tpu.memory_space<vmem>>) offsets(%dma_start3A_496 : memref<64xi32, #tpu.memory_space<vmem>>) semaphore(%arg13 : memref<!tpu.dma_semaphore, #tpu.memory_space<semaphore_mem>>)
          %add3A_500 = arith.constant 1 : i32
          %add3A_501 = arith.addi %add3A_331, %add3A_500 : i32
          %dma_start3A_502 = arith.constant 64 : i32
          %dma_start3A_503 = arith.constant 0 : i32
          %dma_start3A_504 = tpu.memref_slice %arg10[%dma_start3A_502, %dma_start3A_503] : memref<128x128xf32, #tpu.memory_space<vmem>> -> memref<64x128xf32, #tpu.memory_space<vmem>>
          %dma_start3A_505 = arith.constant 64 : i32
          %dma_start3A_506 = tpu.memref_slice %arg7[%add3A_501, %dma_start3A_505] : memref<80x128xi32, #tpu.memory_space<vmem>> -> memref<1x64xi32, #tpu.memory_space<vmem>>
          %dma_start3A_507 = tpu.memref_squeeze %dma_start3A_506 : memref<1x64xi32, #tpu.memory_space<vmem>> -> memref<64xi32, #tpu.memory_space<vmem>>
          %dma_start3A_508 = arith.constant 0 : i32
          %dma_start3A_509 = arith.constant 0 : i32
          %dma_start3A_510 = tpu.memref_slice %arg2[%dma_start3A_508, %dma_start3A_509] : memref<10240x128xf32, #tpu.memory_space<hbm>> -> memref<10240x128xf32, #tpu.memory_space<hbm>>
          tpu.enqueue_indirect_dma source(%dma_start3A_510 : memref<10240x128xf32, #tpu.memory_space<hbm>>) target(%dma_start3A_504 : memref<64x128xf32, #tpu.memory_space<vmem>>) offsets(%dma_start3A_507 : memref<64xi32, #tpu.memory_space<vmem>>) semaphore(%arg13 : memref<!tpu.dma_semaphore, #tpu.memory_space<semaphore_mem>>)
        } else {
        }
        %dma_wait3A_339 = arith.constant 0 : i32
        %dma_wait3A_340 = tpu.memref_slice %arg7[%add3A_331, %dma_wait3A_339] : memref<80x128xi32, #tpu.memory_space<vmem>> -> memref<1x128xi32, #tpu.memory_space<vmem>>
        %dma_wait3A_341 = tpu.memref_squeeze %dma_wait3A_340 : memref<1x128xi32, #tpu.memory_space<vmem>> -> memref<128xi32, #tpu.memory_space<vmem>>
        %dma_wait3A_342 = arith.constant 0 : i32
        %dma_wait3A_343 = arith.constant 0 : i32
        %dma_wait3A_344 = tpu.memref_slice %arg2[%dma_wait3A_342, %dma_wait3A_343] : memref<10240x128xf32, #tpu.memory_space<hbm>> -> memref<10240x128xf32, #tpu.memory_space<hbm>>
        tpu.wait_indirect_dma semaphore(%arg12 : memref<!tpu.dma_semaphore, #tpu.memory_space<semaphore_mem>>) src(%dma_wait3A_344 : memref<10240x128xf32, #tpu.memory_space<hbm>>) dst(%arg9 : memref<128x128xf32, #tpu.memory_space<vmem>>)
        %dma_start3A_345 = arith.constant 1 : i32
        %dma_start3A_346 = arith.constant 2 : i32
        %dma_start3A_347 = arith.constant 0 : i32
        %dma_start3A_348 = tpu.memref_slice %arg8[%dma_start3A_345, %dma_start3A_346, %dma_start3A_347] : memref<2x8x128xi32, #tpu.memory_space<vmem>> -> memref<1x1x128xi32, #tpu.memory_space<vmem>>
        %dma_start3A_349 = tpu.memref_squeeze %dma_start3A_348 : memref<1x1x128xi32, #tpu.memory_space<vmem>> -> memref<128xi32, #tpu.memory_space<vmem>>
        %dma_start3A_350 = arith.constant 0 : i32
        %dma_start3A_351 = arith.constant 0 : i32
        %dma_start3A_352 = tpu.memref_slice %arg11[%dma_start3A_350, %dma_start3A_351] : memref<10240x128xf32, #tpu.memory_space<vmem_shared>> -> memref<10240x128xf32, #tpu.memory_space<vmem_shared>>
        tpu.enqueue_indirect_dma source(%arg9 : memref<128x128xf32, #tpu.memory_space<vmem>>) target(%dma_start3A_352 : memref<10240x128xf32, #tpu.memory_space<vmem_shared>>) offsets(%dma_start3A_349 : memref<128xi32, #tpu.memory_space<vmem>>) semaphore(%arg16 : memref<!tpu.dma_semaphore, #tpu.memory_space<semaphore_mem>>) {add = true}
        %mul3A_353 = arith.constant 8 : i32
        %mul3A_354 = arith.muli %add3A_272, %mul3A_353 : i32
        %add3A_355 = arith.constant 3 : i32
        %add3A_356 = arith.addi %mul3A_354, %add3A_355 : i32
        %add3A_357 = arith.constant 1 : i32
        %add3A_358 = arith.addi %add3A_356, %add3A_357 : i32
        %lt3A_359 = arith.constant 80 : i32
        %lt3A_360 = arith.cmpi slt, %add3A_358, %lt3A_359 : i32
        %convert_element_type3A_361 = arith.extui %lt3A_360 : i1 to i32
        %cond3A_362 = arith.constant 0 : i32
        %cond3A_363 = arith.cmpi ne, %convert_element_type3A_361, %cond3A_362 : i32
        scf.if %cond3A_363 {
          %ge3A = arith.constant 1 : i32
          %ge3A_485 = arith.cmpi sge, %add3A_356, %ge3A : i32
          %convert_element_type3A_486 = arith.extui %ge3A_485 : i1 to i32
          %cond3A_487 = arith.constant 0 : i32
          %cond3A_488 = arith.cmpi ne, %convert_element_type3A_486, %cond3A_487 : i32
          scf.if %cond3A_488 {
            %dma_wait3A_511 = arith.constant 1 : i32
            %dma_wait3A_512 = arith.constant 3 : i32
            %dma_wait3A_513 = arith.constant 0 : i32
            %dma_wait3A_514 = tpu.memref_slice %arg8[%dma_wait3A_511, %dma_wait3A_512, %dma_wait3A_513] : memref<2x8x128xi32, #tpu.memory_space<vmem>> -> memref<1x1x128xi32, #tpu.memory_space<vmem>>
            %dma_wait3A_515 = tpu.memref_squeeze %dma_wait3A_514 : memref<1x1x128xi32, #tpu.memory_space<vmem>> -> memref<128xi32, #tpu.memory_space<vmem>>
            %dma_wait3A_516 = arith.constant 0 : i32
            %dma_wait3A_517 = arith.constant 0 : i32
            %dma_wait3A_518 = tpu.memref_slice %arg11[%dma_wait3A_516, %dma_wait3A_517] : memref<10240x128xf32, #tpu.memory_space<vmem_shared>> -> memref<10240x128xf32, #tpu.memory_space<vmem_shared>>
            tpu.wait_indirect_dma semaphore(%arg16 : memref<!tpu.dma_semaphore, #tpu.memory_space<semaphore_mem>>) src(%arg9 : memref<128x128xf32, #tpu.memory_space<vmem>>) dst(%dma_wait3A_518 : memref<10240x128xf32, #tpu.memory_space<vmem_shared>>)
          } else {
          }
          %add3A_489 = arith.constant 1 : i32
          %add3A_490 = arith.addi %add3A_356, %add3A_489 : i32
          %dma_start3A_491 = arith.constant 0 : i32
          %dma_start3A_492 = arith.constant 0 : i32
          %dma_start3A_493 = tpu.memref_slice %arg9[%dma_start3A_491, %dma_start3A_492] : memref<128x128xf32, #tpu.memory_space<vmem>> -> memref<64x128xf32, #tpu.memory_space<vmem>>
          %dma_start3A_494 = arith.constant 0 : i32
          %dma_start3A_495 = tpu.memref_slice %arg7[%add3A_490, %dma_start3A_494] : memref<80x128xi32, #tpu.memory_space<vmem>> -> memref<1x64xi32, #tpu.memory_space<vmem>>
          %dma_start3A_496 = tpu.memref_squeeze %dma_start3A_495 : memref<1x64xi32, #tpu.memory_space<vmem>> -> memref<64xi32, #tpu.memory_space<vmem>>
          %dma_start3A_497 = arith.constant 0 : i32
          %dma_start3A_498 = arith.constant 0 : i32
          %dma_start3A_499 = tpu.memref_slice %arg2[%dma_start3A_497, %dma_start3A_498] : memref<10240x128xf32, #tpu.memory_space<hbm>> -> memref<10240x128xf32, #tpu.memory_space<hbm>>
          tpu.enqueue_indirect_dma source(%dma_start3A_499 : memref<10240x128xf32, #tpu.memory_space<hbm>>) target(%dma_start3A_493 : memref<64x128xf32, #tpu.memory_space<vmem>>) offsets(%dma_start3A_496 : memref<64xi32, #tpu.memory_space<vmem>>) semaphore(%arg12 : memref<!tpu.dma_semaphore, #tpu.memory_space<semaphore_mem>>)
          %add3A_500 = arith.constant 1 : i32
          %add3A_501 = arith.addi %add3A_356, %add3A_500 : i32
          %dma_start3A_502 = arith.constant 64 : i32
          %dma_start3A_503 = arith.constant 0 : i32
          %dma_start3A_504 = tpu.memref_slice %arg9[%dma_start3A_502, %dma_start3A_503] : memref<128x128xf32, #tpu.memory_space<vmem>> -> memref<64x128xf32, #tpu.memory_space<vmem>>
          %dma_start3A_505 = arith.constant 64 : i32
          %dma_start3A_506 = tpu.memref_slice %arg7[%add3A_501, %dma_start3A_505] : memref<80x128xi32, #tpu.memory_space<vmem>> -> memref<1x64xi32, #tpu.memory_space<vmem>>
          %dma_start3A_507 = tpu.memref_squeeze %dma_start3A_506 : memref<1x64xi32, #tpu.memory_space<vmem>> -> memref<64xi32, #tpu.memory_space<vmem>>
          %dma_start3A_508 = arith.constant 0 : i32
          %dma_start3A_509 = arith.constant 0 : i32
          %dma_start3A_510 = tpu.memref_slice %arg2[%dma_start3A_508, %dma_start3A_509] : memref<10240x128xf32, #tpu.memory_space<hbm>> -> memref<10240x128xf32, #tpu.memory_space<hbm>>
          tpu.enqueue_indirect_dma source(%dma_start3A_510 : memref<10240x128xf32, #tpu.memory_space<hbm>>) target(%dma_start3A_504 : memref<64x128xf32, #tpu.memory_space<vmem>>) offsets(%dma_start3A_507 : memref<64xi32, #tpu.memory_space<vmem>>) semaphore(%arg12 : memref<!tpu.dma_semaphore, #tpu.memory_space<semaphore_mem>>)
        } else {
        }
        %dma_wait3A_364 = arith.constant 0 : i32
        %dma_wait3A_365 = tpu.memref_slice %arg7[%add3A_356, %dma_wait3A_364] : memref<80x128xi32, #tpu.memory_space<vmem>> -> memref<1x128xi32, #tpu.memory_space<vmem>>
        %dma_wait3A_366 = tpu.memref_squeeze %dma_wait3A_365 : memref<1x128xi32, #tpu.memory_space<vmem>> -> memref<128xi32, #tpu.memory_space<vmem>>
        %dma_wait3A_367 = arith.constant 0 : i32
        %dma_wait3A_368 = arith.constant 0 : i32
        %dma_wait3A_369 = tpu.memref_slice %arg2[%dma_wait3A_367, %dma_wait3A_368] : memref<10240x128xf32, #tpu.memory_space<hbm>> -> memref<10240x128xf32, #tpu.memory_space<hbm>>
        tpu.wait_indirect_dma semaphore(%arg13 : memref<!tpu.dma_semaphore, #tpu.memory_space<semaphore_mem>>) src(%dma_wait3A_369 : memref<10240x128xf32, #tpu.memory_space<hbm>>) dst(%arg10 : memref<128x128xf32, #tpu.memory_space<vmem>>)
        %dma_start3A_370 = arith.constant 1 : i32
        %dma_start3A_371 = arith.constant 3 : i32
        %dma_start3A_372 = arith.constant 0 : i32
        %dma_start3A_373 = tpu.memref_slice %arg8[%dma_start3A_370, %dma_start3A_371, %dma_start3A_372] : memref<2x8x128xi32, #tpu.memory_space<vmem>> -> memref<1x1x128xi32, #tpu.memory_space<vmem>>
        %dma_start3A_374 = tpu.memref_squeeze %dma_start3A_373 : memref<1x1x128xi32, #tpu.memory_space<vmem>> -> memref<128xi32, #tpu.memory_space<vmem>>
        %dma_start3A_375 = arith.constant 0 : i32
        %dma_start3A_376 = arith.constant 0 : i32
        %dma_start3A_377 = tpu.memref_slice %arg11[%dma_start3A_375, %dma_start3A_376] : memref<10240x128xf32, #tpu.memory_space<vmem_shared>> -> memref<10240x128xf32, #tpu.memory_space<vmem_shared>>
        tpu.enqueue_indirect_dma source(%arg10 : memref<128x128xf32, #tpu.memory_space<vmem>>) target(%dma_start3A_377 : memref<10240x128xf32, #tpu.memory_space<vmem_shared>>) offsets(%dma_start3A_374 : memref<128xi32, #tpu.memory_space<vmem>>) semaphore(%arg17 : memref<!tpu.dma_semaphore, #tpu.memory_space<semaphore_mem>>) {add = true}
        %mul3A_378 = arith.constant 8 : i32
        %mul3A_379 = arith.muli %add3A_272, %mul3A_378 : i32
        %add3A_380 = arith.constant 4 : i32
        %add3A_381 = arith.addi %mul3A_379, %add3A_380 : i32
        %add3A_382 = arith.constant 1 : i32
        %add3A_383 = arith.addi %add3A_381, %add3A_382 : i32
        %lt3A_384 = arith.constant 80 : i32
        %lt3A_385 = arith.cmpi slt, %add3A_383, %lt3A_384 : i32
        %convert_element_type3A_386 = arith.extui %lt3A_385 : i1 to i32
        %cond3A_387 = arith.constant 0 : i32
        %cond3A_388 = arith.cmpi ne, %convert_element_type3A_386, %cond3A_387 : i32
        scf.if %cond3A_388 {
          %ge3A = arith.constant 1 : i32
          %ge3A_485 = arith.cmpi sge, %add3A_381, %ge3A : i32
          %convert_element_type3A_486 = arith.extui %ge3A_485 : i1 to i32
          %cond3A_487 = arith.constant 0 : i32
          %cond3A_488 = arith.cmpi ne, %convert_element_type3A_486, %cond3A_487 : i32
          scf.if %cond3A_488 {
            %dma_wait3A_511 = arith.constant 1 : i32
            %dma_wait3A_512 = arith.constant 4 : i32
            %dma_wait3A_513 = arith.constant 0 : i32
            %dma_wait3A_514 = tpu.memref_slice %arg8[%dma_wait3A_511, %dma_wait3A_512, %dma_wait3A_513] : memref<2x8x128xi32, #tpu.memory_space<vmem>> -> memref<1x1x128xi32, #tpu.memory_space<vmem>>
            %dma_wait3A_515 = tpu.memref_squeeze %dma_wait3A_514 : memref<1x1x128xi32, #tpu.memory_space<vmem>> -> memref<128xi32, #tpu.memory_space<vmem>>
            %dma_wait3A_516 = arith.constant 0 : i32
            %dma_wait3A_517 = arith.constant 0 : i32
            %dma_wait3A_518 = tpu.memref_slice %arg11[%dma_wait3A_516, %dma_wait3A_517] : memref<10240x128xf32, #tpu.memory_space<vmem_shared>> -> memref<10240x128xf32, #tpu.memory_space<vmem_shared>>
            tpu.wait_indirect_dma semaphore(%arg17 : memref<!tpu.dma_semaphore, #tpu.memory_space<semaphore_mem>>) src(%arg10 : memref<128x128xf32, #tpu.memory_space<vmem>>) dst(%dma_wait3A_518 : memref<10240x128xf32, #tpu.memory_space<vmem_shared>>)
          } else {
          }
          %add3A_489 = arith.constant 1 : i32
          %add3A_490 = arith.addi %add3A_381, %add3A_489 : i32
          %dma_start3A_491 = arith.constant 0 : i32
          %dma_start3A_492 = arith.constant 0 : i32
          %dma_start3A_493 = tpu.memref_slice %arg10[%dma_start3A_491, %dma_start3A_492] : memref<128x128xf32, #tpu.memory_space<vmem>> -> memref<64x128xf32, #tpu.memory_space<vmem>>
          %dma_start3A_494 = arith.constant 0 : i32
          %dma_start3A_495 = tpu.memref_slice %arg7[%add3A_490, %dma_start3A_494] : memref<80x128xi32, #tpu.memory_space<vmem>> -> memref<1x64xi32, #tpu.memory_space<vmem>>
          %dma_start3A_496 = tpu.memref_squeeze %dma_start3A_495 : memref<1x64xi32, #tpu.memory_space<vmem>> -> memref<64xi32, #tpu.memory_space<vmem>>
          %dma_start3A_497 = arith.constant 0 : i32
          %dma_start3A_498 = arith.constant 0 : i32
          %dma_start3A_499 = tpu.memref_slice %arg2[%dma_start3A_497, %dma_start3A_498] : memref<10240x128xf32, #tpu.memory_space<hbm>> -> memref<10240x128xf32, #tpu.memory_space<hbm>>
          tpu.enqueue_indirect_dma source(%dma_start3A_499 : memref<10240x128xf32, #tpu.memory_space<hbm>>) target(%dma_start3A_493 : memref<64x128xf32, #tpu.memory_space<vmem>>) offsets(%dma_start3A_496 : memref<64xi32, #tpu.memory_space<vmem>>) semaphore(%arg13 : memref<!tpu.dma_semaphore, #tpu.memory_space<semaphore_mem>>)
          %add3A_500 = arith.constant 1 : i32
          %add3A_501 = arith.addi %add3A_381, %add3A_500 : i32
          %dma_start3A_502 = arith.constant 64 : i32
          %dma_start3A_503 = arith.constant 0 : i32
          %dma_start3A_504 = tpu.memref_slice %arg10[%dma_start3A_502, %dma_start3A_503] : memref<128x128xf32, #tpu.memory_space<vmem>> -> memref<64x128xf32, #tpu.memory_space<vmem>>
          %dma_start3A_505 = arith.constant 64 : i32
          %dma_start3A_506 = tpu.memref_slice %arg7[%add3A_501, %dma_start3A_505] : memref<80x128xi32, #tpu.memory_space<vmem>> -> memref<1x64xi32, #tpu.memory_space<vmem>>
          %dma_start3A_507 = tpu.memref_squeeze %dma_start3A_506 : memref<1x64xi32, #tpu.memory_space<vmem>> -> memref<64xi32, #tpu.memory_space<vmem>>
          %dma_start3A_508 = arith.constant 0 : i32
          %dma_start3A_509 = arith.constant 0 : i32
          %dma_start3A_510 = tpu.memref_slice %arg2[%dma_start3A_508, %dma_start3A_509] : memref<10240x128xf32, #tpu.memory_space<hbm>> -> memref<10240x128xf32, #tpu.memory_space<hbm>>
          tpu.enqueue_indirect_dma source(%dma_start3A_510 : memref<10240x128xf32, #tpu.memory_space<hbm>>) target(%dma_start3A_504 : memref<64x128xf32, #tpu.memory_space<vmem>>) offsets(%dma_start3A_507 : memref<64xi32, #tpu.memory_space<vmem>>) semaphore(%arg13 : memref<!tpu.dma_semaphore, #tpu.memory_space<semaphore_mem>>)
        } else {
        }
        %dma_wait3A_389 = arith.constant 0 : i32
        %dma_wait3A_390 = tpu.memref_slice %arg7[%add3A_381, %dma_wait3A_389] : memref<80x128xi32, #tpu.memory_space<vmem>> -> memref<1x128xi32, #tpu.memory_space<vmem>>
        %dma_wait3A_391 = tpu.memref_squeeze %dma_wait3A_390 : memref<1x128xi32, #tpu.memory_space<vmem>> -> memref<128xi32, #tpu.memory_space<vmem>>
        %dma_wait3A_392 = arith.constant 0 : i32
        %dma_wait3A_393 = arith.constant 0 : i32
        %dma_wait3A_394 = tpu.memref_slice %arg2[%dma_wait3A_392, %dma_wait3A_393] : memref<10240x128xf32, #tpu.memory_space<hbm>> -> memref<10240x128xf32, #tpu.memory_space<hbm>>
        tpu.wait_indirect_dma semaphore(%arg12 : memref<!tpu.dma_semaphore, #tpu.memory_space<semaphore_mem>>) src(%dma_wait3A_394 : memref<10240x128xf32, #tpu.memory_space<hbm>>) dst(%arg9 : memref<128x128xf32, #tpu.memory_space<vmem>>)
        %dma_start3A_395 = arith.constant 1 : i32
        %dma_start3A_396 = arith.constant 4 : i32
        %dma_start3A_397 = arith.constant 0 : i32
        %dma_start3A_398 = tpu.memref_slice %arg8[%dma_start3A_395, %dma_start3A_396, %dma_start3A_397] : memref<2x8x128xi32, #tpu.memory_space<vmem>> -> memref<1x1x128xi32, #tpu.memory_space<vmem>>
        %dma_start3A_399 = tpu.memref_squeeze %dma_start3A_398 : memref<1x1x128xi32, #tpu.memory_space<vmem>> -> memref<128xi32, #tpu.memory_space<vmem>>
        %dma_start3A_400 = arith.constant 0 : i32
        %dma_start3A_401 = arith.constant 0 : i32
        %dma_start3A_402 = tpu.memref_slice %arg11[%dma_start3A_400, %dma_start3A_401] : memref<10240x128xf32, #tpu.memory_space<vmem_shared>> -> memref<10240x128xf32, #tpu.memory_space<vmem_shared>>
        tpu.enqueue_indirect_dma source(%arg9 : memref<128x128xf32, #tpu.memory_space<vmem>>) target(%dma_start3A_402 : memref<10240x128xf32, #tpu.memory_space<vmem_shared>>) offsets(%dma_start3A_399 : memref<128xi32, #tpu.memory_space<vmem>>) semaphore(%arg16 : memref<!tpu.dma_semaphore, #tpu.memory_space<semaphore_mem>>) {add = true}
        %mul3A_403 = arith.constant 8 : i32
        %mul3A_404 = arith.muli %add3A_272, %mul3A_403 : i32
        %add3A_405 = arith.constant 5 : i32
        %add3A_406 = arith.addi %mul3A_404, %add3A_405 : i32
        %add3A_407 = arith.constant 1 : i32
        %add3A_408 = arith.addi %add3A_406, %add3A_407 : i32
        %lt3A_409 = arith.constant 80 : i32
        %lt3A_410 = arith.cmpi slt, %add3A_408, %lt3A_409 : i32
        %convert_element_type3A_411 = arith.extui %lt3A_410 : i1 to i32
        %cond3A_412 = arith.constant 0 : i32
        %cond3A_413 = arith.cmpi ne, %convert_element_type3A_411, %cond3A_412 : i32
        scf.if %cond3A_413 {
          %ge3A = arith.constant 1 : i32
          %ge3A_485 = arith.cmpi sge, %add3A_406, %ge3A : i32
          %convert_element_type3A_486 = arith.extui %ge3A_485 : i1 to i32
          %cond3A_487 = arith.constant 0 : i32
          %cond3A_488 = arith.cmpi ne, %convert_element_type3A_486, %cond3A_487 : i32
          scf.if %cond3A_488 {
            %dma_wait3A_511 = arith.constant 1 : i32
            %dma_wait3A_512 = arith.constant 5 : i32
            %dma_wait3A_513 = arith.constant 0 : i32
            %dma_wait3A_514 = tpu.memref_slice %arg8[%dma_wait3A_511, %dma_wait3A_512, %dma_wait3A_513] : memref<2x8x128xi32, #tpu.memory_space<vmem>> -> memref<1x1x128xi32, #tpu.memory_space<vmem>>
            %dma_wait3A_515 = tpu.memref_squeeze %dma_wait3A_514 : memref<1x1x128xi32, #tpu.memory_space<vmem>> -> memref<128xi32, #tpu.memory_space<vmem>>
            %dma_wait3A_516 = arith.constant 0 : i32
            %dma_wait3A_517 = arith.constant 0 : i32
            %dma_wait3A_518 = tpu.memref_slice %arg11[%dma_wait3A_516, %dma_wait3A_517] : memref<10240x128xf32, #tpu.memory_space<vmem_shared>> -> memref<10240x128xf32, #tpu.memory_space<vmem_shared>>
            tpu.wait_indirect_dma semaphore(%arg16 : memref<!tpu.dma_semaphore, #tpu.memory_space<semaphore_mem>>) src(%arg9 : memref<128x128xf32, #tpu.memory_space<vmem>>) dst(%dma_wait3A_518 : memref<10240x128xf32, #tpu.memory_space<vmem_shared>>)
          } else {
          }
          %add3A_489 = arith.constant 1 : i32
          %add3A_490 = arith.addi %add3A_406, %add3A_489 : i32
          %dma_start3A_491 = arith.constant 0 : i32
          %dma_start3A_492 = arith.constant 0 : i32
          %dma_start3A_493 = tpu.memref_slice %arg9[%dma_start3A_491, %dma_start3A_492] : memref<128x128xf32, #tpu.memory_space<vmem>> -> memref<64x128xf32, #tpu.memory_space<vmem>>
          %dma_start3A_494 = arith.constant 0 : i32
          %dma_start3A_495 = tpu.memref_slice %arg7[%add3A_490, %dma_start3A_494] : memref<80x128xi32, #tpu.memory_space<vmem>> -> memref<1x64xi32, #tpu.memory_space<vmem>>
          %dma_start3A_496 = tpu.memref_squeeze %dma_start3A_495 : memref<1x64xi32, #tpu.memory_space<vmem>> -> memref<64xi32, #tpu.memory_space<vmem>>
          %dma_start3A_497 = arith.constant 0 : i32
          %dma_start3A_498 = arith.constant 0 : i32
          %dma_start3A_499 = tpu.memref_slice %arg2[%dma_start3A_497, %dma_start3A_498] : memref<10240x128xf32, #tpu.memory_space<hbm>> -> memref<10240x128xf32, #tpu.memory_space<hbm>>
          tpu.enqueue_indirect_dma source(%dma_start3A_499 : memref<10240x128xf32, #tpu.memory_space<hbm>>) target(%dma_start3A_493 : memref<64x128xf32, #tpu.memory_space<vmem>>) offsets(%dma_start3A_496 : memref<64xi32, #tpu.memory_space<vmem>>) semaphore(%arg12 : memref<!tpu.dma_semaphore, #tpu.memory_space<semaphore_mem>>)
          %add3A_500 = arith.constant 1 : i32
          %add3A_501 = arith.addi %add3A_406, %add3A_500 : i32
          %dma_start3A_502 = arith.constant 64 : i32
          %dma_start3A_503 = arith.constant 0 : i32
          %dma_start3A_504 = tpu.memref_slice %arg9[%dma_start3A_502, %dma_start3A_503] : memref<128x128xf32, #tpu.memory_space<vmem>> -> memref<64x128xf32, #tpu.memory_space<vmem>>
          %dma_start3A_505 = arith.constant 64 : i32
          %dma_start3A_506 = tpu.memref_slice %arg7[%add3A_501, %dma_start3A_505] : memref<80x128xi32, #tpu.memory_space<vmem>> -> memref<1x64xi32, #tpu.memory_space<vmem>>
          %dma_start3A_507 = tpu.memref_squeeze %dma_start3A_506 : memref<1x64xi32, #tpu.memory_space<vmem>> -> memref<64xi32, #tpu.memory_space<vmem>>
          %dma_start3A_508 = arith.constant 0 : i32
          %dma_start3A_509 = arith.constant 0 : i32
          %dma_start3A_510 = tpu.memref_slice %arg2[%dma_start3A_508, %dma_start3A_509] : memref<10240x128xf32, #tpu.memory_space<hbm>> -> memref<10240x128xf32, #tpu.memory_space<hbm>>
          tpu.enqueue_indirect_dma source(%dma_start3A_510 : memref<10240x128xf32, #tpu.memory_space<hbm>>) target(%dma_start3A_504 : memref<64x128xf32, #tpu.memory_space<vmem>>) offsets(%dma_start3A_507 : memref<64xi32, #tpu.memory_space<vmem>>) semaphore(%arg12 : memref<!tpu.dma_semaphore, #tpu.memory_space<semaphore_mem>>)
        } else {
        }
        %dma_wait3A_414 = arith.constant 0 : i32
        %dma_wait3A_415 = tpu.memref_slice %arg7[%add3A_406, %dma_wait3A_414] : memref<80x128xi32, #tpu.memory_space<vmem>> -> memref<1x128xi32, #tpu.memory_space<vmem>>
        %dma_wait3A_416 = tpu.memref_squeeze %dma_wait3A_415 : memref<1x128xi32, #tpu.memory_space<vmem>> -> memref<128xi32, #tpu.memory_space<vmem>>
        %dma_wait3A_417 = arith.constant 0 : i32
        %dma_wait3A_418 = arith.constant 0 : i32
        %dma_wait3A_419 = tpu.memref_slice %arg2[%dma_wait3A_417, %dma_wait3A_418] : memref<10240x128xf32, #tpu.memory_space<hbm>> -> memref<10240x128xf32, #tpu.memory_space<hbm>>
        tpu.wait_indirect_dma semaphore(%arg13 : memref<!tpu.dma_semaphore, #tpu.memory_space<semaphore_mem>>) src(%dma_wait3A_419 : memref<10240x128xf32, #tpu.memory_space<hbm>>) dst(%arg10 : memref<128x128xf32, #tpu.memory_space<vmem>>)
        %dma_start3A_420 = arith.constant 1 : i32
        %dma_start3A_421 = arith.constant 5 : i32
        %dma_start3A_422 = arith.constant 0 : i32
        %dma_start3A_423 = tpu.memref_slice %arg8[%dma_start3A_420, %dma_start3A_421, %dma_start3A_422] : memref<2x8x128xi32, #tpu.memory_space<vmem>> -> memref<1x1x128xi32, #tpu.memory_space<vmem>>
        %dma_start3A_424 = tpu.memref_squeeze %dma_start3A_423 : memref<1x1x128xi32, #tpu.memory_space<vmem>> -> memref<128xi32, #tpu.memory_space<vmem>>
        %dma_start3A_425 = arith.constant 0 : i32
        %dma_start3A_426 = arith.constant 0 : i32
        %dma_start3A_427 = tpu.memref_slice %arg11[%dma_start3A_425, %dma_start3A_426] : memref<10240x128xf32, #tpu.memory_space<vmem_shared>> -> memref<10240x128xf32, #tpu.memory_space<vmem_shared>>
        tpu.enqueue_indirect_dma source(%arg10 : memref<128x128xf32, #tpu.memory_space<vmem>>) target(%dma_start3A_427 : memref<10240x128xf32, #tpu.memory_space<vmem_shared>>) offsets(%dma_start3A_424 : memref<128xi32, #tpu.memory_space<vmem>>) semaphore(%arg17 : memref<!tpu.dma_semaphore, #tpu.memory_space<semaphore_mem>>) {add = true}
        %mul3A_428 = arith.constant 8 : i32
        %mul3A_429 = arith.muli %add3A_272, %mul3A_428 : i32
        %add3A_430 = arith.constant 6 : i32
        %add3A_431 = arith.addi %mul3A_429, %add3A_430 : i32
        %add3A_432 = arith.constant 1 : i32
        %add3A_433 = arith.addi %add3A_431, %add3A_432 : i32
        %lt3A_434 = arith.constant 80 : i32
        %lt3A_435 = arith.cmpi slt, %add3A_433, %lt3A_434 : i32
        %convert_element_type3A_436 = arith.extui %lt3A_435 : i1 to i32
        %cond3A_437 = arith.constant 0 : i32
        %cond3A_438 = arith.cmpi ne, %convert_element_type3A_436, %cond3A_437 : i32
        scf.if %cond3A_438 {
          %ge3A = arith.constant 1 : i32
          %ge3A_485 = arith.cmpi sge, %add3A_431, %ge3A : i32
          %convert_element_type3A_486 = arith.extui %ge3A_485 : i1 to i32
          %cond3A_487 = arith.constant 0 : i32
          %cond3A_488 = arith.cmpi ne, %convert_element_type3A_486, %cond3A_487 : i32
          scf.if %cond3A_488 {
            %dma_wait3A_511 = arith.constant 1 : i32
            %dma_wait3A_512 = arith.constant 6 : i32
            %dma_wait3A_513 = arith.constant 0 : i32
            %dma_wait3A_514 = tpu.memref_slice %arg8[%dma_wait3A_511, %dma_wait3A_512, %dma_wait3A_513] : memref<2x8x128xi32, #tpu.memory_space<vmem>> -> memref<1x1x128xi32, #tpu.memory_space<vmem>>
            %dma_wait3A_515 = tpu.memref_squeeze %dma_wait3A_514 : memref<1x1x128xi32, #tpu.memory_space<vmem>> -> memref<128xi32, #tpu.memory_space<vmem>>
            %dma_wait3A_516 = arith.constant 0 : i32
            %dma_wait3A_517 = arith.constant 0 : i32
            %dma_wait3A_518 = tpu.memref_slice %arg11[%dma_wait3A_516, %dma_wait3A_517] : memref<10240x128xf32, #tpu.memory_space<vmem_shared>> -> memref<10240x128xf32, #tpu.memory_space<vmem_shared>>
            tpu.wait_indirect_dma semaphore(%arg17 : memref<!tpu.dma_semaphore, #tpu.memory_space<semaphore_mem>>) src(%arg10 : memref<128x128xf32, #tpu.memory_space<vmem>>) dst(%dma_wait3A_518 : memref<10240x128xf32, #tpu.memory_space<vmem_shared>>)
          } else {
          }
          %add3A_489 = arith.constant 1 : i32
          %add3A_490 = arith.addi %add3A_431, %add3A_489 : i32
          %dma_start3A_491 = arith.constant 0 : i32
          %dma_start3A_492 = arith.constant 0 : i32
          %dma_start3A_493 = tpu.memref_slice %arg10[%dma_start3A_491, %dma_start3A_492] : memref<128x128xf32, #tpu.memory_space<vmem>> -> memref<64x128xf32, #tpu.memory_space<vmem>>
          %dma_start3A_494 = arith.constant 0 : i32
          %dma_start3A_495 = tpu.memref_slice %arg7[%add3A_490, %dma_start3A_494] : memref<80x128xi32, #tpu.memory_space<vmem>> -> memref<1x64xi32, #tpu.memory_space<vmem>>
          %dma_start3A_496 = tpu.memref_squeeze %dma_start3A_495 : memref<1x64xi32, #tpu.memory_space<vmem>> -> memref<64xi32, #tpu.memory_space<vmem>>
          %dma_start3A_497 = arith.constant 0 : i32
          %dma_start3A_498 = arith.constant 0 : i32
          %dma_start3A_499 = tpu.memref_slice %arg2[%dma_start3A_497, %dma_start3A_498] : memref<10240x128xf32, #tpu.memory_space<hbm>> -> memref<10240x128xf32, #tpu.memory_space<hbm>>
          tpu.enqueue_indirect_dma source(%dma_start3A_499 : memref<10240x128xf32, #tpu.memory_space<hbm>>) target(%dma_start3A_493 : memref<64x128xf32, #tpu.memory_space<vmem>>) offsets(%dma_start3A_496 : memref<64xi32, #tpu.memory_space<vmem>>) semaphore(%arg13 : memref<!tpu.dma_semaphore, #tpu.memory_space<semaphore_mem>>)
          %add3A_500 = arith.constant 1 : i32
          %add3A_501 = arith.addi %add3A_431, %add3A_500 : i32
          %dma_start3A_502 = arith.constant 64 : i32
          %dma_start3A_503 = arith.constant 0 : i32
          %dma_start3A_504 = tpu.memref_slice %arg10[%dma_start3A_502, %dma_start3A_503] : memref<128x128xf32, #tpu.memory_space<vmem>> -> memref<64x128xf32, #tpu.memory_space<vmem>>
          %dma_start3A_505 = arith.constant 64 : i32
          %dma_start3A_506 = tpu.memref_slice %arg7[%add3A_501, %dma_start3A_505] : memref<80x128xi32, #tpu.memory_space<vmem>> -> memref<1x64xi32, #tpu.memory_space<vmem>>
          %dma_start3A_507 = tpu.memref_squeeze %dma_start3A_506 : memref<1x64xi32, #tpu.memory_space<vmem>> -> memref<64xi32, #tpu.memory_space<vmem>>
          %dma_start3A_508 = arith.constant 0 : i32
          %dma_start3A_509 = arith.constant 0 : i32
          %dma_start3A_510 = tpu.memref_slice %arg2[%dma_start3A_508, %dma_start3A_509] : memref<10240x128xf32, #tpu.memory_space<hbm>> -> memref<10240x128xf32, #tpu.memory_space<hbm>>
          tpu.enqueue_indirect_dma source(%dma_start3A_510 : memref<10240x128xf32, #tpu.memory_space<hbm>>) target(%dma_start3A_504 : memref<64x128xf32, #tpu.memory_space<vmem>>) offsets(%dma_start3A_507 : memref<64xi32, #tpu.memory_space<vmem>>) semaphore(%arg13 : memref<!tpu.dma_semaphore, #tpu.memory_space<semaphore_mem>>)
        } else {
        }
        %dma_wait3A_439 = arith.constant 0 : i32
        %dma_wait3A_440 = tpu.memref_slice %arg7[%add3A_431, %dma_wait3A_439] : memref<80x128xi32, #tpu.memory_space<vmem>> -> memref<1x128xi32, #tpu.memory_space<vmem>>
        %dma_wait3A_441 = tpu.memref_squeeze %dma_wait3A_440 : memref<1x128xi32, #tpu.memory_space<vmem>> -> memref<128xi32, #tpu.memory_space<vmem>>
        %dma_wait3A_442 = arith.constant 0 : i32
        %dma_wait3A_443 = arith.constant 0 : i32
        %dma_wait3A_444 = tpu.memref_slice %arg2[%dma_wait3A_442, %dma_wait3A_443] : memref<10240x128xf32, #tpu.memory_space<hbm>> -> memref<10240x128xf32, #tpu.memory_space<hbm>>
        tpu.wait_indirect_dma semaphore(%arg12 : memref<!tpu.dma_semaphore, #tpu.memory_space<semaphore_mem>>) src(%dma_wait3A_444 : memref<10240x128xf32, #tpu.memory_space<hbm>>) dst(%arg9 : memref<128x128xf32, #tpu.memory_space<vmem>>)
        %dma_start3A_445 = arith.constant 1 : i32
        %dma_start3A_446 = arith.constant 6 : i32
        %dma_start3A_447 = arith.constant 0 : i32
        %dma_start3A_448 = tpu.memref_slice %arg8[%dma_start3A_445, %dma_start3A_446, %dma_start3A_447] : memref<2x8x128xi32, #tpu.memory_space<vmem>> -> memref<1x1x128xi32, #tpu.memory_space<vmem>>
        %dma_start3A_449 = tpu.memref_squeeze %dma_start3A_448 : memref<1x1x128xi32, #tpu.memory_space<vmem>> -> memref<128xi32, #tpu.memory_space<vmem>>
        %dma_start3A_450 = arith.constant 0 : i32
        %dma_start3A_451 = arith.constant 0 : i32
        %dma_start3A_452 = tpu.memref_slice %arg11[%dma_start3A_450, %dma_start3A_451] : memref<10240x128xf32, #tpu.memory_space<vmem_shared>> -> memref<10240x128xf32, #tpu.memory_space<vmem_shared>>
        tpu.enqueue_indirect_dma source(%arg9 : memref<128x128xf32, #tpu.memory_space<vmem>>) target(%dma_start3A_452 : memref<10240x128xf32, #tpu.memory_space<vmem_shared>>) offsets(%dma_start3A_449 : memref<128xi32, #tpu.memory_space<vmem>>) semaphore(%arg16 : memref<!tpu.dma_semaphore, #tpu.memory_space<semaphore_mem>>) {add = true}
        %mul3A_453 = arith.constant 8 : i32
        %mul3A_454 = arith.muli %add3A_272, %mul3A_453 : i32
        %add3A_455 = arith.constant 7 : i32
        %add3A_456 = arith.addi %mul3A_454, %add3A_455 : i32
        %add3A_457 = arith.constant 1 : i32
        %add3A_458 = arith.addi %add3A_456, %add3A_457 : i32
        %lt3A_459 = arith.constant 80 : i32
        %lt3A_460 = arith.cmpi slt, %add3A_458, %lt3A_459 : i32
        %convert_element_type3A_461 = arith.extui %lt3A_460 : i1 to i32
        %cond3A_462 = arith.constant 0 : i32
        %cond3A_463 = arith.cmpi ne, %convert_element_type3A_461, %cond3A_462 : i32
        scf.if %cond3A_463 {
          %ge3A = arith.constant 1 : i32
          %ge3A_485 = arith.cmpi sge, %add3A_456, %ge3A : i32
          %convert_element_type3A_486 = arith.extui %ge3A_485 : i1 to i32
          %cond3A_487 = arith.constant 0 : i32
          %cond3A_488 = arith.cmpi ne, %convert_element_type3A_486, %cond3A_487 : i32
          scf.if %cond3A_488 {
            %dma_wait3A_511 = arith.constant 1 : i32
            %dma_wait3A_512 = arith.constant 7 : i32
            %dma_wait3A_513 = arith.constant 0 : i32
            %dma_wait3A_514 = tpu.memref_slice %arg8[%dma_wait3A_511, %dma_wait3A_512, %dma_wait3A_513] : memref<2x8x128xi32, #tpu.memory_space<vmem>> -> memref<1x1x128xi32, #tpu.memory_space<vmem>>
            %dma_wait3A_515 = tpu.memref_squeeze %dma_wait3A_514 : memref<1x1x128xi32, #tpu.memory_space<vmem>> -> memref<128xi32, #tpu.memory_space<vmem>>
            %dma_wait3A_516 = arith.constant 0 : i32
            %dma_wait3A_517 = arith.constant 0 : i32
            %dma_wait3A_518 = tpu.memref_slice %arg11[%dma_wait3A_516, %dma_wait3A_517] : memref<10240x128xf32, #tpu.memory_space<vmem_shared>> -> memref<10240x128xf32, #tpu.memory_space<vmem_shared>>
            tpu.wait_indirect_dma semaphore(%arg16 : memref<!tpu.dma_semaphore, #tpu.memory_space<semaphore_mem>>) src(%arg9 : memref<128x128xf32, #tpu.memory_space<vmem>>) dst(%dma_wait3A_518 : memref<10240x128xf32, #tpu.memory_space<vmem_shared>>)
          } else {
          }
          %add3A_489 = arith.constant 1 : i32
          %add3A_490 = arith.addi %add3A_456, %add3A_489 : i32
          %dma_start3A_491 = arith.constant 0 : i32
          %dma_start3A_492 = arith.constant 0 : i32
          %dma_start3A_493 = tpu.memref_slice %arg9[%dma_start3A_491, %dma_start3A_492] : memref<128x128xf32, #tpu.memory_space<vmem>> -> memref<64x128xf32, #tpu.memory_space<vmem>>
          %dma_start3A_494 = arith.constant 0 : i32
          %dma_start3A_495 = tpu.memref_slice %arg7[%add3A_490, %dma_start3A_494] : memref<80x128xi32, #tpu.memory_space<vmem>> -> memref<1x64xi32, #tpu.memory_space<vmem>>
          %dma_start3A_496 = tpu.memref_squeeze %dma_start3A_495 : memref<1x64xi32, #tpu.memory_space<vmem>> -> memref<64xi32, #tpu.memory_space<vmem>>
          %dma_start3A_497 = arith.constant 0 : i32
          %dma_start3A_498 = arith.constant 0 : i32
          %dma_start3A_499 = tpu.memref_slice %arg2[%dma_start3A_497, %dma_start3A_498] : memref<10240x128xf32, #tpu.memory_space<hbm>> -> memref<10240x128xf32, #tpu.memory_space<hbm>>
          tpu.enqueue_indirect_dma source(%dma_start3A_499 : memref<10240x128xf32, #tpu.memory_space<hbm>>) target(%dma_start3A_493 : memref<64x128xf32, #tpu.memory_space<vmem>>) offsets(%dma_start3A_496 : memref<64xi32, #tpu.memory_space<vmem>>) semaphore(%arg12 : memref<!tpu.dma_semaphore, #tpu.memory_space<semaphore_mem>>)
          %add3A_500 = arith.constant 1 : i32
          %add3A_501 = arith.addi %add3A_456, %add3A_500 : i32
          %dma_start3A_502 = arith.constant 64 : i32
          %dma_start3A_503 = arith.constant 0 : i32
          %dma_start3A_504 = tpu.memref_slice %arg9[%dma_start3A_502, %dma_start3A_503] : memref<128x128xf32, #tpu.memory_space<vmem>> -> memref<64x128xf32, #tpu.memory_space<vmem>>
          %dma_start3A_505 = arith.constant 64 : i32
          %dma_start3A_506 = tpu.memref_slice %arg7[%add3A_501, %dma_start3A_505] : memref<80x128xi32, #tpu.memory_space<vmem>> -> memref<1x64xi32, #tpu.memory_space<vmem>>
          %dma_start3A_507 = tpu.memref_squeeze %dma_start3A_506 : memref<1x64xi32, #tpu.memory_space<vmem>> -> memref<64xi32, #tpu.memory_space<vmem>>
          %dma_start3A_508 = arith.constant 0 : i32
          %dma_start3A_509 = arith.constant 0 : i32
          %dma_start3A_510 = tpu.memref_slice %arg2[%dma_start3A_508, %dma_start3A_509] : memref<10240x128xf32, #tpu.memory_space<hbm>> -> memref<10240x128xf32, #tpu.memory_space<hbm>>
          tpu.enqueue_indirect_dma source(%dma_start3A_510 : memref<10240x128xf32, #tpu.memory_space<hbm>>) target(%dma_start3A_504 : memref<64x128xf32, #tpu.memory_space<vmem>>) offsets(%dma_start3A_507 : memref<64xi32, #tpu.memory_space<vmem>>) semaphore(%arg12 : memref<!tpu.dma_semaphore, #tpu.memory_space<semaphore_mem>>)
        } else {
        }
        %dma_wait3A_464 = arith.constant 0 : i32
        %dma_wait3A_465 = tpu.memref_slice %arg7[%add3A_456, %dma_wait3A_464] : memref<80x128xi32, #tpu.memory_space<vmem>> -> memref<1x128xi32, #tpu.memory_space<vmem>>
        %dma_wait3A_466 = tpu.memref_squeeze %dma_wait3A_465 : memref<1x128xi32, #tpu.memory_space<vmem>> -> memref<128xi32, #tpu.memory_space<vmem>>
        %dma_wait3A_467 = arith.constant 0 : i32
        %dma_wait3A_468 = arith.constant 0 : i32
        %dma_wait3A_469 = tpu.memref_slice %arg2[%dma_wait3A_467, %dma_wait3A_468] : memref<10240x128xf32, #tpu.memory_space<hbm>> -> memref<10240x128xf32, #tpu.memory_space<hbm>>
        tpu.wait_indirect_dma semaphore(%arg13 : memref<!tpu.dma_semaphore, #tpu.memory_space<semaphore_mem>>) src(%dma_wait3A_469 : memref<10240x128xf32, #tpu.memory_space<hbm>>) dst(%arg10 : memref<128x128xf32, #tpu.memory_space<vmem>>)
        %dma_start3A_470 = arith.constant 1 : i32
        %dma_start3A_471 = arith.constant 7 : i32
        %dma_start3A_472 = arith.constant 0 : i32
        %dma_start3A_473 = tpu.memref_slice %arg8[%dma_start3A_470, %dma_start3A_471, %dma_start3A_472] : memref<2x8x128xi32, #tpu.memory_space<vmem>> -> memref<1x1x128xi32, #tpu.memory_space<vmem>>
        %dma_start3A_474 = tpu.memref_squeeze %dma_start3A_473 : memref<1x1x128xi32, #tpu.memory_space<vmem>> -> memref<128xi32, #tpu.memory_space<vmem>>
        %dma_start3A_475 = arith.constant 0 : i32
        %dma_start3A_476 = arith.constant 0 : i32
        %dma_start3A_477 = tpu.memref_slice %arg11[%dma_start3A_475, %dma_start3A_476] : memref<10240x128xf32, #tpu.memory_space<vmem_shared>> -> memref<10240x128xf32, #tpu.memory_space<vmem_shared>>
        tpu.enqueue_indirect_dma source(%arg10 : memref<128x128xf32, #tpu.memory_space<vmem>>) target(%dma_start3A_477 : memref<10240x128xf32, #tpu.memory_space<vmem_shared>>) offsets(%dma_start3A_474 : memref<128xi32, #tpu.memory_space<vmem>>) semaphore(%arg17 : memref<!tpu.dma_semaphore, #tpu.memory_space<semaphore_mem>>) {add = true}
        %add3A_478 = arith.constant 2 : i32
        %add3A_479 = arith.addi %add3A_272, %add3A_478 : i32
        %lt3A_480 = arith.constant 10 : i32
        %lt3A_481 = arith.cmpi slt, %add3A_479, %lt3A_480 : i32
        %convert_element_type3A_482 = arith.extui %lt3A_481 : i1 to i32
        %cond3A_483 = arith.constant 0 : i32
        %cond3A_484 = arith.cmpi ne, %convert_element_type3A_482, %cond3A_483 : i32
        scf.if %cond3A_484 {
          %add3A_485 = arith.constant 2 : i32
          %add3A_486 = arith.addi %add3A_272, %add3A_485 : i32
          %mul3A_487 = arith.constant 8 : i32
          %mul3A_488 = arith.muli %add3A_486, %mul3A_487 : i32
          %dma_start3A_489 = arith.constant 1 : i32
          %dma_start3A_490 = arith.constant 0 : i32
          %dma_start3A_491 = arith.constant 0 : i32
          %dma_start3A_492 = tpu.memref_slice %arg8[%dma_start3A_489, %dma_start3A_490, %dma_start3A_491] : memref<2x8x128xi32, #tpu.memory_space<vmem>> -> memref<1x8x128xi32, #tpu.memory_space<vmem>>
          %dma_start3A_493 = tpu.memref_squeeze %dma_start3A_492 : memref<1x8x128xi32, #tpu.memory_space<vmem>> -> memref<8x128xi32, #tpu.memory_space<vmem>>
          %dma_start3A_494 = arith.constant 0 : i32
          %dma_start3A_495 = tpu.memref_slice %arg4[%arg1, %mul3A_488, %dma_start3A_494] : memref<16x80x128xi32, #tpu.memory_space<hbm>> -> memref<1x8x128xi32, #tpu.memory_space<hbm>>
          %dma_start3A_496 = tpu.memref_squeeze %dma_start3A_495 : memref<1x8x128xi32, #tpu.memory_space<hbm>> -> memref<8x128xi32, #tpu.memory_space<hbm>>
          %dma_start3A_497 = arith.constant 0 : i32
          %dma_start3A_498 = arith.constant 0 : i32
          %dma_start3A_499 = tpu.memref_slice %arg8[%dma_start3A_489, %dma_start3A_497, %dma_start3A_498] : memref<2x8x128xi32, #tpu.memory_space<vmem>> -> memref<1x8x128xi32, #tpu.memory_space<vmem>>
          %dma_start3A_500 = tpu.memref_squeeze %dma_start3A_499 : memref<1x8x128xi32, #tpu.memory_space<vmem>> -> memref<8x128xi32, #tpu.memory_space<vmem>>
          %dma_start3A_501 = arith.constant 0 : i32
          %dma_start3A_502 = tpu.memref_slice %arg4[%arg1, %mul3A_488, %dma_start3A_501] : memref<16x80x128xi32, #tpu.memory_space<hbm>> -> memref<1x8x128xi32, #tpu.memory_space<hbm>>
          %dma_start3A_503 = tpu.memref_squeeze %dma_start3A_502 : memref<1x8x128xi32, #tpu.memory_space<hbm>> -> memref<8x128xi32, #tpu.memory_space<hbm>>
          tpu.enqueue_dma source(%dma_start3A_503 : memref<8x128xi32, #tpu.memory_space<hbm>>) target(%dma_start3A_500 : memref<8x128xi32, #tpu.memory_space<vmem>>) target_semaphore(%arg15 : memref<!tpu.dma_semaphore, #tpu.memory_space<semaphore_mem>>)
        } else {
        }
      }
      %scan3A_40 = arith.constant 5 : i32
      %dma_wait3A = arith.constant 1 : i32
      %dma_wait3A_41 = arith.constant 0 : i32
      %dma_wait3A_42 = arith.constant 0 : i32
      %dma_wait3A_43 = tpu.memref_slice %arg8[%dma_wait3A, %dma_wait3A_41, %dma_wait3A_42] : memref<2x8x128xi32, #tpu.memory_space<vmem>> -> memref<1x1x128xi32, #tpu.memory_space<vmem>>
      %dma_wait3A_44 = tpu.memref_squeeze %dma_wait3A_43 : memref<1x1x128xi32, #tpu.memory_space<vmem>> -> memref<128xi32, #tpu.memory_space<vmem>>
      %dma_wait3A_45 = arith.constant 0 : i32
      %dma_wait3A_46 = arith.constant 0 : i32
      %dma_wait3A_47 = tpu.memref_slice %arg11[%dma_wait3A_45, %dma_wait3A_46] : memref<10240x128xf32, #tpu.memory_space<vmem_shared>> -> memref<10240x128xf32, #tpu.memory_space<vmem_shared>>
      tpu.wait_indirect_dma semaphore(%arg16 : memref<!tpu.dma_semaphore, #tpu.memory_space<semaphore_mem>>) src(%arg9 : memref<128x128xf32, #tpu.memory_space<vmem>>) dst(%dma_wait3A_47 : memref<10240x128xf32, #tpu.memory_space<vmem_shared>>)
      %dma_wait3A_48 = arith.constant 1 : i32
      %dma_wait3A_49 = arith.constant 0 : i32
      %dma_wait3A_50 = arith.constant 0 : i32
      %dma_wait3A_51 = tpu.memref_slice %arg8[%dma_wait3A_48, %dma_wait3A_49, %dma_wait3A_50] : memref<2x8x128xi32, #tpu.memory_space<vmem>> -> memref<1x1x128xi32, #tpu.memory_space<vmem>>
      %dma_wait3A_52 = tpu.memref_squeeze %dma_wait3A_51 : memref<1x1x128xi32, #tpu.memory_space<vmem>> -> memref<128xi32, #tpu.memory_space<vmem>>
      %dma_wait3A_53 = arith.constant 0 : i32
      %dma_wait3A_54 = arith.constant 0 : i32
      %dma_wait3A_55 = tpu.memref_slice %arg11[%dma_wait3A_53, %dma_wait3A_54] : memref<10240x128xf32, #tpu.memory_space<vmem_shared>> -> memref<10240x128xf32, #tpu.memory_space<vmem_shared>>
      tpu.wait_indirect_dma semaphore(%arg17 : memref<!tpu.dma_semaphore, #tpu.memory_space<semaphore_mem>>) src(%arg10 : memref<128x128xf32, #tpu.memory_space<vmem>>) dst(%dma_wait3A_55 : memref<10240x128xf32, #tpu.memory_space<vmem_shared>>)
    } else {
    }
    %barrier3A_7 = arith.constant 0 : index
    tpu.barrier barrier_id(%barrier3A_7)
    %eq3A_8 = arith.constant 0 : i32
    %eq3A_9 = arith.cmpi eq, %arg0, %eq3A_8 : i32
    %convert_element_type3A_10 = arith.extui %eq3A_9 : i1 to i32
    %cond3A_11 = arith.constant 0 : i32
    %cond3A_12 = arith.cmpi ne, %convert_element_type3A_10, %cond3A_11 : i32
    scf.if %cond3A_12 {
      %mul3A = arith.constant 640 : i32
      %mul3A_13 = arith.muli %arg1, %mul3A : i32
      %mul3A_14 = arith.constant 640 : i32
      %mul3A_15 = arith.muli %arg1, %mul3A_14 : i32
      "tpu.region"() ({
        %run_scoped3A = tpu.sem_alloc : memref<!tpu.dma_semaphore, #tpu.memory_space<semaphore_mem>>
        %dma_start3A = arith.constant 0 : i32
        %dma_start3A_16 = tpu.memref_slice %arg6[%mul3A_15, %dma_start3A] : memref<10240x128xf32, #tpu.memory_space<hbm>> -> memref<640x128xf32, #tpu.memory_space<hbm>>
        %dma_start3A_17 = arith.constant 0 : i32
        %dma_start3A_18 = tpu.memref_slice %arg11[%mul3A_13, %dma_start3A_17] : memref<10240x128xf32, #tpu.memory_space<vmem_shared>> -> memref<640x128xf32, #tpu.memory_space<vmem_shared>>
        tpu.enqueue_dma source(%dma_start3A_18 : memref<640x128xf32, #tpu.memory_space<vmem_shared>>) target(%dma_start3A_16 : memref<640x128xf32, #tpu.memory_space<hbm>>) target_semaphore(%run_scoped3A : memref<!tpu.dma_semaphore, #tpu.memory_space<semaphore_mem>>)
        %dma_wait3A = arith.constant 0 : i32
        %dma_wait3A_19 = tpu.memref_slice %arg6[%mul3A_15, %dma_wait3A] : memref<10240x128xf32, #tpu.memory_space<hbm>> -> memref<640x128xf32, #tpu.memory_space<hbm>>
        %dma_wait3A_20 = arith.constant 0 : i32
        %dma_wait3A_21 = tpu.memref_slice %arg11[%mul3A_13, %dma_wait3A_20] : memref<10240x128xf32, #tpu.memory_space<vmem_shared>> -> memref<640x128xf32, #tpu.memory_space<vmem_shared>>
        tpu.wait_dma2 semaphore(%run_scoped3A : memref<!tpu.dma_semaphore, #tpu.memory_space<semaphore_mem>>) src(%dma_wait3A_21 : memref<640x128xf32, #tpu.memory_space<vmem_shared>>) dst(%dma_wait3A_19 : memref<640x128xf32, #tpu.memory_space<hbm>>)
        tpu.yield
      }) : () -> ()
    } else {
    }
    return
  }
}

#map = affine_map<(d0, d1) -> (0, 0)>
#map1 = affine_map<(d0, d1) -> (0, 0, 0)>
module attributes {stable_mosaic.version = 14 : i64} {
  func.func @_hop_kernel(%arg0: i32, %arg1: i32, %arg2: memref<10240x128xf32, #tpu.memory_space<hbm>>, %arg3: memref<16x80x128xi32, #tpu.memory_space<hbm>>, %arg4: memref<16x80x128xi32, #tpu.memory_space<hbm>>, %arg5: memref<10240x128xf32, #tpu.memory_space<hbm>>, %arg6: memref<10240x128xf32, #tpu.memory_space<hbm>>, %arg7: memref<80x128xi32, #tpu.memory_space<vmem>>, %arg8: memref<2x8x128xi32, #tpu.memory_space<vmem>>, %arg9: memref<128x128xf32, #tpu.memory_space<vmem>>, %arg10: memref<128x128xf32, #tpu.memory_space<vmem>>, %arg11: memref<10240x128xf32, #tpu.memory_space<vmem_shared>>, %arg12: memref<!tpu.dma_semaphore, #tpu.memory_space<semaphore_mem>>, %arg13: memref<!tpu.dma_semaphore, #tpu.memory_space<semaphore_mem>>, %arg14: memref<!tpu.dma_semaphore, #tpu.memory_space<semaphore_mem>>, %arg15: memref<!tpu.dma_semaphore, #tpu.memory_space<semaphore_mem>>, %arg16: memref<!tpu.dma_semaphore, #tpu.memory_space<semaphore_mem>>, %arg17: memref<!tpu.dma_semaphore, #tpu.memory_space<semaphore_mem>>) attributes {dimension_semantics = [#tpu.dimension_semantics<core_parallel>, #tpu.dimension_semantics<subcore_parallel>], iteration_bounds = array<i64: 2, 16>, scalar_prefetch = 0 : i64, scratch_operands = 11 : i64, tpu.core_type = #tpu.core_type<sc_vector_subcore>, window_params = [{transform_indices = #map}, {transform_indices = #map1}, {transform_indices = #map1}, {transform_indices = #map}, {transform_indices = #map}]} {
    %eq3A = arith.constant 0 : i32
    %eq3A_0 = arith.cmpi eq, %arg0, %eq3A : i32
    %convert_element_type3A = arith.extui %eq3A_0 : i1 to i32
    %cond3A = arith.constant 0 : i32
    %cond3A_1 = arith.cmpi ne, %convert_element_type3A, %cond3A : i32
    scf.if %cond3A_1 {
      "tpu.region"() ({
        %run_scoped3A_16 = tpu.sem_alloc : memref<!tpu.dma_semaphore, #tpu.memory_space<semaphore_mem>>
        %dma_start3A = arith.constant 0 : i32
        %dma_start3A_17 = arith.constant 0 : i32
        %dma_start3A_18 = tpu.memref_slice %arg3[%arg1, %dma_start3A, %dma_start3A_17] : memref<16x80x128xi32, #tpu.memory_space<hbm>> -> memref<1x80x128xi32, #tpu.memory_space<hbm>>
        %dma_start3A_19 = tpu.memref_squeeze %dma_start3A_18 : memref<1x80x128xi32, #tpu.memory_space<hbm>> -> memref<80x128xi32, #tpu.memory_space<hbm>>
        %dma_start3A_20 = arith.constant 0 : i32
        %dma_start3A_21 = arith.constant 0 : i32
        %dma_start3A_22 = tpu.memref_slice %arg3[%arg1, %dma_start3A_20, %dma_start3A_21] : memref<16x80x128xi32, #tpu.memory_space<hbm>> -> memref<1x80x128xi32, #tpu.memory_space<hbm>>
        %dma_start3A_23 = tpu.memref_squeeze %dma_start3A_22 : memref<1x80x128xi32, #tpu.memory_space<hbm>> -> memref<80x128xi32, #tpu.memory_space<hbm>>
        tpu.enqueue_dma source(%dma_start3A_23 : memref<80x128xi32, #tpu.memory_space<hbm>>) target(%arg7 : memref<80x128xi32, #tpu.memory_space<vmem>>) target_semaphore(%run_scoped3A_16 : memref<!tpu.dma_semaphore, #tpu.memory_space<semaphore_mem>>)
        %dma_wait3A = arith.constant 0 : i32
        %dma_wait3A_24 = arith.constant 0 : i32
        %dma_wait3A_25 = tpu.memref_slice %arg3[%arg1, %dma_wait3A, %dma_wait3A_24] : memref<16x80x128xi32, #tpu.memory_space<hbm>> -> memref<1x80x128xi32, #tpu.memory_space<hbm>>
        %dma_wait3A_26 = tpu.memref_squeeze %dma_wait3A_25 : memref<1x80x128xi32, #tpu.memory_space<hbm>> -> memref<80x128xi32, #tpu.memory_space<hbm>>
        %dma_wait3A_27 = arith.constant 0 : i32
        %dma_wait3A_28 = arith.constant 0 : i32
        %dma_wait3A_29 = tpu.memref_slice %arg3[%arg1, %dma_wait3A_27, %dma_wait3A_28] : memref<16x80x128xi32, #tpu.memory_space<hbm>> -> memref<1x80x128xi32, #tpu.memory_space<hbm>>
        %dma_wait3A_30 = tpu.memref_squeeze %dma_wait3A_29 : memref<1x80x128xi32, #tpu.memory_space<hbm>> -> memref<80x128xi32, #tpu.memory_space<hbm>>
        tpu.wait_dma2 semaphore(%run_scoped3A_16 : memref<!tpu.dma_semaphore, #tpu.memory_space<semaphore_mem>>) src(%dma_wait3A_30 : memref<80x128xi32, #tpu.memory_space<hbm>>) dst(%arg7 : memref<80x128xi32, #tpu.memory_space<vmem>>)
        tpu.yield
      }) : () -> ()
      %run_scoped3A = arith.constant 0 : i32
      "tpu.region"() ({
        %run_scoped3A_16 = tpu.sem_alloc : memref<!tpu.dma_semaphore, #tpu.memory_space<semaphore_mem>>
        %dma_start3A = arith.constant 0 : i32
        %dma_start3A_17 = arith.constant 0 : i32
        %dma_start3A_18 = tpu.memref_slice %arg8[%run_scoped3A, %dma_start3A, %dma_start3A_17] : memref<2x8x128xi32, #tpu.memory_space<vmem>> -> memref<1x8x128xi32, #tpu.memory_space<vmem>>
        %dma_start3A_19 = tpu.memref_squeeze %dma_start3A_18 : memref<1x8x128xi32, #tpu.memory_space<vmem>> -> memref<8x128xi32, #tpu.memory_space<vmem>>
        %dma_start3A_20 = arith.constant 0 : i32
        %dma_start3A_21 = arith.constant 0 : i32
        %dma_start3A_22 = tpu.memref_slice %arg4[%arg1, %dma_start3A_20, %dma_start3A_21] : memref<16x80x128xi32, #tpu.memory_space<hbm>> -> memref<1x8x128xi32, #tpu.memory_space<hbm>>
        %dma_start3A_23 = tpu.memref_squeeze %dma_start3A_22 : memref<1x8x128xi32, #tpu.memory_space<hbm>> -> memref<8x128xi32, #tpu.memory_space<hbm>>
        %dma_start3A_24 = arith.constant 0 : i32
        %dma_start3A_25 = arith.constant 0 : i32
        %dma_start3A_26 = tpu.memref_slice %arg8[%run_scoped3A, %dma_start3A_24, %dma_start3A_25] : memref<2x8x128xi32, #tpu.memory_space<vmem>> -> memref<1x8x128xi32, #tpu.memory_space<vmem>>
        %dma_start3A_27 = tpu.memref_squeeze %dma_start3A_26 : memref<1x8x128xi32, #tpu.memory_space<vmem>> -> memref<8x128xi32, #tpu.memory_space<vmem>>
        %dma_start3A_28 = arith.constant 0 : i32
        %dma_start3A_29 = arith.constant 0 : i32
        %dma_start3A_30 = tpu.memref_slice %arg4[%arg1, %dma_start3A_28, %dma_start3A_29] : memref<16x80x128xi32, #tpu.memory_space<hbm>> -> memref<1x8x128xi32, #tpu.memory_space<hbm>>
        %dma_start3A_31 = tpu.memref_squeeze %dma_start3A_30 : memref<1x8x128xi32, #tpu.memory_space<hbm>> -> memref<8x128xi32, #tpu.memory_space<hbm>>
        tpu.enqueue_dma source(%dma_start3A_31 : memref<8x128xi32, #tpu.memory_space<hbm>>) target(%dma_start3A_27 : memref<8x128xi32, #tpu.memory_space<vmem>>) target_semaphore(%run_scoped3A_16 : memref<!tpu.dma_semaphore, #tpu.memory_space<semaphore_mem>>)
        %dma_wait3A = arith.constant 0 : i32
        %dma_wait3A_32 = arith.constant 0 : i32
        %dma_wait3A_33 = tpu.memref_slice %arg8[%run_scoped3A, %dma_wait3A, %dma_wait3A_32] : memref<2x8x128xi32, #tpu.memory_space<vmem>> -> memref<1x8x128xi32, #tpu.memory_space<vmem>>
        %dma_wait3A_34 = tpu.memref_squeeze %dma_wait3A_33 : memref<1x8x128xi32, #tpu.memory_space<vmem>> -> memref<8x128xi32, #tpu.memory_space<vmem>>
        %dma_wait3A_35 = arith.constant 0 : i32
        %dma_wait3A_36 = arith.constant 0 : i32
        %dma_wait3A_37 = tpu.memref_slice %arg4[%arg1, %dma_wait3A_35, %dma_wait3A_36] : memref<16x80x128xi32, #tpu.memory_space<hbm>> -> memref<1x8x128xi32, #tpu.memory_space<hbm>>
        %dma_wait3A_38 = tpu.memref_squeeze %dma_wait3A_37 : memref<1x8x128xi32, #tpu.memory_space<hbm>> -> memref<8x128xi32, #tpu.memory_space<hbm>>
        %dma_wait3A_39 = arith.constant 0 : i32
        %dma_wait3A_40 = arith.constant 0 : i32
        %dma_wait3A_41 = tpu.memref_slice %arg8[%run_scoped3A, %dma_wait3A_39, %dma_wait3A_40] : memref<2x8x128xi32, #tpu.memory_space<vmem>> -> memref<1x8x128xi32, #tpu.memory_space<vmem>>
        %dma_wait3A_42 = tpu.memref_squeeze %dma_wait3A_41 : memref<1x8x128xi32, #tpu.memory_space<vmem>> -> memref<8x128xi32, #tpu.memory_space<vmem>>
        %dma_wait3A_43 = arith.constant 0 : i32
        %dma_wait3A_44 = arith.constant 0 : i32
        %dma_wait3A_45 = tpu.memref_slice %arg4[%arg1, %dma_wait3A_43, %dma_wait3A_44] : memref<16x80x128xi32, #tpu.memory_space<hbm>> -> memref<1x8x128xi32, #tpu.memory_space<hbm>>
        %dma_wait3A_46 = tpu.memref_squeeze %dma_wait3A_45 : memref<1x8x128xi32, #tpu.memory_space<hbm>> -> memref<8x128xi32, #tpu.memory_space<hbm>>
        tpu.wait_dma2 semaphore(%run_scoped3A_16 : memref<!tpu.dma_semaphore, #tpu.memory_space<semaphore_mem>>) src(%dma_wait3A_46 : memref<8x128xi32, #tpu.memory_space<hbm>>) dst(%dma_wait3A_42 : memref<8x128xi32, #tpu.memory_space<vmem>>)
        tpu.yield
      }) : () -> ()
      %mul3A = arith.constant 640 : i32
      %mul3A_13 = arith.muli %arg1, %mul3A : i32
      %mul3A_14 = arith.constant 640 : i32
      %mul3A_15 = arith.muli %arg1, %mul3A_14 : i32
      "tpu.region"() ({
        %run_scoped3A_16 = tpu.sem_alloc : memref<!tpu.dma_semaphore, #tpu.memory_space<semaphore_mem>>
        %dma_start3A = arith.constant 0 : i32
        %dma_start3A_17 = tpu.memref_slice %arg11[%mul3A_15, %dma_start3A] : memref<10240x128xf32, #tpu.memory_space<vmem_shared>> -> memref<640x128xf32, #tpu.memory_space<vmem_shared>>
        %dma_start3A_18 = arith.constant 0 : i32
        %dma_start3A_19 = tpu.memref_slice %arg5[%mul3A_13, %dma_start3A_18] : memref<10240x128xf32, #tpu.memory_space<hbm>> -> memref<640x128xf32, #tpu.memory_space<hbm>>
        tpu.enqueue_dma source(%dma_start3A_19 : memref<640x128xf32, #tpu.memory_space<hbm>>) target(%dma_start3A_17 : memref<640x128xf32, #tpu.memory_space<vmem_shared>>) target_semaphore(%run_scoped3A_16 : memref<!tpu.dma_semaphore, #tpu.memory_space<semaphore_mem>>)
        %dma_wait3A = arith.constant 0 : i32
        %dma_wait3A_20 = tpu.memref_slice %arg11[%mul3A_15, %dma_wait3A] : memref<10240x128xf32, #tpu.memory_space<vmem_shared>> -> memref<640x128xf32, #tpu.memory_space<vmem_shared>>
        %dma_wait3A_21 = arith.constant 0 : i32
        %dma_wait3A_22 = tpu.memref_slice %arg5[%mul3A_13, %dma_wait3A_21] : memref<10240x128xf32, #tpu.memory_space<hbm>> -> memref<640x128xf32, #tpu.memory_space<hbm>>
        tpu.wait_dma2 semaphore(%run_scoped3A_16 : memref<!tpu.dma_semaphore, #tpu.memory_space<semaphore_mem>>) src(%dma_wait3A_22 : memref<640x128xf32, #tpu.memory_space<hbm>>) dst(%dma_wait3A_20 : memref<640x128xf32, #tpu.memory_space<vmem_shared>>)
        tpu.yield
      }) : () -> ()
    } else {
    }
    %barrier3A = arith.constant 0 : index
    tpu.barrier barrier_id(%barrier3A)
    %eq3A_2 = arith.constant 0 : i32
    %eq3A_3 = arith.cmpi eq, %arg0, %eq3A_2 : i32
    %convert_element_type3A_4 = arith.extui %eq3A_3 : i1 to i32
    %cond3A_5 = arith.constant 0 : i32
    %cond3A_6 = arith.cmpi ne, %convert_element_type3A_4, %cond3A_5 : i32
    scf.if %cond3A_6 {
      %dma_start3A = arith.constant 1 : i32
      %dma_start3A_13 = arith.constant 0 : i32
      %dma_start3A_14 = arith.constant 0 : i32
      %dma_start3A_15 = tpu.memref_slice %arg8[%dma_start3A, %dma_start3A_13, %dma_start3A_14] : memref<2x8x128xi32, #tpu.memory_space<vmem>> -> memref<1x8x128xi32, #tpu.memory_space<vmem>>
      %dma_start3A_16 = tpu.memref_squeeze %dma_start3A_15 : memref<1x8x128xi32, #tpu.memory_space<vmem>> -> memref<8x128xi32, #tpu.memory_space<vmem>>
      %dma_start3A_17 = arith.constant 8 : i32
      %dma_start3A_18 = arith.constant 0 : i32
      %dma_start3A_19 = tpu.memref_slice %arg4[%arg1, %dma_start3A_17, %dma_start3A_18] : memref<16x80x128xi32, #tpu.memory_space<hbm>> -> memref<1x8x128xi32, #tpu.memory_space<hbm>>
      %dma_start3A_20 = tpu.memref_squeeze %dma_start3A_19 : memref<1x8x128xi32, #tpu.memory_space<hbm>> -> memref<8x128xi32, #tpu.memory_space<hbm>>
      %dma_start3A_21 = arith.constant 0 : i32
      %dma_start3A_22 = arith.constant 0 : i32
      %dma_start3A_23 = tpu.memref_slice %arg8[%dma_start3A, %dma_start3A_21, %dma_start3A_22] : memref<2x8x128xi32, #tpu.memory_space<vmem>> -> memref<1x8x128xi32, #tpu.memory_space<vmem>>
      %dma_start3A_24 = tpu.memref_squeeze %dma_start3A_23 : memref<1x8x128xi32, #tpu.memory_space<vmem>> -> memref<8x128xi32, #tpu.memory_space<vmem>>
      %dma_start3A_25 = arith.constant 8 : i32
      %dma_start3A_26 = arith.constant 0 : i32
      %dma_start3A_27 = tpu.memref_slice %arg4[%arg1, %dma_start3A_25, %dma_start3A_26] : memref<16x80x128xi32, #tpu.memory_space<hbm>> -> memref<1x8x128xi32, #tpu.memory_space<hbm>>
      %dma_start3A_28 = tpu.memref_squeeze %dma_start3A_27 : memref<1x8x128xi32, #tpu.memory_space<hbm>> -> memref<8x128xi32, #tpu.memory_space<hbm>>
      tpu.enqueue_dma source(%dma_start3A_28 : memref<8x128xi32, #tpu.memory_space<hbm>>) target(%dma_start3A_24 : memref<8x128xi32, #tpu.memory_space<vmem>>) target_semaphore(%arg15 : memref<!tpu.dma_semaphore, #tpu.memory_space<semaphore_mem>>)
      %dma_start3A_29 = arith.constant 0 : i32
      %dma_start3A_30 = arith.constant 0 : i32
      %dma_start3A_31 = tpu.memref_slice %arg7[%dma_start3A_29, %dma_start3A_30] : memref<80x128xi32, #tpu.memory_space<vmem>> -> memref<1x128xi32, #tpu.memory_space<vmem>>
      %dma_start3A_32 = tpu.memref_squeeze %dma_start3A_31 : memref<1x128xi32, #tpu.memory_space<vmem>> -> memref<128xi32, #tpu.memory_space<vmem>>
      %dma_start3A_33 = arith.constant 0 : i32
      %dma_start3A_34 = arith.constant 0 : i32
      %dma_start3A_35 = tpu.memref_slice %arg2[%dma_start3A_33, %dma_start3A_34] : memref<10240x128xf32, #tpu.memory_space<hbm>> -> memref<10240x128xf32, #tpu.memory_space<hbm>>
      tpu.enqueue_indirect_dma source(%dma_start3A_35 : memref<10240x128xf32, #tpu.memory_space<hbm>>) target(%arg9 : memref<128x128xf32, #tpu.memory_space<vmem>>) offsets(%dma_start3A_32 : memref<128xi32, #tpu.memory_space<vmem>>) semaphore(%arg12 : memref<!tpu.dma_semaphore, #tpu.memory_space<semaphore_mem>>)
      %scan3A = arith.constant 0 : i32
      %scan3A_36 = arith.constant 0 : i32
      %scan3A_37 = arith.constant 5 : i32
      %scan3A_38 = arith.addi %scan3A_36, %scan3A_37 : i32
      %scan3A_39 = arith.constant 1 : i32
      scf.for %scan3A_56 = %scan3A_36 to %scan3A_38 step %scan3A_39  : i32 {
        %mul3A = arith.constant 2 : i32
        %mul3A_57 = arith.muli %scan3A_56, %mul3A : i32
        %add3A = arith.constant 0 : i32
        %add3A_58 = arith.addi %mul3A_57, %add3A : i32
        %gt3A = arith.constant 0 : i32
        %gt3A_59 = arith.cmpi sgt, %add3A_58, %gt3A : i32
        %convert_element_type3A_60 = arith.extui %gt3A_59 : i1 to i32
        %cond3A_61 = arith.constant 0 : i32
        %cond3A_62 = arith.cmpi ne, %convert_element_type3A_60, %cond3A_61 : i32
        scf.if %cond3A_62 {
          %mul3A_485 = arith.constant 8 : i32
          %mul3A_486 = arith.muli %add3A_58, %mul3A_485 : i32
          %dma_wait3A_487 = arith.constant 0 : i32
          %dma_wait3A_488 = arith.constant 0 : i32
          %dma_wait3A_489 = arith.constant 0 : i32
          %dma_wait3A_490 = tpu.memref_slice %arg8[%dma_wait3A_487, %dma_wait3A_488, %dma_wait3A_489] : memref<2x8x128xi32, #tpu.memory_space<vmem>> -> memref<1x8x128xi32, #tpu.memory_space<vmem>>
          %dma_wait3A_491 = tpu.memref_squeeze %dma_wait3A_490 : memref<1x8x128xi32, #tpu.memory_space<vmem>> -> memref<8x128xi32, #tpu.memory_space<vmem>>
          %dma_wait3A_492 = arith.constant 0 : i32
          %dma_wait3A_493 = tpu.memref_slice %arg4[%arg1, %mul3A_486, %dma_wait3A_492] : memref<16x80x128xi32, #tpu.memory_space<hbm>> -> memref<1x8x128xi32, #tpu.memory_space<hbm>>
          %dma_wait3A_494 = tpu.memref_squeeze %dma_wait3A_493 : memref<1x8x128xi32, #tpu.memory_space<hbm>> -> memref<8x128xi32, #tpu.memory_space<hbm>>
          %dma_wait3A_495 = arith.constant 0 : i32
          %dma_wait3A_496 = arith.constant 0 : i32
          %dma_wait3A_497 = tpu.memref_slice %arg8[%dma_wait3A_487, %dma_wait3A_495, %dma_wait3A_496] : memref<2x8x128xi32, #tpu.memory_space<vmem>> -> memref<1x8x128xi32, #tpu.memory_space<vmem>>
          %dma_wait3A_498 = tpu.memref_squeeze %dma_wait3A_497 : memref<1x8x128xi32, #tpu.memory_space<vmem>> -> memref<8x128xi32, #tpu.memory_space<vmem>>
          %dma_wait3A_499 = arith.constant 0 : i32
          %dma_wait3A_500 = tpu.memref_slice %arg4[%arg1, %mul3A_486, %dma_wait3A_499] : memref<16x80x128xi32, #tpu.memory_space<hbm>> -> memref<1x8x128xi32, #tpu.memory_space<hbm>>
          %dma_wait3A_501 = tpu.memref_squeeze %dma_wait3A_500 : memref<1x8x128xi32, #tpu.memory_space<hbm>> -> memref<8x128xi32, #tpu.memory_space<hbm>>
          tpu.wait_dma2 semaphore(%arg14 : memref<!tpu.dma_semaphore, #tpu.memory_space<semaphore_mem>>) src(%dma_wait3A_501 : memref<8x128xi32, #tpu.memory_space<hbm>>) dst(%dma_wait3A_498 : memref<8x128xi32, #tpu.memory_space<vmem>>)
        } else {
        }
        %mul3A_63 = arith.constant 8 : i32
        %mul3A_64 = arith.muli %add3A_58, %mul3A_63 : i32
        %add3A_65 = arith.constant 0 : i32
        %add3A_66 = arith.addi %mul3A_64, %add3A_65 : i32
        %add3A_67 = arith.constant 1 : i32
        %add3A_68 = arith.addi %add3A_66, %add3A_67 : i32
        %lt3A = arith.constant 80 : i32
        %lt3A_69 = arith.cmpi slt, %add3A_68, %lt3A : i32
        %convert_element_type3A_70 = arith.extui %lt3A_69 : i1 to i32
        %cond3A_71 = arith.constant 0 : i32
        %cond3A_72 = arith.cmpi ne, %convert_element_type3A_70, %cond3A_71 : i32
        scf.if %cond3A_72 {
          %ge3A = arith.constant 1 : i32
          %ge3A_485 = arith.cmpi sge, %add3A_66, %ge3A : i32
          %convert_element_type3A_486 = arith.extui %ge3A_485 : i1 to i32
          %cond3A_487 = arith.constant 0 : i32
          %cond3A_488 = arith.cmpi ne, %convert_element_type3A_486, %cond3A_487 : i32
          scf.if %cond3A_488 {
            %dma_wait3A_511 = arith.constant 0 : i32
            %dma_wait3A_512 = arith.constant 0 : i32
            %dma_wait3A_513 = arith.constant 0 : i32
            %dma_wait3A_514 = tpu.memref_slice %arg8[%dma_wait3A_511, %dma_wait3A_512, %dma_wait3A_513] : memref<2x8x128xi32, #tpu.memory_space<vmem>> -> memref<1x1x128xi32, #tpu.memory_space<vmem>>
            %dma_wait3A_515 = tpu.memref_squeeze %dma_wait3A_514 : memref<1x1x128xi32, #tpu.memory_space<vmem>> -> memref<128xi32, #tpu.memory_space<vmem>>
            %dma_wait3A_516 = arith.constant 0 : i32
            %dma_wait3A_517 = arith.constant 0 : i32
            %dma_wait3A_518 = tpu.memref_slice %arg11[%dma_wait3A_516, %dma_wait3A_517] : memref<10240x128xf32, #tpu.memory_space<vmem_shared>> -> memref<10240x128xf32, #tpu.memory_space<vmem_shared>>
            tpu.wait_indirect_dma semaphore(%arg17 : memref<!tpu.dma_semaphore, #tpu.memory_space<semaphore_mem>>) src(%arg10 : memref<128x128xf32, #tpu.memory_space<vmem>>) dst(%dma_wait3A_518 : memref<10240x128xf32, #tpu.memory_space<vmem_shared>>)
          } else {
          }
          %add3A_489 = arith.constant 1 : i32
          %add3A_490 = arith.addi %add3A_66, %add3A_489 : i32
          %dma_start3A_491 = arith.constant 0 : i32
          %dma_start3A_492 = arith.constant 0 : i32
          %dma_start3A_493 = tpu.memref_slice %arg10[%dma_start3A_491, %dma_start3A_492] : memref<128x128xf32, #tpu.memory_space<vmem>> -> memref<64x128xf32, #tpu.memory_space<vmem>>
          %dma_start3A_494 = arith.constant 0 : i32
          %dma_start3A_495 = tpu.memref_slice %arg7[%add3A_490, %dma_start3A_494] : memref<80x128xi32, #tpu.memory_space<vmem>> -> memref<1x64xi32, #tpu.memory_space<vmem>>
          %dma_start3A_496 = tpu.memref_squeeze %dma_start3A_495 : memref<1x64xi32, #tpu.memory_space<vmem>> -> memref<64xi32, #tpu.memory_space<vmem>>
          %dma_start3A_497 = arith.constant 0 : i32
          %dma_start3A_498 = arith.constant 0 : i32
          %dma_start3A_499 = tpu.memref_slice %arg2[%dma_start3A_497, %dma_start3A_498] : memref<10240x128xf32, #tpu.memory_space<hbm>> -> memref<10240x128xf32, #tpu.memory_space<hbm>>
          tpu.enqueue_indirect_dma source(%dma_start3A_499 : memref<10240x128xf32, #tpu.memory_space<hbm>>) target(%dma_start3A_493 : memref<64x128xf32, #tpu.memory_space<vmem>>) offsets(%dma_start3A_496 : memref<64xi32, #tpu.memory_space<vmem>>) semaphore(%arg13 : memref<!tpu.dma_semaphore, #tpu.memory_space<semaphore_mem>>)
          %add3A_500 = arith.constant 1 : i32
          %add3A_501 = arith.addi %add3A_66, %add3A_500 : i32
          %dma_start3A_502 = arith.constant 64 : i32
          %dma_start3A_503 = arith.constant 0 : i32
          %dma_start3A_504 = tpu.memref_slice %arg10[%dma_start3A_502, %dma_start3A_503] : memref<128x128xf32, #tpu.memory_space<vmem>> -> memref<64x128xf32, #tpu.memory_space<vmem>>
          %dma_start3A_505 = arith.constant 64 : i32
          %dma_start3A_506 = tpu.memref_slice %arg7[%add3A_501, %dma_start3A_505] : memref<80x128xi32, #tpu.memory_space<vmem>> -> memref<1x64xi32, #tpu.memory_space<vmem>>
          %dma_start3A_507 = tpu.memref_squeeze %dma_start3A_506 : memref<1x64xi32, #tpu.memory_space<vmem>> -> memref<64xi32, #tpu.memory_space<vmem>>
          %dma_start3A_508 = arith.constant 0 : i32
          %dma_start3A_509 = arith.constant 0 : i32
          %dma_start3A_510 = tpu.memref_slice %arg2[%dma_start3A_508, %dma_start3A_509] : memref<10240x128xf32, #tpu.memory_space<hbm>> -> memref<10240x128xf32, #tpu.memory_space<hbm>>
          tpu.enqueue_indirect_dma source(%dma_start3A_510 : memref<10240x128xf32, #tpu.memory_space<hbm>>) target(%dma_start3A_504 : memref<64x128xf32, #tpu.memory_space<vmem>>) offsets(%dma_start3A_507 : memref<64xi32, #tpu.memory_space<vmem>>) semaphore(%arg13 : memref<!tpu.dma_semaphore, #tpu.memory_space<semaphore_mem>>)
        } else {
        }
        %dma_wait3A_73 = arith.constant 0 : i32
        %dma_wait3A_74 = tpu.memref_slice %arg7[%add3A_66, %dma_wait3A_73] : memref<80x128xi32, #tpu.memory_space<vmem>> -> memref<1x128xi32, #tpu.memory_space<vmem>>
        %dma_wait3A_75 = tpu.memref_squeeze %dma_wait3A_74 : memref<1x128xi32, #tpu.memory_space<vmem>> -> memref<128xi32, #tpu.memory_space<vmem>>
        %dma_wait3A_76 = arith.constant 0 : i32
        %dma_wait3A_77 = arith.constant 0 : i32
        %dma_wait3A_78 = tpu.memref_slice %arg2[%dma_wait3A_76, %dma_wait3A_77] : memref<10240x128xf32, #tpu.memory_space<hbm>> -> memref<10240x128xf32, #tpu.memory_space<hbm>>
        tpu.wait_indirect_dma semaphore(%arg12 : memref<!tpu.dma_semaphore, #tpu.memory_space<semaphore_mem>>) src(%dma_wait3A_78 : memref<10240x128xf32, #tpu.memory_space<hbm>>) dst(%arg9 : memref<128x128xf32, #tpu.memory_space<vmem>>)
        %dma_start3A_79 = arith.constant 0 : i32
        %dma_start3A_80 = arith.constant 0 : i32
        %dma_start3A_81 = arith.constant 0 : i32
        %dma_start3A_82 = tpu.memref_slice %arg8[%dma_start3A_79, %dma_start3A_80, %dma_start3A_81] : memref<2x8x128xi32, #tpu.memory_space<vmem>> -> memref<1x1x128xi32, #tpu.memory_space<vmem>>
        %dma_start3A_83 = tpu.memref_squeeze %dma_start3A_82 : memref<1x1x128xi32, #tpu.memory_space<vmem>> -> memref<128xi32, #tpu.memory_space<vmem>>
        %dma_start3A_84 = arith.constant 0 : i32
        %dma_start3A_85 = arith.constant 0 : i32
        %dma_start3A_86 = tpu.memref_slice %arg11[%dma_start3A_84, %dma_start3A_85] : memref<10240x128xf32, #tpu.memory_space<vmem_shared>> -> memref<10240x128xf32, #tpu.memory_space<vmem_shared>>
        tpu.enqueue_indirect_dma source(%arg9 : memref<128x128xf32, #tpu.memory_space<vmem>>) target(%dma_start3A_86 : memref<10240x128xf32, #tpu.memory_space<vmem_shared>>) offsets(%dma_start3A_83 : memref<128xi32, #tpu.memory_space<vmem>>) semaphore(%arg16 : memref<!tpu.dma_semaphore, #tpu.memory_space<semaphore_mem>>) {add = true}
        %mul3A_87 = arith.constant 8 : i32
        %mul3A_88 = arith.muli %add3A_58, %mul3A_87 : i32
        %add3A_89 = arith.constant 1 : i32
        %add3A_90 = arith.addi %mul3A_88, %add3A_89 : i32
        %add3A_91 = arith.constant 1 : i32
        %add3A_92 = arith.addi %add3A_90, %add3A_91 : i32
        %lt3A_93 = arith.constant 80 : i32
        %lt3A_94 = arith.cmpi slt, %add3A_92, %lt3A_93 : i32
        %convert_element_type3A_95 = arith.extui %lt3A_94 : i1 to i32
        %cond3A_96 = arith.constant 0 : i32
        %cond3A_97 = arith.cmpi ne, %convert_element_type3A_95, %cond3A_96 : i32
        scf.if %cond3A_97 {
          %ge3A = arith.constant 1 : i32
          %ge3A_485 = arith.cmpi sge, %add3A_90, %ge3A : i32
          %convert_element_type3A_486 = arith.extui %ge3A_485 : i1 to i32
          %cond3A_487 = arith.constant 0 : i32
          %cond3A_488 = arith.cmpi ne, %convert_element_type3A_486, %cond3A_487 : i32
          scf.if %cond3A_488 {
            %dma_wait3A_511 = arith.constant 0 : i32
            %dma_wait3A_512 = arith.constant 1 : i32
            %dma_wait3A_513 = arith.constant 0 : i32
            %dma_wait3A_514 = tpu.memref_slice %arg8[%dma_wait3A_511, %dma_wait3A_512, %dma_wait3A_513] : memref<2x8x128xi32, #tpu.memory_space<vmem>> -> memref<1x1x128xi32, #tpu.memory_space<vmem>>
            %dma_wait3A_515 = tpu.memref_squeeze %dma_wait3A_514 : memref<1x1x128xi32, #tpu.memory_space<vmem>> -> memref<128xi32, #tpu.memory_space<vmem>>
            %dma_wait3A_516 = arith.constant 0 : i32
            %dma_wait3A_517 = arith.constant 0 : i32
            %dma_wait3A_518 = tpu.memref_slice %arg11[%dma_wait3A_516, %dma_wait3A_517] : memref<10240x128xf32, #tpu.memory_space<vmem_shared>> -> memref<10240x128xf32, #tpu.memory_space<vmem_shared>>
            tpu.wait_indirect_dma semaphore(%arg16 : memref<!tpu.dma_semaphore, #tpu.memory_space<semaphore_mem>>) src(%arg9 : memref<128x128xf32, #tpu.memory_space<vmem>>) dst(%dma_wait3A_518 : memref<10240x128xf32, #tpu.memory_space<vmem_shared>>)
          } else {
          }
          %add3A_489 = arith.constant 1 : i32
          %add3A_490 = arith.addi %add3A_90, %add3A_489 : i32
          %dma_start3A_491 = arith.constant 0 : i32
          %dma_start3A_492 = arith.constant 0 : i32
          %dma_start3A_493 = tpu.memref_slice %arg9[%dma_start3A_491, %dma_start3A_492] : memref<128x128xf32, #tpu.memory_space<vmem>> -> memref<64x128xf32, #tpu.memory_space<vmem>>
          %dma_start3A_494 = arith.constant 0 : i32
          %dma_start3A_495 = tpu.memref_slice %arg7[%add3A_490, %dma_start3A_494] : memref<80x128xi32, #tpu.memory_space<vmem>> -> memref<1x64xi32, #tpu.memory_space<vmem>>
          %dma_start3A_496 = tpu.memref_squeeze %dma_start3A_495 : memref<1x64xi32, #tpu.memory_space<vmem>> -> memref<64xi32, #tpu.memory_space<vmem>>
          %dma_start3A_497 = arith.constant 0 : i32
          %dma_start3A_498 = arith.constant 0 : i32
          %dma_start3A_499 = tpu.memref_slice %arg2[%dma_start3A_497, %dma_start3A_498] : memref<10240x128xf32, #tpu.memory_space<hbm>> -> memref<10240x128xf32, #tpu.memory_space<hbm>>
          tpu.enqueue_indirect_dma source(%dma_start3A_499 : memref<10240x128xf32, #tpu.memory_space<hbm>>) target(%dma_start3A_493 : memref<64x128xf32, #tpu.memory_space<vmem>>) offsets(%dma_start3A_496 : memref<64xi32, #tpu.memory_space<vmem>>) semaphore(%arg12 : memref<!tpu.dma_semaphore, #tpu.memory_space<semaphore_mem>>)
          %add3A_500 = arith.constant 1 : i32
          %add3A_501 = arith.addi %add3A_90, %add3A_500 : i32
          %dma_start3A_502 = arith.constant 64 : i32
          %dma_start3A_503 = arith.constant 0 : i32
          %dma_start3A_504 = tpu.memref_slice %arg9[%dma_start3A_502, %dma_start3A_503] : memref<128x128xf32, #tpu.memory_space<vmem>> -> memref<64x128xf32, #tpu.memory_space<vmem>>
          %dma_start3A_505 = arith.constant 64 : i32
          %dma_start3A_506 = tpu.memref_slice %arg7[%add3A_501, %dma_start3A_505] : memref<80x128xi32, #tpu.memory_space<vmem>> -> memref<1x64xi32, #tpu.memory_space<vmem>>
          %dma_start3A_507 = tpu.memref_squeeze %dma_start3A_506 : memref<1x64xi32, #tpu.memory_space<vmem>> -> memref<64xi32, #tpu.memory_space<vmem>>
          %dma_start3A_508 = arith.constant 0 : i32
          %dma_start3A_509 = arith.constant 0 : i32
          %dma_start3A_510 = tpu.memref_slice %arg2[%dma_start3A_508, %dma_start3A_509] : memref<10240x128xf32, #tpu.memory_space<hbm>> -> memref<10240x128xf32, #tpu.memory_space<hbm>>
          tpu.enqueue_indirect_dma source(%dma_start3A_510 : memref<10240x128xf32, #tpu.memory_space<hbm>>) target(%dma_start3A_504 : memref<64x128xf32, #tpu.memory_space<vmem>>) offsets(%dma_start3A_507 : memref<64xi32, #tpu.memory_space<vmem>>) semaphore(%arg12 : memref<!tpu.dma_semaphore, #tpu.memory_space<semaphore_mem>>)
        } else {
        }
        %dma_wait3A_98 = arith.constant 0 : i32
        %dma_wait3A_99 = tpu.memref_slice %arg7[%add3A_90, %dma_wait3A_98] : memref<80x128xi32, #tpu.memory_space<vmem>> -> memref<1x128xi32, #tpu.memory_space<vmem>>
        %dma_wait3A_100 = tpu.memref_squeeze %dma_wait3A_99 : memref<1x128xi32, #tpu.memory_space<vmem>> -> memref<128xi32, #tpu.memory_space<vmem>>
        %dma_wait3A_101 = arith.constant 0 : i32
        %dma_wait3A_102 = arith.constant 0 : i32
        %dma_wait3A_103 = tpu.memref_slice %arg2[%dma_wait3A_101, %dma_wait3A_102] : memref<10240x128xf32, #tpu.memory_space<hbm>> -> memref<10240x128xf32, #tpu.memory_space<hbm>>
        tpu.wait_indirect_dma semaphore(%arg13 : memref<!tpu.dma_semaphore, #tpu.memory_space<semaphore_mem>>) src(%dma_wait3A_103 : memref<10240x128xf32, #tpu.memory_space<hbm>>) dst(%arg10 : memref<128x128xf32, #tpu.memory_space<vmem>>)
        %dma_start3A_104 = arith.constant 0 : i32
        %dma_start3A_105 = arith.constant 1 : i32
        %dma_start3A_106 = arith.constant 0 : i32
        %dma_start3A_107 = tpu.memref_slice %arg8[%dma_start3A_104, %dma_start3A_105, %dma_start3A_106] : memref<2x8x128xi32, #tpu.memory_space<vmem>> -> memref<1x1x128xi32, #tpu.memory_space<vmem>>
        %dma_start3A_108 = tpu.memref_squeeze %dma_start3A_107 : memref<1x1x128xi32, #tpu.memory_space<vmem>> -> memref<128xi32, #tpu.memory_space<vmem>>
        %dma_start3A_109 = arith.constant 0 : i32
        %dma_start3A_110 = arith.constant 0 : i32
        %dma_start3A_111 = tpu.memref_slice %arg11[%dma_start3A_109, %dma_start3A_110] : memref<10240x128xf32, #tpu.memory_space<vmem_shared>> -> memref<10240x128xf32, #tpu.memory_space<vmem_shared>>
        tpu.enqueue_indirect_dma source(%arg10 : memref<128x128xf32, #tpu.memory_space<vmem>>) target(%dma_start3A_111 : memref<10240x128xf32, #tpu.memory_space<vmem_shared>>) offsets(%dma_start3A_108 : memref<128xi32, #tpu.memory_space<vmem>>) semaphore(%arg17 : memref<!tpu.dma_semaphore, #tpu.memory_space<semaphore_mem>>) {add = true}
        %mul3A_112 = arith.constant 8 : i32
        %mul3A_113 = arith.muli %add3A_58, %mul3A_112 : i32
        %add3A_114 = arith.constant 2 : i32
        %add3A_115 = arith.addi %mul3A_113, %add3A_114 : i32
        %add3A_116 = arith.constant 1 : i32
        %add3A_117 = arith.addi %add3A_115, %add3A_116 : i32
        %lt3A_118 = arith.constant 80 : i32
        %lt3A_119 = arith.cmpi slt, %add3A_117, %lt3A_118 : i32
        %convert_element_type3A_120 = arith.extui %lt3A_119 : i1 to i32
        %cond3A_121 = arith.constant 0 : i32
        %cond3A_122 = arith.cmpi ne, %convert_element_type3A_120, %cond3A_121 : i32
        scf.if %cond3A_122 {
          %ge3A = arith.constant 1 : i32
          %ge3A_485 = arith.cmpi sge, %add3A_115, %ge3A : i32
          %convert_element_type3A_486 = arith.extui %ge3A_485 : i1 to i32
          %cond3A_487 = arith.constant 0 : i32
          %cond3A_488 = arith.cmpi ne, %convert_element_type3A_486, %cond3A_487 : i32
          scf.if %cond3A_488 {
            %dma_wait3A_511 = arith.constant 0 : i32
            %dma_wait3A_512 = arith.constant 2 : i32
            %dma_wait3A_513 = arith.constant 0 : i32
            %dma_wait3A_514 = tpu.memref_slice %arg8[%dma_wait3A_511, %dma_wait3A_512, %dma_wait3A_513] : memref<2x8x128xi32, #tpu.memory_space<vmem>> -> memref<1x1x128xi32, #tpu.memory_space<vmem>>
            %dma_wait3A_515 = tpu.memref_squeeze %dma_wait3A_514 : memref<1x1x128xi32, #tpu.memory_space<vmem>> -> memref<128xi32, #tpu.memory_space<vmem>>
            %dma_wait3A_516 = arith.constant 0 : i32
            %dma_wait3A_517 = arith.constant 0 : i32
            %dma_wait3A_518 = tpu.memref_slice %arg11[%dma_wait3A_516, %dma_wait3A_517] : memref<10240x128xf32, #tpu.memory_space<vmem_shared>> -> memref<10240x128xf32, #tpu.memory_space<vmem_shared>>
            tpu.wait_indirect_dma semaphore(%arg17 : memref<!tpu.dma_semaphore, #tpu.memory_space<semaphore_mem>>) src(%arg10 : memref<128x128xf32, #tpu.memory_space<vmem>>) dst(%dma_wait3A_518 : memref<10240x128xf32, #tpu.memory_space<vmem_shared>>)
          } else {
          }
          %add3A_489 = arith.constant 1 : i32
          %add3A_490 = arith.addi %add3A_115, %add3A_489 : i32
          %dma_start3A_491 = arith.constant 0 : i32
          %dma_start3A_492 = arith.constant 0 : i32
          %dma_start3A_493 = tpu.memref_slice %arg10[%dma_start3A_491, %dma_start3A_492] : memref<128x128xf32, #tpu.memory_space<vmem>> -> memref<64x128xf32, #tpu.memory_space<vmem>>
          %dma_start3A_494 = arith.constant 0 : i32
          %dma_start3A_495 = tpu.memref_slice %arg7[%add3A_490, %dma_start3A_494] : memref<80x128xi32, #tpu.memory_space<vmem>> -> memref<1x64xi32, #tpu.memory_space<vmem>>
          %dma_start3A_496 = tpu.memref_squeeze %dma_start3A_495 : memref<1x64xi32, #tpu.memory_space<vmem>> -> memref<64xi32, #tpu.memory_space<vmem>>
          %dma_start3A_497 = arith.constant 0 : i32
          %dma_start3A_498 = arith.constant 0 : i32
          %dma_start3A_499 = tpu.memref_slice %arg2[%dma_start3A_497, %dma_start3A_498] : memref<10240x128xf32, #tpu.memory_space<hbm>> -> memref<10240x128xf32, #tpu.memory_space<hbm>>
          tpu.enqueue_indirect_dma source(%dma_start3A_499 : memref<10240x128xf32, #tpu.memory_space<hbm>>) target(%dma_start3A_493 : memref<64x128xf32, #tpu.memory_space<vmem>>) offsets(%dma_start3A_496 : memref<64xi32, #tpu.memory_space<vmem>>) semaphore(%arg13 : memref<!tpu.dma_semaphore, #tpu.memory_space<semaphore_mem>>)
          %add3A_500 = arith.constant 1 : i32
          %add3A_501 = arith.addi %add3A_115, %add3A_500 : i32
          %dma_start3A_502 = arith.constant 64 : i32
          %dma_start3A_503 = arith.constant 0 : i32
          %dma_start3A_504 = tpu.memref_slice %arg10[%dma_start3A_502, %dma_start3A_503] : memref<128x128xf32, #tpu.memory_space<vmem>> -> memref<64x128xf32, #tpu.memory_space<vmem>>
          %dma_start3A_505 = arith.constant 64 : i32
          %dma_start3A_506 = tpu.memref_slice %arg7[%add3A_501, %dma_start3A_505] : memref<80x128xi32, #tpu.memory_space<vmem>> -> memref<1x64xi32, #tpu.memory_space<vmem>>
          %dma_start3A_507 = tpu.memref_squeeze %dma_start3A_506 : memref<1x64xi32, #tpu.memory_space<vmem>> -> memref<64xi32, #tpu.memory_space<vmem>>
          %dma_start3A_508 = arith.constant 0 : i32
          %dma_start3A_509 = arith.constant 0 : i32
          %dma_start3A_510 = tpu.memref_slice %arg2[%dma_start3A_508, %dma_start3A_509] : memref<10240x128xf32, #tpu.memory_space<hbm>> -> memref<10240x128xf32, #tpu.memory_space<hbm>>
          tpu.enqueue_indirect_dma source(%dma_start3A_510 : memref<10240x128xf32, #tpu.memory_space<hbm>>) target(%dma_start3A_504 : memref<64x128xf32, #tpu.memory_space<vmem>>) offsets(%dma_start3A_507 : memref<64xi32, #tpu.memory_space<vmem>>) semaphore(%arg13 : memref<!tpu.dma_semaphore, #tpu.memory_space<semaphore_mem>>)
        } else {
        }
        %dma_wait3A_123 = arith.constant 0 : i32
        %dma_wait3A_124 = tpu.memref_slice %arg7[%add3A_115, %dma_wait3A_123] : memref<80x128xi32, #tpu.memory_space<vmem>> -> memref<1x128xi32, #tpu.memory_space<vmem>>
        %dma_wait3A_125 = tpu.memref_squeeze %dma_wait3A_124 : memref<1x128xi32, #tpu.memory_space<vmem>> -> memref<128xi32, #tpu.memory_space<vmem>>
        %dma_wait3A_126 = arith.constant 0 : i32
        %dma_wait3A_127 = arith.constant 0 : i32
        %dma_wait3A_128 = tpu.memref_slice %arg2[%dma_wait3A_126, %dma_wait3A_127] : memref<10240x128xf32, #tpu.memory_space<hbm>> -> memref<10240x128xf32, #tpu.memory_space<hbm>>
        tpu.wait_indirect_dma semaphore(%arg12 : memref<!tpu.dma_semaphore, #tpu.memory_space<semaphore_mem>>) src(%dma_wait3A_128 : memref<10240x128xf32, #tpu.memory_space<hbm>>) dst(%arg9 : memref<128x128xf32, #tpu.memory_space<vmem>>)
        %dma_start3A_129 = arith.constant 0 : i32
        %dma_start3A_130 = arith.constant 2 : i32
        %dma_start3A_131 = arith.constant 0 : i32
        %dma_start3A_132 = tpu.memref_slice %arg8[%dma_start3A_129, %dma_start3A_130, %dma_start3A_131] : memref<2x8x128xi32, #tpu.memory_space<vmem>> -> memref<1x1x128xi32, #tpu.memory_space<vmem>>
        %dma_start3A_133 = tpu.memref_squeeze %dma_start3A_132 : memref<1x1x128xi32, #tpu.memory_space<vmem>> -> memref<128xi32, #tpu.memory_space<vmem>>
        %dma_start3A_134 = arith.constant 0 : i32
        %dma_start3A_135 = arith.constant 0 : i32
        %dma_start3A_136 = tpu.memref_slice %arg11[%dma_start3A_134, %dma_start3A_135] : memref<10240x128xf32, #tpu.memory_space<vmem_shared>> -> memref<10240x128xf32, #tpu.memory_space<vmem_shared>>
        tpu.enqueue_indirect_dma source(%arg9 : memref<128x128xf32, #tpu.memory_space<vmem>>) target(%dma_start3A_136 : memref<10240x128xf32, #tpu.memory_space<vmem_shared>>) offsets(%dma_start3A_133 : memref<128xi32, #tpu.memory_space<vmem>>) semaphore(%arg16 : memref<!tpu.dma_semaphore, #tpu.memory_space<semaphore_mem>>) {add = true}
        %mul3A_137 = arith.constant 8 : i32
        %mul3A_138 = arith.muli %add3A_58, %mul3A_137 : i32
        %add3A_139 = arith.constant 3 : i32
        %add3A_140 = arith.addi %mul3A_138, %add3A_139 : i32
        %add3A_141 = arith.constant 1 : i32
        %add3A_142 = arith.addi %add3A_140, %add3A_141 : i32
        %lt3A_143 = arith.constant 80 : i32
        %lt3A_144 = arith.cmpi slt, %add3A_142, %lt3A_143 : i32
        %convert_element_type3A_145 = arith.extui %lt3A_144 : i1 to i32
        %cond3A_146 = arith.constant 0 : i32
        %cond3A_147 = arith.cmpi ne, %convert_element_type3A_145, %cond3A_146 : i32
        scf.if %cond3A_147 {
          %ge3A = arith.constant 1 : i32
          %ge3A_485 = arith.cmpi sge, %add3A_140, %ge3A : i32
          %convert_element_type3A_486 = arith.extui %ge3A_485 : i1 to i32
          %cond3A_487 = arith.constant 0 : i32
          %cond3A_488 = arith.cmpi ne, %convert_element_type3A_486, %cond3A_487 : i32
          scf.if %cond3A_488 {
            %dma_wait3A_511 = arith.constant 0 : i32
            %dma_wait3A_512 = arith.constant 3 : i32
            %dma_wait3A_513 = arith.constant 0 : i32
            %dma_wait3A_514 = tpu.memref_slice %arg8[%dma_wait3A_511, %dma_wait3A_512, %dma_wait3A_513] : memref<2x8x128xi32, #tpu.memory_space<vmem>> -> memref<1x1x128xi32, #tpu.memory_space<vmem>>
            %dma_wait3A_515 = tpu.memref_squeeze %dma_wait3A_514 : memref<1x1x128xi32, #tpu.memory_space<vmem>> -> memref<128xi32, #tpu.memory_space<vmem>>
            %dma_wait3A_516 = arith.constant 0 : i32
            %dma_wait3A_517 = arith.constant 0 : i32
            %dma_wait3A_518 = tpu.memref_slice %arg11[%dma_wait3A_516, %dma_wait3A_517] : memref<10240x128xf32, #tpu.memory_space<vmem_shared>> -> memref<10240x128xf32, #tpu.memory_space<vmem_shared>>
            tpu.wait_indirect_dma semaphore(%arg16 : memref<!tpu.dma_semaphore, #tpu.memory_space<semaphore_mem>>) src(%arg9 : memref<128x128xf32, #tpu.memory_space<vmem>>) dst(%dma_wait3A_518 : memref<10240x128xf32, #tpu.memory_space<vmem_shared>>)
          } else {
          }
          %add3A_489 = arith.constant 1 : i32
          %add3A_490 = arith.addi %add3A_140, %add3A_489 : i32
          %dma_start3A_491 = arith.constant 0 : i32
          %dma_start3A_492 = arith.constant 0 : i32
          %dma_start3A_493 = tpu.memref_slice %arg9[%dma_start3A_491, %dma_start3A_492] : memref<128x128xf32, #tpu.memory_space<vmem>> -> memref<64x128xf32, #tpu.memory_space<vmem>>
          %dma_start3A_494 = arith.constant 0 : i32
          %dma_start3A_495 = tpu.memref_slice %arg7[%add3A_490, %dma_start3A_494] : memref<80x128xi32, #tpu.memory_space<vmem>> -> memref<1x64xi32, #tpu.memory_space<vmem>>
          %dma_start3A_496 = tpu.memref_squeeze %dma_start3A_495 : memref<1x64xi32, #tpu.memory_space<vmem>> -> memref<64xi32, #tpu.memory_space<vmem>>
          %dma_start3A_497 = arith.constant 0 : i32
          %dma_start3A_498 = arith.constant 0 : i32
          %dma_start3A_499 = tpu.memref_slice %arg2[%dma_start3A_497, %dma_start3A_498] : memref<10240x128xf32, #tpu.memory_space<hbm>> -> memref<10240x128xf32, #tpu.memory_space<hbm>>
          tpu.enqueue_indirect_dma source(%dma_start3A_499 : memref<10240x128xf32, #tpu.memory_space<hbm>>) target(%dma_start3A_493 : memref<64x128xf32, #tpu.memory_space<vmem>>) offsets(%dma_start3A_496 : memref<64xi32, #tpu.memory_space<vmem>>) semaphore(%arg12 : memref<!tpu.dma_semaphore, #tpu.memory_space<semaphore_mem>>)
          %add3A_500 = arith.constant 1 : i32
          %add3A_501 = arith.addi %add3A_140, %add3A_500 : i32
          %dma_start3A_502 = arith.constant 64 : i32
          %dma_start3A_503 = arith.constant 0 : i32
          %dma_start3A_504 = tpu.memref_slice %arg9[%dma_start3A_502, %dma_start3A_503] : memref<128x128xf32, #tpu.memory_space<vmem>> -> memref<64x128xf32, #tpu.memory_space<vmem>>
          %dma_start3A_505 = arith.constant 64 : i32
          %dma_start3A_506 = tpu.memref_slice %arg7[%add3A_501, %dma_start3A_505] : memref<80x128xi32, #tpu.memory_space<vmem>> -> memref<1x64xi32, #tpu.memory_space<vmem>>
          %dma_start3A_507 = tpu.memref_squeeze %dma_start3A_506 : memref<1x64xi32, #tpu.memory_space<vmem>> -> memref<64xi32, #tpu.memory_space<vmem>>
          %dma_start3A_508 = arith.constant 0 : i32
          %dma_start3A_509 = arith.constant 0 : i32
          %dma_start3A_510 = tpu.memref_slice %arg2[%dma_start3A_508, %dma_start3A_509] : memref<10240x128xf32, #tpu.memory_space<hbm>> -> memref<10240x128xf32, #tpu.memory_space<hbm>>
          tpu.enqueue_indirect_dma source(%dma_start3A_510 : memref<10240x128xf32, #tpu.memory_space<hbm>>) target(%dma_start3A_504 : memref<64x128xf32, #tpu.memory_space<vmem>>) offsets(%dma_start3A_507 : memref<64xi32, #tpu.memory_space<vmem>>) semaphore(%arg12 : memref<!tpu.dma_semaphore, #tpu.memory_space<semaphore_mem>>)
        } else {
        }
        %dma_wait3A_148 = arith.constant 0 : i32
        %dma_wait3A_149 = tpu.memref_slice %arg7[%add3A_140, %dma_wait3A_148] : memref<80x128xi32, #tpu.memory_space<vmem>> -> memref<1x128xi32, #tpu.memory_space<vmem>>
        %dma_wait3A_150 = tpu.memref_squeeze %dma_wait3A_149 : memref<1x128xi32, #tpu.memory_space<vmem>> -> memref<128xi32, #tpu.memory_space<vmem>>
        %dma_wait3A_151 = arith.constant 0 : i32
        %dma_wait3A_152 = arith.constant 0 : i32
        %dma_wait3A_153 = tpu.memref_slice %arg2[%dma_wait3A_151, %dma_wait3A_152] : memref<10240x128xf32, #tpu.memory_space<hbm>> -> memref<10240x128xf32, #tpu.memory_space<hbm>>
        tpu.wait_indirect_dma semaphore(%arg13 : memref<!tpu.dma_semaphore, #tpu.memory_space<semaphore_mem>>) src(%dma_wait3A_153 : memref<10240x128xf32, #tpu.memory_space<hbm>>) dst(%arg10 : memref<128x128xf32, #tpu.memory_space<vmem>>)
        %dma_start3A_154 = arith.constant 0 : i32
        %dma_start3A_155 = arith.constant 3 : i32
        %dma_start3A_156 = arith.constant 0 : i32
        %dma_start3A_157 = tpu.memref_slice %arg8[%dma_start3A_154, %dma_start3A_155, %dma_start3A_156] : memref<2x8x128xi32, #tpu.memory_space<vmem>> -> memref<1x1x128xi32, #tpu.memory_space<vmem>>
        %dma_start3A_158 = tpu.memref_squeeze %dma_start3A_157 : memref<1x1x128xi32, #tpu.memory_space<vmem>> -> memref<128xi32, #tpu.memory_space<vmem>>
        %dma_start3A_159 = arith.constant 0 : i32
        %dma_start3A_160 = arith.constant 0 : i32
        %dma_start3A_161 = tpu.memref_slice %arg11[%dma_start3A_159, %dma_start3A_160] : memref<10240x128xf32, #tpu.memory_space<vmem_shared>> -> memref<10240x128xf32, #tpu.memory_space<vmem_shared>>
        tpu.enqueue_indirect_dma source(%arg10 : memref<128x128xf32, #tpu.memory_space<vmem>>) target(%dma_start3A_161 : memref<10240x128xf32, #tpu.memory_space<vmem_shared>>) offsets(%dma_start3A_158 : memref<128xi32, #tpu.memory_space<vmem>>) semaphore(%arg17 : memref<!tpu.dma_semaphore, #tpu.memory_space<semaphore_mem>>) {add = true}
        %mul3A_162 = arith.constant 8 : i32
        %mul3A_163 = arith.muli %add3A_58, %mul3A_162 : i32
        %add3A_164 = arith.constant 4 : i32
        %add3A_165 = arith.addi %mul3A_163, %add3A_164 : i32
        %add3A_166 = arith.constant 1 : i32
        %add3A_167 = arith.addi %add3A_165, %add3A_166 : i32
        %lt3A_168 = arith.constant 80 : i32
        %lt3A_169 = arith.cmpi slt, %add3A_167, %lt3A_168 : i32
        %convert_element_type3A_170 = arith.extui %lt3A_169 : i1 to i32
        %cond3A_171 = arith.constant 0 : i32
        %cond3A_172 = arith.cmpi ne, %convert_element_type3A_170, %cond3A_171 : i32
        scf.if %cond3A_172 {
          %ge3A = arith.constant 1 : i32
          %ge3A_485 = arith.cmpi sge, %add3A_165, %ge3A : i32
          %convert_element_type3A_486 = arith.extui %ge3A_485 : i1 to i32
          %cond3A_487 = arith.constant 0 : i32
          %cond3A_488 = arith.cmpi ne, %convert_element_type3A_486, %cond3A_487 : i32
          scf.if %cond3A_488 {
            %dma_wait3A_511 = arith.constant 0 : i32
            %dma_wait3A_512 = arith.constant 4 : i32
            %dma_wait3A_513 = arith.constant 0 : i32
            %dma_wait3A_514 = tpu.memref_slice %arg8[%dma_wait3A_511, %dma_wait3A_512, %dma_wait3A_513] : memref<2x8x128xi32, #tpu.memory_space<vmem>> -> memref<1x1x128xi32, #tpu.memory_space<vmem>>
            %dma_wait3A_515 = tpu.memref_squeeze %dma_wait3A_514 : memref<1x1x128xi32, #tpu.memory_space<vmem>> -> memref<128xi32, #tpu.memory_space<vmem>>
            %dma_wait3A_516 = arith.constant 0 : i32
            %dma_wait3A_517 = arith.constant 0 : i32
            %dma_wait3A_518 = tpu.memref_slice %arg11[%dma_wait3A_516, %dma_wait3A_517] : memref<10240x128xf32, #tpu.memory_space<vmem_shared>> -> memref<10240x128xf32, #tpu.memory_space<vmem_shared>>
            tpu.wait_indirect_dma semaphore(%arg17 : memref<!tpu.dma_semaphore, #tpu.memory_space<semaphore_mem>>) src(%arg10 : memref<128x128xf32, #tpu.memory_space<vmem>>) dst(%dma_wait3A_518 : memref<10240x128xf32, #tpu.memory_space<vmem_shared>>)
          } else {
          }
          %add3A_489 = arith.constant 1 : i32
          %add3A_490 = arith.addi %add3A_165, %add3A_489 : i32
          %dma_start3A_491 = arith.constant 0 : i32
          %dma_start3A_492 = arith.constant 0 : i32
          %dma_start3A_493 = tpu.memref_slice %arg10[%dma_start3A_491, %dma_start3A_492] : memref<128x128xf32, #tpu.memory_space<vmem>> -> memref<64x128xf32, #tpu.memory_space<vmem>>
          %dma_start3A_494 = arith.constant 0 : i32
          %dma_start3A_495 = tpu.memref_slice %arg7[%add3A_490, %dma_start3A_494] : memref<80x128xi32, #tpu.memory_space<vmem>> -> memref<1x64xi32, #tpu.memory_space<vmem>>
          %dma_start3A_496 = tpu.memref_squeeze %dma_start3A_495 : memref<1x64xi32, #tpu.memory_space<vmem>> -> memref<64xi32, #tpu.memory_space<vmem>>
          %dma_start3A_497 = arith.constant 0 : i32
          %dma_start3A_498 = arith.constant 0 : i32
          %dma_start3A_499 = tpu.memref_slice %arg2[%dma_start3A_497, %dma_start3A_498] : memref<10240x128xf32, #tpu.memory_space<hbm>> -> memref<10240x128xf32, #tpu.memory_space<hbm>>
          tpu.enqueue_indirect_dma source(%dma_start3A_499 : memref<10240x128xf32, #tpu.memory_space<hbm>>) target(%dma_start3A_493 : memref<64x128xf32, #tpu.memory_space<vmem>>) offsets(%dma_start3A_496 : memref<64xi32, #tpu.memory_space<vmem>>) semaphore(%arg13 : memref<!tpu.dma_semaphore, #tpu.memory_space<semaphore_mem>>)
          %add3A_500 = arith.constant 1 : i32
          %add3A_501 = arith.addi %add3A_165, %add3A_500 : i32
          %dma_start3A_502 = arith.constant 64 : i32
          %dma_start3A_503 = arith.constant 0 : i32
          %dma_start3A_504 = tpu.memref_slice %arg10[%dma_start3A_502, %dma_start3A_503] : memref<128x128xf32, #tpu.memory_space<vmem>> -> memref<64x128xf32, #tpu.memory_space<vmem>>
          %dma_start3A_505 = arith.constant 64 : i32
          %dma_start3A_506 = tpu.memref_slice %arg7[%add3A_501, %dma_start3A_505] : memref<80x128xi32, #tpu.memory_space<vmem>> -> memref<1x64xi32, #tpu.memory_space<vmem>>
          %dma_start3A_507 = tpu.memref_squeeze %dma_start3A_506 : memref<1x64xi32, #tpu.memory_space<vmem>> -> memref<64xi32, #tpu.memory_space<vmem>>
          %dma_start3A_508 = arith.constant 0 : i32
          %dma_start3A_509 = arith.constant 0 : i32
          %dma_start3A_510 = tpu.memref_slice %arg2[%dma_start3A_508, %dma_start3A_509] : memref<10240x128xf32, #tpu.memory_space<hbm>> -> memref<10240x128xf32, #tpu.memory_space<hbm>>
          tpu.enqueue_indirect_dma source(%dma_start3A_510 : memref<10240x128xf32, #tpu.memory_space<hbm>>) target(%dma_start3A_504 : memref<64x128xf32, #tpu.memory_space<vmem>>) offsets(%dma_start3A_507 : memref<64xi32, #tpu.memory_space<vmem>>) semaphore(%arg13 : memref<!tpu.dma_semaphore, #tpu.memory_space<semaphore_mem>>)
        } else {
        }
        %dma_wait3A_173 = arith.constant 0 : i32
        %dma_wait3A_174 = tpu.memref_slice %arg7[%add3A_165, %dma_wait3A_173] : memref<80x128xi32, #tpu.memory_space<vmem>> -> memref<1x128xi32, #tpu.memory_space<vmem>>
        %dma_wait3A_175 = tpu.memref_squeeze %dma_wait3A_174 : memref<1x128xi32, #tpu.memory_space<vmem>> -> memref<128xi32, #tpu.memory_space<vmem>>
        %dma_wait3A_176 = arith.constant 0 : i32
        %dma_wait3A_177 = arith.constant 0 : i32
        %dma_wait3A_178 = tpu.memref_slice %arg2[%dma_wait3A_176, %dma_wait3A_177] : memref<10240x128xf32, #tpu.memory_space<hbm>> -> memref<10240x128xf32, #tpu.memory_space<hbm>>
        tpu.wait_indirect_dma semaphore(%arg12 : memref<!tpu.dma_semaphore, #tpu.memory_space<semaphore_mem>>) src(%dma_wait3A_178 : memref<10240x128xf32, #tpu.memory_space<hbm>>) dst(%arg9 : memref<128x128xf32, #tpu.memory_space<vmem>>)
        %dma_start3A_179 = arith.constant 0 : i32
        %dma_start3A_180 = arith.constant 4 : i32
        %dma_start3A_181 = arith.constant 0 : i32
        %dma_start3A_182 = tpu.memref_slice %arg8[%dma_start3A_179, %dma_start3A_180, %dma_start3A_181] : memref<2x8x128xi32, #tpu.memory_space<vmem>> -> memref<1x1x128xi32, #tpu.memory_space<vmem>>
        %dma_start3A_183 = tpu.memref_squeeze %dma_start3A_182 : memref<1x1x128xi32, #tpu.memory_space<vmem>> -> memref<128xi32, #tpu.memory_space<vmem>>
        %dma_start3A_184 = arith.constant 0 : i32
        %dma_start3A_185 = arith.constant 0 : i32
        %dma_start3A_186 = tpu.memref_slice %arg11[%dma_start3A_184, %dma_start3A_185] : memref<10240x128xf32, #tpu.memory_space<vmem_shared>> -> memref<10240x128xf32, #tpu.memory_space<vmem_shared>>
        tpu.enqueue_indirect_dma source(%arg9 : memref<128x128xf32, #tpu.memory_space<vmem>>) target(%dma_start3A_186 : memref<10240x128xf32, #tpu.memory_space<vmem_shared>>) offsets(%dma_start3A_183 : memref<128xi32, #tpu.memory_space<vmem>>) semaphore(%arg16 : memref<!tpu.dma_semaphore, #tpu.memory_space<semaphore_mem>>) {add = true}
        %mul3A_187 = arith.constant 8 : i32
        %mul3A_188 = arith.muli %add3A_58, %mul3A_187 : i32
        %add3A_189 = arith.constant 5 : i32
        %add3A_190 = arith.addi %mul3A_188, %add3A_189 : i32
        %add3A_191 = arith.constant 1 : i32
        %add3A_192 = arith.addi %add3A_190, %add3A_191 : i32
        %lt3A_193 = arith.constant 80 : i32
        %lt3A_194 = arith.cmpi slt, %add3A_192, %lt3A_193 : i32
        %convert_element_type3A_195 = arith.extui %lt3A_194 : i1 to i32
        %cond3A_196 = arith.constant 0 : i32
        %cond3A_197 = arith.cmpi ne, %convert_element_type3A_195, %cond3A_196 : i32
        scf.if %cond3A_197 {
          %ge3A = arith.constant 1 : i32
          %ge3A_485 = arith.cmpi sge, %add3A_190, %ge3A : i32
          %convert_element_type3A_486 = arith.extui %ge3A_485 : i1 to i32
          %cond3A_487 = arith.constant 0 : i32
          %cond3A_488 = arith.cmpi ne, %convert_element_type3A_486, %cond3A_487 : i32
          scf.if %cond3A_488 {
            %dma_wait3A_511 = arith.constant 0 : i32
            %dma_wait3A_512 = arith.constant 5 : i32
            %dma_wait3A_513 = arith.constant 0 : i32
            %dma_wait3A_514 = tpu.memref_slice %arg8[%dma_wait3A_511, %dma_wait3A_512, %dma_wait3A_513] : memref<2x8x128xi32, #tpu.memory_space<vmem>> -> memref<1x1x128xi32, #tpu.memory_space<vmem>>
            %dma_wait3A_515 = tpu.memref_squeeze %dma_wait3A_514 : memref<1x1x128xi32, #tpu.memory_space<vmem>> -> memref<128xi32, #tpu.memory_space<vmem>>
            %dma_wait3A_516 = arith.constant 0 : i32
            %dma_wait3A_517 = arith.constant 0 : i32
            %dma_wait3A_518 = tpu.memref_slice %arg11[%dma_wait3A_516, %dma_wait3A_517] : memref<10240x128xf32, #tpu.memory_space<vmem_shared>> -> memref<10240x128xf32, #tpu.memory_space<vmem_shared>>
            tpu.wait_indirect_dma semaphore(%arg16 : memref<!tpu.dma_semaphore, #tpu.memory_space<semaphore_mem>>) src(%arg9 : memref<128x128xf32, #tpu.memory_space<vmem>>) dst(%dma_wait3A_518 : memref<10240x128xf32, #tpu.memory_space<vmem_shared>>)
          } else {
          }
          %add3A_489 = arith.constant 1 : i32
          %add3A_490 = arith.addi %add3A_190, %add3A_489 : i32
          %dma_start3A_491 = arith.constant 0 : i32
          %dma_start3A_492 = arith.constant 0 : i32
          %dma_start3A_493 = tpu.memref_slice %arg9[%dma_start3A_491, %dma_start3A_492] : memref<128x128xf32, #tpu.memory_space<vmem>> -> memref<64x128xf32, #tpu.memory_space<vmem>>
          %dma_start3A_494 = arith.constant 0 : i32
          %dma_start3A_495 = tpu.memref_slice %arg7[%add3A_490, %dma_start3A_494] : memref<80x128xi32, #tpu.memory_space<vmem>> -> memref<1x64xi32, #tpu.memory_space<vmem>>
          %dma_start3A_496 = tpu.memref_squeeze %dma_start3A_495 : memref<1x64xi32, #tpu.memory_space<vmem>> -> memref<64xi32, #tpu.memory_space<vmem>>
          %dma_start3A_497 = arith.constant 0 : i32
          %dma_start3A_498 = arith.constant 0 : i32
          %dma_start3A_499 = tpu.memref_slice %arg2[%dma_start3A_497, %dma_start3A_498] : memref<10240x128xf32, #tpu.memory_space<hbm>> -> memref<10240x128xf32, #tpu.memory_space<hbm>>
          tpu.enqueue_indirect_dma source(%dma_start3A_499 : memref<10240x128xf32, #tpu.memory_space<hbm>>) target(%dma_start3A_493 : memref<64x128xf32, #tpu.memory_space<vmem>>) offsets(%dma_start3A_496 : memref<64xi32, #tpu.memory_space<vmem>>) semaphore(%arg12 : memref<!tpu.dma_semaphore, #tpu.memory_space<semaphore_mem>>)
          %add3A_500 = arith.constant 1 : i32
          %add3A_501 = arith.addi %add3A_190, %add3A_500 : i32
          %dma_start3A_502 = arith.constant 64 : i32
          %dma_start3A_503 = arith.constant 0 : i32
          %dma_start3A_504 = tpu.memref_slice %arg9[%dma_start3A_502, %dma_start3A_503] : memref<128x128xf32, #tpu.memory_space<vmem>> -> memref<64x128xf32, #tpu.memory_space<vmem>>
          %dma_start3A_505 = arith.constant 64 : i32
          %dma_start3A_506 = tpu.memref_slice %arg7[%add3A_501, %dma_start3A_505] : memref<80x128xi32, #tpu.memory_space<vmem>> -> memref<1x64xi32, #tpu.memory_space<vmem>>
          %dma_start3A_507 = tpu.memref_squeeze %dma_start3A_506 : memref<1x64xi32, #tpu.memory_space<vmem>> -> memref<64xi32, #tpu.memory_space<vmem>>
          %dma_start3A_508 = arith.constant 0 : i32
          %dma_start3A_509 = arith.constant 0 : i32
          %dma_start3A_510 = tpu.memref_slice %arg2[%dma_start3A_508, %dma_start3A_509] : memref<10240x128xf32, #tpu.memory_space<hbm>> -> memref<10240x128xf32, #tpu.memory_space<hbm>>
          tpu.enqueue_indirect_dma source(%dma_start3A_510 : memref<10240x128xf32, #tpu.memory_space<hbm>>) target(%dma_start3A_504 : memref<64x128xf32, #tpu.memory_space<vmem>>) offsets(%dma_start3A_507 : memref<64xi32, #tpu.memory_space<vmem>>) semaphore(%arg12 : memref<!tpu.dma_semaphore, #tpu.memory_space<semaphore_mem>>)
        } else {
        }
        %dma_wait3A_198 = arith.constant 0 : i32
        %dma_wait3A_199 = tpu.memref_slice %arg7[%add3A_190, %dma_wait3A_198] : memref<80x128xi32, #tpu.memory_space<vmem>> -> memref<1x128xi32, #tpu.memory_space<vmem>>
        %dma_wait3A_200 = tpu.memref_squeeze %dma_wait3A_199 : memref<1x128xi32, #tpu.memory_space<vmem>> -> memref<128xi32, #tpu.memory_space<vmem>>
        %dma_wait3A_201 = arith.constant 0 : i32
        %dma_wait3A_202 = arith.constant 0 : i32
        %dma_wait3A_203 = tpu.memref_slice %arg2[%dma_wait3A_201, %dma_wait3A_202] : memref<10240x128xf32, #tpu.memory_space<hbm>> -> memref<10240x128xf32, #tpu.memory_space<hbm>>
        tpu.wait_indirect_dma semaphore(%arg13 : memref<!tpu.dma_semaphore, #tpu.memory_space<semaphore_mem>>) src(%dma_wait3A_203 : memref<10240x128xf32, #tpu.memory_space<hbm>>) dst(%arg10 : memref<128x128xf32, #tpu.memory_space<vmem>>)
        %dma_start3A_204 = arith.constant 0 : i32
        %dma_start3A_205 = arith.constant 5 : i32
        %dma_start3A_206 = arith.constant 0 : i32
        %dma_start3A_207 = tpu.memref_slice %arg8[%dma_start3A_204, %dma_start3A_205, %dma_start3A_206] : memref<2x8x128xi32, #tpu.memory_space<vmem>> -> memref<1x1x128xi32, #tpu.memory_space<vmem>>
        %dma_start3A_208 = tpu.memref_squeeze %dma_start3A_207 : memref<1x1x128xi32, #tpu.memory_space<vmem>> -> memref<128xi32, #tpu.memory_space<vmem>>
        %dma_start3A_209 = arith.constant 0 : i32
        %dma_start3A_210 = arith.constant 0 : i32
        %dma_start3A_211 = tpu.memref_slice %arg11[%dma_start3A_209, %dma_start3A_210] : memref<10240x128xf32, #tpu.memory_space<vmem_shared>> -> memref<10240x128xf32, #tpu.memory_space<vmem_shared>>
        tpu.enqueue_indirect_dma source(%arg10 : memref<128x128xf32, #tpu.memory_space<vmem>>) target(%dma_start3A_211 : memref<10240x128xf32, #tpu.memory_space<vmem_shared>>) offsets(%dma_start3A_208 : memref<128xi32, #tpu.memory_space<vmem>>) semaphore(%arg17 : memref<!tpu.dma_semaphore, #tpu.memory_space<semaphore_mem>>) {add = true}
        %mul3A_212 = arith.constant 8 : i32
        %mul3A_213 = arith.muli %add3A_58, %mul3A_212 : i32
        %add3A_214 = arith.constant 6 : i32
        %add3A_215 = arith.addi %mul3A_213, %add3A_214 : i32
        %add3A_216 = arith.constant 1 : i32
        %add3A_217 = arith.addi %add3A_215, %add3A_216 : i32
        %lt3A_218 = arith.constant 80 : i32
        %lt3A_219 = arith.cmpi slt, %add3A_217, %lt3A_218 : i32
        %convert_element_type3A_220 = arith.extui %lt3A_219 : i1 to i32
        %cond3A_221 = arith.constant 0 : i32
        %cond3A_222 = arith.cmpi ne, %convert_element_type3A_220, %cond3A_221 : i32
        scf.if %cond3A_222 {
          %ge3A = arith.constant 1 : i32
          %ge3A_485 = arith.cmpi sge, %add3A_215, %ge3A : i32
          %convert_element_type3A_486 = arith.extui %ge3A_485 : i1 to i32
          %cond3A_487 = arith.constant 0 : i32
          %cond3A_488 = arith.cmpi ne, %convert_element_type3A_486, %cond3A_487 : i32
          scf.if %cond3A_488 {
            %dma_wait3A_511 = arith.constant 0 : i32
            %dma_wait3A_512 = arith.constant 6 : i32
            %dma_wait3A_513 = arith.constant 0 : i32
            %dma_wait3A_514 = tpu.memref_slice %arg8[%dma_wait3A_511, %dma_wait3A_512, %dma_wait3A_513] : memref<2x8x128xi32, #tpu.memory_space<vmem>> -> memref<1x1x128xi32, #tpu.memory_space<vmem>>
            %dma_wait3A_515 = tpu.memref_squeeze %dma_wait3A_514 : memref<1x1x128xi32, #tpu.memory_space<vmem>> -> memref<128xi32, #tpu.memory_space<vmem>>
            %dma_wait3A_516 = arith.constant 0 : i32
            %dma_wait3A_517 = arith.constant 0 : i32
            %dma_wait3A_518 = tpu.memref_slice %arg11[%dma_wait3A_516, %dma_wait3A_517] : memref<10240x128xf32, #tpu.memory_space<vmem_shared>> -> memref<10240x128xf32, #tpu.memory_space<vmem_shared>>
            tpu.wait_indirect_dma semaphore(%arg17 : memref<!tpu.dma_semaphore, #tpu.memory_space<semaphore_mem>>) src(%arg10 : memref<128x128xf32, #tpu.memory_space<vmem>>) dst(%dma_wait3A_518 : memref<10240x128xf32, #tpu.memory_space<vmem_shared>>)
          } else {
          }
          %add3A_489 = arith.constant 1 : i32
          %add3A_490 = arith.addi %add3A_215, %add3A_489 : i32
          %dma_start3A_491 = arith.constant 0 : i32
          %dma_start3A_492 = arith.constant 0 : i32
          %dma_start3A_493 = tpu.memref_slice %arg10[%dma_start3A_491, %dma_start3A_492] : memref<128x128xf32, #tpu.memory_space<vmem>> -> memref<64x128xf32, #tpu.memory_space<vmem>>
          %dma_start3A_494 = arith.constant 0 : i32
          %dma_start3A_495 = tpu.memref_slice %arg7[%add3A_490, %dma_start3A_494] : memref<80x128xi32, #tpu.memory_space<vmem>> -> memref<1x64xi32, #tpu.memory_space<vmem>>
          %dma_start3A_496 = tpu.memref_squeeze %dma_start3A_495 : memref<1x64xi32, #tpu.memory_space<vmem>> -> memref<64xi32, #tpu.memory_space<vmem>>
          %dma_start3A_497 = arith.constant 0 : i32
          %dma_start3A_498 = arith.constant 0 : i32
          %dma_start3A_499 = tpu.memref_slice %arg2[%dma_start3A_497, %dma_start3A_498] : memref<10240x128xf32, #tpu.memory_space<hbm>> -> memref<10240x128xf32, #tpu.memory_space<hbm>>
          tpu.enqueue_indirect_dma source(%dma_start3A_499 : memref<10240x128xf32, #tpu.memory_space<hbm>>) target(%dma_start3A_493 : memref<64x128xf32, #tpu.memory_space<vmem>>) offsets(%dma_start3A_496 : memref<64xi32, #tpu.memory_space<vmem>>) semaphore(%arg13 : memref<!tpu.dma_semaphore, #tpu.memory_space<semaphore_mem>>)
          %add3A_500 = arith.constant 1 : i32
          %add3A_501 = arith.addi %add3A_215, %add3A_500 : i32
          %dma_start3A_502 = arith.constant 64 : i32
          %dma_start3A_503 = arith.constant 0 : i32
          %dma_start3A_504 = tpu.memref_slice %arg10[%dma_start3A_502, %dma_start3A_503] : memref<128x128xf32, #tpu.memory_space<vmem>> -> memref<64x128xf32, #tpu.memory_space<vmem>>
          %dma_start3A_505 = arith.constant 64 : i32
          %dma_start3A_506 = tpu.memref_slice %arg7[%add3A_501, %dma_start3A_505] : memref<80x128xi32, #tpu.memory_space<vmem>> -> memref<1x64xi32, #tpu.memory_space<vmem>>
          %dma_start3A_507 = tpu.memref_squeeze %dma_start3A_506 : memref<1x64xi32, #tpu.memory_space<vmem>> -> memref<64xi32, #tpu.memory_space<vmem>>
          %dma_start3A_508 = arith.constant 0 : i32
          %dma_start3A_509 = arith.constant 0 : i32
          %dma_start3A_510 = tpu.memref_slice %arg2[%dma_start3A_508, %dma_start3A_509] : memref<10240x128xf32, #tpu.memory_space<hbm>> -> memref<10240x128xf32, #tpu.memory_space<hbm>>
          tpu.enqueue_indirect_dma source(%dma_start3A_510 : memref<10240x128xf32, #tpu.memory_space<hbm>>) target(%dma_start3A_504 : memref<64x128xf32, #tpu.memory_space<vmem>>) offsets(%dma_start3A_507 : memref<64xi32, #tpu.memory_space<vmem>>) semaphore(%arg13 : memref<!tpu.dma_semaphore, #tpu.memory_space<semaphore_mem>>)
        } else {
        }
        %dma_wait3A_223 = arith.constant 0 : i32
        %dma_wait3A_224 = tpu.memref_slice %arg7[%add3A_215, %dma_wait3A_223] : memref<80x128xi32, #tpu.memory_space<vmem>> -> memref<1x128xi32, #tpu.memory_space<vmem>>
        %dma_wait3A_225 = tpu.memref_squeeze %dma_wait3A_224 : memref<1x128xi32, #tpu.memory_space<vmem>> -> memref<128xi32, #tpu.memory_space<vmem>>
        %dma_wait3A_226 = arith.constant 0 : i32
        %dma_wait3A_227 = arith.constant 0 : i32
        %dma_wait3A_228 = tpu.memref_slice %arg2[%dma_wait3A_226, %dma_wait3A_227] : memref<10240x128xf32, #tpu.memory_space<hbm>> -> memref<10240x128xf32, #tpu.memory_space<hbm>>
        tpu.wait_indirect_dma semaphore(%arg12 : memref<!tpu.dma_semaphore, #tpu.memory_space<semaphore_mem>>) src(%dma_wait3A_228 : memref<10240x128xf32, #tpu.memory_space<hbm>>) dst(%arg9 : memref<128x128xf32, #tpu.memory_space<vmem>>)
        %dma_start3A_229 = arith.constant 0 : i32
        %dma_start3A_230 = arith.constant 6 : i32
        %dma_start3A_231 = arith.constant 0 : i32
        %dma_start3A_232 = tpu.memref_slice %arg8[%dma_start3A_229, %dma_start3A_230, %dma_start3A_231] : memref<2x8x128xi32, #tpu.memory_space<vmem>> -> memref<1x1x128xi32, #tpu.memory_space<vmem>>
        %dma_start3A_233 = tpu.memref_squeeze %dma_start3A_232 : memref<1x1x128xi32, #tpu.memory_space<vmem>> -> memref<128xi32, #tpu.memory_space<vmem>>
        %dma_start3A_234 = arith.constant 0 : i32
        %dma_start3A_235 = arith.constant 0 : i32
        %dma_start3A_236 = tpu.memref_slice %arg11[%dma_start3A_234, %dma_start3A_235] : memref<10240x128xf32, #tpu.memory_space<vmem_shared>> -> memref<10240x128xf32, #tpu.memory_space<vmem_shared>>
        tpu.enqueue_indirect_dma source(%arg9 : memref<128x128xf32, #tpu.memory_space<vmem>>) target(%dma_start3A_236 : memref<10240x128xf32, #tpu.memory_space<vmem_shared>>) offsets(%dma_start3A_233 : memref<128xi32, #tpu.memory_space<vmem>>) semaphore(%arg16 : memref<!tpu.dma_semaphore, #tpu.memory_space<semaphore_mem>>) {add = true}
        %mul3A_237 = arith.constant 8 : i32
        %mul3A_238 = arith.muli %add3A_58, %mul3A_237 : i32
        %add3A_239 = arith.constant 7 : i32
        %add3A_240 = arith.addi %mul3A_238, %add3A_239 : i32
        %add3A_241 = arith.constant 1 : i32
        %add3A_242 = arith.addi %add3A_240, %add3A_241 : i32
        %lt3A_243 = arith.constant 80 : i32
        %lt3A_244 = arith.cmpi slt, %add3A_242, %lt3A_243 : i32
        %convert_element_type3A_245 = arith.extui %lt3A_244 : i1 to i32
        %cond3A_246 = arith.constant 0 : i32
        %cond3A_247 = arith.cmpi ne, %convert_element_type3A_245, %cond3A_246 : i32
        scf.if %cond3A_247 {
          %ge3A = arith.constant 1 : i32
          %ge3A_485 = arith.cmpi sge, %add3A_240, %ge3A : i32
          %convert_element_type3A_486 = arith.extui %ge3A_485 : i1 to i32
          %cond3A_487 = arith.constant 0 : i32
          %cond3A_488 = arith.cmpi ne, %convert_element_type3A_486, %cond3A_487 : i32
          scf.if %cond3A_488 {
            %dma_wait3A_511 = arith.constant 0 : i32
            %dma_wait3A_512 = arith.constant 7 : i32
            %dma_wait3A_513 = arith.constant 0 : i32
            %dma_wait3A_514 = tpu.memref_slice %arg8[%dma_wait3A_511, %dma_wait3A_512, %dma_wait3A_513] : memref<2x8x128xi32, #tpu.memory_space<vmem>> -> memref<1x1x128xi32, #tpu.memory_space<vmem>>
            %dma_wait3A_515 = tpu.memref_squeeze %dma_wait3A_514 : memref<1x1x128xi32, #tpu.memory_space<vmem>> -> memref<128xi32, #tpu.memory_space<vmem>>
            %dma_wait3A_516 = arith.constant 0 : i32
            %dma_wait3A_517 = arith.constant 0 : i32
            %dma_wait3A_518 = tpu.memref_slice %arg11[%dma_wait3A_516, %dma_wait3A_517] : memref<10240x128xf32, #tpu.memory_space<vmem_shared>> -> memref<10240x128xf32, #tpu.memory_space<vmem_shared>>
            tpu.wait_indirect_dma semaphore(%arg16 : memref<!tpu.dma_semaphore, #tpu.memory_space<semaphore_mem>>) src(%arg9 : memref<128x128xf32, #tpu.memory_space<vmem>>) dst(%dma_wait3A_518 : memref<10240x128xf32, #tpu.memory_space<vmem_shared>>)
          } else {
          }
          %add3A_489 = arith.constant 1 : i32
          %add3A_490 = arith.addi %add3A_240, %add3A_489 : i32
          %dma_start3A_491 = arith.constant 0 : i32
          %dma_start3A_492 = arith.constant 0 : i32
          %dma_start3A_493 = tpu.memref_slice %arg9[%dma_start3A_491, %dma_start3A_492] : memref<128x128xf32, #tpu.memory_space<vmem>> -> memref<64x128xf32, #tpu.memory_space<vmem>>
          %dma_start3A_494 = arith.constant 0 : i32
          %dma_start3A_495 = tpu.memref_slice %arg7[%add3A_490, %dma_start3A_494] : memref<80x128xi32, #tpu.memory_space<vmem>> -> memref<1x64xi32, #tpu.memory_space<vmem>>
          %dma_start3A_496 = tpu.memref_squeeze %dma_start3A_495 : memref<1x64xi32, #tpu.memory_space<vmem>> -> memref<64xi32, #tpu.memory_space<vmem>>
          %dma_start3A_497 = arith.constant 0 : i32
          %dma_start3A_498 = arith.constant 0 : i32
          %dma_start3A_499 = tpu.memref_slice %arg2[%dma_start3A_497, %dma_start3A_498] : memref<10240x128xf32, #tpu.memory_space<hbm>> -> memref<10240x128xf32, #tpu.memory_space<hbm>>
          tpu.enqueue_indirect_dma source(%dma_start3A_499 : memref<10240x128xf32, #tpu.memory_space<hbm>>) target(%dma_start3A_493 : memref<64x128xf32, #tpu.memory_space<vmem>>) offsets(%dma_start3A_496 : memref<64xi32, #tpu.memory_space<vmem>>) semaphore(%arg12 : memref<!tpu.dma_semaphore, #tpu.memory_space<semaphore_mem>>)
          %add3A_500 = arith.constant 1 : i32
          %add3A_501 = arith.addi %add3A_240, %add3A_500 : i32
          %dma_start3A_502 = arith.constant 64 : i32
          %dma_start3A_503 = arith.constant 0 : i32
          %dma_start3A_504 = tpu.memref_slice %arg9[%dma_start3A_502, %dma_start3A_503] : memref<128x128xf32, #tpu.memory_space<vmem>> -> memref<64x128xf32, #tpu.memory_space<vmem>>
          %dma_start3A_505 = arith.constant 64 : i32
          %dma_start3A_506 = tpu.memref_slice %arg7[%add3A_501, %dma_start3A_505] : memref<80x128xi32, #tpu.memory_space<vmem>> -> memref<1x64xi32, #tpu.memory_space<vmem>>
          %dma_start3A_507 = tpu.memref_squeeze %dma_start3A_506 : memref<1x64xi32, #tpu.memory_space<vmem>> -> memref<64xi32, #tpu.memory_space<vmem>>
          %dma_start3A_508 = arith.constant 0 : i32
          %dma_start3A_509 = arith.constant 0 : i32
          %dma_start3A_510 = tpu.memref_slice %arg2[%dma_start3A_508, %dma_start3A_509] : memref<10240x128xf32, #tpu.memory_space<hbm>> -> memref<10240x128xf32, #tpu.memory_space<hbm>>
          tpu.enqueue_indirect_dma source(%dma_start3A_510 : memref<10240x128xf32, #tpu.memory_space<hbm>>) target(%dma_start3A_504 : memref<64x128xf32, #tpu.memory_space<vmem>>) offsets(%dma_start3A_507 : memref<64xi32, #tpu.memory_space<vmem>>) semaphore(%arg12 : memref<!tpu.dma_semaphore, #tpu.memory_space<semaphore_mem>>)
        } else {
        }
        %dma_wait3A_248 = arith.constant 0 : i32
        %dma_wait3A_249 = tpu.memref_slice %arg7[%add3A_240, %dma_wait3A_248] : memref<80x128xi32, #tpu.memory_space<vmem>> -> memref<1x128xi32, #tpu.memory_space<vmem>>
        %dma_wait3A_250 = tpu.memref_squeeze %dma_wait3A_249 : memref<1x128xi32, #tpu.memory_space<vmem>> -> memref<128xi32, #tpu.memory_space<vmem>>
        %dma_wait3A_251 = arith.constant 0 : i32
        %dma_wait3A_252 = arith.constant 0 : i32
        %dma_wait3A_253 = tpu.memref_slice %arg2[%dma_wait3A_251, %dma_wait3A_252] : memref<10240x128xf32, #tpu.memory_space<hbm>> -> memref<10240x128xf32, #tpu.memory_space<hbm>>
        tpu.wait_indirect_dma semaphore(%arg13 : memref<!tpu.dma_semaphore, #tpu.memory_space<semaphore_mem>>) src(%dma_wait3A_253 : memref<10240x128xf32, #tpu.memory_space<hbm>>) dst(%arg10 : memref<128x128xf32, #tpu.memory_space<vmem>>)
        %dma_start3A_254 = arith.constant 0 : i32
        %dma_start3A_255 = arith.constant 7 : i32
        %dma_start3A_256 = arith.constant 0 : i32
        %dma_start3A_257 = tpu.memref_slice %arg8[%dma_start3A_254, %dma_start3A_255, %dma_start3A_256] : memref<2x8x128xi32, #tpu.memory_space<vmem>> -> memref<1x1x128xi32, #tpu.memory_space<vmem>>
        %dma_start3A_258 = tpu.memref_squeeze %dma_start3A_257 : memref<1x1x128xi32, #tpu.memory_space<vmem>> -> memref<128xi32, #tpu.memory_space<vmem>>
        %dma_start3A_259 = arith.constant 0 : i32
        %dma_start3A_260 = arith.constant 0 : i32
        %dma_start3A_261 = tpu.memref_slice %arg11[%dma_start3A_259, %dma_start3A_260] : memref<10240x128xf32, #tpu.memory_space<vmem_shared>> -> memref<10240x128xf32, #tpu.memory_space<vmem_shared>>
        tpu.enqueue_indirect_dma source(%arg10 : memref<128x128xf32, #tpu.memory_space<vmem>>) target(%dma_start3A_261 : memref<10240x128xf32, #tpu.memory_space<vmem_shared>>) offsets(%dma_start3A_258 : memref<128xi32, #tpu.memory_space<vmem>>) semaphore(%arg17 : memref<!tpu.dma_semaphore, #tpu.memory_space<semaphore_mem>>) {add = true}
        %add3A_262 = arith.constant 2 : i32
        %add3A_263 = arith.addi %add3A_58, %add3A_262 : i32
        %lt3A_264 = arith.constant 10 : i32
        %lt3A_265 = arith.cmpi slt, %add3A_263, %lt3A_264 : i32
        %convert_element_type3A_266 = arith.extui %lt3A_265 : i1 to i32
        %cond3A_267 = arith.constant 0 : i32
        %cond3A_268 = arith.cmpi ne, %convert_element_type3A_266, %cond3A_267 : i32
        scf.if %cond3A_268 {
          %add3A_485 = arith.constant 2 : i32
          %add3A_486 = arith.addi %add3A_58, %add3A_485 : i32
          %mul3A_487 = arith.constant 8 : i32
          %mul3A_488 = arith.muli %add3A_486, %mul3A_487 : i32
          %dma_start3A_489 = arith.constant 0 : i32
          %dma_start3A_490 = arith.constant 0 : i32
          %dma_start3A_491 = arith.constant 0 : i32
          %dma_start3A_492 = tpu.memref_slice %arg8[%dma_start3A_489, %dma_start3A_490, %dma_start3A_491] : memref<2x8x128xi32, #tpu.memory_space<vmem>> -> memref<1x8x128xi32, #tpu.memory_space<vmem>>
          %dma_start3A_493 = tpu.memref_squeeze %dma_start3A_492 : memref<1x8x128xi32, #tpu.memory_space<vmem>> -> memref<8x128xi32, #tpu.memory_space<vmem>>
          %dma_start3A_494 = arith.constant 0 : i32
          %dma_start3A_495 = tpu.memref_slice %arg4[%arg1, %mul3A_488, %dma_start3A_494] : memref<16x80x128xi32, #tpu.memory_space<hbm>> -> memref<1x8x128xi32, #tpu.memory_space<hbm>>
          %dma_start3A_496 = tpu.memref_squeeze %dma_start3A_495 : memref<1x8x128xi32, #tpu.memory_space<hbm>> -> memref<8x128xi32, #tpu.memory_space<hbm>>
          %dma_start3A_497 = arith.constant 0 : i32
          %dma_start3A_498 = arith.constant 0 : i32
          %dma_start3A_499 = tpu.memref_slice %arg8[%dma_start3A_489, %dma_start3A_497, %dma_start3A_498] : memref<2x8x128xi32, #tpu.memory_space<vmem>> -> memref<1x8x128xi32, #tpu.memory_space<vmem>>
          %dma_start3A_500 = tpu.memref_squeeze %dma_start3A_499 : memref<1x8x128xi32, #tpu.memory_space<vmem>> -> memref<8x128xi32, #tpu.memory_space<vmem>>
          %dma_start3A_501 = arith.constant 0 : i32
          %dma_start3A_502 = tpu.memref_slice %arg4[%arg1, %mul3A_488, %dma_start3A_501] : memref<16x80x128xi32, #tpu.memory_space<hbm>> -> memref<1x8x128xi32, #tpu.memory_space<hbm>>
          %dma_start3A_503 = tpu.memref_squeeze %dma_start3A_502 : memref<1x8x128xi32, #tpu.memory_space<hbm>> -> memref<8x128xi32, #tpu.memory_space<hbm>>
          tpu.enqueue_dma source(%dma_start3A_503 : memref<8x128xi32, #tpu.memory_space<hbm>>) target(%dma_start3A_500 : memref<8x128xi32, #tpu.memory_space<vmem>>) target_semaphore(%arg14 : memref<!tpu.dma_semaphore, #tpu.memory_space<semaphore_mem>>)
        } else {
        }
        %mul3A_269 = arith.constant 2 : i32
        %mul3A_270 = arith.muli %scan3A_56, %mul3A_269 : i32
        %add3A_271 = arith.constant 1 : i32
        %add3A_272 = arith.addi %mul3A_270, %add3A_271 : i32
        %gt3A_273 = arith.constant 0 : i32
        %gt3A_274 = arith.cmpi sgt, %add3A_272, %gt3A_273 : i32
        %convert_element_type3A_275 = arith.extui %gt3A_274 : i1 to i32
        %cond3A_276 = arith.constant 0 : i32
        %cond3A_277 = arith.cmpi ne, %convert_element_type3A_275, %cond3A_276 : i32
        scf.if %cond3A_277 {
          %mul3A_485 = arith.constant 8 : i32
          %mul3A_486 = arith.muli %add3A_272, %mul3A_485 : i32
          %dma_wait3A_487 = arith.constant 1 : i32
          %dma_wait3A_488 = arith.constant 0 : i32
          %dma_wait3A_489 = arith.constant 0 : i32
          %dma_wait3A_490 = tpu.memref_slice %arg8[%dma_wait3A_487, %dma_wait3A_488, %dma_wait3A_489] : memref<2x8x128xi32, #tpu.memory_space<vmem>> -> memref<1x8x128xi32, #tpu.memory_space<vmem>>
          %dma_wait3A_491 = tpu.memref_squeeze %dma_wait3A_490 : memref<1x8x128xi32, #tpu.memory_space<vmem>> -> memref<8x128xi32, #tpu.memory_space<vmem>>
          %dma_wait3A_492 = arith.constant 0 : i32
          %dma_wait3A_493 = tpu.memref_slice %arg4[%arg1, %mul3A_486, %dma_wait3A_492] : memref<16x80x128xi32, #tpu.memory_space<hbm>> -> memref<1x8x128xi32, #tpu.memory_space<hbm>>
          %dma_wait3A_494 = tpu.memref_squeeze %dma_wait3A_493 : memref<1x8x128xi32, #tpu.memory_space<hbm>> -> memref<8x128xi32, #tpu.memory_space<hbm>>
          %dma_wait3A_495 = arith.constant 0 : i32
          %dma_wait3A_496 = arith.constant 0 : i32
          %dma_wait3A_497 = tpu.memref_slice %arg8[%dma_wait3A_487, %dma_wait3A_495, %dma_wait3A_496] : memref<2x8x128xi32, #tpu.memory_space<vmem>> -> memref<1x8x128xi32, #tpu.memory_space<vmem>>
          %dma_wait3A_498 = tpu.memref_squeeze %dma_wait3A_497 : memref<1x8x128xi32, #tpu.memory_space<vmem>> -> memref<8x128xi32, #tpu.memory_space<vmem>>
          %dma_wait3A_499 = arith.constant 0 : i32
          %dma_wait3A_500 = tpu.memref_slice %arg4[%arg1, %mul3A_486, %dma_wait3A_499] : memref<16x80x128xi32, #tpu.memory_space<hbm>> -> memref<1x8x128xi32, #tpu.memory_space<hbm>>
          %dma_wait3A_501 = tpu.memref_squeeze %dma_wait3A_500 : memref<1x8x128xi32, #tpu.memory_space<hbm>> -> memref<8x128xi32, #tpu.memory_space<hbm>>
          tpu.wait_dma2 semaphore(%arg15 : memref<!tpu.dma_semaphore, #tpu.memory_space<semaphore_mem>>) src(%dma_wait3A_501 : memref<8x128xi32, #tpu.memory_space<hbm>>) dst(%dma_wait3A_498 : memref<8x128xi32, #tpu.memory_space<vmem>>)
        } else {
        }
        %mul3A_278 = arith.constant 8 : i32
        %mul3A_279 = arith.muli %add3A_272, %mul3A_278 : i32
        %add3A_280 = arith.constant 0 : i32
        %add3A_281 = arith.addi %mul3A_279, %add3A_280 : i32
        %add3A_282 = arith.constant 1 : i32
        %add3A_283 = arith.addi %add3A_281, %add3A_282 : i32
        %lt3A_284 = arith.constant 80 : i32
        %lt3A_285 = arith.cmpi slt, %add3A_283, %lt3A_284 : i32
        %convert_element_type3A_286 = arith.extui %lt3A_285 : i1 to i32
        %cond3A_287 = arith.constant 0 : i32
        %cond3A_288 = arith.cmpi ne, %convert_element_type3A_286, %cond3A_287 : i32
        scf.if %cond3A_288 {
          %ge3A = arith.constant 1 : i32
          %ge3A_485 = arith.cmpi sge, %add3A_281, %ge3A : i32
          %convert_element_type3A_486 = arith.extui %ge3A_485 : i1 to i32
          %cond3A_487 = arith.constant 0 : i32
          %cond3A_488 = arith.cmpi ne, %convert_element_type3A_486, %cond3A_487 : i32
          scf.if %cond3A_488 {
            %dma_wait3A_511 = arith.constant 1 : i32
            %dma_wait3A_512 = arith.constant 0 : i32
            %dma_wait3A_513 = arith.constant 0 : i32
            %dma_wait3A_514 = tpu.memref_slice %arg8[%dma_wait3A_511, %dma_wait3A_512, %dma_wait3A_513] : memref<2x8x128xi32, #tpu.memory_space<vmem>> -> memref<1x1x128xi32, #tpu.memory_space<vmem>>
            %dma_wait3A_515 = tpu.memref_squeeze %dma_wait3A_514 : memref<1x1x128xi32, #tpu.memory_space<vmem>> -> memref<128xi32, #tpu.memory_space<vmem>>
            %dma_wait3A_516 = arith.constant 0 : i32
            %dma_wait3A_517 = arith.constant 0 : i32
            %dma_wait3A_518 = tpu.memref_slice %arg11[%dma_wait3A_516, %dma_wait3A_517] : memref<10240x128xf32, #tpu.memory_space<vmem_shared>> -> memref<10240x128xf32, #tpu.memory_space<vmem_shared>>
            tpu.wait_indirect_dma semaphore(%arg17 : memref<!tpu.dma_semaphore, #tpu.memory_space<semaphore_mem>>) src(%arg10 : memref<128x128xf32, #tpu.memory_space<vmem>>) dst(%dma_wait3A_518 : memref<10240x128xf32, #tpu.memory_space<vmem_shared>>)
          } else {
          }
          %add3A_489 = arith.constant 1 : i32
          %add3A_490 = arith.addi %add3A_281, %add3A_489 : i32
          %dma_start3A_491 = arith.constant 0 : i32
          %dma_start3A_492 = arith.constant 0 : i32
          %dma_start3A_493 = tpu.memref_slice %arg10[%dma_start3A_491, %dma_start3A_492] : memref<128x128xf32, #tpu.memory_space<vmem>> -> memref<64x128xf32, #tpu.memory_space<vmem>>
          %dma_start3A_494 = arith.constant 0 : i32
          %dma_start3A_495 = tpu.memref_slice %arg7[%add3A_490, %dma_start3A_494] : memref<80x128xi32, #tpu.memory_space<vmem>> -> memref<1x64xi32, #tpu.memory_space<vmem>>
          %dma_start3A_496 = tpu.memref_squeeze %dma_start3A_495 : memref<1x64xi32, #tpu.memory_space<vmem>> -> memref<64xi32, #tpu.memory_space<vmem>>
          %dma_start3A_497 = arith.constant 0 : i32
          %dma_start3A_498 = arith.constant 0 : i32
          %dma_start3A_499 = tpu.memref_slice %arg2[%dma_start3A_497, %dma_start3A_498] : memref<10240x128xf32, #tpu.memory_space<hbm>> -> memref<10240x128xf32, #tpu.memory_space<hbm>>
          tpu.enqueue_indirect_dma source(%dma_start3A_499 : memref<10240x128xf32, #tpu.memory_space<hbm>>) target(%dma_start3A_493 : memref<64x128xf32, #tpu.memory_space<vmem>>) offsets(%dma_start3A_496 : memref<64xi32, #tpu.memory_space<vmem>>) semaphore(%arg13 : memref<!tpu.dma_semaphore, #tpu.memory_space<semaphore_mem>>)
          %add3A_500 = arith.constant 1 : i32
          %add3A_501 = arith.addi %add3A_281, %add3A_500 : i32
          %dma_start3A_502 = arith.constant 64 : i32
          %dma_start3A_503 = arith.constant 0 : i32
          %dma_start3A_504 = tpu.memref_slice %arg10[%dma_start3A_502, %dma_start3A_503] : memref<128x128xf32, #tpu.memory_space<vmem>> -> memref<64x128xf32, #tpu.memory_space<vmem>>
          %dma_start3A_505 = arith.constant 64 : i32
          %dma_start3A_506 = tpu.memref_slice %arg7[%add3A_501, %dma_start3A_505] : memref<80x128xi32, #tpu.memory_space<vmem>> -> memref<1x64xi32, #tpu.memory_space<vmem>>
          %dma_start3A_507 = tpu.memref_squeeze %dma_start3A_506 : memref<1x64xi32, #tpu.memory_space<vmem>> -> memref<64xi32, #tpu.memory_space<vmem>>
          %dma_start3A_508 = arith.constant 0 : i32
          %dma_start3A_509 = arith.constant 0 : i32
          %dma_start3A_510 = tpu.memref_slice %arg2[%dma_start3A_508, %dma_start3A_509] : memref<10240x128xf32, #tpu.memory_space<hbm>> -> memref<10240x128xf32, #tpu.memory_space<hbm>>
          tpu.enqueue_indirect_dma source(%dma_start3A_510 : memref<10240x128xf32, #tpu.memory_space<hbm>>) target(%dma_start3A_504 : memref<64x128xf32, #tpu.memory_space<vmem>>) offsets(%dma_start3A_507 : memref<64xi32, #tpu.memory_space<vmem>>) semaphore(%arg13 : memref<!tpu.dma_semaphore, #tpu.memory_space<semaphore_mem>>)
        } else {
        }
        %dma_wait3A_289 = arith.constant 0 : i32
        %dma_wait3A_290 = tpu.memref_slice %arg7[%add3A_281, %dma_wait3A_289] : memref<80x128xi32, #tpu.memory_space<vmem>> -> memref<1x128xi32, #tpu.memory_space<vmem>>
        %dma_wait3A_291 = tpu.memref_squeeze %dma_wait3A_290 : memref<1x128xi32, #tpu.memory_space<vmem>> -> memref<128xi32, #tpu.memory_space<vmem>>
        %dma_wait3A_292 = arith.constant 0 : i32
        %dma_wait3A_293 = arith.constant 0 : i32
        %dma_wait3A_294 = tpu.memref_slice %arg2[%dma_wait3A_292, %dma_wait3A_293] : memref<10240x128xf32, #tpu.memory_space<hbm>> -> memref<10240x128xf32, #tpu.memory_space<hbm>>
        tpu.wait_indirect_dma semaphore(%arg12 : memref<!tpu.dma_semaphore, #tpu.memory_space<semaphore_mem>>) src(%dma_wait3A_294 : memref<10240x128xf32, #tpu.memory_space<hbm>>) dst(%arg9 : memref<128x128xf32, #tpu.memory_space<vmem>>)
        %dma_start3A_295 = arith.constant 1 : i32
        %dma_start3A_296 = arith.constant 0 : i32
        %dma_start3A_297 = arith.constant 0 : i32
        %dma_start3A_298 = tpu.memref_slice %arg8[%dma_start3A_295, %dma_start3A_296, %dma_start3A_297] : memref<2x8x128xi32, #tpu.memory_space<vmem>> -> memref<1x1x128xi32, #tpu.memory_space<vmem>>
        %dma_start3A_299 = tpu.memref_squeeze %dma_start3A_298 : memref<1x1x128xi32, #tpu.memory_space<vmem>> -> memref<128xi32, #tpu.memory_space<vmem>>
        %dma_start3A_300 = arith.constant 0 : i32
        %dma_start3A_301 = arith.constant 0 : i32
        %dma_start3A_302 = tpu.memref_slice %arg11[%dma_start3A_300, %dma_start3A_301] : memref<10240x128xf32, #tpu.memory_space<vmem_shared>> -> memref<10240x128xf32, #tpu.memory_space<vmem_shared>>
        tpu.enqueue_indirect_dma source(%arg9 : memref<128x128xf32, #tpu.memory_space<vmem>>) target(%dma_start3A_302 : memref<10240x128xf32, #tpu.memory_space<vmem_shared>>) offsets(%dma_start3A_299 : memref<128xi32, #tpu.memory_space<vmem>>) semaphore(%arg16 : memref<!tpu.dma_semaphore, #tpu.memory_space<semaphore_mem>>) {add = true}
        %mul3A_303 = arith.constant 8 : i32
        %mul3A_304 = arith.muli %add3A_272, %mul3A_303 : i32
        %add3A_305 = arith.constant 1 : i32
        %add3A_306 = arith.addi %mul3A_304, %add3A_305 : i32
        %add3A_307 = arith.constant 1 : i32
        %add3A_308 = arith.addi %add3A_306, %add3A_307 : i32
        %lt3A_309 = arith.constant 80 : i32
        %lt3A_310 = arith.cmpi slt, %add3A_308, %lt3A_309 : i32
        %convert_element_type3A_311 = arith.extui %lt3A_310 : i1 to i32
        %cond3A_312 = arith.constant 0 : i32
        %cond3A_313 = arith.cmpi ne, %convert_element_type3A_311, %cond3A_312 : i32
        scf.if %cond3A_313 {
          %ge3A = arith.constant 1 : i32
          %ge3A_485 = arith.cmpi sge, %add3A_306, %ge3A : i32
          %convert_element_type3A_486 = arith.extui %ge3A_485 : i1 to i32
          %cond3A_487 = arith.constant 0 : i32
          %cond3A_488 = arith.cmpi ne, %convert_element_type3A_486, %cond3A_487 : i32
          scf.if %cond3A_488 {
            %dma_wait3A_511 = arith.constant 1 : i32
            %dma_wait3A_512 = arith.constant 1 : i32
            %dma_wait3A_513 = arith.constant 0 : i32
            %dma_wait3A_514 = tpu.memref_slice %arg8[%dma_wait3A_511, %dma_wait3A_512, %dma_wait3A_513] : memref<2x8x128xi32, #tpu.memory_space<vmem>> -> memref<1x1x128xi32, #tpu.memory_space<vmem>>
            %dma_wait3A_515 = tpu.memref_squeeze %dma_wait3A_514 : memref<1x1x128xi32, #tpu.memory_space<vmem>> -> memref<128xi32, #tpu.memory_space<vmem>>
            %dma_wait3A_516 = arith.constant 0 : i32
            %dma_wait3A_517 = arith.constant 0 : i32
            %dma_wait3A_518 = tpu.memref_slice %arg11[%dma_wait3A_516, %dma_wait3A_517] : memref<10240x128xf32, #tpu.memory_space<vmem_shared>> -> memref<10240x128xf32, #tpu.memory_space<vmem_shared>>
            tpu.wait_indirect_dma semaphore(%arg16 : memref<!tpu.dma_semaphore, #tpu.memory_space<semaphore_mem>>) src(%arg9 : memref<128x128xf32, #tpu.memory_space<vmem>>) dst(%dma_wait3A_518 : memref<10240x128xf32, #tpu.memory_space<vmem_shared>>)
          } else {
          }
          %add3A_489 = arith.constant 1 : i32
          %add3A_490 = arith.addi %add3A_306, %add3A_489 : i32
          %dma_start3A_491 = arith.constant 0 : i32
          %dma_start3A_492 = arith.constant 0 : i32
          %dma_start3A_493 = tpu.memref_slice %arg9[%dma_start3A_491, %dma_start3A_492] : memref<128x128xf32, #tpu.memory_space<vmem>> -> memref<64x128xf32, #tpu.memory_space<vmem>>
          %dma_start3A_494 = arith.constant 0 : i32
          %dma_start3A_495 = tpu.memref_slice %arg7[%add3A_490, %dma_start3A_494] : memref<80x128xi32, #tpu.memory_space<vmem>> -> memref<1x64xi32, #tpu.memory_space<vmem>>
          %dma_start3A_496 = tpu.memref_squeeze %dma_start3A_495 : memref<1x64xi32, #tpu.memory_space<vmem>> -> memref<64xi32, #tpu.memory_space<vmem>>
          %dma_start3A_497 = arith.constant 0 : i32
          %dma_start3A_498 = arith.constant 0 : i32
          %dma_start3A_499 = tpu.memref_slice %arg2[%dma_start3A_497, %dma_start3A_498] : memref<10240x128xf32, #tpu.memory_space<hbm>> -> memref<10240x128xf32, #tpu.memory_space<hbm>>
          tpu.enqueue_indirect_dma source(%dma_start3A_499 : memref<10240x128xf32, #tpu.memory_space<hbm>>) target(%dma_start3A_493 : memref<64x128xf32, #tpu.memory_space<vmem>>) offsets(%dma_start3A_496 : memref<64xi32, #tpu.memory_space<vmem>>) semaphore(%arg12 : memref<!tpu.dma_semaphore, #tpu.memory_space<semaphore_mem>>)
          %add3A_500 = arith.constant 1 : i32
          %add3A_501 = arith.addi %add3A_306, %add3A_500 : i32
          %dma_start3A_502 = arith.constant 64 : i32
          %dma_start3A_503 = arith.constant 0 : i32
          %dma_start3A_504 = tpu.memref_slice %arg9[%dma_start3A_502, %dma_start3A_503] : memref<128x128xf32, #tpu.memory_space<vmem>> -> memref<64x128xf32, #tpu.memory_space<vmem>>
          %dma_start3A_505 = arith.constant 64 : i32
          %dma_start3A_506 = tpu.memref_slice %arg7[%add3A_501, %dma_start3A_505] : memref<80x128xi32, #tpu.memory_space<vmem>> -> memref<1x64xi32, #tpu.memory_space<vmem>>
          %dma_start3A_507 = tpu.memref_squeeze %dma_start3A_506 : memref<1x64xi32, #tpu.memory_space<vmem>> -> memref<64xi32, #tpu.memory_space<vmem>>
          %dma_start3A_508 = arith.constant 0 : i32
          %dma_start3A_509 = arith.constant 0 : i32
          %dma_start3A_510 = tpu.memref_slice %arg2[%dma_start3A_508, %dma_start3A_509] : memref<10240x128xf32, #tpu.memory_space<hbm>> -> memref<10240x128xf32, #tpu.memory_space<hbm>>
          tpu.enqueue_indirect_dma source(%dma_start3A_510 : memref<10240x128xf32, #tpu.memory_space<hbm>>) target(%dma_start3A_504 : memref<64x128xf32, #tpu.memory_space<vmem>>) offsets(%dma_start3A_507 : memref<64xi32, #tpu.memory_space<vmem>>) semaphore(%arg12 : memref<!tpu.dma_semaphore, #tpu.memory_space<semaphore_mem>>)
        } else {
        }
        %dma_wait3A_314 = arith.constant 0 : i32
        %dma_wait3A_315 = tpu.memref_slice %arg7[%add3A_306, %dma_wait3A_314] : memref<80x128xi32, #tpu.memory_space<vmem>> -> memref<1x128xi32, #tpu.memory_space<vmem>>
        %dma_wait3A_316 = tpu.memref_squeeze %dma_wait3A_315 : memref<1x128xi32, #tpu.memory_space<vmem>> -> memref<128xi32, #tpu.memory_space<vmem>>
        %dma_wait3A_317 = arith.constant 0 : i32
        %dma_wait3A_318 = arith.constant 0 : i32
        %dma_wait3A_319 = tpu.memref_slice %arg2[%dma_wait3A_317, %dma_wait3A_318] : memref<10240x128xf32, #tpu.memory_space<hbm>> -> memref<10240x128xf32, #tpu.memory_space<hbm>>
        tpu.wait_indirect_dma semaphore(%arg13 : memref<!tpu.dma_semaphore, #tpu.memory_space<semaphore_mem>>) src(%dma_wait3A_319 : memref<10240x128xf32, #tpu.memory_space<hbm>>) dst(%arg10 : memref<128x128xf32, #tpu.memory_space<vmem>>)
        %dma_start3A_320 = arith.constant 1 : i32
        %dma_start3A_321 = arith.constant 1 : i32
        %dma_start3A_322 = arith.constant 0 : i32
        %dma_start3A_323 = tpu.memref_slice %arg8[%dma_start3A_320, %dma_start3A_321, %dma_start3A_322] : memref<2x8x128xi32, #tpu.memory_space<vmem>> -> memref<1x1x128xi32, #tpu.memory_space<vmem>>
        %dma_start3A_324 = tpu.memref_squeeze %dma_start3A_323 : memref<1x1x128xi32, #tpu.memory_space<vmem>> -> memref<128xi32, #tpu.memory_space<vmem>>
        %dma_start3A_325 = arith.constant 0 : i32
        %dma_start3A_326 = arith.constant 0 : i32
        %dma_start3A_327 = tpu.memref_slice %arg11[%dma_start3A_325, %dma_start3A_326] : memref<10240x128xf32, #tpu.memory_space<vmem_shared>> -> memref<10240x128xf32, #tpu.memory_space<vmem_shared>>
        tpu.enqueue_indirect_dma source(%arg10 : memref<128x128xf32, #tpu.memory_space<vmem>>) target(%dma_start3A_327 : memref<10240x128xf32, #tpu.memory_space<vmem_shared>>) offsets(%dma_start3A_324 : memref<128xi32, #tpu.memory_space<vmem>>) semaphore(%arg17 : memref<!tpu.dma_semaphore, #tpu.memory_space<semaphore_mem>>) {add = true}
        %mul3A_328 = arith.constant 8 : i32
        %mul3A_329 = arith.muli %add3A_272, %mul3A_328 : i32
        %add3A_330 = arith.constant 2 : i32
        %add3A_331 = arith.addi %mul3A_329, %add3A_330 : i32
        %add3A_332 = arith.constant 1 : i32
        %add3A_333 = arith.addi %add3A_331, %add3A_332 : i32
        %lt3A_334 = arith.constant 80 : i32
        %lt3A_335 = arith.cmpi slt, %add3A_333, %lt3A_334 : i32
        %convert_element_type3A_336 = arith.extui %lt3A_335 : i1 to i32
        %cond3A_337 = arith.constant 0 : i32
        %cond3A_338 = arith.cmpi ne, %convert_element_type3A_336, %cond3A_337 : i32
        scf.if %cond3A_338 {
          %ge3A = arith.constant 1 : i32
          %ge3A_485 = arith.cmpi sge, %add3A_331, %ge3A : i32
          %convert_element_type3A_486 = arith.extui %ge3A_485 : i1 to i32
          %cond3A_487 = arith.constant 0 : i32
          %cond3A_488 = arith.cmpi ne, %convert_element_type3A_486, %cond3A_487 : i32
          scf.if %cond3A_488 {
            %dma_wait3A_511 = arith.constant 1 : i32
            %dma_wait3A_512 = arith.constant 2 : i32
            %dma_wait3A_513 = arith.constant 0 : i32
            %dma_wait3A_514 = tpu.memref_slice %arg8[%dma_wait3A_511, %dma_wait3A_512, %dma_wait3A_513] : memref<2x8x128xi32, #tpu.memory_space<vmem>> -> memref<1x1x128xi32, #tpu.memory_space<vmem>>
            %dma_wait3A_515 = tpu.memref_squeeze %dma_wait3A_514 : memref<1x1x128xi32, #tpu.memory_space<vmem>> -> memref<128xi32, #tpu.memory_space<vmem>>
            %dma_wait3A_516 = arith.constant 0 : i32
            %dma_wait3A_517 = arith.constant 0 : i32
            %dma_wait3A_518 = tpu.memref_slice %arg11[%dma_wait3A_516, %dma_wait3A_517] : memref<10240x128xf32, #tpu.memory_space<vmem_shared>> -> memref<10240x128xf32, #tpu.memory_space<vmem_shared>>
            tpu.wait_indirect_dma semaphore(%arg17 : memref<!tpu.dma_semaphore, #tpu.memory_space<semaphore_mem>>) src(%arg10 : memref<128x128xf32, #tpu.memory_space<vmem>>) dst(%dma_wait3A_518 : memref<10240x128xf32, #tpu.memory_space<vmem_shared>>)
          } else {
          }
          %add3A_489 = arith.constant 1 : i32
          %add3A_490 = arith.addi %add3A_331, %add3A_489 : i32
          %dma_start3A_491 = arith.constant 0 : i32
          %dma_start3A_492 = arith.constant 0 : i32
          %dma_start3A_493 = tpu.memref_slice %arg10[%dma_start3A_491, %dma_start3A_492] : memref<128x128xf32, #tpu.memory_space<vmem>> -> memref<64x128xf32, #tpu.memory_space<vmem>>
          %dma_start3A_494 = arith.constant 0 : i32
          %dma_start3A_495 = tpu.memref_slice %arg7[%add3A_490, %dma_start3A_494] : memref<80x128xi32, #tpu.memory_space<vmem>> -> memref<1x64xi32, #tpu.memory_space<vmem>>
          %dma_start3A_496 = tpu.memref_squeeze %dma_start3A_495 : memref<1x64xi32, #tpu.memory_space<vmem>> -> memref<64xi32, #tpu.memory_space<vmem>>
          %dma_start3A_497 = arith.constant 0 : i32
          %dma_start3A_498 = arith.constant 0 : i32
          %dma_start3A_499 = tpu.memref_slice %arg2[%dma_start3A_497, %dma_start3A_498] : memref<10240x128xf32, #tpu.memory_space<hbm>> -> memref<10240x128xf32, #tpu.memory_space<hbm>>
          tpu.enqueue_indirect_dma source(%dma_start3A_499 : memref<10240x128xf32, #tpu.memory_space<hbm>>) target(%dma_start3A_493 : memref<64x128xf32, #tpu.memory_space<vmem>>) offsets(%dma_start3A_496 : memref<64xi32, #tpu.memory_space<vmem>>) semaphore(%arg13 : memref<!tpu.dma_semaphore, #tpu.memory_space<semaphore_mem>>)
          %add3A_500 = arith.constant 1 : i32
          %add3A_501 = arith.addi %add3A_331, %add3A_500 : i32
          %dma_start3A_502 = arith.constant 64 : i32
          %dma_start3A_503 = arith.constant 0 : i32
          %dma_start3A_504 = tpu.memref_slice %arg10[%dma_start3A_502, %dma_start3A_503] : memref<128x128xf32, #tpu.memory_space<vmem>> -> memref<64x128xf32, #tpu.memory_space<vmem>>
          %dma_start3A_505 = arith.constant 64 : i32
          %dma_start3A_506 = tpu.memref_slice %arg7[%add3A_501, %dma_start3A_505] : memref<80x128xi32, #tpu.memory_space<vmem>> -> memref<1x64xi32, #tpu.memory_space<vmem>>
          %dma_start3A_507 = tpu.memref_squeeze %dma_start3A_506 : memref<1x64xi32, #tpu.memory_space<vmem>> -> memref<64xi32, #tpu.memory_space<vmem>>
          %dma_start3A_508 = arith.constant 0 : i32
          %dma_start3A_509 = arith.constant 0 : i32
          %dma_start3A_510 = tpu.memref_slice %arg2[%dma_start3A_508, %dma_start3A_509] : memref<10240x128xf32, #tpu.memory_space<hbm>> -> memref<10240x128xf32, #tpu.memory_space<hbm>>
          tpu.enqueue_indirect_dma source(%dma_start3A_510 : memref<10240x128xf32, #tpu.memory_space<hbm>>) target(%dma_start3A_504 : memref<64x128xf32, #tpu.memory_space<vmem>>) offsets(%dma_start3A_507 : memref<64xi32, #tpu.memory_space<vmem>>) semaphore(%arg13 : memref<!tpu.dma_semaphore, #tpu.memory_space<semaphore_mem>>)
        } else {
        }
        %dma_wait3A_339 = arith.constant 0 : i32
        %dma_wait3A_340 = tpu.memref_slice %arg7[%add3A_331, %dma_wait3A_339] : memref<80x128xi32, #tpu.memory_space<vmem>> -> memref<1x128xi32, #tpu.memory_space<vmem>>
        %dma_wait3A_341 = tpu.memref_squeeze %dma_wait3A_340 : memref<1x128xi32, #tpu.memory_space<vmem>> -> memref<128xi32, #tpu.memory_space<vmem>>
        %dma_wait3A_342 = arith.constant 0 : i32
        %dma_wait3A_343 = arith.constant 0 : i32
        %dma_wait3A_344 = tpu.memref_slice %arg2[%dma_wait3A_342, %dma_wait3A_343] : memref<10240x128xf32, #tpu.memory_space<hbm>> -> memref<10240x128xf32, #tpu.memory_space<hbm>>
        tpu.wait_indirect_dma semaphore(%arg12 : memref<!tpu.dma_semaphore, #tpu.memory_space<semaphore_mem>>) src(%dma_wait3A_344 : memref<10240x128xf32, #tpu.memory_space<hbm>>) dst(%arg9 : memref<128x128xf32, #tpu.memory_space<vmem>>)
        %dma_start3A_345 = arith.constant 1 : i32
        %dma_start3A_346 = arith.constant 2 : i32
        %dma_start3A_347 = arith.constant 0 : i32
        %dma_start3A_348 = tpu.memref_slice %arg8[%dma_start3A_345, %dma_start3A_346, %dma_start3A_347] : memref<2x8x128xi32, #tpu.memory_space<vmem>> -> memref<1x1x128xi32, #tpu.memory_space<vmem>>
        %dma_start3A_349 = tpu.memref_squeeze %dma_start3A_348 : memref<1x1x128xi32, #tpu.memory_space<vmem>> -> memref<128xi32, #tpu.memory_space<vmem>>
        %dma_start3A_350 = arith.constant 0 : i32
        %dma_start3A_351 = arith.constant 0 : i32
        %dma_start3A_352 = tpu.memref_slice %arg11[%dma_start3A_350, %dma_start3A_351] : memref<10240x128xf32, #tpu.memory_space<vmem_shared>> -> memref<10240x128xf32, #tpu.memory_space<vmem_shared>>
        tpu.enqueue_indirect_dma source(%arg9 : memref<128x128xf32, #tpu.memory_space<vmem>>) target(%dma_start3A_352 : memref<10240x128xf32, #tpu.memory_space<vmem_shared>>) offsets(%dma_start3A_349 : memref<128xi32, #tpu.memory_space<vmem>>) semaphore(%arg16 : memref<!tpu.dma_semaphore, #tpu.memory_space<semaphore_mem>>) {add = true}
        %mul3A_353 = arith.constant 8 : i32
        %mul3A_354 = arith.muli %add3A_272, %mul3A_353 : i32
        %add3A_355 = arith.constant 3 : i32
        %add3A_356 = arith.addi %mul3A_354, %add3A_355 : i32
        %add3A_357 = arith.constant 1 : i32
        %add3A_358 = arith.addi %add3A_356, %add3A_357 : i32
        %lt3A_359 = arith.constant 80 : i32
        %lt3A_360 = arith.cmpi slt, %add3A_358, %lt3A_359 : i32
        %convert_element_type3A_361 = arith.extui %lt3A_360 : i1 to i32
        %cond3A_362 = arith.constant 0 : i32
        %cond3A_363 = arith.cmpi ne, %convert_element_type3A_361, %cond3A_362 : i32
        scf.if %cond3A_363 {
          %ge3A = arith.constant 1 : i32
          %ge3A_485 = arith.cmpi sge, %add3A_356, %ge3A : i32
          %convert_element_type3A_486 = arith.extui %ge3A_485 : i1 to i32
          %cond3A_487 = arith.constant 0 : i32
          %cond3A_488 = arith.cmpi ne, %convert_element_type3A_486, %cond3A_487 : i32
          scf.if %cond3A_488 {
            %dma_wait3A_511 = arith.constant 1 : i32
            %dma_wait3A_512 = arith.constant 3 : i32
            %dma_wait3A_513 = arith.constant 0 : i32
            %dma_wait3A_514 = tpu.memref_slice %arg8[%dma_wait3A_511, %dma_wait3A_512, %dma_wait3A_513] : memref<2x8x128xi32, #tpu.memory_space<vmem>> -> memref<1x1x128xi32, #tpu.memory_space<vmem>>
            %dma_wait3A_515 = tpu.memref_squeeze %dma_wait3A_514 : memref<1x1x128xi32, #tpu.memory_space<vmem>> -> memref<128xi32, #tpu.memory_space<vmem>>
            %dma_wait3A_516 = arith.constant 0 : i32
            %dma_wait3A_517 = arith.constant 0 : i32
            %dma_wait3A_518 = tpu.memref_slice %arg11[%dma_wait3A_516, %dma_wait3A_517] : memref<10240x128xf32, #tpu.memory_space<vmem_shared>> -> memref<10240x128xf32, #tpu.memory_space<vmem_shared>>
            tpu.wait_indirect_dma semaphore(%arg16 : memref<!tpu.dma_semaphore, #tpu.memory_space<semaphore_mem>>) src(%arg9 : memref<128x128xf32, #tpu.memory_space<vmem>>) dst(%dma_wait3A_518 : memref<10240x128xf32, #tpu.memory_space<vmem_shared>>)
          } else {
          }
          %add3A_489 = arith.constant 1 : i32
          %add3A_490 = arith.addi %add3A_356, %add3A_489 : i32
          %dma_start3A_491 = arith.constant 0 : i32
          %dma_start3A_492 = arith.constant 0 : i32
          %dma_start3A_493 = tpu.memref_slice %arg9[%dma_start3A_491, %dma_start3A_492] : memref<128x128xf32, #tpu.memory_space<vmem>> -> memref<64x128xf32, #tpu.memory_space<vmem>>
          %dma_start3A_494 = arith.constant 0 : i32
          %dma_start3A_495 = tpu.memref_slice %arg7[%add3A_490, %dma_start3A_494] : memref<80x128xi32, #tpu.memory_space<vmem>> -> memref<1x64xi32, #tpu.memory_space<vmem>>
          %dma_start3A_496 = tpu.memref_squeeze %dma_start3A_495 : memref<1x64xi32, #tpu.memory_space<vmem>> -> memref<64xi32, #tpu.memory_space<vmem>>
          %dma_start3A_497 = arith.constant 0 : i32
          %dma_start3A_498 = arith.constant 0 : i32
          %dma_start3A_499 = tpu.memref_slice %arg2[%dma_start3A_497, %dma_start3A_498] : memref<10240x128xf32, #tpu.memory_space<hbm>> -> memref<10240x128xf32, #tpu.memory_space<hbm>>
          tpu.enqueue_indirect_dma source(%dma_start3A_499 : memref<10240x128xf32, #tpu.memory_space<hbm>>) target(%dma_start3A_493 : memref<64x128xf32, #tpu.memory_space<vmem>>) offsets(%dma_start3A_496 : memref<64xi32, #tpu.memory_space<vmem>>) semaphore(%arg12 : memref<!tpu.dma_semaphore, #tpu.memory_space<semaphore_mem>>)
          %add3A_500 = arith.constant 1 : i32
          %add3A_501 = arith.addi %add3A_356, %add3A_500 : i32
          %dma_start3A_502 = arith.constant 64 : i32
          %dma_start3A_503 = arith.constant 0 : i32
          %dma_start3A_504 = tpu.memref_slice %arg9[%dma_start3A_502, %dma_start3A_503] : memref<128x128xf32, #tpu.memory_space<vmem>> -> memref<64x128xf32, #tpu.memory_space<vmem>>
          %dma_start3A_505 = arith.constant 64 : i32
          %dma_start3A_506 = tpu.memref_slice %arg7[%add3A_501, %dma_start3A_505] : memref<80x128xi32, #tpu.memory_space<vmem>> -> memref<1x64xi32, #tpu.memory_space<vmem>>
          %dma_start3A_507 = tpu.memref_squeeze %dma_start3A_506 : memref<1x64xi32, #tpu.memory_space<vmem>> -> memref<64xi32, #tpu.memory_space<vmem>>
          %dma_start3A_508 = arith.constant 0 : i32
          %dma_start3A_509 = arith.constant 0 : i32
          %dma_start3A_510 = tpu.memref_slice %arg2[%dma_start3A_508, %dma_start3A_509] : memref<10240x128xf32, #tpu.memory_space<hbm>> -> memref<10240x128xf32, #tpu.memory_space<hbm>>
          tpu.enqueue_indirect_dma source(%dma_start3A_510 : memref<10240x128xf32, #tpu.memory_space<hbm>>) target(%dma_start3A_504 : memref<64x128xf32, #tpu.memory_space<vmem>>) offsets(%dma_start3A_507 : memref<64xi32, #tpu.memory_space<vmem>>) semaphore(%arg12 : memref<!tpu.dma_semaphore, #tpu.memory_space<semaphore_mem>>)
        } else {
        }
        %dma_wait3A_364 = arith.constant 0 : i32
        %dma_wait3A_365 = tpu.memref_slice %arg7[%add3A_356, %dma_wait3A_364] : memref<80x128xi32, #tpu.memory_space<vmem>> -> memref<1x128xi32, #tpu.memory_space<vmem>>
        %dma_wait3A_366 = tpu.memref_squeeze %dma_wait3A_365 : memref<1x128xi32, #tpu.memory_space<vmem>> -> memref<128xi32, #tpu.memory_space<vmem>>
        %dma_wait3A_367 = arith.constant 0 : i32
        %dma_wait3A_368 = arith.constant 0 : i32
        %dma_wait3A_369 = tpu.memref_slice %arg2[%dma_wait3A_367, %dma_wait3A_368] : memref<10240x128xf32, #tpu.memory_space<hbm>> -> memref<10240x128xf32, #tpu.memory_space<hbm>>
        tpu.wait_indirect_dma semaphore(%arg13 : memref<!tpu.dma_semaphore, #tpu.memory_space<semaphore_mem>>) src(%dma_wait3A_369 : memref<10240x128xf32, #tpu.memory_space<hbm>>) dst(%arg10 : memref<128x128xf32, #tpu.memory_space<vmem>>)
        %dma_start3A_370 = arith.constant 1 : i32
        %dma_start3A_371 = arith.constant 3 : i32
        %dma_start3A_372 = arith.constant 0 : i32
        %dma_start3A_373 = tpu.memref_slice %arg8[%dma_start3A_370, %dma_start3A_371, %dma_start3A_372] : memref<2x8x128xi32, #tpu.memory_space<vmem>> -> memref<1x1x128xi32, #tpu.memory_space<vmem>>
        %dma_start3A_374 = tpu.memref_squeeze %dma_start3A_373 : memref<1x1x128xi32, #tpu.memory_space<vmem>> -> memref<128xi32, #tpu.memory_space<vmem>>
        %dma_start3A_375 = arith.constant 0 : i32
        %dma_start3A_376 = arith.constant 0 : i32
        %dma_start3A_377 = tpu.memref_slice %arg11[%dma_start3A_375, %dma_start3A_376] : memref<10240x128xf32, #tpu.memory_space<vmem_shared>> -> memref<10240x128xf32, #tpu.memory_space<vmem_shared>>
        tpu.enqueue_indirect_dma source(%arg10 : memref<128x128xf32, #tpu.memory_space<vmem>>) target(%dma_start3A_377 : memref<10240x128xf32, #tpu.memory_space<vmem_shared>>) offsets(%dma_start3A_374 : memref<128xi32, #tpu.memory_space<vmem>>) semaphore(%arg17 : memref<!tpu.dma_semaphore, #tpu.memory_space<semaphore_mem>>) {add = true}
        %mul3A_378 = arith.constant 8 : i32
        %mul3A_379 = arith.muli %add3A_272, %mul3A_378 : i32
        %add3A_380 = arith.constant 4 : i32
        %add3A_381 = arith.addi %mul3A_379, %add3A_380 : i32
        %add3A_382 = arith.constant 1 : i32
        %add3A_383 = arith.addi %add3A_381, %add3A_382 : i32
        %lt3A_384 = arith.constant 80 : i32
        %lt3A_385 = arith.cmpi slt, %add3A_383, %lt3A_384 : i32
        %convert_element_type3A_386 = arith.extui %lt3A_385 : i1 to i32
        %cond3A_387 = arith.constant 0 : i32
        %cond3A_388 = arith.cmpi ne, %convert_element_type3A_386, %cond3A_387 : i32
        scf.if %cond3A_388 {
          %ge3A = arith.constant 1 : i32
          %ge3A_485 = arith.cmpi sge, %add3A_381, %ge3A : i32
          %convert_element_type3A_486 = arith.extui %ge3A_485 : i1 to i32
          %cond3A_487 = arith.constant 0 : i32
          %cond3A_488 = arith.cmpi ne, %convert_element_type3A_486, %cond3A_487 : i32
          scf.if %cond3A_488 {
            %dma_wait3A_511 = arith.constant 1 : i32
            %dma_wait3A_512 = arith.constant 4 : i32
            %dma_wait3A_513 = arith.constant 0 : i32
            %dma_wait3A_514 = tpu.memref_slice %arg8[%dma_wait3A_511, %dma_wait3A_512, %dma_wait3A_513] : memref<2x8x128xi32, #tpu.memory_space<vmem>> -> memref<1x1x128xi32, #tpu.memory_space<vmem>>
            %dma_wait3A_515 = tpu.memref_squeeze %dma_wait3A_514 : memref<1x1x128xi32, #tpu.memory_space<vmem>> -> memref<128xi32, #tpu.memory_space<vmem>>
            %dma_wait3A_516 = arith.constant 0 : i32
            %dma_wait3A_517 = arith.constant 0 : i32
            %dma_wait3A_518 = tpu.memref_slice %arg11[%dma_wait3A_516, %dma_wait3A_517] : memref<10240x128xf32, #tpu.memory_space<vmem_shared>> -> memref<10240x128xf32, #tpu.memory_space<vmem_shared>>
            tpu.wait_indirect_dma semaphore(%arg17 : memref<!tpu.dma_semaphore, #tpu.memory_space<semaphore_mem>>) src(%arg10 : memref<128x128xf32, #tpu.memory_space<vmem>>) dst(%dma_wait3A_518 : memref<10240x128xf32, #tpu.memory_space<vmem_shared>>)
          } else {
          }
          %add3A_489 = arith.constant 1 : i32
          %add3A_490 = arith.addi %add3A_381, %add3A_489 : i32
          %dma_start3A_491 = arith.constant 0 : i32
          %dma_start3A_492 = arith.constant 0 : i32
          %dma_start3A_493 = tpu.memref_slice %arg10[%dma_start3A_491, %dma_start3A_492] : memref<128x128xf32, #tpu.memory_space<vmem>> -> memref<64x128xf32, #tpu.memory_space<vmem>>
          %dma_start3A_494 = arith.constant 0 : i32
          %dma_start3A_495 = tpu.memref_slice %arg7[%add3A_490, %dma_start3A_494] : memref<80x128xi32, #tpu.memory_space<vmem>> -> memref<1x64xi32, #tpu.memory_space<vmem>>
          %dma_start3A_496 = tpu.memref_squeeze %dma_start3A_495 : memref<1x64xi32, #tpu.memory_space<vmem>> -> memref<64xi32, #tpu.memory_space<vmem>>
          %dma_start3A_497 = arith.constant 0 : i32
          %dma_start3A_498 = arith.constant 0 : i32
          %dma_start3A_499 = tpu.memref_slice %arg2[%dma_start3A_497, %dma_start3A_498] : memref<10240x128xf32, #tpu.memory_space<hbm>> -> memref<10240x128xf32, #tpu.memory_space<hbm>>
          tpu.enqueue_indirect_dma source(%dma_start3A_499 : memref<10240x128xf32, #tpu.memory_space<hbm>>) target(%dma_start3A_493 : memref<64x128xf32, #tpu.memory_space<vmem>>) offsets(%dma_start3A_496 : memref<64xi32, #tpu.memory_space<vmem>>) semaphore(%arg13 : memref<!tpu.dma_semaphore, #tpu.memory_space<semaphore_mem>>)
          %add3A_500 = arith.constant 1 : i32
          %add3A_501 = arith.addi %add3A_381, %add3A_500 : i32
          %dma_start3A_502 = arith.constant 64 : i32
          %dma_start3A_503 = arith.constant 0 : i32
          %dma_start3A_504 = tpu.memref_slice %arg10[%dma_start3A_502, %dma_start3A_503] : memref<128x128xf32, #tpu.memory_space<vmem>> -> memref<64x128xf32, #tpu.memory_space<vmem>>
          %dma_start3A_505 = arith.constant 64 : i32
          %dma_start3A_506 = tpu.memref_slice %arg7[%add3A_501, %dma_start3A_505] : memref<80x128xi32, #tpu.memory_space<vmem>> -> memref<1x64xi32, #tpu.memory_space<vmem>>
          %dma_start3A_507 = tpu.memref_squeeze %dma_start3A_506 : memref<1x64xi32, #tpu.memory_space<vmem>> -> memref<64xi32, #tpu.memory_space<vmem>>
          %dma_start3A_508 = arith.constant 0 : i32
          %dma_start3A_509 = arith.constant 0 : i32
          %dma_start3A_510 = tpu.memref_slice %arg2[%dma_start3A_508, %dma_start3A_509] : memref<10240x128xf32, #tpu.memory_space<hbm>> -> memref<10240x128xf32, #tpu.memory_space<hbm>>
          tpu.enqueue_indirect_dma source(%dma_start3A_510 : memref<10240x128xf32, #tpu.memory_space<hbm>>) target(%dma_start3A_504 : memref<64x128xf32, #tpu.memory_space<vmem>>) offsets(%dma_start3A_507 : memref<64xi32, #tpu.memory_space<vmem>>) semaphore(%arg13 : memref<!tpu.dma_semaphore, #tpu.memory_space<semaphore_mem>>)
        } else {
        }
        %dma_wait3A_389 = arith.constant 0 : i32
        %dma_wait3A_390 = tpu.memref_slice %arg7[%add3A_381, %dma_wait3A_389] : memref<80x128xi32, #tpu.memory_space<vmem>> -> memref<1x128xi32, #tpu.memory_space<vmem>>
        %dma_wait3A_391 = tpu.memref_squeeze %dma_wait3A_390 : memref<1x128xi32, #tpu.memory_space<vmem>> -> memref<128xi32, #tpu.memory_space<vmem>>
        %dma_wait3A_392 = arith.constant 0 : i32
        %dma_wait3A_393 = arith.constant 0 : i32
        %dma_wait3A_394 = tpu.memref_slice %arg2[%dma_wait3A_392, %dma_wait3A_393] : memref<10240x128xf32, #tpu.memory_space<hbm>> -> memref<10240x128xf32, #tpu.memory_space<hbm>>
        tpu.wait_indirect_dma semaphore(%arg12 : memref<!tpu.dma_semaphore, #tpu.memory_space<semaphore_mem>>) src(%dma_wait3A_394 : memref<10240x128xf32, #tpu.memory_space<hbm>>) dst(%arg9 : memref<128x128xf32, #tpu.memory_space<vmem>>)
        %dma_start3A_395 = arith.constant 1 : i32
        %dma_start3A_396 = arith.constant 4 : i32
        %dma_start3A_397 = arith.constant 0 : i32
        %dma_start3A_398 = tpu.memref_slice %arg8[%dma_start3A_395, %dma_start3A_396, %dma_start3A_397] : memref<2x8x128xi32, #tpu.memory_space<vmem>> -> memref<1x1x128xi32, #tpu.memory_space<vmem>>
        %dma_start3A_399 = tpu.memref_squeeze %dma_start3A_398 : memref<1x1x128xi32, #tpu.memory_space<vmem>> -> memref<128xi32, #tpu.memory_space<vmem>>
        %dma_start3A_400 = arith.constant 0 : i32
        %dma_start3A_401 = arith.constant 0 : i32
        %dma_start3A_402 = tpu.memref_slice %arg11[%dma_start3A_400, %dma_start3A_401] : memref<10240x128xf32, #tpu.memory_space<vmem_shared>> -> memref<10240x128xf32, #tpu.memory_space<vmem_shared>>
        tpu.enqueue_indirect_dma source(%arg9 : memref<128x128xf32, #tpu.memory_space<vmem>>) target(%dma_start3A_402 : memref<10240x128xf32, #tpu.memory_space<vmem_shared>>) offsets(%dma_start3A_399 : memref<128xi32, #tpu.memory_space<vmem>>) semaphore(%arg16 : memref<!tpu.dma_semaphore, #tpu.memory_space<semaphore_mem>>) {add = true}
        %mul3A_403 = arith.constant 8 : i32
        %mul3A_404 = arith.muli %add3A_272, %mul3A_403 : i32
        %add3A_405 = arith.constant 5 : i32
        %add3A_406 = arith.addi %mul3A_404, %add3A_405 : i32
        %add3A_407 = arith.constant 1 : i32
        %add3A_408 = arith.addi %add3A_406, %add3A_407 : i32
        %lt3A_409 = arith.constant 80 : i32
        %lt3A_410 = arith.cmpi slt, %add3A_408, %lt3A_409 : i32
        %convert_element_type3A_411 = arith.extui %lt3A_410 : i1 to i32
        %cond3A_412 = arith.constant 0 : i32
        %cond3A_413 = arith.cmpi ne, %convert_element_type3A_411, %cond3A_412 : i32
        scf.if %cond3A_413 {
          %ge3A = arith.constant 1 : i32
          %ge3A_485 = arith.cmpi sge, %add3A_406, %ge3A : i32
          %convert_element_type3A_486 = arith.extui %ge3A_485 : i1 to i32
          %cond3A_487 = arith.constant 0 : i32
          %cond3A_488 = arith.cmpi ne, %convert_element_type3A_486, %cond3A_487 : i32
          scf.if %cond3A_488 {
            %dma_wait3A_511 = arith.constant 1 : i32
            %dma_wait3A_512 = arith.constant 5 : i32
            %dma_wait3A_513 = arith.constant 0 : i32
            %dma_wait3A_514 = tpu.memref_slice %arg8[%dma_wait3A_511, %dma_wait3A_512, %dma_wait3A_513] : memref<2x8x128xi32, #tpu.memory_space<vmem>> -> memref<1x1x128xi32, #tpu.memory_space<vmem>>
            %dma_wait3A_515 = tpu.memref_squeeze %dma_wait3A_514 : memref<1x1x128xi32, #tpu.memory_space<vmem>> -> memref<128xi32, #tpu.memory_space<vmem>>
            %dma_wait3A_516 = arith.constant 0 : i32
            %dma_wait3A_517 = arith.constant 0 : i32
            %dma_wait3A_518 = tpu.memref_slice %arg11[%dma_wait3A_516, %dma_wait3A_517] : memref<10240x128xf32, #tpu.memory_space<vmem_shared>> -> memref<10240x128xf32, #tpu.memory_space<vmem_shared>>
            tpu.wait_indirect_dma semaphore(%arg16 : memref<!tpu.dma_semaphore, #tpu.memory_space<semaphore_mem>>) src(%arg9 : memref<128x128xf32, #tpu.memory_space<vmem>>) dst(%dma_wait3A_518 : memref<10240x128xf32, #tpu.memory_space<vmem_shared>>)
          } else {
          }
          %add3A_489 = arith.constant 1 : i32
          %add3A_490 = arith.addi %add3A_406, %add3A_489 : i32
          %dma_start3A_491 = arith.constant 0 : i32
          %dma_start3A_492 = arith.constant 0 : i32
          %dma_start3A_493 = tpu.memref_slice %arg9[%dma_start3A_491, %dma_start3A_492] : memref<128x128xf32, #tpu.memory_space<vmem>> -> memref<64x128xf32, #tpu.memory_space<vmem>>
          %dma_start3A_494 = arith.constant 0 : i32
          %dma_start3A_495 = tpu.memref_slice %arg7[%add3A_490, %dma_start3A_494] : memref<80x128xi32, #tpu.memory_space<vmem>> -> memref<1x64xi32, #tpu.memory_space<vmem>>
          %dma_start3A_496 = tpu.memref_squeeze %dma_start3A_495 : memref<1x64xi32, #tpu.memory_space<vmem>> -> memref<64xi32, #tpu.memory_space<vmem>>
          %dma_start3A_497 = arith.constant 0 : i32
          %dma_start3A_498 = arith.constant 0 : i32
          %dma_start3A_499 = tpu.memref_slice %arg2[%dma_start3A_497, %dma_start3A_498] : memref<10240x128xf32, #tpu.memory_space<hbm>> -> memref<10240x128xf32, #tpu.memory_space<hbm>>
          tpu.enqueue_indirect_dma source(%dma_start3A_499 : memref<10240x128xf32, #tpu.memory_space<hbm>>) target(%dma_start3A_493 : memref<64x128xf32, #tpu.memory_space<vmem>>) offsets(%dma_start3A_496 : memref<64xi32, #tpu.memory_space<vmem>>) semaphore(%arg12 : memref<!tpu.dma_semaphore, #tpu.memory_space<semaphore_mem>>)
          %add3A_500 = arith.constant 1 : i32
          %add3A_501 = arith.addi %add3A_406, %add3A_500 : i32
          %dma_start3A_502 = arith.constant 64 : i32
          %dma_start3A_503 = arith.constant 0 : i32
          %dma_start3A_504 = tpu.memref_slice %arg9[%dma_start3A_502, %dma_start3A_503] : memref<128x128xf32, #tpu.memory_space<vmem>> -> memref<64x128xf32, #tpu.memory_space<vmem>>
          %dma_start3A_505 = arith.constant 64 : i32
          %dma_start3A_506 = tpu.memref_slice %arg7[%add3A_501, %dma_start3A_505] : memref<80x128xi32, #tpu.memory_space<vmem>> -> memref<1x64xi32, #tpu.memory_space<vmem>>
          %dma_start3A_507 = tpu.memref_squeeze %dma_start3A_506 : memref<1x64xi32, #tpu.memory_space<vmem>> -> memref<64xi32, #tpu.memory_space<vmem>>
          %dma_start3A_508 = arith.constant 0 : i32
          %dma_start3A_509 = arith.constant 0 : i32
          %dma_start3A_510 = tpu.memref_slice %arg2[%dma_start3A_508, %dma_start3A_509] : memref<10240x128xf32, #tpu.memory_space<hbm>> -> memref<10240x128xf32, #tpu.memory_space<hbm>>
          tpu.enqueue_indirect_dma source(%dma_start3A_510 : memref<10240x128xf32, #tpu.memory_space<hbm>>) target(%dma_start3A_504 : memref<64x128xf32, #tpu.memory_space<vmem>>) offsets(%dma_start3A_507 : memref<64xi32, #tpu.memory_space<vmem>>) semaphore(%arg12 : memref<!tpu.dma_semaphore, #tpu.memory_space<semaphore_mem>>)
        } else {
        }
        %dma_wait3A_414 = arith.constant 0 : i32
        %dma_wait3A_415 = tpu.memref_slice %arg7[%add3A_406, %dma_wait3A_414] : memref<80x128xi32, #tpu.memory_space<vmem>> -> memref<1x128xi32, #tpu.memory_space<vmem>>
        %dma_wait3A_416 = tpu.memref_squeeze %dma_wait3A_415 : memref<1x128xi32, #tpu.memory_space<vmem>> -> memref<128xi32, #tpu.memory_space<vmem>>
        %dma_wait3A_417 = arith.constant 0 : i32
        %dma_wait3A_418 = arith.constant 0 : i32
        %dma_wait3A_419 = tpu.memref_slice %arg2[%dma_wait3A_417, %dma_wait3A_418] : memref<10240x128xf32, #tpu.memory_space<hbm>> -> memref<10240x128xf32, #tpu.memory_space<hbm>>
        tpu.wait_indirect_dma semaphore(%arg13 : memref<!tpu.dma_semaphore, #tpu.memory_space<semaphore_mem>>) src(%dma_wait3A_419 : memref<10240x128xf32, #tpu.memory_space<hbm>>) dst(%arg10 : memref<128x128xf32, #tpu.memory_space<vmem>>)
        %dma_start3A_420 = arith.constant 1 : i32
        %dma_start3A_421 = arith.constant 5 : i32
        %dma_start3A_422 = arith.constant 0 : i32
        %dma_start3A_423 = tpu.memref_slice %arg8[%dma_start3A_420, %dma_start3A_421, %dma_start3A_422] : memref<2x8x128xi32, #tpu.memory_space<vmem>> -> memref<1x1x128xi32, #tpu.memory_space<vmem>>
        %dma_start3A_424 = tpu.memref_squeeze %dma_start3A_423 : memref<1x1x128xi32, #tpu.memory_space<vmem>> -> memref<128xi32, #tpu.memory_space<vmem>>
        %dma_start3A_425 = arith.constant 0 : i32
        %dma_start3A_426 = arith.constant 0 : i32
        %dma_start3A_427 = tpu.memref_slice %arg11[%dma_start3A_425, %dma_start3A_426] : memref<10240x128xf32, #tpu.memory_space<vmem_shared>> -> memref<10240x128xf32, #tpu.memory_space<vmem_shared>>
        tpu.enqueue_indirect_dma source(%arg10 : memref<128x128xf32, #tpu.memory_space<vmem>>) target(%dma_start3A_427 : memref<10240x128xf32, #tpu.memory_space<vmem_shared>>) offsets(%dma_start3A_424 : memref<128xi32, #tpu.memory_space<vmem>>) semaphore(%arg17 : memref<!tpu.dma_semaphore, #tpu.memory_space<semaphore_mem>>) {add = true}
        %mul3A_428 = arith.constant 8 : i32
        %mul3A_429 = arith.muli %add3A_272, %mul3A_428 : i32
        %add3A_430 = arith.constant 6 : i32
        %add3A_431 = arith.addi %mul3A_429, %add3A_430 : i32
        %add3A_432 = arith.constant 1 : i32
        %add3A_433 = arith.addi %add3A_431, %add3A_432 : i32
        %lt3A_434 = arith.constant 80 : i32
        %lt3A_435 = arith.cmpi slt, %add3A_433, %lt3A_434 : i32
        %convert_element_type3A_436 = arith.extui %lt3A_435 : i1 to i32
        %cond3A_437 = arith.constant 0 : i32
        %cond3A_438 = arith.cmpi ne, %convert_element_type3A_436, %cond3A_437 : i32
        scf.if %cond3A_438 {
          %ge3A = arith.constant 1 : i32
          %ge3A_485 = arith.cmpi sge, %add3A_431, %ge3A : i32
          %convert_element_type3A_486 = arith.extui %ge3A_485 : i1 to i32
          %cond3A_487 = arith.constant 0 : i32
          %cond3A_488 = arith.cmpi ne, %convert_element_type3A_486, %cond3A_487 : i32
          scf.if %cond3A_488 {
            %dma_wait3A_511 = arith.constant 1 : i32
            %dma_wait3A_512 = arith.constant 6 : i32
            %dma_wait3A_513 = arith.constant 0 : i32
            %dma_wait3A_514 = tpu.memref_slice %arg8[%dma_wait3A_511, %dma_wait3A_512, %dma_wait3A_513] : memref<2x8x128xi32, #tpu.memory_space<vmem>> -> memref<1x1x128xi32, #tpu.memory_space<vmem>>
            %dma_wait3A_515 = tpu.memref_squeeze %dma_wait3A_514 : memref<1x1x128xi32, #tpu.memory_space<vmem>> -> memref<128xi32, #tpu.memory_space<vmem>>
            %dma_wait3A_516 = arith.constant 0 : i32
            %dma_wait3A_517 = arith.constant 0 : i32
            %dma_wait3A_518 = tpu.memref_slice %arg11[%dma_wait3A_516, %dma_wait3A_517] : memref<10240x128xf32, #tpu.memory_space<vmem_shared>> -> memref<10240x128xf32, #tpu.memory_space<vmem_shared>>
            tpu.wait_indirect_dma semaphore(%arg17 : memref<!tpu.dma_semaphore, #tpu.memory_space<semaphore_mem>>) src(%arg10 : memref<128x128xf32, #tpu.memory_space<vmem>>) dst(%dma_wait3A_518 : memref<10240x128xf32, #tpu.memory_space<vmem_shared>>)
          } else {
          }
          %add3A_489 = arith.constant 1 : i32
          %add3A_490 = arith.addi %add3A_431, %add3A_489 : i32
          %dma_start3A_491 = arith.constant 0 : i32
          %dma_start3A_492 = arith.constant 0 : i32
          %dma_start3A_493 = tpu.memref_slice %arg10[%dma_start3A_491, %dma_start3A_492] : memref<128x128xf32, #tpu.memory_space<vmem>> -> memref<64x128xf32, #tpu.memory_space<vmem>>
          %dma_start3A_494 = arith.constant 0 : i32
          %dma_start3A_495 = tpu.memref_slice %arg7[%add3A_490, %dma_start3A_494] : memref<80x128xi32, #tpu.memory_space<vmem>> -> memref<1x64xi32, #tpu.memory_space<vmem>>
          %dma_start3A_496 = tpu.memref_squeeze %dma_start3A_495 : memref<1x64xi32, #tpu.memory_space<vmem>> -> memref<64xi32, #tpu.memory_space<vmem>>
          %dma_start3A_497 = arith.constant 0 : i32
          %dma_start3A_498 = arith.constant 0 : i32
          %dma_start3A_499 = tpu.memref_slice %arg2[%dma_start3A_497, %dma_start3A_498] : memref<10240x128xf32, #tpu.memory_space<hbm>> -> memref<10240x128xf32, #tpu.memory_space<hbm>>
          tpu.enqueue_indirect_dma source(%dma_start3A_499 : memref<10240x128xf32, #tpu.memory_space<hbm>>) target(%dma_start3A_493 : memref<64x128xf32, #tpu.memory_space<vmem>>) offsets(%dma_start3A_496 : memref<64xi32, #tpu.memory_space<vmem>>) semaphore(%arg13 : memref<!tpu.dma_semaphore, #tpu.memory_space<semaphore_mem>>)
          %add3A_500 = arith.constant 1 : i32
          %add3A_501 = arith.addi %add3A_431, %add3A_500 : i32
          %dma_start3A_502 = arith.constant 64 : i32
          %dma_start3A_503 = arith.constant 0 : i32
          %dma_start3A_504 = tpu.memref_slice %arg10[%dma_start3A_502, %dma_start3A_503] : memref<128x128xf32, #tpu.memory_space<vmem>> -> memref<64x128xf32, #tpu.memory_space<vmem>>
          %dma_start3A_505 = arith.constant 64 : i32
          %dma_start3A_506 = tpu.memref_slice %arg7[%add3A_501, %dma_start3A_505] : memref<80x128xi32, #tpu.memory_space<vmem>> -> memref<1x64xi32, #tpu.memory_space<vmem>>
          %dma_start3A_507 = tpu.memref_squeeze %dma_start3A_506 : memref<1x64xi32, #tpu.memory_space<vmem>> -> memref<64xi32, #tpu.memory_space<vmem>>
          %dma_start3A_508 = arith.constant 0 : i32
          %dma_start3A_509 = arith.constant 0 : i32
          %dma_start3A_510 = tpu.memref_slice %arg2[%dma_start3A_508, %dma_start3A_509] : memref<10240x128xf32, #tpu.memory_space<hbm>> -> memref<10240x128xf32, #tpu.memory_space<hbm>>
          tpu.enqueue_indirect_dma source(%dma_start3A_510 : memref<10240x128xf32, #tpu.memory_space<hbm>>) target(%dma_start3A_504 : memref<64x128xf32, #tpu.memory_space<vmem>>) offsets(%dma_start3A_507 : memref<64xi32, #tpu.memory_space<vmem>>) semaphore(%arg13 : memref<!tpu.dma_semaphore, #tpu.memory_space<semaphore_mem>>)
        } else {
        }
        %dma_wait3A_439 = arith.constant 0 : i32
        %dma_wait3A_440 = tpu.memref_slice %arg7[%add3A_431, %dma_wait3A_439] : memref<80x128xi32, #tpu.memory_space<vmem>> -> memref<1x128xi32, #tpu.memory_space<vmem>>
        %dma_wait3A_441 = tpu.memref_squeeze %dma_wait3A_440 : memref<1x128xi32, #tpu.memory_space<vmem>> -> memref<128xi32, #tpu.memory_space<vmem>>
        %dma_wait3A_442 = arith.constant 0 : i32
        %dma_wait3A_443 = arith.constant 0 : i32
        %dma_wait3A_444 = tpu.memref_slice %arg2[%dma_wait3A_442, %dma_wait3A_443] : memref<10240x128xf32, #tpu.memory_space<hbm>> -> memref<10240x128xf32, #tpu.memory_space<hbm>>
        tpu.wait_indirect_dma semaphore(%arg12 : memref<!tpu.dma_semaphore, #tpu.memory_space<semaphore_mem>>) src(%dma_wait3A_444 : memref<10240x128xf32, #tpu.memory_space<hbm>>) dst(%arg9 : memref<128x128xf32, #tpu.memory_space<vmem>>)
        %dma_start3A_445 = arith.constant 1 : i32
        %dma_start3A_446 = arith.constant 6 : i32
        %dma_start3A_447 = arith.constant 0 : i32
        %dma_start3A_448 = tpu.memref_slice %arg8[%dma_start3A_445, %dma_start3A_446, %dma_start3A_447] : memref<2x8x128xi32, #tpu.memory_space<vmem>> -> memref<1x1x128xi32, #tpu.memory_space<vmem>>
        %dma_start3A_449 = tpu.memref_squeeze %dma_start3A_448 : memref<1x1x128xi32, #tpu.memory_space<vmem>> -> memref<128xi32, #tpu.memory_space<vmem>>
        %dma_start3A_450 = arith.constant 0 : i32
        %dma_start3A_451 = arith.constant 0 : i32
        %dma_start3A_452 = tpu.memref_slice %arg11[%dma_start3A_450, %dma_start3A_451] : memref<10240x128xf32, #tpu.memory_space<vmem_shared>> -> memref<10240x128xf32, #tpu.memory_space<vmem_shared>>
        tpu.enqueue_indirect_dma source(%arg9 : memref<128x128xf32, #tpu.memory_space<vmem>>) target(%dma_start3A_452 : memref<10240x128xf32, #tpu.memory_space<vmem_shared>>) offsets(%dma_start3A_449 : memref<128xi32, #tpu.memory_space<vmem>>) semaphore(%arg16 : memref<!tpu.dma_semaphore, #tpu.memory_space<semaphore_mem>>) {add = true}
        %mul3A_453 = arith.constant 8 : i32
        %mul3A_454 = arith.muli %add3A_272, %mul3A_453 : i32
        %add3A_455 = arith.constant 7 : i32
        %add3A_456 = arith.addi %mul3A_454, %add3A_455 : i32
        %add3A_457 = arith.constant 1 : i32
        %add3A_458 = arith.addi %add3A_456, %add3A_457 : i32
        %lt3A_459 = arith.constant 80 : i32
        %lt3A_460 = arith.cmpi slt, %add3A_458, %lt3A_459 : i32
        %convert_element_type3A_461 = arith.extui %lt3A_460 : i1 to i32
        %cond3A_462 = arith.constant 0 : i32
        %cond3A_463 = arith.cmpi ne, %convert_element_type3A_461, %cond3A_462 : i32
        scf.if %cond3A_463 {
          %ge3A = arith.constant 1 : i32
          %ge3A_485 = arith.cmpi sge, %add3A_456, %ge3A : i32
          %convert_element_type3A_486 = arith.extui %ge3A_485 : i1 to i32
          %cond3A_487 = arith.constant 0 : i32
          %cond3A_488 = arith.cmpi ne, %convert_element_type3A_486, %cond3A_487 : i32
          scf.if %cond3A_488 {
            %dma_wait3A_511 = arith.constant 1 : i32
            %dma_wait3A_512 = arith.constant 7 : i32
            %dma_wait3A_513 = arith.constant 0 : i32
            %dma_wait3A_514 = tpu.memref_slice %arg8[%dma_wait3A_511, %dma_wait3A_512, %dma_wait3A_513] : memref<2x8x128xi32, #tpu.memory_space<vmem>> -> memref<1x1x128xi32, #tpu.memory_space<vmem>>
            %dma_wait3A_515 = tpu.memref_squeeze %dma_wait3A_514 : memref<1x1x128xi32, #tpu.memory_space<vmem>> -> memref<128xi32, #tpu.memory_space<vmem>>
            %dma_wait3A_516 = arith.constant 0 : i32
            %dma_wait3A_517 = arith.constant 0 : i32
            %dma_wait3A_518 = tpu.memref_slice %arg11[%dma_wait3A_516, %dma_wait3A_517] : memref<10240x128xf32, #tpu.memory_space<vmem_shared>> -> memref<10240x128xf32, #tpu.memory_space<vmem_shared>>
            tpu.wait_indirect_dma semaphore(%arg16 : memref<!tpu.dma_semaphore, #tpu.memory_space<semaphore_mem>>) src(%arg9 : memref<128x128xf32, #tpu.memory_space<vmem>>) dst(%dma_wait3A_518 : memref<10240x128xf32, #tpu.memory_space<vmem_shared>>)
          } else {
          }
          %add3A_489 = arith.constant 1 : i32
          %add3A_490 = arith.addi %add3A_456, %add3A_489 : i32
          %dma_start3A_491 = arith.constant 0 : i32
          %dma_start3A_492 = arith.constant 0 : i32
          %dma_start3A_493 = tpu.memref_slice %arg9[%dma_start3A_491, %dma_start3A_492] : memref<128x128xf32, #tpu.memory_space<vmem>> -> memref<64x128xf32, #tpu.memory_space<vmem>>
          %dma_start3A_494 = arith.constant 0 : i32
          %dma_start3A_495 = tpu.memref_slice %arg7[%add3A_490, %dma_start3A_494] : memref<80x128xi32, #tpu.memory_space<vmem>> -> memref<1x64xi32, #tpu.memory_space<vmem>>
          %dma_start3A_496 = tpu.memref_squeeze %dma_start3A_495 : memref<1x64xi32, #tpu.memory_space<vmem>> -> memref<64xi32, #tpu.memory_space<vmem>>
          %dma_start3A_497 = arith.constant 0 : i32
          %dma_start3A_498 = arith.constant 0 : i32
          %dma_start3A_499 = tpu.memref_slice %arg2[%dma_start3A_497, %dma_start3A_498] : memref<10240x128xf32, #tpu.memory_space<hbm>> -> memref<10240x128xf32, #tpu.memory_space<hbm>>
          tpu.enqueue_indirect_dma source(%dma_start3A_499 : memref<10240x128xf32, #tpu.memory_space<hbm>>) target(%dma_start3A_493 : memref<64x128xf32, #tpu.memory_space<vmem>>) offsets(%dma_start3A_496 : memref<64xi32, #tpu.memory_space<vmem>>) semaphore(%arg12 : memref<!tpu.dma_semaphore, #tpu.memory_space<semaphore_mem>>)
          %add3A_500 = arith.constant 1 : i32
          %add3A_501 = arith.addi %add3A_456, %add3A_500 : i32
          %dma_start3A_502 = arith.constant 64 : i32
          %dma_start3A_503 = arith.constant 0 : i32
          %dma_start3A_504 = tpu.memref_slice %arg9[%dma_start3A_502, %dma_start3A_503] : memref<128x128xf32, #tpu.memory_space<vmem>> -> memref<64x128xf32, #tpu.memory_space<vmem>>
          %dma_start3A_505 = arith.constant 64 : i32
          %dma_start3A_506 = tpu.memref_slice %arg7[%add3A_501, %dma_start3A_505] : memref<80x128xi32, #tpu.memory_space<vmem>> -> memref<1x64xi32, #tpu.memory_space<vmem>>
          %dma_start3A_507 = tpu.memref_squeeze %dma_start3A_506 : memref<1x64xi32, #tpu.memory_space<vmem>> -> memref<64xi32, #tpu.memory_space<vmem>>
          %dma_start3A_508 = arith.constant 0 : i32
          %dma_start3A_509 = arith.constant 0 : i32
          %dma_start3A_510 = tpu.memref_slice %arg2[%dma_start3A_508, %dma_start3A_509] : memref<10240x128xf32, #tpu.memory_space<hbm>> -> memref<10240x128xf32, #tpu.memory_space<hbm>>
          tpu.enqueue_indirect_dma source(%dma_start3A_510 : memref<10240x128xf32, #tpu.memory_space<hbm>>) target(%dma_start3A_504 : memref<64x128xf32, #tpu.memory_space<vmem>>) offsets(%dma_start3A_507 : memref<64xi32, #tpu.memory_space<vmem>>) semaphore(%arg12 : memref<!tpu.dma_semaphore, #tpu.memory_space<semaphore_mem>>)
        } else {
        }
        %dma_wait3A_464 = arith.constant 0 : i32
        %dma_wait3A_465 = tpu.memref_slice %arg7[%add3A_456, %dma_wait3A_464] : memref<80x128xi32, #tpu.memory_space<vmem>> -> memref<1x128xi32, #tpu.memory_space<vmem>>
        %dma_wait3A_466 = tpu.memref_squeeze %dma_wait3A_465 : memref<1x128xi32, #tpu.memory_space<vmem>> -> memref<128xi32, #tpu.memory_space<vmem>>
        %dma_wait3A_467 = arith.constant 0 : i32
        %dma_wait3A_468 = arith.constant 0 : i32
        %dma_wait3A_469 = tpu.memref_slice %arg2[%dma_wait3A_467, %dma_wait3A_468] : memref<10240x128xf32, #tpu.memory_space<hbm>> -> memref<10240x128xf32, #tpu.memory_space<hbm>>
        tpu.wait_indirect_dma semaphore(%arg13 : memref<!tpu.dma_semaphore, #tpu.memory_space<semaphore_mem>>) src(%dma_wait3A_469 : memref<10240x128xf32, #tpu.memory_space<hbm>>) dst(%arg10 : memref<128x128xf32, #tpu.memory_space<vmem>>)
        %dma_start3A_470 = arith.constant 1 : i32
        %dma_start3A_471 = arith.constant 7 : i32
        %dma_start3A_472 = arith.constant 0 : i32
        %dma_start3A_473 = tpu.memref_slice %arg8[%dma_start3A_470, %dma_start3A_471, %dma_start3A_472] : memref<2x8x128xi32, #tpu.memory_space<vmem>> -> memref<1x1x128xi32, #tpu.memory_space<vmem>>
        %dma_start3A_474 = tpu.memref_squeeze %dma_start3A_473 : memref<1x1x128xi32, #tpu.memory_space<vmem>> -> memref<128xi32, #tpu.memory_space<vmem>>
        %dma_start3A_475 = arith.constant 0 : i32
        %dma_start3A_476 = arith.constant 0 : i32
        %dma_start3A_477 = tpu.memref_slice %arg11[%dma_start3A_475, %dma_start3A_476] : memref<10240x128xf32, #tpu.memory_space<vmem_shared>> -> memref<10240x128xf32, #tpu.memory_space<vmem_shared>>
        tpu.enqueue_indirect_dma source(%arg10 : memref<128x128xf32, #tpu.memory_space<vmem>>) target(%dma_start3A_477 : memref<10240x128xf32, #tpu.memory_space<vmem_shared>>) offsets(%dma_start3A_474 : memref<128xi32, #tpu.memory_space<vmem>>) semaphore(%arg17 : memref<!tpu.dma_semaphore, #tpu.memory_space<semaphore_mem>>) {add = true}
        %add3A_478 = arith.constant 2 : i32
        %add3A_479 = arith.addi %add3A_272, %add3A_478 : i32
        %lt3A_480 = arith.constant 10 : i32
        %lt3A_481 = arith.cmpi slt, %add3A_479, %lt3A_480 : i32
        %convert_element_type3A_482 = arith.extui %lt3A_481 : i1 to i32
        %cond3A_483 = arith.constant 0 : i32
        %cond3A_484 = arith.cmpi ne, %convert_element_type3A_482, %cond3A_483 : i32
        scf.if %cond3A_484 {
          %add3A_485 = arith.constant 2 : i32
          %add3A_486 = arith.addi %add3A_272, %add3A_485 : i32
          %mul3A_487 = arith.constant 8 : i32
          %mul3A_488 = arith.muli %add3A_486, %mul3A_487 : i32
          %dma_start3A_489 = arith.constant 1 : i32
          %dma_start3A_490 = arith.constant 0 : i32
          %dma_start3A_491 = arith.constant 0 : i32
          %dma_start3A_492 = tpu.memref_slice %arg8[%dma_start3A_489, %dma_start3A_490, %dma_start3A_491] : memref<2x8x128xi32, #tpu.memory_space<vmem>> -> memref<1x8x128xi32, #tpu.memory_space<vmem>>
          %dma_start3A_493 = tpu.memref_squeeze %dma_start3A_492 : memref<1x8x128xi32, #tpu.memory_space<vmem>> -> memref<8x128xi32, #tpu.memory_space<vmem>>
          %dma_start3A_494 = arith.constant 0 : i32
          %dma_start3A_495 = tpu.memref_slice %arg4[%arg1, %mul3A_488, %dma_start3A_494] : memref<16x80x128xi32, #tpu.memory_space<hbm>> -> memref<1x8x128xi32, #tpu.memory_space<hbm>>
          %dma_start3A_496 = tpu.memref_squeeze %dma_start3A_495 : memref<1x8x128xi32, #tpu.memory_space<hbm>> -> memref<8x128xi32, #tpu.memory_space<hbm>>
          %dma_start3A_497 = arith.constant 0 : i32
          %dma_start3A_498 = arith.constant 0 : i32
          %dma_start3A_499 = tpu.memref_slice %arg8[%dma_start3A_489, %dma_start3A_497, %dma_start3A_498] : memref<2x8x128xi32, #tpu.memory_space<vmem>> -> memref<1x8x128xi32, #tpu.memory_space<vmem>>
          %dma_start3A_500 = tpu.memref_squeeze %dma_start3A_499 : memref<1x8x128xi32, #tpu.memory_space<vmem>> -> memref<8x128xi32, #tpu.memory_space<vmem>>
          %dma_start3A_501 = arith.constant 0 : i32
          %dma_start3A_502 = tpu.memref_slice %arg4[%arg1, %mul3A_488, %dma_start3A_501] : memref<16x80x128xi32, #tpu.memory_space<hbm>> -> memref<1x8x128xi32, #tpu.memory_space<hbm>>
          %dma_start3A_503 = tpu.memref_squeeze %dma_start3A_502 : memref<1x8x128xi32, #tpu.memory_space<hbm>> -> memref<8x128xi32, #tpu.memory_space<hbm>>
          tpu.enqueue_dma source(%dma_start3A_503 : memref<8x128xi32, #tpu.memory_space<hbm>>) target(%dma_start3A_500 : memref<8x128xi32, #tpu.memory_space<vmem>>) target_semaphore(%arg15 : memref<!tpu.dma_semaphore, #tpu.memory_space<semaphore_mem>>)
        } else {
        }
      }
      %scan3A_40 = arith.constant 5 : i32
      %dma_wait3A = arith.constant 1 : i32
      %dma_wait3A_41 = arith.constant 0 : i32
      %dma_wait3A_42 = arith.constant 0 : i32
      %dma_wait3A_43 = tpu.memref_slice %arg8[%dma_wait3A, %dma_wait3A_41, %dma_wait3A_42] : memref<2x8x128xi32, #tpu.memory_space<vmem>> -> memref<1x1x128xi32, #tpu.memory_space<vmem>>
      %dma_wait3A_44 = tpu.memref_squeeze %dma_wait3A_43 : memref<1x1x128xi32, #tpu.memory_space<vmem>> -> memref<128xi32, #tpu.memory_space<vmem>>
      %dma_wait3A_45 = arith.constant 0 : i32
      %dma_wait3A_46 = arith.constant 0 : i32
      %dma_wait3A_47 = tpu.memref_slice %arg11[%dma_wait3A_45, %dma_wait3A_46] : memref<10240x128xf32, #tpu.memory_space<vmem_shared>> -> memref<10240x128xf32, #tpu.memory_space<vmem_shared>>
      tpu.wait_indirect_dma semaphore(%arg16 : memref<!tpu.dma_semaphore, #tpu.memory_space<semaphore_mem>>) src(%arg9 : memref<128x128xf32, #tpu.memory_space<vmem>>) dst(%dma_wait3A_47 : memref<10240x128xf32, #tpu.memory_space<vmem_shared>>)
      %dma_wait3A_48 = arith.constant 1 : i32
      %dma_wait3A_49 = arith.constant 0 : i32
      %dma_wait3A_50 = arith.constant 0 : i32
      %dma_wait3A_51 = tpu.memref_slice %arg8[%dma_wait3A_48, %dma_wait3A_49, %dma_wait3A_50] : memref<2x8x128xi32, #tpu.memory_space<vmem>> -> memref<1x1x128xi32, #tpu.memory_space<vmem>>
      %dma_wait3A_52 = tpu.memref_squeeze %dma_wait3A_51 : memref<1x1x128xi32, #tpu.memory_space<vmem>> -> memref<128xi32, #tpu.memory_space<vmem>>
      %dma_wait3A_53 = arith.constant 0 : i32
      %dma_wait3A_54 = arith.constant 0 : i32
      %dma_wait3A_55 = tpu.memref_slice %arg11[%dma_wait3A_53, %dma_wait3A_54] : memref<10240x128xf32, #tpu.memory_space<vmem_shared>> -> memref<10240x128xf32, #tpu.memory_space<vmem_shared>>
      tpu.wait_indirect_dma semaphore(%arg17 : memref<!tpu.dma_semaphore, #tpu.memory_space<semaphore_mem>>) src(%arg10 : memref<128x128xf32, #tpu.memory_space<vmem>>) dst(%dma_wait3A_55 : memref<10240x128xf32, #tpu.memory_space<vmem_shared>>)
    } else {
    }
    %barrier3A_7 = arith.constant 0 : index
    tpu.barrier barrier_id(%barrier3A_7)
    %eq3A_8 = arith.constant 0 : i32
    %eq3A_9 = arith.cmpi eq, %arg0, %eq3A_8 : i32
    %convert_element_type3A_10 = arith.extui %eq3A_9 : i1 to i32
    %cond3A_11 = arith.constant 0 : i32
    %cond3A_12 = arith.cmpi ne, %convert_element_type3A_10, %cond3A_11 : i32
    scf.if %cond3A_12 {
      %mul3A = arith.constant 640 : i32
      %mul3A_13 = arith.muli %arg1, %mul3A : i32
      %mul3A_14 = arith.constant 640 : i32
      %mul3A_15 = arith.muli %arg1, %mul3A_14 : i32
      "tpu.region"() ({
        %run_scoped3A = tpu.sem_alloc : memref<!tpu.dma_semaphore, #tpu.memory_space<semaphore_mem>>
        %dma_start3A = arith.constant 0 : i32
        %dma_start3A_16 = tpu.memref_slice %arg6[%mul3A_15, %dma_start3A] : memref<10240x128xf32, #tpu.memory_space<hbm>> -> memref<640x128xf32, #tpu.memory_space<hbm>>
        %dma_start3A_17 = arith.constant 0 : i32
        %dma_start3A_18 = tpu.memref_slice %arg11[%mul3A_13, %dma_start3A_17] : memref<10240x128xf32, #tpu.memory_space<vmem_shared>> -> memref<640x128xf32, #tpu.memory_space<vmem_shared>>
        tpu.enqueue_dma source(%dma_start3A_18 : memref<640x128xf32, #tpu.memory_space<vmem_shared>>) target(%dma_start3A_16 : memref<640x128xf32, #tpu.memory_space<hbm>>) target_semaphore(%run_scoped3A : memref<!tpu.dma_semaphore, #tpu.memory_space<semaphore_mem>>)
        %dma_wait3A = arith.constant 0 : i32
        %dma_wait3A_19 = tpu.memref_slice %arg6[%mul3A_15, %dma_wait3A] : memref<10240x128xf32, #tpu.memory_space<hbm>> -> memref<640x128xf32, #tpu.memory_space<hbm>>
        %dma_wait3A_20 = arith.constant 0 : i32
        %dma_wait3A_21 = tpu.memref_slice %arg11[%mul3A_13, %dma_wait3A_20] : memref<10240x128xf32, #tpu.memory_space<vmem_shared>> -> memref<640x128xf32, #tpu.memory_space<vmem_shared>>
        tpu.wait_dma2 semaphore(%run_scoped3A : memref<!tpu.dma_semaphore, #tpu.memory_space<semaphore_mem>>) src(%dma_wait3A_21 : memref<640x128xf32, #tpu.memory_space<vmem_shared>>) dst(%dma_wait3A_19 : memref<640x128xf32, #tpu.memory_space<hbm>>)
        tpu.yield
      }) : () -> ()
    } else {
    }
    return
  }
}

module attributes {stable_mosaic.version = 14 : i64} {
  func.func @_mm_body(%arg0: i32, %arg1: memref<1024x256xf32, #tpu.memory_space<vmem>>, %arg2: memref<128x256xf32, #tpu.memory_space<vmem>>, %arg3: memref<1024xf32, #tpu.memory_space<vmem>>, %arg4: memref<1024x128xf32, #tpu.memory_space<vmem>>) attributes {dimension_semantics = [#tpu.dimension_semantics<arbitrary>], iteration_bounds = array<i64: 10>, scalar_prefetch = 0 : i64, scratch_operands = 0 : i64, tpu.core_type = #tpu.core_type<tc>, window_params = [{transform_indices = @transform_0, window_bounds = array<i64: 1024, 256>}, {pipeline_mode = #tpu.pipeline_mode<synchronous>, transform_indices = @transform_1, window_bounds = array<i64: 128, 256>}, {transform_indices = @transform_2, window_bounds = array<i64: 1024>}, {transform_indices = @transform_3, window_bounds = array<i64: 1024, 128>}]} {
    %get3A = arith.constant 0 : index
    %get3A_0 = vector.load %arg3[%get3A] : memref<1024xf32, #tpu.memory_space<vmem>>, vector<1024xf32>
    %add3A = arith.constant 1.000000e+00 : f32
    %add3A_1 = vector.broadcast %add3A : f32 to vector<1024xf32>
    %add3A_2 = arith.addf %get3A_0, %add3A_1 : vector<1024xf32>
    %rsqrt3A = math.rsqrt %add3A_2 : vector<1024xf32>
    %get3A_3 = arith.constant 0 : index
    %get3A_4 = arith.constant 0 : index
    %get3A_5 = vector.load %arg1[%get3A_3, %get3A_4] : memref<1024x256xf32, #tpu.memory_space<vmem>>, vector<1024x256xf32>
    %get3A_6 = arith.constant 0 : index
    %get3A_7 = arith.constant 0 : index
    %get3A_8 = vector.load %arg2[%get3A_6, %get3A_7] : memref<128x256xf32, #tpu.memory_space<vmem>>, vector<128x256xf32>
    %dot_general3A = arith.constant dense<0.000000e+00> : vector<1024x128xf32>
    %dot_general3A_9 = tpu.matmul %get3A_5, %get3A_8, %dot_general3A {dimension_numbers = #tpu.dot_dimension_numbers<[1], [1], [0], [0], [0, 0, 1, 0], [], []>, transpose_lhs_hint = false} : vector<1024x256xf32>, vector<128x256xf32>, vector<1024x128xf32> -> vector<1024x128xf32>
    %broadcast_in_dim3A = vector.shape_cast %rsqrt3A : vector<1024xf32> to vector<1024x1xf32>
    %mul3A = vector.broadcast %broadcast_in_dim3A : vector<1024x1xf32> to vector<1024x128xf32>
    %mul3A_10 = arith.mulf %dot_general3A_9, %mul3A : vector<1024x128xf32>
    %swap3A = arith.constant 0 : index
    %swap3A_11 = arith.constant 0 : index
    %swap3A_12 = vector.load %arg4[%swap3A, %swap3A_11] : memref<1024x128xf32, #tpu.memory_space<vmem>>, vector<1024x128xf32>
    tpu.vector_store %arg4[%swap3A, %swap3A_11], %mul3A_10 {strides = array<i32>} : memref<1024x128xf32, #tpu.memory_space<vmem>>, vector<1024x128xf32>,
    return
  }
  func.func @transform_0(%arg0: i32) -> (i32, i32) {
    %c0_i32 = arith.constant 0 : i32
    %c0_i32_0 = arith.constant 0 : i32
    return %arg0, %c0_i32 : i32, i32
  }
  func.func @transform_1(%arg0: i32) -> (i32, i32) {
    %c0_i32 = arith.constant 0 : i32
    %c0_i32_0 = arith.constant 0 : i32
    %c0_i32_1 = arith.constant 0 : i32
    return %c0_i32, %c0_i32_0 : i32, i32
  }
  func.func @transform_2(%arg0: i32) -> i32 {
    %c0_i32 = arith.constant 0 : i32
    return %arg0 : i32
  }
  func.func @transform_3(%arg0: i32) -> (i32, i32) {
    %c0_i32 = arith.constant 0 : i32
    %c0_i32_0 = arith.constant 0 : i32
    return %arg0, %c0_i32 : i32, i32
  }
}

module attributes {stable_mosaic.version = 14 : i64} {
  func.func @_mid_body(%arg0: i32, %arg1: memref<1024x128xf32, #tpu.memory_space<vmem>>, %arg2: memref<1024x128xf32, #tpu.memory_space<vmem>>, %arg3: memref<1024xf32, #tpu.memory_space<vmem>>, %arg4: memref<1024x128xf32, #tpu.memory_space<vmem>>) attributes {dimension_semantics = [#tpu.dimension_semantics<arbitrary>], iteration_bounds = array<i64: 10>, scalar_prefetch = 0 : i64, scratch_operands = 0 : i64, tpu.core_type = #tpu.core_type<tc>, window_params = [{transform_indices = @transform_0, window_bounds = array<i64: 1024, 128>}, {transform_indices = @transform_1, window_bounds = array<i64: 1024, 128>}, {transform_indices = @transform_2, window_bounds = array<i64: 1024>}, {transform_indices = @transform_3, window_bounds = array<i64: 1024, 128>}]} {
    %get3A = arith.constant 0 : index
    %get3A_0 = vector.load %arg3[%get3A] : memref<1024xf32, #tpu.memory_space<vmem>>, vector<1024xf32>
    %add3A = arith.constant 1.000000e+00 : f32
    %add3A_1 = vector.broadcast %add3A : f32 to vector<1024xf32>
    %add3A_2 = arith.addf %get3A_0, %add3A_1 : vector<1024xf32>
    %rsqrt3A = math.rsqrt %add3A_2 : vector<1024xf32>
    %get3A_3 = arith.constant 0 : index
    %get3A_4 = arith.constant 0 : index
    %get3A_5 = vector.load %arg1[%get3A_3, %get3A_4] : memref<1024x128xf32, #tpu.memory_space<vmem>>, vector<1024x128xf32>
    %get3A_6 = arith.constant 0 : index
    %get3A_7 = arith.constant 0 : index
    %get3A_8 = vector.load %arg2[%get3A_6, %get3A_7] : memref<1024x128xf32, #tpu.memory_space<vmem>>, vector<1024x128xf32>
    %add3A_9 = arith.addf %get3A_5, %get3A_8 : vector<1024x128xf32>
    %mul3A = arith.mulf %rsqrt3A, %rsqrt3A : vector<1024xf32>
    %broadcast_in_dim3A = vector.shape_cast %mul3A : vector<1024xf32> to vector<1024x1xf32>
    %mul3A_10 = vector.broadcast %broadcast_in_dim3A : vector<1024x1xf32> to vector<1024x128xf32>
    %mul3A_11 = arith.mulf %add3A_9, %mul3A_10 : vector<1024x128xf32>
    %swap3A = arith.constant 0 : index
    %swap3A_12 = arith.constant 0 : index
    %swap3A_13 = vector.load %arg4[%swap3A, %swap3A_12] : memref<1024x128xf32, #tpu.memory_space<vmem>>, vector<1024x128xf32>
    tpu.vector_store %arg4[%swap3A, %swap3A_12], %mul3A_11 {strides = array<i32>} : memref<1024x128xf32, #tpu.memory_space<vmem>>, vector<1024x128xf32>,
    return
  }
  func.func @transform_0(%arg0: i32) -> (i32, i32) {
    %c0_i32 = arith.constant 0 : i32
    %c0_i32_0 = arith.constant 0 : i32
    return %arg0, %c0_i32 : i32, i32
  }
  func.func @transform_1(%arg0: i32) -> (i32, i32) {
    %c0_i32 = arith.constant 0 : i32
    %c0_i32_0 = arith.constant 0 : i32
    return %arg0, %c0_i32 : i32, i32
  }
  func.func @transform_2(%arg0: i32) -> i32 {
    %c0_i32 = arith.constant 0 : i32
    return %arg0 : i32
  }
  func.func @transform_3(%arg0: i32) -> (i32, i32) {
    %c0_i32 = arith.constant 0 : i32
    %c0_i32_0 = arith.constant 0 : i32
    return %arg0, %c0_i32 : i32, i32
  }
}

module attributes {stable_mosaic.version = 14 : i64} {
  func.func @_fin_body(%arg0: i32, %arg1: memref<1024x128xf32, #tpu.memory_space<vmem>>, %arg2: memref<1024x128xf32, #tpu.memory_space<vmem>>, %arg3: memref<1024xf32, #tpu.memory_space<vmem>>, %arg4: memref<128xf32, #tpu.memory_space<vmem>>, %arg5: memref<1024x128xf32, #tpu.memory_space<vmem>>) attributes {dimension_semantics = [#tpu.dimension_semantics<arbitrary>], iteration_bounds = array<i64: 10>, scalar_prefetch = 0 : i64, scratch_operands = 0 : i64, tpu.core_type = #tpu.core_type<tc>, window_params = [{transform_indices = @transform_0, window_bounds = array<i64: 1024, 128>}, {transform_indices = @transform_1, window_bounds = array<i64: 1024, 128>}, {transform_indices = @transform_2, window_bounds = array<i64: 1024>}, {pipeline_mode = #tpu.pipeline_mode<synchronous>, transform_indices = @transform_3, window_bounds = array<i64: 128>}, {transform_indices = @transform_4, window_bounds = array<i64: 1024, 128>}]} {
    %get3A = arith.constant 0 : index
    %get3A_0 = vector.load %arg3[%get3A] : memref<1024xf32, #tpu.memory_space<vmem>>, vector<1024xf32>
    %add3A = arith.constant 1.000000e+00 : f32
    %add3A_1 = vector.broadcast %add3A : f32 to vector<1024xf32>
    %add3A_2 = arith.addf %get3A_0, %add3A_1 : vector<1024xf32>
    %rsqrt3A = math.rsqrt %add3A_2 : vector<1024xf32>
    %get3A_3 = arith.constant 0 : index
    %get3A_4 = arith.constant 0 : index
    %get3A_5 = vector.load %arg1[%get3A_3, %get3A_4] : memref<1024x128xf32, #tpu.memory_space<vmem>>, vector<1024x128xf32>
    %get3A_6 = arith.constant 0 : index
    %get3A_7 = arith.constant 0 : index
    %get3A_8 = vector.load %arg2[%get3A_6, %get3A_7] : memref<1024x128xf32, #tpu.memory_space<vmem>>, vector<1024x128xf32>
    %add3A_9 = arith.addf %get3A_5, %get3A_8 : vector<1024x128xf32>
    %broadcast_in_dim3A = vector.shape_cast %rsqrt3A : vector<1024xf32> to vector<1024x1xf32>
    %mul3A = vector.broadcast %broadcast_in_dim3A : vector<1024x1xf32> to vector<1024x128xf32>
    %mul3A_10 = arith.mulf %add3A_9, %mul3A : vector<1024x128xf32>
    %get3A_11 = arith.constant 0 : index
    %get3A_12 = vector.load %arg4[%get3A_11] : memref<128xf32, #tpu.memory_space<vmem>>, vector<128xf32>
    %broadcast_in_dim3A_13 = vector.shape_cast %get3A_12 : vector<128xf32> to vector<1x128xf32>
    %add3A_14 = vector.broadcast %broadcast_in_dim3A_13 : vector<1x128xf32> to vector<1024x128xf32>
    %add3A_15 = arith.addf %mul3A_10, %add3A_14 : vector<1024x128xf32>
    %reduce_max3A = arith.constant dense<0xFF800000> : vector<1024xf32>
    %reduce_max3A_16 = vector.multi_reduction <maximumf>, %add3A_15, %reduce_max3A [1] : vector<1024x128xf32> to vector<1024xf32>
    %broadcast_in_dim3A_17 = vector.shape_cast %reduce_max3A_16 : vector<1024xf32> to vector<1024x1xf32>
    %sub3A = vector.broadcast %broadcast_in_dim3A_17 : vector<1024x1xf32> to vector<1024x128xf32>
    %sub3A_18 = arith.subf %add3A_15, %sub3A : vector<1024x128xf32>
    %exp3A = math.exp %sub3A_18 : vector<1024x128xf32>
    %reduce_sum3A = arith.constant dense<0.000000e+00> : vector<1024xf32>
    %reduce_sum3A_19 = vector.multi_reduction <add>, %exp3A, %reduce_sum3A [1] : vector<1024x128xf32> to vector<1024xf32>
    %broadcast_in_dim3A_20 = vector.shape_cast %reduce_sum3A_19 : vector<1024xf32> to vector<1024x1xf32>
    %log3A = math.log %broadcast_in_dim3A_20 : vector<1024x1xf32>
    %sub3A_21 = vector.broadcast %log3A : vector<1024x1xf32> to vector<1024x128xf32>
    %sub3A_22 = arith.subf %sub3A_18, %sub3A_21 : vector<1024x128xf32>
    %swap3A = arith.constant 0 : index
    %swap3A_23 = arith.constant 0 : index
    %swap3A_24 = vector.load %arg5[%swap3A, %swap3A_23] : memref<1024x128xf32, #tpu.memory_space<vmem>>, vector<1024x128xf32>
    tpu.vector_store %arg5[%swap3A, %swap3A_23], %sub3A_22 {strides = array<i32>} : memref<1024x128xf32, #tpu.memory_space<vmem>>, vector<1024x128xf32>,
    return
  }
  func.func @transform_0(%arg0: i32) -> (i32, i32) {
    %c0_i32 = arith.constant 0 : i32
    %c0_i32_0 = arith.constant 0 : i32
    return %arg0, %c0_i32 : i32, i32
  }
  func.func @transform_1(%arg0: i32) -> (i32, i32) {
    %c0_i32 = arith.constant 0 : i32
    %c0_i32_0 = arith.constant 0 : i32
    return %arg0, %c0_i32 : i32, i32
  }
  func.func @transform_2(%arg0: i32) -> i32 {
    %c0_i32 = arith.constant 0 : i32
    return %arg0 : i32
  }
  func.func @transform_3(%arg0: i32) -> i32 {
    %c0_i32 = arith.constant 0 : i32
    %c0_i32_0 = arith.constant 0 : i32
    return %c0_i32 : i32
  }
  func.func @transform_4(%arg0: i32) -> (i32, i32) {
    %c0_i32 = arith.constant 0 : i32
    %c0_i32_0 = arith.constant 0 : i32
    return %arg0, %c0_i32 : i32, i32
  }
}

</mosaic_0001>

<sc_bundles>
// kernel: kernel.11.cloned.1.call-start
scs
__scs_entry_jumppad:
0x0: {  	(pc) =	sbr.rel $0x88, $3  }
0x1: {  	(tag) =	ssettag $0x0;
	lr =	simm.s32 $0x1  }
0x2: {  	[smem:$0x3F9D] =	sst lr;
	_ =	strace $0xD0000000  }
0x3: {  	_ = 	snop  }
0x4: {  	_ = 	snop  }
0x5: {  	_ = 	snop  }
0x6: {  	_ = 	snop  }
0x7: {  	_ = 	snop  }
__scs_overlays_trampoline_lowered:
0x8: {  	[smem:$0x3FAC] =	sst s0  }
0x9: {  	[smem:$0x3FAD] =	sst s1  }
0xa: {  	[smem:$0x3FAE] =	sst s2  }
0xb: {  	[smem:$0x3FAF] =	sst s3  }
0xc: {  	[smem:$0x3FB0] =	sst s4  }
0xd: {  	[smem:$0x3FB1] =	sst s5  }
0xe: {  	[smem:$0x3FB2] =	sst s6  }
0xf: {  	[smem:$0x3FB3] =	sst s7  }
0x10: {  	[smem:$0x3FB4] =	sst s8  }
0x11: {  	[smem:$0x3FB5] =	sst s9;
	s0 =	simm.s32 @!p0 $0x0  }
0x12: {  	s1 =	sld [smem:$0x3F9B];
	s0 =	simm.s32 @p0 $0x1  }
0x13: {  	[smem:$0x3FB6] =	sst s0;
	s0 =	simm.s32 @!p1 $0x0  }
0x14: {  	s2 =	sld [smem:$0x3F9A];
	s0 =	simm.s32 @p1 $0x1  }
0x15: {  	[smem:$0x3FB7] =	sst s0;
	s0 =	simm.s32 @!p2 $0x0  }
0x16: {  	s3 =	sld [smem:$0x3FDB];
	s0 =	simm.s32 @p2 $0x1  }
0x17: {  	s4 =	simm.s32 $0x1BF5;
	[smem:$0x3FB9] =	sst s0  }
0x18: {  	s0 =	sld [smem:$0x3F9C];
	_ =	swait.ge [sflag:s4], $0x0  }
0x19: {  	s7 =	sld [smem:$0x3F9D]  }
0x1a: {  	s8 =	sadd.s32 $0xFFFFE003, lr  }
0x1b: {  	s9 =	sadd.s32 $0xFFFFFEF7, lr;
	s5 =	simm.s32 $0xFFFFFFFF;
	p2 =	slt.u32 s8, $0xFFFFF086  }
0x1c: {  	p1 =	slt.u32 s9, $0xF7A;
	s5 =	simm.s32 @!p2 $0x0  }
0x1d: {  	s5 =	simm.s32 @p1 $0x1;
	p0 =	seq.s32 s7, s2  }
0x1e: {  	s7 =	smul.u32 @!p0 $0xF7A, s2;
	p2 =	seq.s32 @!p0 s5, $0x0  }
0x1f: {  	s9 =	smul.u32 $0xF7A, s1;
	s8 =	simm.s32 @!p0 $0x1BF5;
	p2 =	por !p2, p0  }
0x20: {  	[sflag:s8] =	ssyncset.s32 @!p0 $0xFFFFF086;
	s6 =	sadd.s32 @!p0 s3, s7;
	s7 =	simm.s32 @!p0 $0x108  }
0x21: {  	s3 =	sadd.s32 s3, s9;
	s6 =	sadd.s32 @!p0 $0x88, s6;
	s7 =	simm.s32 @p2 $0x1082  }
0x22: {  	[simem:s7], [sflag:s8] =	dma.local @!p0 [hbm:s6], $0xF7A  }
0x23: {  	s9 =	sor.u32 $0xD0000000, s2;
	s6 =	simm.s32 $0x108;
	_ =	swait.ge @!p0 [sflag:s8], $0x0  }
0x24: {  	s3 =	sadd.s32 $0x88, s3;
	s6 =	simm.s32 @!p1 $0x1082;
	[sflag:s4] =	ssyncset.s32 $0xFFFFF086  }
0x25: {  	[simem:s6], [sflag:s4] =	dma.local [hbm:s3], $0xF7A  }
0x26: {  	[smem:$0x3F9D] =	sst s1;
	(tag) =	ssettag s2;
	_ =	strace s9  }
0x27: {  	s1 =	sld [smem:$0x3FAD]  }
0x28: {  	s2 =	sld [smem:$0x3FAE]  }
0x29: {  	s4 =	sld [smem:$0x3FB0]  }
0x2a: {  	p0 =	seq.s32 s5, $0x0;
	s5 =	sld [smem:$0x3FB1]  }
0x2b: {  	s6 =	sld [smem:$0x3FB2]  }
0x2c: {  	s7 =	sld [smem:$0x3FB3]  }
0x2d: {  	s3 =	simm.s32 $0x108;
	s8 =	sld [smem:$0x3FB4]  }
0x2e: {  	s3 =	simm.s32 @!p0 $0x1082;
	s9 =	sld [smem:$0x3FB5]  }
0x2f: {  	lr =	sadd.s32 s0, s3;
	s0 =	sld [smem:$0x3FAC]  }
0x30: {  	s3 =	sld [smem:$0x3FAF]  }
0x31: {  	[smem:$0x3FB8] =	sst s10  }
0x32: {  	s10 =	sld [smem:$0x3FB6];
	_ =	sdelay $0x3  }
0x33: {  	p0 =	seq.s32 s10, $0x1;
	s10 =	sld [smem:$0x3FB8];
	_ =	sdelay $0x3  }
0x34: {  	[smem:$0x3FB8] =	sst s10  }
0x35: {  	s10 =	sld [smem:$0x3FB7];
	_ =	sdelay $0x3  }
0x36: {  	p1 =	seq.s32 s10, $0x1;
	s10 =	sld [smem:$0x3FB8];
	_ =	sdelay $0x3  }
0x37: {  	[smem:$0x3FB8] =	sst s10  }
0x38: {  	s10 =	sld [smem:$0x3FB9]  }
0x39: {  	_ = 	snop;
	(pc) =	sbr.ind lr, $3  }
0x3a: {  	_ = 	snop  }
0x3b: {  	_ = 	snop  }
0x3c: {  	p2 =	seq.s32 s10, $0x1;
	s10 =	sld [smem:$0x3FB8]  }
0x3d: {  	_ =	shalt  }
0x3e: {  	_ =	shalt  }
0x3f: {  	_ =	shalt  }
0x40: {  	_ =	shalt  }
0x41: {  	_ =	shalt  }
0x42: {  	_ =	shalt  }
0x43: {  	_ =	shalt  }
0x44: {  	_ =	shalt  }
0x45: {  	_ =	shalt  }
0x46: {  	_ =	shalt  }
0x47: {  	_ =	shalt  }
0x48: {  	_ =	shalt  }
0x49: {  	_ =	shalt  }
0x4a: {  	_ =	shalt  }
0x4b: {  	_ =	shalt  }
0x4c: {  	_ =	shalt  }
0x4d: {  	_ =	shalt  }
0x4e: {  	_ =	shalt  }
0x4f: {  	_ =	shalt  }
0x50: {  	_ =	shalt  }
0x51: {  	_ =	shalt  }
0x52: {  	_ =	shalt  }
0x53: {  	_ =	shalt  }
0x54: {  	_ =	shalt  }
0x55: {  	_ =	shalt  }
0x56: {  	_ =	shalt  }
0x57: {  	_ =	shalt  }
0x58: {  	_ =	shalt  }
0x59: {  	_ =	shalt  }
0x5a: {  	_ =	shalt  }
0x5b: {  	_ =	shalt  }
0x5c: {  	_ =	shalt  }
0x5d: {  	_ =	shalt  }
0x5e: {  	_ =	shalt  }
0x5f: {  	_ =	shalt  }
0x60: {  	_ =	shalt  }
0x61: {  	_ =	shalt  }
0x62: {  	_ =	shalt  }
0x63: {  	_ =	shalt  }
0x64: {  	_ =	shalt  }
0x65: {  	_ =	shalt  }
0x66: {  	_ =	shalt  }
0x67: {  	_ =	shalt  }
0x68: {  	_ =	shalt  }
0x69: {  	_ =	shalt  }
0x6a: {  	_ =	shalt  }
0x6b: {  	_ =	shalt  }
0x6c: {  	_ =	shalt  }
0x6d: {  	_ =	shalt  }
0x6e: {  	_ =	shalt  }
0x6f: {  	_ =	shalt  }
0x70: {  	_ =	shalt  }
0x71: {  	_ =	shalt  }
0x72: {  	_ =	shalt  }
0x73: {  	_ =	shalt  }
0x74: {  	_ =	shalt  }
0x75: {  	_ =	shalt  }
0x76: {  	_ =	shalt  }
0x77: {  	_ =	shalt  }
0x78: {  	_ =	shalt  }
0x79: {  	_ =	shalt  }
0x7a: {  	_ =	shalt  }
0x7b: {  	_ =	shalt  }
0x7c: {  	_ =	shalt  }
0x7d: {  	_ =	shalt  }
0x7e: {  	_ =	shalt  }
0x7f: {  	_ =	shalt  }
0x80: {  	_ =	shalt  }
0x81: {  	_ =	shalt  }
0x82: {  	_ =	shalt  }
0x83: {  	_ =	shalt  }
0x84: {  	_ =	shalt  }
0x85: {  	_ =	shalt  }
0x86: {  	_ =	shalt  }
0x87: {  	_ =	shalt  }
.Lfunc_end0:
.L_simem_size_0:
called_computation.1_lowered:
.L_overlay_start_0:
0x88: {  	s2 =	sld [smem:$0x3FD9]  }
0x89: {  	s3 =	sld [smem:$0x3FFE];
	_ =	sdelay $0x1  }
0x8a: {  	s1 =	srdreg.scid  }
0x8b: {  	s0 =	sand.u32 $0x1, s1  }
0x8c: {  	s17 =	sshll.u32 s0, $0xA;
	s2 =	sadd.s32 s3, s2  }
0x8d: {  	s2 =	sadd.s32 s2, s17  }
0x8e: {  	[smem:$0x3FC4] =	sst s2  }
0x8f: {  	_ = 	snop  }
0x90: {  	s2 =	sld [smem:$0x3FD0];
	(tm) =	ssettm $0x1  }
0x91: {  	s18 =	sld [smem:$0x3FFB];
	_ =	sdelay $0x3  }
0x92: {  	_ =	strace s18  }
0x93: {  	s3 =	sld [smem:$0x3FFC];
	_ =	sdelay $0x3  }
0x94: {  	_ =	strace s3  }
0x95: {  	s3 =	sld [smem:$0x3FFD];
	_ =	sdelay $0x3  }
0x96: {  	_ =	strace s3  }
0x97: {  	_ =	strace $0x8FFFFFFF  }
0x98: {  	s19 =	sld [smem:$0x3FDB];
	_ =	sdelay $0x1  }
0x99: {  	s4 =	simm.s32 $_scs_section_size  }
0x9a: {  	s5 =	simm.s32 $_size__tile_overlayer_lowered;
	s6 =	simm.s32 $_tile_overlayer_lowered  }
0x9b: {  	s22 =	simm.s32 $0x1BFF;
	s21 =	sshll.u32 s6, $0x1;
	s3 =	sadd.s32 s4, s19  }
0x9c: {  	s7 =	simm.s32 $0x0;
	s20 =	sshll.u32 s5, $0x1;
	s5 =	sadd.s32 s21, s3  }
0x9d: {  	[timem:s7], [sflag:s22] =	dma.local [hbm:s5], s20  }
0x9e: {  	_ =	swait.ge [sflag:s22], s20  }
0x9f: {  	s4 =	ssub.s32 $0x0, s20;
	[sflag:s22] =	ssyncset.done $0x0  }
0xa0: {  	[sflag:s22] =	ssyncadd.s32 s4;
	_ =	sdelay $0x1  }
0xa1: {  	s23 =	simm.s32 $0x1B8B  }
0xa2: {  	_ =	swait.ge [sflag:s23], $0x1  }
0xa3: {  	[sflag:s23] =	ssyncset.done $0x0  }
0xa4: {  	s25 =	simm.s32 $0x1B8E;
	s24 =	sld [smem:$0x3FFE];
	[sflag:s23] =	ssyncadd.s32 $0xFFFFFFFF  }
0xa5: {  	s26 =	simm.s32 $execute0_lowered;
	[smem:$0x3FD2] =	sst s25  }
0xa6: {  	s5 =	sshll.u32 s26, $0x1;
	_ =	strace $0x80000049;
	[dreg:$0x1] =	wrdreg $0xFFFFFFFF  }
0xa7: {  	s28 =	simm.s32 $_size_execute0_lowered;
	s3 =	sadd.s32 s3, s5;
	[dreg:$0x0] =	wrdreg $0x0  }
0xa8: {  	s5 =	sshll.u32 s28, $0x1;
	[dreg:$0x2] =	wrdreg s3  }
0xa9: {  	[dreg:$0x3] =	wrdreg s5  }
0xaa: {  	[dreg:$0x4] =	wrdreg $0xC0  }
0xab: {  	_ =	task [dreg:s7], $0x5FFFF  }
0xac: {  	[dreg:$0x1] =	wrdreg $0xFFFFFFFF  }
0xad: {  	[dreg:$0x0] =	wrdreg $0x60  }
0xae: {  	[dreg:$0x2] =	wrdreg s24  }
0xaf: {  	[dreg:$0x3] =	wrdreg s2  }
0xb0: {  	[dreg:$0x4] =	wrdreg $0xB0000  }
0xb1: {  	[dreg:$0x5] =	wrdreg $0x9  }
0xb2: {  	_ =	task.clear_ibuf [dreg:s7], $0x6FFFF;
	_ =	strace $0x90000049  }
0xb3: {  	s29 =	simm.s32 $0x9;
	_ =	strace $0x8000004B  }
0xb4: {  	_ =	swait.ge [sflag:s29], $0x1  }
0xb5: {  	[sflag:s29] =	ssyncadd.s32 $0xFFFFFFFF  }
0xb6: {  	_ =	strace $0x9000004B  }
0xb7: {  	_ =	sfence  }
0xb8: {  	s30 =	sld [smem:$0x0];
	_ =	sdelay $0x2  }
0xb9: {  	s31 =	sshll.u32 s1, $0xD;
	s1 =	sshrl.u32 s1, $0x2  }
0xba: {  	s3 =	sand.u32 $0x4000, s31;
	s1 =	sadd.s32 s1, s30  }
0xbb: {  	s0 =	sor.u32 s3, s0;
	s1 =	sshll.u32 s1, $0x11  }
0xbc: {  	s0 =	sor.u32 s1, s0  }
0xbd: {  	s0 =	sadd.s32 $0x8F2B, s0  }
0xbe: {  	[sflag:s0] =	ssyncadd.remote.s32 $0x1  }
0xbf: {  	_ =	sfence.sel $0xFFFF  }
0xc0: {  	[dreg:$0x0] =	wrdreg $0xFFFFFFFF;
	(pc) =	sbr.abs _section_cstart, $3  }
0xc1: {  	[dreg:$0x1] =	wrdreg $0xFFFFFFFF  }
0xc2: {  	_ =	task.clear_ibuf [dreg:s7], $0x2FFFF;
	_ =	strace $0x9FFFFFFF  }
0xc3: {  	(tm) =	ssettm $0x7FFFFFFF  }
tec
execute0_lowered:
.L_overlay_start_1:
0x0: {  	(tag) =	ssettag $0x1  }
0x1: {  	s0 =	rddreg [dreg:$0x0]  }
0x2: {  	s2 =	rddreg [dreg:$0x1]  }
0x3: {  	s1 =	rddreg [dreg:$0x2];
	s4 =	simm.s32 $0x0;
	s3 =	srdreg.scid  }
0x4: {  	s10 =	stileid.u32;
	s13 =	simm.s32 $0x7;
	s16 =	simm.s32 $0x2C00  }
0x5: {  	s17 =	simm.s32 $0x80;
	s18 =	simm.s32 $0x3000;
	s19 =	simm.s32 $0x40  }
0x6: {  	s28 =	simm.s32 $0x6;
	s31 =	simm.s32 $0x2A00;
	s11 =	simm.s32 $0x2D80  }
0x7: {  	s14 =	simm.s32 $0x2F00;
	s15 =	simm.s32 $0x2F80;
	s5 =	smul.u32 $0x2800, s10  }
0x8: {  	[smem:$0x7FF] =	sst s4;
	s3 =	sand.u32 $0x1, s3;
	s8 =	smul.u32 $0x50000, s10  }
0x9: {  	s4 =	sadd.s32 $0x6800, s0;
	s9 =	sadd.s32 $0x1800, s0;
	s21 =	smul.u32 $0x500, s10  }
0xa: {  	s26 =	sshll.u32 s10, $0x6;
	s10 =	simm.s32 $0x2E80;
	_ =	strace $0x8000004A  }
0xb: {  	s6 =	ssub.s32 $0x2, s3;
	p0 =	sne.s32 s3, $0x0;
	s29 =	sor.u32 $0x1C07, s26  }
0xc: {  	s3 =	simm.s32 $0x0;
	s7 =	sshrl.u32 s6, $0x1;
	s0 =	sadd.s32 s5, s0  }
0xd: {  	s5 =	sshrl.u32 s5, $0x3;
	s20 =	sshrl.u32 s8, $0x2;
	s24 =	sadd.s32 s21, s9  }
0xe: {  	s21 =	simm.s32 $0x9000;
	s8 =	simm.s32 $0x2C80;
	[dreg:$0xb] =	wrdreg s29  }
0xf: {  	s6 =	ssub.s32 s6, s7;
	s2 =	sadd.s32 s2, s5;
	s5 =	sadd.s32 s9, s5  }
0x10: {  	s22 =	sadd.s32 s20, s1;
	s23 =	sadd.s32 $0x2E800, s0;
	s0 =	sadd.s32 $0x56800, s0  }
0x11: {  	s25 =	sadd.s32 $0x180, s24;
	s20 =	simm.s32 $0x7000;
	[dreg:$0x4] =	wrdreg s2  }
0x12: {  	s24 =	simm.s32 $0x5000;
	s7 =	simm.s32 $0x4;
	[dreg:$0x6] =	wrdreg s23  }
0x13: {  	s9 =	simm.s32 $0x2D00;
	[dreg:$0x5] =	wrdreg s5;
	s5 =	sadd.s32 $0x80, s5  }
.Ltmp0:
0x14: {  	[dreg:$0x8] =	wrdreg s0;
	s12 =	smax.u32 s6, $0x1;
	(pc) =	sbr.rel .LBB2_1-.Ltmp0, $4  }
0x15: {  	[dreg:$0xa] =	wrdreg s25;
	s30 =	sshrl.u32 s22, $0x3;
	s22 =	simm.s32 $0x1  }
0x16: {  	s23 =	simm.s32 $0x5;
	s25 =	simm.s32 $0x2;
	[dreg:$0x7] =	wrdreg s5  }
0x17: {  	s0 =	simm.s32 $0x2A80;
	s2 =	simm.s32 $0x2B00;
	[dreg:$0x9] =	wrdreg s12  }
0x18: {  	s6 =	simm.s32 $0x2E00;
	s5 =	simm.s32 $0x2B80;
	[dreg:$0xc] =	wrdreg s30  }
.LBB2_6:
0x19: {  	_ =	swait.ge [sflag:s25], $0x4000  }
0x1a: {  	[sflag:s25] =	ssyncset.done $0x0  }
0x1b: {  	[sflag:s25] =	ssyncadd.s32 $0xFFFFC000  }
0x1c: {  	[spmem:s1] =	stream.indirect.scatter.add.f32 [tilespmem:s20], [sflag:$0x6], $0x80, s15, s17, $0xb8;
	[tilespmem:$0x1F000] =	vst v63  }
0x1d: {  	_ =	swait.ge [sflag:s23], $0x4000  }
0x1e: {  	[sflag:s23] =	ssyncset.done $0x0  }
0x1f: {  	[sflag:s23] =	ssyncadd.s32 $0xFFFFC000  }
0x20: {  	_ =	swait.ge [sflag:s28], $0x4000  }
0x21: {  	[sflag:s28] =	ssyncset.done $0x0  }
0x22: {  	[sflag:s28] =	ssyncadd.s32 $0xFFFFC000  }
0x23: {  	[bflag:$0x0] =	sbarrier.arrive $0xFFFF  }
0x24: {  	s3 =	rddreg [dreg:$0x8]  }
0x25: {  	s29 =	rddreg [dreg:$0xb]  }
0x26: {  	s13 =	simm.s32 $0x7;
	s30 =	rddreg [dreg:$0xc]  }
0x27: {  	[hbm:s3], [sflag:s29] =	dma.local [spmem:s30], $0x2800  }
0x28: {  	_ =	swait.ge [sflag:s13], $0x2800  }
0x29: {  	[sflag:s13] =	ssyncset.done $0x0;
	s12 =	rddreg [dreg:$0x9]  }
0x2a: {  	s3 =	rddreg [dreg:$0xd];
	[sflag:s13] =	ssyncadd.s32 $0xFFFFD800  }
.LBB2_7:
0x2b: {  	s3 =	sadd.s32 $0x1, s3  }
0x2c: {  	p1 =	sne.s32 s3, s12  }
.Ltmp1:
0x2d: {  	_ = 	snop;
	(pc) =	sbr.rel @!p1 .LBB2_8-.Ltmp1, $1  }
0x2e: {  	_ =	sdelay $0x3  }
.LBB2_1:
.Ltmp2:
0x2f: {  	(pc) =	sbr.rel @p0 .LBB2_5-.Ltmp2, $1  }
0x30: {  	_ =	sdelay $0x3  }
0x31: {  	[dreg:$0xd] =	wrdreg s3  }
0x32: {  	s3 =	simm.s32 $0x0;
	s12 =	rddreg [dreg:$0x4]  }
0x33: {  	[tilespmem:s3], [sflag:$0x7] =	stream.linear.gather [hbm4b:s12+s3], $0x2800, $0x38;
	[tilespmem:$0x1F000] =	vst v63  }
0x34: {  	_ =	swait.ge [sflag:s13], $0x2800  }
0x35: {  	[sflag:s13] =	ssyncset.done $0x0  }
0x36: {  	s26 =	simm.s32 $0x2800;
	s12 =	rddreg [dreg:$0x5];
	[sflag:s13] =	ssyncadd.s32 $0xFFFFD800  }
0x37: {  	[tilespmem:s26], [sflag:$0x7] =	stream.linear.gather [hbm4b:s12+s3], $0x400, $0x38;
	[tilespmem:$0x1F000] =	vst v63  }
0x38: {  	_ =	swait.ge [sflag:s13], $0x400  }
0x39: {  	[sflag:s13] =	ssyncset.done $0x0  }
0x3a: {  	s26 =	rddreg [dreg:$0x6];
	[sflag:s13] =	ssyncadd.s32 $0xFFFFFC00  }
0x3b: {  	[spmem:s30], [sflag:s29] =	dma.local [hbm:s26], $0x2800  }
0x3c: {  	_ =	swait.ge [sflag:s13], $0x2800  }
0x3d: {  	[sflag:s13] =	ssyncset.done $0x0  }
0x3e: {  	[sflag:s13] =	ssyncadd.s32 $0xFFFFD800  }
0x3f: {  	[bflag:$0x0] =	sbarrier.arrive $0xFFFF  }
0x40: {  	s30 =	rddreg [dreg:$0x7]  }
0x41: {  	[tilespmem:s16], [sflag:$0x4] =	stream.linear.gather [hbm4b:s30+s3], $0x400, $0x38;
	[tilespmem:$0x1F000] =	vst v63  }
0x42: {  	s12 =	rddreg [dreg:$0xa]  }
0x43: {  	[tilespmem:s18], [sflag:$0x1] =	stream.indirect.gather [hbm4b:s4+s17], $0x80, s3, s17, $0xb8;
	[tilespmem:$0x1F000] =	vst v63  }
.LBB2_3:
0x44: {  	p1 =	seq.s32 s3, $0x0  }
0x45: {  	s13 =	simm.s32 @!p1 $0x3  }
0x46: {  	_ =	swait.ge @!p1 [sflag:s13], $0x400  }
0x47: {  	[sflag:s13] =	ssyncset.done @!p1 $0x0  }
0x48: {  	s26 =	simm.s32 @!p1 $0x6;
	[sflag:s13] =	ssyncadd.s32 @!p1 $0xFFFFFC00  }
0x49: {  	_ =	swait.ge @!p1 [sflag:s26], $0x4000  }
0x4a: {  	s13 =	sshra.s32 s3, $0x2;
	[sflag:s26] =	ssyncset.done @!p1 $0x0  }
0x4b: {  	s29 =	sadd.s32 $0x80, s13;
	[sflag:s26] =	ssyncadd.s32 @!p1 $0xFFFFC000  }
0x4c: {  	[tilespmem:s20], [sflag:$0x2] =	stream.indirect.gather [hbm4b:s4+s19], $0x80, s29, s19, $0xb8;
	[tilespmem:$0x1F000] =	vst v63  }
0x4d: {  	s30 =	sadd.s32 $0xC0, s13  }
0x4e: {  	[tilespmem:s21], [sflag:$0x2] =	stream.indirect.gather [hbm4b:s4+s19], $0x80, s30, s19, $0xb8;
	[tilespmem:$0x1F000] =	vst v63  }
0x4f: {  	_ =	swait.ge [sflag:s22], $0x4000  }
0x50: {  	[sflag:s22] =	ssyncset.done $0x0  }
0x51: {  	s29 =	simm.s32 $0x2800;
	[sflag:s22] =	ssyncadd.s32 $0xFFFFC000  }
0x52: {  	[spmem:s1] =	stream.indirect.scatter.add.f32 [tilespmem:s18], [sflag:$0x5], $0x80, s29, s17, $0xb8;
	[tilespmem:$0x1F000] =	vst v63  }
0x53: {  	_ =	swait.ge [sflag:s23], $0x4000  }
0x54: {  	[sflag:s23] =	ssyncset.done $0x0  }
0x55: {  	s30 =	sadd.s32 $0x100, s13;
	[sflag:s23] =	ssyncadd.s32 $0xFFFFC000  }
0x56: {  	[tilespmem:s18], [sflag:$0x1] =	stream.indirect.gather [hbm4b:s4+s19], $0x80, s30, s19, $0xb8;
	[tilespmem:$0x1F000] =	vst v63  }
0x57: {  	s29 =	sadd.s32 $0x140, s13  }
0x58: {  	[tilespmem:s24], [sflag:$0x1] =	stream.indirect.gather [hbm4b:s4+s19], $0x80, s29, s19, $0xb8;
	[tilespmem:$0x1F000] =	vst v63  }
0x59: {  	_ =	swait.ge [sflag:s25], $0x4000  }
0x5a: {  	[sflag:s25] =	ssyncset.done $0x0  }
0x5b: {  	s30 =	simm.s32 $0x2880;
	[sflag:s25] =	ssyncadd.s32 $0xFFFFC000  }
0x5c: {  	[spmem:s1] =	stream.indirect.scatter.add.f32 [tilespmem:s20], [sflag:$0x6], $0x80, s30, s17, $0xb8;
	[tilespmem:$0x1F000] =	vst v63  }
0x5d: {  	_ =	swait.ge [sflag:s28], $0x4000  }
0x5e: {  	[sflag:s28] =	ssyncset.done $0x0  }
0x5f: {  	s29 =	sadd.s32 $0x180, s13;
	[sflag:s28] =	ssyncadd.s32 $0xFFFFC000  }
0x60: {  	[tilespmem:s20], [sflag:$0x2] =	stream.indirect.gather [hbm4b:s4+s19], $0x80, s29, s19, $0xb8;
	[tilespmem:$0x1F000] =	vst v63  }
0x61: {  	s30 =	sadd.s32 $0x1C0, s13  }
0x62: {  	[tilespmem:s21], [sflag:$0x2] =	stream.indirect.gather [hbm4b:s4+s19], $0x80, s30, s19, $0xb8;
	[tilespmem:$0x1F000] =	vst v63  }
0x63: {  	_ =	swait.ge [sflag:s22], $0x4000  }
0x64: {  	[sflag:s22] =	ssyncset.done $0x0  }
0x65: {  	s29 =	simm.s32 $0x2900;
	[sflag:s22] =	ssyncadd.s32 $0xFFFFC000  }
0x66: {  	[spmem:s1] =	stream.indirect.scatter.add.f32 [tilespmem:s18], [sflag:$0x5], $0x80, s29, s17, $0xb8;
	[tilespmem:$0x1F000] =	vst v63  }
0x67: {  	_ =	swait.ge [sflag:s23], $0x4000  }
0x68: {  	[sflag:s23] =	ssyncset.done $0x0  }
0x69: {  	s30 =	sadd.s32 $0x200, s13;
	[sflag:s23] =	ssyncadd.s32 $0xFFFFC000  }
0x6a: {  	[tilespmem:s18], [sflag:$0x1] =	stream.indirect.gather [hbm4b:s4+s19], $0x80, s30, s19, $0xb8;
	[tilespmem:$0x1F000] =	vst v63  }
0x6b: {  	s29 =	sadd.s32 $0x240, s13  }
0x6c: {  	[tilespmem:s24], [sflag:$0x1] =	stream.indirect.gather [hbm4b:s4+s19], $0x80, s29, s19, $0xb8;
	[tilespmem:$0x1F000] =	vst v63  }
0x6d: {  	_ =	swait.ge [sflag:s25], $0x4000  }
0x6e: {  	[sflag:s25] =	ssyncset.done $0x0  }
0x6f: {  	s30 =	simm.s32 $0x2980;
	[sflag:s25] =	ssyncadd.s32 $0xFFFFC000  }
0x70: {  	[spmem:s1] =	stream.indirect.scatter.add.f32 [tilespmem:s20], [sflag:$0x6], $0x80, s30, s17, $0xb8;
	[tilespmem:$0x1F000] =	vst v63  }
0x71: {  	_ =	swait.ge [sflag:s28], $0x4000  }
0x72: {  	[sflag:s28] =	ssyncset.done $0x0  }
0x73: {  	s29 =	sadd.s32 $0x280, s13;
	[sflag:s28] =	ssyncadd.s32 $0xFFFFC000  }
0x74: {  	[tilespmem:s20], [sflag:$0x2] =	stream.indirect.gather [hbm4b:s4+s19], $0x80, s29, s19, $0xb8;
	[tilespmem:$0x1F000] =	vst v63  }
0x75: {  	s30 =	sadd.s32 $0x2C0, s13  }
0x76: {  	[tilespmem:s21], [sflag:$0x2] =	stream.indirect.gather [hbm4b:s4+s19], $0x80, s30, s19, $0xb8;
	[tilespmem:$0x1F000] =	vst v63  }
0x77: {  	_ =	swait.ge [sflag:s22], $0x4000  }
0x78: {  	[sflag:s22] =	ssyncset.done $0x0  }
0x79: {  	[sflag:s22] =	ssyncadd.s32 $0xFFFFC000  }
0x7a: {  	[spmem:s1] =	stream.indirect.scatter.add.f32 [tilespmem:s18], [sflag:$0x5], $0x80, s31, s17, $0xb8;
	[tilespmem:$0x1F000] =	vst v63  }
0x7b: {  	_ =	swait.ge [sflag:s23], $0x4000  }
0x7c: {  	[sflag:s23] =	ssyncset.done $0x0  }
0x7d: {  	s29 =	sadd.s32 $0x300, s13;
	[sflag:s23] =	ssyncadd.s32 $0xFFFFC000  }
0x7e: {  	[tilespmem:s18], [sflag:$0x1] =	stream.indirect.gather [hbm4b:s4+s19], $0x80, s29, s19, $0xb8;
	[tilespmem:$0x1F000] =	vst v63  }
0x7f: {  	s30 =	sadd.s32 $0x340, s13  }
0x80: {  	[tilespmem:s24], [sflag:$0x1] =	stream.indirect.gather [hbm4b:s4+s19], $0x80, s30, s19, $0xb8;
	[tilespmem:$0x1F000] =	vst v63  }
0x81: {  	_ =	swait.ge [sflag:s25], $0x4000  }
0x82: {  	[sflag:s25] =	ssyncset.done $0x0  }
0x83: {  	[sflag:s25] =	ssyncadd.s32 $0xFFFFC000  }
0x84: {  	[spmem:s1] =	stream.indirect.scatter.add.f32 [tilespmem:s20], [sflag:$0x6], $0x80, s0, s17, $0xb8;
	[tilespmem:$0x1F000] =	vst v63  }
0x85: {  	_ =	swait.ge [sflag:s28], $0x4000  }
0x86: {  	[sflag:s28] =	ssyncset.done $0x0  }
0x87: {  	s29 =	sadd.s32 $0x380, s13;
	[sflag:s28] =	ssyncadd.s32 $0xFFFFC000  }
0x88: {  	[tilespmem:s20], [sflag:$0x2] =	stream.indirect.gather [hbm4b:s4+s19], $0x80, s29, s19, $0xb8;
	[tilespmem:$0x1F000] =	vst v63  }
0x89: {  	s30 =	sadd.s32 $0x3C0, s13  }
0x8a: {  	[tilespmem:s21], [sflag:$0x2] =	stream.indirect.gather [hbm4b:s4+s19], $0x80, s30, s19, $0xb8;
	[tilespmem:$0x1F000] =	vst v63  }
0x8b: {  	_ =	swait.ge [sflag:s22], $0x4000  }
0x8c: {  	[sflag:s22] =	ssyncset.done $0x0  }
0x8d: {  	[sflag:s22] =	ssyncadd.s32 $0xFFFFC000  }
0x8e: {  	[spmem:s1] =	stream.indirect.scatter.add.f32 [tilespmem:s18], [sflag:$0x5], $0x80, s2, s17, $0xb8;
	[tilespmem:$0x1F000] =	vst v63  }
0x8f: {  	_ =	swait.ge [sflag:s23], $0x4000  }
0x90: {  	[sflag:s23] =	ssyncset.done $0x0  }
0x91: {  	s29 =	sadd.s32 $0x400, s13;
	[sflag:s23] =	ssyncadd.s32 $0xFFFFC000  }
0x92: {  	[tilespmem:s18], [sflag:$0x1] =	stream.indirect.gather [hbm4b:s4+s19], $0x80, s29, s19, $0xb8;
	[tilespmem:$0x1F000] =	vst v63  }
0x93: {  	s30 =	sadd.s32 $0x440, s13  }
0x94: {  	[tilespmem:s24], [sflag:$0x1] =	stream.indirect.gather [hbm4b:s4+s19], $0x80, s30, s19, $0xb8;
	[tilespmem:$0x1F000] =	vst v63  }
0x95: {  	_ =	swait.ge [sflag:s25], $0x4000  }
0x96: {  	[sflag:s25] =	ssyncset.done $0x0  }
0x97: {  	p1 =	seq.s32 s3, $0x8000;
	[sflag:s25] =	ssyncadd.s32 $0xFFFFC000  }
0x98: {  	[spmem:s1] =	stream.indirect.scatter.add.f32 [tilespmem:s20], [sflag:$0x6], $0x80, s5, s17, $0xb8;
	[tilespmem:$0x1F000] =	vst v63  }
0x99: {  	s26 =	sadd.s32 @!p1 $0xFFFFFF80, s12;
	s29 =	simm.s32 @!p1 $0x0;
	s30 =	simm.s32 @!p1 $0x2800  }
0x9a: {  	[tilespmem:s30], [sflag:$0x3] =	stream.linear.gather @!p1 [hbm4b:s26+s29], $0x400, $0x38;
	[tilespmem:$0x1F000] =	vst v63  }
0x9b: {  	_ =	swait.ge [sflag:s7], $0x400  }
0x9c: {  	[sflag:s7] =	ssyncset.done $0x0  }
0x9d: {  	[sflag:s7] =	ssyncadd.s32 $0xFFFFFC00  }
0x9e: {  	_ =	swait.ge [sflag:s28], $0x4000  }
0x9f: {  	[sflag:s28] =	ssyncset.done $0x0  }
0xa0: {  	s29 =	sadd.s32 $0x480, s13;
	[sflag:s28] =	ssyncadd.s32 $0xFFFFC000  }
0xa1: {  	[tilespmem:s20], [sflag:$0x2] =	stream.indirect.gather [hbm4b:s4+s19], $0x80, s29, s19, $0xb8;
	[tilespmem:$0x1F000] =	vst v63  }
0xa2: {  	s30 =	sadd.s32 $0x4C0, s13  }
0xa3: {  	[tilespmem:s21], [sflag:$0x2] =	stream.indirect.gather [hbm4b:s4+s19], $0x80, s30, s19, $0xb8;
	[tilespmem:$0x1F000] =	vst v63  }
0xa4: {  	_ =	swait.ge [sflag:s22], $0x4000  }
0xa5: {  	[sflag:s22] =	ssyncset.done $0x0  }
0xa6: {  	[sflag:s22] =	ssyncadd.s32 $0xFFFFC000  }
0xa7: {  	[spmem:s1] =	stream.indirect.scatter.add.f32 [tilespmem:s18], [sflag:$0x5], $0x80, s16, s17, $0xb8;
	[tilespmem:$0x1F000] =	vst v63  }
0xa8: {  	_ =	swait.ge [sflag:s23], $0x4000  }
0xa9: {  	[sflag:s23] =	ssyncset.done $0x0  }
0xaa: {  	s29 =	sadd.s32 $0x500, s13;
	[sflag:s23] =	ssyncadd.s32 $0xFFFFC000  }
0xab: {  	[tilespmem:s18], [sflag:$0x1] =	stream.indirect.gather [hbm4b:s4+s19], $0x80, s29, s19, $0xb8;
	[tilespmem:$0x1F000] =	vst v63  }
0xac: {  	s30 =	sadd.s32 $0x540, s13  }
0xad: {  	[tilespmem:s24], [sflag:$0x1] =	stream.indirect.gather [hbm4b:s4+s19], $0x80, s30, s19, $0xb8;
	[tilespmem:$0x1F000] =	vst v63  }
0xae: {  	_ =	swait.ge [sflag:s25], $0x4000  }
0xaf: {  	[sflag:s25] =	ssyncset.done $0x0  }
0xb0: {  	[sflag:s25] =	ssyncadd.s32 $0xFFFFC000  }
0xb1: {  	[spmem:s1] =	stream.indirect.scatter.add.f32 [tilespmem:s20], [sflag:$0x6], $0x80, s8, s17, $0xb8;
	[tilespmem:$0x1F000] =	vst v63  }
0xb2: {  	_ =	swait.ge [sflag:s28], $0x4000  }
0xb3: {  	[sflag:s28] =	ssyncset.done $0x0  }
0xb4: {  	s29 =	sadd.s32 $0x580, s13;
	[sflag:s28] =	ssyncadd.s32 $0xFFFFC000  }
0xb5: {  	[tilespmem:s20], [sflag:$0x2] =	stream.indirect.gather [hbm4b:s4+s19], $0x80, s29, s19, $0xb8;
	[tilespmem:$0x1F000] =	vst v63  }
0xb6: {  	s30 =	sadd.s32 $0x5C0, s13  }
0xb7: {  	[tilespmem:s21], [sflag:$0x2] =	stream.indirect.gather [hbm4b:s4+s19], $0x80, s30, s19, $0xb8;
	[tilespmem:$0x1F000] =	vst v63  }
0xb8: {  	_ =	swait.ge [sflag:s22], $0x4000  }
0xb9: {  	[sflag:s22] =	ssyncset.done $0x0  }
0xba: {  	[sflag:s22] =	ssyncadd.s32 $0xFFFFC000  }
0xbb: {  	[spmem:s1] =	stream.indirect.scatter.add.f32 [tilespmem:s18], [sflag:$0x5], $0x80, s9, s17, $0xb8;
	[tilespmem:$0x1F000] =	vst v63  }
0xbc: {  	_ =	swait.ge [sflag:s23], $0x4000  }
0xbd: {  	[sflag:s23] =	ssyncset.done $0x0  }
0xbe: {  	s29 =	sadd.s32 $0x600, s13;
	[sflag:s23] =	ssyncadd.s32 $0xFFFFC000  }
0xbf: {  	[tilespmem:s18], [sflag:$0x1] =	stream.indirect.gather [hbm4b:s4+s19], $0x80, s29, s19, $0xb8;
	[tilespmem:$0x1F000] =	vst v63  }
0xc0: {  	s30 =	sadd.s32 $0x640, s13  }
0xc1: {  	[tilespmem:s24], [sflag:$0x1] =	stream.indirect.gather [hbm4b:s4+s19], $0x80, s30, s19, $0xb8;
	[tilespmem:$0x1F000] =	vst v63  }
0xc2: {  	_ =	swait.ge [sflag:s25], $0x4000  }
0xc3: {  	[sflag:s25] =	ssyncset.done $0x0  }
0xc4: {  	[sflag:s25] =	ssyncadd.s32 $0xFFFFC000  }
0xc5: {  	[spmem:s1] =	stream.indirect.scatter.add.f32 [tilespmem:s20], [sflag:$0x6], $0x80, s11, s17, $0xb8;
	[tilespmem:$0x1F000] =	vst v63  }
0xc6: {  	_ =	swait.ge [sflag:s28], $0x4000  }
0xc7: {  	[sflag:s28] =	ssyncset.done $0x0  }
0xc8: {  	s29 =	sadd.s32 $0x680, s13;
	[sflag:s28] =	ssyncadd.s32 $0xFFFFC000  }
0xc9: {  	[tilespmem:s20], [sflag:$0x2] =	stream.indirect.gather [hbm4b:s4+s19], $0x80, s29, s19, $0xb8;
	[tilespmem:$0x1F000] =	vst v63  }
0xca: {  	s30 =	sadd.s32 $0x6C0, s13  }
0xcb: {  	[tilespmem:s21], [sflag:$0x2] =	stream.indirect.gather [hbm4b:s4+s19], $0x80, s30, s19, $0xb8;
	[tilespmem:$0x1F000] =	vst v63  }
0xcc: {  	_ =	swait.ge [sflag:s22], $0x4000  }
0xcd: {  	[sflag:s22] =	ssyncset.done $0x0  }
0xce: {  	[sflag:s22] =	ssyncadd.s32 $0xFFFFC000  }
0xcf: {  	[spmem:s1] =	stream.indirect.scatter.add.f32 [tilespmem:s18], [sflag:$0x5], $0x80, s6, s17, $0xb8;
	[tilespmem:$0x1F000] =	vst v63  }
0xd0: {  	_ =	swait.ge [sflag:s23], $0x4000  }
0xd1: {  	[sflag:s23] =	ssyncset.done $0x0  }
0xd2: {  	s29 =	sadd.s32 $0x700, s13;
	[sflag:s23] =	ssyncadd.s32 $0xFFFFC000  }
0xd3: {  	[tilespmem:s18], [sflag:$0x1] =	stream.indirect.gather [hbm4b:s4+s19], $0x80, s29, s19, $0xb8;
	[tilespmem:$0x1F000] =	vst v63  }
0xd4: {  	s30 =	sadd.s32 $0x740, s13  }
0xd5: {  	[tilespmem:s24], [sflag:$0x1] =	stream.indirect.gather [hbm4b:s4+s19], $0x80, s30, s19, $0xb8;
	[tilespmem:$0x1F000] =	vst v63  }
0xd6: {  	_ =	swait.ge [sflag:s25], $0x4000  }
0xd7: {  	[sflag:s25] =	ssyncset.done $0x0  }
0xd8: {  	[sflag:s25] =	ssyncadd.s32 $0xFFFFC000  }
0xd9: {  	[spmem:s1] =	stream.indirect.scatter.add.f32 [tilespmem:s20], [sflag:$0x6], $0x80, s10, s17, $0xb8;
	[tilespmem:$0x1F000] =	vst v63  }
0xda: {  	_ =	swait.ge [sflag:s28], $0x4000  }
0xdb: {  	[sflag:s28] =	ssyncset.done $0x0  }
0xdc: {  	s29 =	sadd.s32 $0x780, s13;
	[sflag:s28] =	ssyncadd.s32 $0xFFFFC000  }
0xdd: {  	[tilespmem:s20], [sflag:$0x2] =	stream.indirect.gather [hbm4b:s4+s19], $0x80, s29, s19, $0xb8;
	[tilespmem:$0x1F000] =	vst v63  }
0xde: {  	s30 =	sadd.s32 $0x7C0, s13  }
0xdf: {  	[tilespmem:s21], [sflag:$0x2] =	stream.indirect.gather [hbm4b:s4+s19], $0x80, s30, s19, $0xb8;
	[tilespmem:$0x1F000] =	vst v63  }
.Ltmp3:
0xe0: {  	_ = 	snop;
	(pc) =	sbr.rel @p1 .LBB2_6-.Ltmp3, $4  }
0xe1: {  	_ =	swait.ge [sflag:s22], $0x4000  }
0xe2: {  	[sflag:s22] =	ssyncset.done $0x0  }
0xe3: {  	[sflag:s22] =	ssyncadd.s32 $0xFFFFC000  }
0xe4: {  	[spmem:s1] =	stream.indirect.scatter.add.f32 [tilespmem:s18], [sflag:$0x5], $0x80, s14, s17, $0xb8;
	[tilespmem:$0x1F000] =	vst v63  }
0xe5: {  	_ =	swait.ge [sflag:s23], $0x4000  }
0xe6: {  	[sflag:s23] =	ssyncset.done $0x0  }
0xe7: {  	s26 =	sadd.s32 $0x800, s13;
	[sflag:s23] =	ssyncadd.s32 $0xFFFFC000  }
0xe8: {  	[tilespmem:s18], [sflag:$0x1] =	stream.indirect.gather [hbm4b:s4+s19], $0x80, s26, s19, $0xb8;
	[tilespmem:$0x1F000] =	vst v63  }
0xe9: {  	s29 =	sadd.s32 $0x840, s13  }
0xea: {  	[tilespmem:s24], [sflag:$0x1] =	stream.indirect.gather [hbm4b:s4+s19], $0x80, s29, s19, $0xb8;
	[tilespmem:$0x1F000] =	vst v63  }
0xeb: {  	_ =	swait.ge [sflag:s25], $0x4000  }
0xec: {  	[sflag:s25] =	ssyncset.done $0x0  }
.Ltmp4:
0xed: {  	[sflag:s25] =	ssyncadd.s32 $0xFFFFC000;
	(pc) =	sbr.rel .LBB2_3-.Ltmp4, $4  }
0xee: {  	[spmem:s1] =	stream.indirect.scatter.add.f32 [tilespmem:s20], [sflag:$0x6], $0x80, s15, s17, $0xb8;
	[tilespmem:$0x1F000] =	vst v63  }
0xef: {  	s30 =	simm.s32 $0x0  }
0xf0: {  	[tilespmem:s16], [sflag:$0x4] =	stream.linear.gather [hbm4b:s12+s30], $0x400, $0x38;
	[tilespmem:$0x1F000] =	vst v63  }
0xf1: {  	s3 =	sadd.s32 $0x2000, s3;
	s12 =	sadd.s32 $0x100, s12  }
.LBB2_5:
.Ltmp5:
0xf2: {  	(pc) =	sbr.rel .LBB2_7-.Ltmp5, $3  }
0xf3: {  	_ = 	snop  }
0xf4: {  	[bflag:$0x0] =	sbarrier.arrive $0xFFFF  }
0xf5: {  	[bflag:$0x0] =	sbarrier.arrive $0xFFFF;
	_ =	sdelay $0x1  }
.LBB2_8:
0xf6: {  	_ =	sfence.sel $0x180000  }
0xf7: {  	[bflag:$0x0] =	sbarrier.arrive $0xFFFF  }
0xf8: {  	_ =	strace $0x9000004A  }
0xf9: {  	s0 =	stileid.u32;
	[bflag:$0x2] =	sbarrier.arrive $0xFFFF  }
0xfa: {  	p0 =	sne.s32 s0, $0x0;
	s0 =	rddreg [dreg:$0x3]  }
0xfb: {  	s0 =	sadd.s32 @!p0 $0x100000, s0  }
0xfc: {  	[sflag:s0] =	ssyncadd.tile.s32 @!p0 $0x1;
	_ =	shalt  }
.Lfunc_end2:
_tile_overlayer_lowered:
.L_overlay_start_2:
0xfd: {  	(tag) =	ssettag $0x2  }
0xfe: {  	s0 =	rddreg [dreg:$0x0];
	s2 =	stileid.u32  }
0xff: {  	s1 =	rddreg [dreg:$0x1];
	p0 =	sne.s32 s2, $0x0  }
0x100: {  	s3 =	rddreg [dreg:$0x2];
	[bflag:$0x3] =	sbarrier.arrive $0xFFFF;
	s2 =	simm.s32 @!p0 $0x1C07  }
0x101: {  	[timem:s3], [sflag:s2] =	dma.local @!p0 [hbm:s0], s1  }
0x102: {  	s0 =	simm.s32 @!p0 $0x7  }
0x103: {  	_ =	swait.ge @!p0 [sflag:s0], s1  }
0x104: {  	s1 =	ssub.s32 @!p0 $0x0, s1;
	[sflag:s0] =	ssyncset.done @!p0 $0x0  }
0x105: {  	[sflag:s0] =	ssyncadd.s32 @!p0 s1  }
0x106: {  	[bflag:$0x3] =	sbarrier.arrive $0xFFFF  }
0x107: {  	_ =	shalt  }

// kernel: kernel.14.cloned.1.call-start
scs
__scs_entry_jumppad:
0x0: {  	(pc) =	sbr.rel $0x88, $3  }
0x1: {  	(tag) =	ssettag $0x0;
	lr =	simm.s32 $0x1  }
0x2: {  	[smem:$0x3F9D] =	sst lr;
	_ =	strace $0xD0000000  }
0x3: {  	_ = 	snop  }
0x4: {  	_ = 	snop  }
0x5: {  	_ = 	snop  }
0x6: {  	_ = 	snop  }
0x7: {  	_ = 	snop  }
__scs_overlays_trampoline_lowered:
0x8: {  	[smem:$0x3FAC] =	sst s0  }
0x9: {  	[smem:$0x3FAD] =	sst s1  }
0xa: {  	[smem:$0x3FAE] =	sst s2  }
0xb: {  	[smem:$0x3FAF] =	sst s3  }
0xc: {  	[smem:$0x3FB0] =	sst s4  }
0xd: {  	[smem:$0x3FB1] =	sst s5  }
0xe: {  	[smem:$0x3FB2] =	sst s6  }
0xf: {  	[smem:$0x3FB3] =	sst s7  }
0x10: {  	[smem:$0x3FB4] =	sst s8  }
0x11: {  	[smem:$0x3FB5] =	sst s9;
	s0 =	simm.s32 @!p0 $0x0  }
0x12: {  	s1 =	sld [smem:$0x3F9B];
	s0 =	simm.s32 @p0 $0x1  }
0x13: {  	[smem:$0x3FB6] =	sst s0;
	s0 =	simm.s32 @!p1 $0x0  }
0x14: {  	s2 =	sld [smem:$0x3F9A];
	s0 =	simm.s32 @p1 $0x1  }
0x15: {  	[smem:$0x3FB7] =	sst s0;
	s0 =	simm.s32 @!p2 $0x0  }
0x16: {  	s3 =	sld [smem:$0x3FDB];
	s0 =	simm.s32 @p2 $0x1  }
0x17: {  	s4 =	simm.s32 $0x1BF5;
	[smem:$0x3FB9] =	sst s0  }
0x18: {  	s0 =	sld [smem:$0x3F9C];
	_ =	swait.ge [sflag:s4], $0x0  }
0x19: {  	s7 =	sld [smem:$0x3F9D]  }
0x1a: {  	s8 =	sadd.s32 $0xFFFFE003, lr  }
0x1b: {  	s9 =	sadd.s32 $0xFFFFFEF7, lr;
	s5 =	simm.s32 $0xFFFFFFFF;
	p2 =	slt.u32 s8, $0xFFFFF086  }
0x1c: {  	p1 =	slt.u32 s9, $0xF7A;
	s5 =	simm.s32 @!p2 $0x0  }
0x1d: {  	s5 =	simm.s32 @p1 $0x1;
	p0 =	seq.s32 s7, s2  }
0x1e: {  	s7 =	smul.u32 @!p0 $0xF7A, s2;
	p2 =	seq.s32 @!p0 s5, $0x0  }
0x1f: {  	s9 =	smul.u32 $0xF7A, s1;
	s8 =	simm.s32 @!p0 $0x1BF5;
	p2 =	por !p2, p0  }
0x20: {  	[sflag:s8] =	ssyncset.s32 @!p0 $0xFFFFF086;
	s6 =	sadd.s32 @!p0 s3, s7;
	s7 =	simm.s32 @!p0 $0x108  }
0x21: {  	s3 =	sadd.s32 s3, s9;
	s6 =	sadd.s32 @!p0 $0x88, s6;
	s7 =	simm.s32 @p2 $0x1082  }
0x22: {  	[simem:s7], [sflag:s8] =	dma.local @!p0 [hbm:s6], $0xF7A  }
0x23: {  	s9 =	sor.u32 $0xD0000000, s2;
	s6 =	simm.s32 $0x108;
	_ =	swait.ge @!p0 [sflag:s8], $0x0  }
0x24: {  	s3 =	sadd.s32 $0x88, s3;
	s6 =	simm.s32 @!p1 $0x1082;
	[sflag:s4] =	ssyncset.s32 $0xFFFFF086  }
0x25: {  	[simem:s6], [sflag:s4] =	dma.local [hbm:s3], $0xF7A  }
0x26: {  	[smem:$0x3F9D] =	sst s1;
	(tag) =	ssettag s2;
	_ =	strace s9  }
0x27: {  	s1 =	sld [smem:$0x3FAD]  }
0x28: {  	s2 =	sld [smem:$0x3FAE]  }
0x29: {  	s4 =	sld [smem:$0x3FB0]  }
0x2a: {  	p0 =	seq.s32 s5, $0x0;
	s5 =	sld [smem:$0x3FB1]  }
0x2b: {  	s6 =	sld [smem:$0x3FB2]  }
0x2c: {  	s7 =	sld [smem:$0x3FB3]  }
0x2d: {  	s3 =	simm.s32 $0x108;
	s8 =	sld [smem:$0x3FB4]  }
0x2e: {  	s3 =	simm.s32 @!p0 $0x1082;
	s9 =	sld [smem:$0x3FB5]  }
0x2f: {  	lr =	sadd.s32 s0, s3;
	s0 =	sld [smem:$0x3FAC]  }
0x30: {  	s3 =	sld [smem:$0x3FAF]  }
0x31: {  	[smem:$0x3FB8] =	sst s10  }
0x32: {  	s10 =	sld [smem:$0x3FB6];
	_ =	sdelay $0x3  }
0x33: {  	p0 =	seq.s32 s10, $0x1;
	s10 =	sld [smem:$0x3FB8];
	_ =	sdelay $0x3  }
0x34: {  	[smem:$0x3FB8] =	sst s10  }
0x35: {  	s10 =	sld [smem:$0x3FB7];
	_ =	sdelay $0x3  }
0x36: {  	p1 =	seq.s32 s10, $0x1;
	s10 =	sld [smem:$0x3FB8];
	_ =	sdelay $0x3  }
0x37: {  	[smem:$0x3FB8] =	sst s10  }
0x38: {  	s10 =	sld [smem:$0x3FB9]  }
0x39: {  	_ = 	snop;
	(pc) =	sbr.ind lr, $3  }
0x3a: {  	_ = 	snop  }
0x3b: {  	_ = 	snop  }
0x3c: {  	p2 =	seq.s32 s10, $0x1;
	s10 =	sld [smem:$0x3FB8]  }
0x3d: {  	_ =	shalt  }
0x3e: {  	_ =	shalt  }
0x3f: {  	_ =	shalt  }
0x40: {  	_ =	shalt  }
0x41: {  	_ =	shalt  }
0x42: {  	_ =	shalt  }
0x43: {  	_ =	shalt  }
0x44: {  	_ =	shalt  }
0x45: {  	_ =	shalt  }
0x46: {  	_ =	shalt  }
0x47: {  	_ =	shalt  }
0x48: {  	_ =	shalt  }
0x49: {  	_ =	shalt  }
0x4a: {  	_ =	shalt  }
0x4b: {  	_ =	shalt  }
0x4c: {  	_ =	shalt  }
0x4d: {  	_ =	shalt  }
0x4e: {  	_ =	shalt  }
0x4f: {  	_ =	shalt  }
0x50: {  	_ =	shalt  }
0x51: {  	_ =	shalt  }
0x52: {  	_ =	shalt  }
0x53: {  	_ =	shalt  }
0x54: {  	_ =	shalt  }
0x55: {  	_ =	shalt  }
0x56: {  	_ =	shalt  }
0x57: {  	_ =	shalt  }
0x58: {  	_ =	shalt  }
0x59: {  	_ =	shalt  }
0x5a: {  	_ =	shalt  }
0x5b: {  	_ =	shalt  }
0x5c: {  	_ =	shalt  }
0x5d: {  	_ =	shalt  }
0x5e: {  	_ =	shalt  }
0x5f: {  	_ =	shalt  }
0x60: {  	_ =	shalt  }
0x61: {  	_ =	shalt  }
0x62: {  	_ =	shalt  }
0x63: {  	_ =	shalt  }
0x64: {  	_ =	shalt  }
0x65: {  	_ =	shalt  }
0x66: {  	_ =	shalt  }
0x67: {  	_ =	shalt  }
0x68: {  	_ =	shalt  }
0x69: {  	_ =	shalt  }
0x6a: {  	_ =	shalt  }
0x6b: {  	_ =	shalt  }
0x6c: {  	_ =	shalt  }
0x6d: {  	_ =	shalt  }
0x6e: {  	_ =	shalt  }
0x6f: {  	_ =	shalt  }
0x70: {  	_ =	shalt  }
0x71: {  	_ =	shalt  }
0x72: {  	_ =	shalt  }
0x73: {  	_ =	shalt  }
0x74: {  	_ =	shalt  }
0x75: {  	_ =	shalt  }
0x76: {  	_ =	shalt  }
0x77: {  	_ =	shalt  }
0x78: {  	_ =	shalt  }
0x79: {  	_ =	shalt  }
0x7a: {  	_ =	shalt  }
0x7b: {  	_ =	shalt  }
0x7c: {  	_ =	shalt  }
0x7d: {  	_ =	shalt  }
0x7e: {  	_ =	shalt  }
0x7f: {  	_ =	shalt  }
0x80: {  	_ =	shalt  }
0x81: {  	_ =	shalt  }
0x82: {  	_ =	shalt  }
0x83: {  	_ =	shalt  }
0x84: {  	_ =	shalt  }
0x85: {  	_ =	shalt  }
0x86: {  	_ =	shalt  }
0x87: {  	_ =	shalt  }
.Lfunc_end0:
.L_simem_size_0:
called_computation.2_lowered:
.L_overlay_start_0:
0x88: {  	s2 =	sld [smem:$0x3FD9]  }
0x89: {  	s3 =	sld [smem:$0x3FFE];
	_ =	sdelay $0x1  }
0x8a: {  	s1 =	srdreg.scid  }
0x8b: {  	s0 =	sand.u32 $0x1, s1  }
0x8c: {  	s17 =	sshll.u32 s0, $0xA;
	s2 =	sadd.s32 s3, s2  }
0x8d: {  	s2 =	sadd.s32 s2, s17  }
0x8e: {  	[smem:$0x3FC4] =	sst s2  }
0x8f: {  	_ = 	snop  }
0x90: {  	s2 =	sld [smem:$0x3FD0];
	(tm) =	ssettm $0x1  }
0x91: {  	s18 =	sld [smem:$0x3FFB];
	_ =	sdelay $0x3  }
0x92: {  	_ =	strace s18  }
0x93: {  	s3 =	sld [smem:$0x3FFC];
	_ =	sdelay $0x3  }
0x94: {  	_ =	strace s3  }
0x95: {  	s3 =	sld [smem:$0x3FFD];
	_ =	sdelay $0x3  }
0x96: {  	_ =	strace s3  }
0x97: {  	_ =	strace $0x8FFFFFFF  }
0x98: {  	s19 =	sld [smem:$0x3FDB];
	_ =	sdelay $0x1  }
0x99: {  	s4 =	simm.s32 $_scs_section_size  }
0x9a: {  	s5 =	simm.s32 $_size__tile_overlayer_lowered;
	s6 =	simm.s32 $_tile_overlayer_lowered  }
0x9b: {  	s22 =	simm.s32 $0x1BFF;
	s21 =	sshll.u32 s6, $0x1;
	s3 =	sadd.s32 s4, s19  }
0x9c: {  	s7 =	simm.s32 $0x0;
	s20 =	sshll.u32 s5, $0x1;
	s5 =	sadd.s32 s21, s3  }
0x9d: {  	[timem:s7], [sflag:s22] =	dma.local [hbm:s5], s20  }
0x9e: {  	_ =	swait.ge [sflag:s22], s20  }
0x9f: {  	s4 =	ssub.s32 $0x0, s20;
	[sflag:s22] =	ssyncset.done $0x0  }
0xa0: {  	[sflag:s22] =	ssyncadd.s32 s4;
	_ =	sdelay $0x1  }
0xa1: {  	s23 =	simm.s32 $0x1B8B  }
0xa2: {  	_ =	swait.ge [sflag:s23], $0x1  }
0xa3: {  	[sflag:s23] =	ssyncset.done $0x0  }
0xa4: {  	s25 =	simm.s32 $0x1B8E;
	s24 =	sld [smem:$0x3FFE];
	[sflag:s23] =	ssyncadd.s32 $0xFFFFFFFF  }
0xa5: {  	s26 =	simm.s32 $execute0_lowered;
	[smem:$0x3FD2] =	sst s25  }
0xa6: {  	s5 =	sshll.u32 s26, $0x1;
	_ =	strace $0x8000004C;
	[dreg:$0x1] =	wrdreg $0xFFFFFFFF  }
0xa7: {  	s28 =	simm.s32 $_size_execute0_lowered;
	s3 =	sadd.s32 s3, s5;
	[dreg:$0x0] =	wrdreg $0x0  }
0xa8: {  	s5 =	sshll.u32 s28, $0x1;
	[dreg:$0x2] =	wrdreg s3  }
0xa9: {  	[dreg:$0x3] =	wrdreg s5  }
0xaa: {  	[dreg:$0x4] =	wrdreg $0xC0  }
0xab: {  	_ =	task [dreg:s7], $0x5FFFF  }
0xac: {  	[dreg:$0x1] =	wrdreg $0xFFFFFFFF  }
0xad: {  	[dreg:$0x0] =	wrdreg $0x60  }
0xae: {  	[dreg:$0x2] =	wrdreg s24  }
0xaf: {  	[dreg:$0x3] =	wrdreg s2  }
0xb0: {  	[dreg:$0x4] =	wrdreg $0xB0000  }
0xb1: {  	[dreg:$0x5] =	wrdreg $0x9  }
0xb2: {  	_ =	task.clear_ibuf [dreg:s7], $0x6FFFF;
	_ =	strace $0x9000004C  }
0xb3: {  	s29 =	simm.s32 $0x9;
	_ =	strace $0x8000004E  }
0xb4: {  	_ =	swait.ge [sflag:s29], $0x1  }
0xb5: {  	[sflag:s29] =	ssyncadd.s32 $0xFFFFFFFF  }
0xb6: {  	_ =	strace $0x9000004E  }
0xb7: {  	_ =	sfence  }
0xb8: {  	s30 =	sld [smem:$0x0];
	_ =	sdelay $0x2  }
0xb9: {  	s31 =	sshll.u32 s1, $0xD;
	s1 =	sshrl.u32 s1, $0x2  }
0xba: {  	s3 =	sand.u32 $0x4000, s31;
	s1 =	sadd.s32 s1, s30  }
0xbb: {  	s0 =	sor.u32 s3, s0;
	s1 =	sshll.u32 s1, $0x11  }
0xbc: {  	s0 =	sor.u32 s1, s0  }
0xbd: {  	s0 =	sadd.s32 $0x8F2B, s0  }
0xbe: {  	[sflag:s0] =	ssyncadd.remote.s32 $0x1  }
0xbf: {  	_ =	sfence.sel $0xFFFF  }
0xc0: {  	[dreg:$0x0] =	wrdreg $0xFFFFFFFF;
	(pc) =	sbr.abs _section_cstart, $3  }
0xc1: {  	[dreg:$0x1] =	wrdreg $0xFFFFFFFF  }
0xc2: {  	_ =	task.clear_ibuf [dreg:s7], $0x2FFFF;
	_ =	strace $0x9FFFFFFF  }
0xc3: {  	(tm) =	ssettm $0x7FFFFFFF  }
tec
execute0_lowered:
.L_overlay_start_1:
0x0: {  	(tag) =	ssettag $0x1  }
0x1: {  	s0 =	rddreg [dreg:$0x0]  }
0x2: {  	s2 =	rddreg [dreg:$0x1]  }
0x3: {  	s1 =	rddreg [dreg:$0x2];
	s4 =	simm.s32 $0x0;
	s3 =	srdreg.scid  }
0x4: {  	s10 =	stileid.u32;
	s13 =	simm.s32 $0x7;
	s16 =	simm.s32 $0x2C00  }
0x5: {  	s17 =	simm.s32 $0x80;
	s18 =	simm.s32 $0x3000;
	s19 =	simm.s32 $0x40  }
0x6: {  	s28 =	simm.s32 $0x6;
	s31 =	simm.s32 $0x2A00;
	s11 =	simm.s32 $0x2D80  }
0x7: {  	s14 =	simm.s32 $0x2F00;
	s15 =	simm.s32 $0x2F80;
	s5 =	smul.u32 $0x2800, s10  }
0x8: {  	[smem:$0x7FF] =	sst s4;
	s3 =	sand.u32 $0x1, s3;
	s8 =	smul.u32 $0x50000, s10  }
0x9: {  	s4 =	sadd.s32 $0x6800, s0;
	s9 =	sadd.s32 $0x1800, s0;
	s21 =	smul.u32 $0x500, s10  }
0xa: {  	s26 =	sshll.u32 s10, $0x6;
	s10 =	simm.s32 $0x2E80;
	_ =	strace $0x8000004D  }
0xb: {  	s6 =	ssub.s32 $0x2, s3;
	p0 =	sne.s32 s3, $0x0;
	s29 =	sor.u32 $0x1C07, s26  }
0xc: {  	s3 =	simm.s32 $0x0;
	s7 =	sshrl.u32 s6, $0x1;
	s0 =	sadd.s32 s5, s0  }
0xd: {  	s5 =	sshrl.u32 s5, $0x3;
	s20 =	sshrl.u32 s8, $0x2;
	s24 =	sadd.s32 s21, s9  }
0xe: {  	s21 =	simm.s32 $0x9000;
	s8 =	simm.s32 $0x2C80;
	[dreg:$0xb] =	wrdreg s29  }
0xf: {  	s6 =	ssub.s32 s6, s7;
	s2 =	sadd.s32 s2, s5;
	s5 =	sadd.s32 s9, s5  }
0x10: {  	s22 =	sadd.s32 s20, s1;
	s23 =	sadd.s32 $0x2E800, s0;
	s0 =	sadd.s32 $0x56800, s0  }
0x11: {  	s25 =	sadd.s32 $0x180, s24;
	s20 =	simm.s32 $0x7000;
	[dreg:$0x4] =	wrdreg s2  }
0x12: {  	s24 =	simm.s32 $0x5000;
	s7 =	simm.s32 $0x4;
	[dreg:$0x6] =	wrdreg s23  }
0x13: {  	s9 =	simm.s32 $0x2D00;
	[dreg:$0x5] =	wrdreg s5;
	s5 =	sadd.s32 $0x80, s5  }
.Ltmp0:
0x14: {  	[dreg:$0x8] =	wrdreg s0;
	s12 =	smax.u32 s6, $0x1;
	(pc) =	sbr.rel .LBB2_1-.Ltmp0, $4  }
0x15: {  	[dreg:$0xa] =	wrdreg s25;
	s30 =	sshrl.u32 s22, $0x3;
	s22 =	simm.s32 $0x1  }
0x16: {  	s23 =	simm.s32 $0x5;
	s25 =	simm.s32 $0x2;
	[dreg:$0x7] =	wrdreg s5  }
0x17: {  	s0 =	simm.s32 $0x2A80;
	s2 =	simm.s32 $0x2B00;
	[dreg:$0x9] =	wrdreg s12  }
0x18: {  	s6 =	simm.s32 $0x2E00;
	s5 =	simm.s32 $0x2B80;
	[dreg:$0xc] =	wrdreg s30  }
.LBB2_6:
0x19: {  	_ =	swait.ge [sflag:s25], $0x4000  }
0x1a: {  	[sflag:s25] =	ssyncset.done $0x0  }
0x1b: {  	[sflag:s25] =	ssyncadd.s32 $0xFFFFC000  }
0x1c: {  	[spmem:s1] =	stream.indirect.scatter.add.f32 [tilespmem:s20], [sflag:$0x6], $0x80, s15, s17, $0xb8;
	[tilespmem:$0x1F000] =	vst v63  }
0x1d: {  	_ =	swait.ge [sflag:s23], $0x4000  }
0x1e: {  	[sflag:s23] =	ssyncset.done $0x0  }
0x1f: {  	[sflag:s23] =	ssyncadd.s32 $0xFFFFC000  }
0x20: {  	_ =	swait.ge [sflag:s28], $0x4000  }
0x21: {  	[sflag:s28] =	ssyncset.done $0x0  }
0x22: {  	[sflag:s28] =	ssyncadd.s32 $0xFFFFC000  }
0x23: {  	[bflag:$0x0] =	sbarrier.arrive $0xFFFF  }
0x24: {  	s3 =	rddreg [dreg:$0x8]  }
0x25: {  	s29 =	rddreg [dreg:$0xb]  }
0x26: {  	s13 =	simm.s32 $0x7;
	s30 =	rddreg [dreg:$0xc]  }
0x27: {  	[hbm:s3], [sflag:s29] =	dma.local [spmem:s30], $0x2800  }
0x28: {  	_ =	swait.ge [sflag:s13], $0x2800  }
0x29: {  	[sflag:s13] =	ssyncset.done $0x0;
	s12 =	rddreg [dreg:$0x9]  }
0x2a: {  	s3 =	rddreg [dreg:$0xd];
	[sflag:s13] =	ssyncadd.s32 $0xFFFFD800  }
.LBB2_7:
0x2b: {  	s3 =	sadd.s32 $0x1, s3  }
0x2c: {  	p1 =	sne.s32 s3, s12  }
.Ltmp1:
0x2d: {  	_ = 	snop;
	(pc) =	sbr.rel @!p1 .LBB2_8-.Ltmp1, $1  }
0x2e: {  	_ =	sdelay $0x3  }
.LBB2_1:
.Ltmp2:
0x2f: {  	(pc) =	sbr.rel @p0 .LBB2_5-.Ltmp2, $1  }
0x30: {  	_ =	sdelay $0x3  }
0x31: {  	[dreg:$0xd] =	wrdreg s3  }
0x32: {  	s3 =	simm.s32 $0x0;
	s12 =	rddreg [dreg:$0x4]  }
0x33: {  	[tilespmem:s3], [sflag:$0x7] =	stream.linear.gather [hbm4b:s12+s3], $0x2800, $0x38;
	[tilespmem:$0x1F000] =	vst v63  }
0x34: {  	_ =	swait.ge [sflag:s13], $0x2800  }
0x35: {  	[sflag:s13] =	ssyncset.done $0x0  }
0x36: {  	s26 =	simm.s32 $0x2800;
	s12 =	rddreg [dreg:$0x5];
	[sflag:s13] =	ssyncadd.s32 $0xFFFFD800  }
0x37: {  	[tilespmem:s26], [sflag:$0x7] =	stream.linear.gather [hbm4b:s12+s3], $0x400, $0x38;
	[tilespmem:$0x1F000] =	vst v63  }
0x38: {  	_ =	swait.ge [sflag:s13], $0x400  }
0x39: {  	[sflag:s13] =	ssyncset.done $0x0  }
0x3a: {  	s26 =	rddreg [dreg:$0x6];
	[sflag:s13] =	ssyncadd.s32 $0xFFFFFC00  }
0x3b: {  	[spmem:s30], [sflag:s29] =	dma.local [hbm:s26], $0x2800  }
0x3c: {  	_ =	swait.ge [sflag:s13], $0x2800  }
0x3d: {  	[sflag:s13] =	ssyncset.done $0x0  }
0x3e: {  	[sflag:s13] =	ssyncadd.s32 $0xFFFFD800  }
0x3f: {  	[bflag:$0x0] =	sbarrier.arrive $0xFFFF  }
0x40: {  	s30 =	rddreg [dreg:$0x7]  }
0x41: {  	[tilespmem:s16], [sflag:$0x4] =	stream.linear.gather [hbm4b:s30+s3], $0x400, $0x38;
	[tilespmem:$0x1F000] =	vst v63  }
0x42: {  	s12 =	rddreg [dreg:$0xa]  }
0x43: {  	[tilespmem:s18], [sflag:$0x1] =	stream.indirect.gather [hbm4b:s4+s17], $0x80, s3, s17, $0xb8;
	[tilespmem:$0x1F000] =	vst v63  }
.LBB2_3:
0x44: {  	p1 =	seq.s32 s3, $0x0  }
0x45: {  	s13 =	simm.s32 @!p1 $0x3  }
0x46: {  	_ =	swait.ge @!p1 [sflag:s13], $0x400  }
0x47: {  	[sflag:s13] =	ssyncset.done @!p1 $0x0  }
0x48: {  	s26 =	simm.s32 @!p1 $0x6;
	[sflag:s13] =	ssyncadd.s32 @!p1 $0xFFFFFC00  }
0x49: {  	_ =	swait.ge @!p1 [sflag:s26], $0x4000  }
0x4a: {  	s13 =	sshra.s32 s3, $0x2;
	[sflag:s26] =	ssyncset.done @!p1 $0x0  }
0x4b: {  	s29 =	sadd.s32 $0x80, s13;
	[sflag:s26] =	ssyncadd.s32 @!p1 $0xFFFFC000  }
0x4c: {  	[tilespmem:s20], [sflag:$0x2] =	stream.indirect.gather [hbm4b:s4+s19], $0x80, s29, s19, $0xb8;
	[tilespmem:$0x1F000] =	vst v63  }
0x4d: {  	s30 =	sadd.s32 $0xC0, s13  }
0x4e: {  	[tilespmem:s21], [sflag:$0x2] =	stream.indirect.gather [hbm4b:s4+s19], $0x80, s30, s19, $0xb8;
	[tilespmem:$0x1F000] =	vst v63  }
0x4f: {  	_ =	swait.ge [sflag:s22], $0x4000  }
0x50: {  	[sflag:s22] =	ssyncset.done $0x0  }
0x51: {  	s29 =	simm.s32 $0x2800;
	[sflag:s22] =	ssyncadd.s32 $0xFFFFC000  }
0x52: {  	[spmem:s1] =	stream.indirect.scatter.add.f32 [tilespmem:s18], [sflag:$0x5], $0x80, s29, s17, $0xb8;
	[tilespmem:$0x1F000] =	vst v63  }
0x53: {  	_ =	swait.ge [sflag:s23], $0x4000  }
0x54: {  	[sflag:s23] =	ssyncset.done $0x0  }
0x55: {  	s30 =	sadd.s32 $0x100, s13;
	[sflag:s23] =	ssyncadd.s32 $0xFFFFC000  }
0x56: {  	[tilespmem:s18], [sflag:$0x1] =	stream.indirect.gather [hbm4b:s4+s19], $0x80, s30, s19, $0xb8;
	[tilespmem:$0x1F000] =	vst v63  }
0x57: {  	s29 =	sadd.s32 $0x140, s13  }
0x58: {  	[tilespmem:s24], [sflag:$0x1] =	stream.indirect.gather [hbm4b:s4+s19], $0x80, s29, s19, $0xb8;
	[tilespmem:$0x1F000] =	vst v63  }
0x59: {  	_ =	swait.ge [sflag:s25], $0x4000  }
0x5a: {  	[sflag:s25] =	ssyncset.done $0x0  }
0x5b: {  	s30 =	simm.s32 $0x2880;
	[sflag:s25] =	ssyncadd.s32 $0xFFFFC000  }
0x5c: {  	[spmem:s1] =	stream.indirect.scatter.add.f32 [tilespmem:s20], [sflag:$0x6], $0x80, s30, s17, $0xb8;
	[tilespmem:$0x1F000] =	vst v63  }
0x5d: {  	_ =	swait.ge [sflag:s28], $0x4000  }
0x5e: {  	[sflag:s28] =	ssyncset.done $0x0  }
0x5f: {  	s29 =	sadd.s32 $0x180, s13;
	[sflag:s28] =	ssyncadd.s32 $0xFFFFC000  }
0x60: {  	[tilespmem:s20], [sflag:$0x2] =	stream.indirect.gather [hbm4b:s4+s19], $0x80, s29, s19, $0xb8;
	[tilespmem:$0x1F000] =	vst v63  }
0x61: {  	s30 =	sadd.s32 $0x1C0, s13  }
0x62: {  	[tilespmem:s21], [sflag:$0x2] =	stream.indirect.gather [hbm4b:s4+s19], $0x80, s30, s19, $0xb8;
	[tilespmem:$0x1F000] =	vst v63  }
0x63: {  	_ =	swait.ge [sflag:s22], $0x4000  }
0x64: {  	[sflag:s22] =	ssyncset.done $0x0  }
0x65: {  	s29 =	simm.s32 $0x2900;
	[sflag:s22] =	ssyncadd.s32 $0xFFFFC000  }
0x66: {  	[spmem:s1] =	stream.indirect.scatter.add.f32 [tilespmem:s18], [sflag:$0x5], $0x80, s29, s17, $0xb8;
	[tilespmem:$0x1F000] =	vst v63  }
0x67: {  	_ =	swait.ge [sflag:s23], $0x4000  }
0x68: {  	[sflag:s23] =	ssyncset.done $0x0  }
0x69: {  	s30 =	sadd.s32 $0x200, s13;
	[sflag:s23] =	ssyncadd.s32 $0xFFFFC000  }
0x6a: {  	[tilespmem:s18], [sflag:$0x1] =	stream.indirect.gather [hbm4b:s4+s19], $0x80, s30, s19, $0xb8;
	[tilespmem:$0x1F000] =	vst v63  }
0x6b: {  	s29 =	sadd.s32 $0x240, s13  }
0x6c: {  	[tilespmem:s24], [sflag:$0x1] =	stream.indirect.gather [hbm4b:s4+s19], $0x80, s29, s19, $0xb8;
	[tilespmem:$0x1F000] =	vst v63  }
0x6d: {  	_ =	swait.ge [sflag:s25], $0x4000  }
0x6e: {  	[sflag:s25] =	ssyncset.done $0x0  }
0x6f: {  	s30 =	simm.s32 $0x2980;
	[sflag:s25] =	ssyncadd.s32 $0xFFFFC000  }
0x70: {  	[spmem:s1] =	stream.indirect.scatter.add.f32 [tilespmem:s20], [sflag:$0x6], $0x80, s30, s17, $0xb8;
	[tilespmem:$0x1F000] =	vst v63  }
0x71: {  	_ =	swait.ge [sflag:s28], $0x4000  }
0x72: {  	[sflag:s28] =	ssyncset.done $0x0  }
0x73: {  	s29 =	sadd.s32 $0x280, s13;
	[sflag:s28] =	ssyncadd.s32 $0xFFFFC000  }
0x74: {  	[tilespmem:s20], [sflag:$0x2] =	stream.indirect.gather [hbm4b:s4+s19], $0x80, s29, s19, $0xb8;
	[tilespmem:$0x1F000] =	vst v63  }
0x75: {  	s30 =	sadd.s32 $0x2C0, s13  }
0x76: {  	[tilespmem:s21], [sflag:$0x2] =	stream.indirect.gather [hbm4b:s4+s19], $0x80, s30, s19, $0xb8;
	[tilespmem:$0x1F000] =	vst v63  }
0x77: {  	_ =	swait.ge [sflag:s22], $0x4000  }
0x78: {  	[sflag:s22] =	ssyncset.done $0x0  }
0x79: {  	[sflag:s22] =	ssyncadd.s32 $0xFFFFC000  }
0x7a: {  	[spmem:s1] =	stream.indirect.scatter.add.f32 [tilespmem:s18], [sflag:$0x5], $0x80, s31, s17, $0xb8;
	[tilespmem:$0x1F000] =	vst v63  }
0x7b: {  	_ =	swait.ge [sflag:s23], $0x4000  }
0x7c: {  	[sflag:s23] =	ssyncset.done $0x0  }
0x7d: {  	s29 =	sadd.s32 $0x300, s13;
	[sflag:s23] =	ssyncadd.s32 $0xFFFFC000  }
0x7e: {  	[tilespmem:s18], [sflag:$0x1] =	stream.indirect.gather [hbm4b:s4+s19], $0x80, s29, s19, $0xb8;
	[tilespmem:$0x1F000] =	vst v63  }
0x7f: {  	s30 =	sadd.s32 $0x340, s13  }
0x80: {  	[tilespmem:s24], [sflag:$0x1] =	stream.indirect.gather [hbm4b:s4+s19], $0x80, s30, s19, $0xb8;
	[tilespmem:$0x1F000] =	vst v63  }
0x81: {  	_ =	swait.ge [sflag:s25], $0x4000  }
0x82: {  	[sflag:s25] =	ssyncset.done $0x0  }
0x83: {  	[sflag:s25] =	ssyncadd.s32 $0xFFFFC000  }
0x84: {  	[spmem:s1] =	stream.indirect.scatter.add.f32 [tilespmem:s20], [sflag:$0x6], $0x80, s0, s17, $0xb8;
	[tilespmem:$0x1F000] =	vst v63  }
0x85: {  	_ =	swait.ge [sflag:s28], $0x4000  }
0x86: {  	[sflag:s28] =	ssyncset.done $0x0  }
0x87: {  	s29 =	sadd.s32 $0x380, s13;
	[sflag:s28] =	ssyncadd.s32 $0xFFFFC000  }
0x88: {  	[tilespmem:s20], [sflag:$0x2] =	stream.indirect.gather [hbm4b:s4+s19], $0x80, s29, s19, $0xb8;
	[tilespmem:$0x1F000] =	vst v63  }
0x89: {  	s30 =	sadd.s32 $0x3C0, s13  }
0x8a: {  	[tilespmem:s21], [sflag:$0x2] =	stream.indirect.gather [hbm4b:s4+s19], $0x80, s30, s19, $0xb8;
	[tilespmem:$0x1F000] =	vst v63  }
0x8b: {  	_ =	swait.ge [sflag:s22], $0x4000  }
0x8c: {  	[sflag:s22] =	ssyncset.done $0x0  }
0x8d: {  	[sflag:s22] =	ssyncadd.s32 $0xFFFFC000  }
0x8e: {  	[spmem:s1] =	stream.indirect.scatter.add.f32 [tilespmem:s18], [sflag:$0x5], $0x80, s2, s17, $0xb8;
	[tilespmem:$0x1F000] =	vst v63  }
0x8f: {  	_ =	swait.ge [sflag:s23], $0x4000  }
0x90: {  	[sflag:s23] =	ssyncset.done $0x0  }
0x91: {  	s29 =	sadd.s32 $0x400, s13;
	[sflag:s23] =	ssyncadd.s32 $0xFFFFC000  }
0x92: {  	[tilespmem:s18], [sflag:$0x1] =	stream.indirect.gather [hbm4b:s4+s19], $0x80, s29, s19, $0xb8;
	[tilespmem:$0x1F000] =	vst v63  }
0x93: {  	s30 =	sadd.s32 $0x440, s13  }
0x94: {  	[tilespmem:s24], [sflag:$0x1] =	stream.indirect.gather [hbm4b:s4+s19], $0x80, s30, s19, $0xb8;
	[tilespmem:$0x1F000] =	vst v63  }
0x95: {  	_ =	swait.ge [sflag:s25], $0x4000  }
0x96: {  	[sflag:s25] =	ssyncset.done $0x0  }
0x97: {  	p1 =	seq.s32 s3, $0x8000;
	[sflag:s25] =	ssyncadd.s32 $0xFFFFC000  }
0x98: {  	[spmem:s1] =	stream.indirect.scatter.add.f32 [tilespmem:s20], [sflag:$0x6], $0x80, s5, s17, $0xb8;
	[tilespmem:$0x1F000] =	vst v63  }
0x99: {  	s26 =	sadd.s32 @!p1 $0xFFFFFF80, s12;
	s29 =	simm.s32 @!p1 $0x0;
	s30 =	simm.s32 @!p1 $0x2800  }
0x9a: {  	[tilespmem:s30], [sflag:$0x3] =	stream.linear.gather @!p1 [hbm4b:s26+s29], $0x400, $0x38;
	[tilespmem:$0x1F000] =	vst v63  }
0x9b: {  	_ =	swait.ge [sflag:s7], $0x400  }
0x9c: {  	[sflag:s7] =	ssyncset.done $0x0  }
0x9d: {  	[sflag:s7] =	ssyncadd.s32 $0xFFFFFC00  }
0x9e: {  	_ =	swait.ge [sflag:s28], $0x4000  }
0x9f: {  	[sflag:s28] =	ssyncset.done $0x0  }
0xa0: {  	s29 =	sadd.s32 $0x480, s13;
	[sflag:s28] =	ssyncadd.s32 $0xFFFFC000  }
0xa1: {  	[tilespmem:s20], [sflag:$0x2] =	stream.indirect.gather [hbm4b:s4+s19], $0x80, s29, s19, $0xb8;
	[tilespmem:$0x1F000] =	vst v63  }
0xa2: {  	s30 =	sadd.s32 $0x4C0, s13  }
0xa3: {  	[tilespmem:s21], [sflag:$0x2] =	stream.indirect.gather [hbm4b:s4+s19], $0x80, s30, s19, $0xb8;
	[tilespmem:$0x1F000] =	vst v63  }
0xa4: {  	_ =	swait.ge [sflag:s22], $0x4000  }
0xa5: {  	[sflag:s22] =	ssyncset.done $0x0  }
0xa6: {  	[sflag:s22] =	ssyncadd.s32 $0xFFFFC000  }
0xa7: {  	[spmem:s1] =	stream.indirect.scatter.add.f32 [tilespmem:s18], [sflag:$0x5], $0x80, s16, s17, $0xb8;
	[tilespmem:$0x1F000] =	vst v63  }
0xa8: {  	_ =	swait.ge [sflag:s23], $0x4000  }
0xa9: {  	[sflag:s23] =	ssyncset.done $0x0  }
0xaa: {  	s29 =	sadd.s32 $0x500, s13;
	[sflag:s23] =	ssyncadd.s32 $0xFFFFC000  }
0xab: {  	[tilespmem:s18], [sflag:$0x1] =	stream.indirect.gather [hbm4b:s4+s19], $0x80, s29, s19, $0xb8;
	[tilespmem:$0x1F000] =	vst v63  }
0xac: {  	s30 =	sadd.s32 $0x540, s13  }
0xad: {  	[tilespmem:s24], [sflag:$0x1] =	stream.indirect.gather [hbm4b:s4+s19], $0x80, s30, s19, $0xb8;
	[tilespmem:$0x1F000] =	vst v63  }
0xae: {  	_ =	swait.ge [sflag:s25], $0x4000  }
0xaf: {  	[sflag:s25] =	ssyncset.done $0x0  }
0xb0: {  	[sflag:s25] =	ssyncadd.s32 $0xFFFFC000  }
0xb1: {  	[spmem:s1] =	stream.indirect.scatter.add.f32 [tilespmem:s20], [sflag:$0x6], $0x80, s8, s17, $0xb8;
	[tilespmem:$0x1F000] =	vst v63  }
0xb2: {  	_ =	swait.ge [sflag:s28], $0x4000  }
0xb3: {  	[sflag:s28] =	ssyncset.done $0x0  }
0xb4: {  	s29 =	sadd.s32 $0x580, s13;
	[sflag:s28] =	ssyncadd.s32 $0xFFFFC000  }
0xb5: {  	[tilespmem:s20], [sflag:$0x2] =	stream.indirect.gather [hbm4b:s4+s19], $0x80, s29, s19, $0xb8;
	[tilespmem:$0x1F000] =	vst v63  }
0xb6: {  	s30 =	sadd.s32 $0x5C0, s13  }
0xb7: {  	[tilespmem:s21], [sflag:$0x2] =	stream.indirect.gather [hbm4b:s4+s19], $0x80, s30, s19, $0xb8;
	[tilespmem:$0x1F000] =	vst v63  }
0xb8: {  	_ =	swait.ge [sflag:s22], $0x4000  }
0xb9: {  	[sflag:s22] =	ssyncset.done $0x0  }
0xba: {  	[sflag:s22] =	ssyncadd.s32 $0xFFFFC000  }
0xbb: {  	[spmem:s1] =	stream.indirect.scatter.add.f32 [tilespmem:s18], [sflag:$0x5], $0x80, s9, s17, $0xb8;
	[tilespmem:$0x1F000] =	vst v63  }
0xbc: {  	_ =	swait.ge [sflag:s23], $0x4000  }
0xbd: {  	[sflag:s23] =	ssyncset.done $0x0  }
0xbe: {  	s29 =	sadd.s32 $0x600, s13;
	[sflag:s23] =	ssyncadd.s32 $0xFFFFC000  }
0xbf: {  	[tilespmem:s18], [sflag:$0x1] =	stream.indirect.gather [hbm4b:s4+s19], $0x80, s29, s19, $0xb8;
	[tilespmem:$0x1F000] =	vst v63  }
0xc0: {  	s30 =	sadd.s32 $0x640, s13  }
0xc1: {  	[tilespmem:s24], [sflag:$0x1] =	stream.indirect.gather [hbm4b:s4+s19], $0x80, s30, s19, $0xb8;
	[tilespmem:$0x1F000] =	vst v63  }
0xc2: {  	_ =	swait.ge [sflag:s25], $0x4000  }
0xc3: {  	[sflag:s25] =	ssyncset.done $0x0  }
0xc4: {  	[sflag:s25] =	ssyncadd.s32 $0xFFFFC000  }
0xc5: {  	[spmem:s1] =	stream.indirect.scatter.add.f32 [tilespmem:s20], [sflag:$0x6], $0x80, s11, s17, $0xb8;
	[tilespmem:$0x1F000] =	vst v63  }
0xc6: {  	_ =	swait.ge [sflag:s28], $0x4000  }
0xc7: {  	[sflag:s28] =	ssyncset.done $0x0  }
0xc8: {  	s29 =	sadd.s32 $0x680, s13;
	[sflag:s28] =	ssyncadd.s32 $0xFFFFC000  }
0xc9: {  	[tilespmem:s20], [sflag:$0x2] =	stream.indirect.gather [hbm4b:s4+s19], $0x80, s29, s19, $0xb8;
	[tilespmem:$0x1F000] =	vst v63  }
0xca: {  	s30 =	sadd.s32 $0x6C0, s13  }
0xcb: {  	[tilespmem:s21], [sflag:$0x2] =	stream.indirect.gather [hbm4b:s4+s19], $0x80, s30, s19, $0xb8;
	[tilespmem:$0x1F000] =	vst v63  }
0xcc: {  	_ =	swait.ge [sflag:s22], $0x4000  }
0xcd: {  	[sflag:s22] =	ssyncset.done $0x0  }
0xce: {  	[sflag:s22] =	ssyncadd.s32 $0xFFFFC000  }
0xcf: {  	[spmem:s1] =	stream.indirect.scatter.add.f32 [tilespmem:s18], [sflag:$0x5], $0x80, s6, s17, $0xb8;
	[tilespmem:$0x1F000] =	vst v63  }
0xd0: {  	_ =	swait.ge [sflag:s23], $0x4000  }
0xd1: {  	[sflag:s23] =	ssyncset.done $0x0  }
0xd2: {  	s29 =	sadd.s32 $0x700, s13;
	[sflag:s23] =	ssyncadd.s32 $0xFFFFC000  }
0xd3: {  	[tilespmem:s18], [sflag:$0x1] =	stream.indirect.gather [hbm4b:s4+s19], $0x80, s29, s19, $0xb8;
	[tilespmem:$0x1F000] =	vst v63  }
0xd4: {  	s30 =	sadd.s32 $0x740, s13  }
0xd5: {  	[tilespmem:s24], [sflag:$0x1] =	stream.indirect.gather [hbm4b:s4+s19], $0x80, s30, s19, $0xb8;
	[tilespmem:$0x1F000] =	vst v63  }
0xd6: {  	_ =	swait.ge [sflag:s25], $0x4000  }
0xd7: {  	[sflag:s25] =	ssyncset.done $0x0  }
0xd8: {  	[sflag:s25] =	ssyncadd.s32 $0xFFFFC000  }
0xd9: {  	[spmem:s1] =	stream.indirect.scatter.add.f32 [tilespmem:s20], [sflag:$0x6], $0x80, s10, s17, $0xb8;
	[tilespmem:$0x1F000] =	vst v63  }
0xda: {  	_ =	swait.ge [sflag:s28], $0x4000  }
0xdb: {  	[sflag:s28] =	ssyncset.done $0x0  }
0xdc: {  	s29 =	sadd.s32 $0x780, s13;
	[sflag:s28] =	ssyncadd.s32 $0xFFFFC000  }
0xdd: {  	[tilespmem:s20], [sflag:$0x2] =	stream.indirect.gather [hbm4b:s4+s19], $0x80, s29, s19, $0xb8;
	[tilespmem:$0x1F000] =	vst v63  }
0xde: {  	s30 =	sadd.s32 $0x7C0, s13  }
0xdf: {  	[tilespmem:s21], [sflag:$0x2] =	stream.indirect.gather [hbm4b:s4+s19], $0x80, s30, s19, $0xb8;
	[tilespmem:$0x1F000] =	vst v63  }
.Ltmp3:
0xe0: {  	_ = 	snop;
	(pc) =	sbr.rel @p1 .LBB2_6-.Ltmp3, $4  }
0xe1: {  	_ =	swait.ge [sflag:s22], $0x4000  }
0xe2: {  	[sflag:s22] =	ssyncset.done $0x0  }
0xe3: {  	[sflag:s22] =	ssyncadd.s32 $0xFFFFC000  }
0xe4: {  	[spmem:s1] =	stream.indirect.scatter.add.f32 [tilespmem:s18], [sflag:$0x5], $0x80, s14, s17, $0xb8;
	[tilespmem:$0x1F000] =	vst v63  }
0xe5: {  	_ =	swait.ge [sflag:s23], $0x4000  }
0xe6: {  	[sflag:s23] =	ssyncset.done $0x0  }
0xe7: {  	s26 =	sadd.s32 $0x800, s13;
	[sflag:s23] =	ssyncadd.s32 $0xFFFFC000  }
0xe8: {  	[tilespmem:s18], [sflag:$0x1] =	stream.indirect.gather [hbm4b:s4+s19], $0x80, s26, s19, $0xb8;
	[tilespmem:$0x1F000] =	vst v63  }
0xe9: {  	s29 =	sadd.s32 $0x840, s13  }
0xea: {  	[tilespmem:s24], [sflag:$0x1] =	stream.indirect.gather [hbm4b:s4+s19], $0x80, s29, s19, $0xb8;
	[tilespmem:$0x1F000] =	vst v63  }
0xeb: {  	_ =	swait.ge [sflag:s25], $0x4000  }
0xec: {  	[sflag:s25] =	ssyncset.done $0x0  }
.Ltmp4:
0xed: {  	[sflag:s25] =	ssyncadd.s32 $0xFFFFC000;
	(pc) =	sbr.rel .LBB2_3-.Ltmp4, $4  }
0xee: {  	[spmem:s1] =	stream.indirect.scatter.add.f32 [tilespmem:s20], [sflag:$0x6], $0x80, s15, s17, $0xb8;
	[tilespmem:$0x1F000] =	vst v63  }
0xef: {  	s30 =	simm.s32 $0x0  }
0xf0: {  	[tilespmem:s16], [sflag:$0x4] =	stream.linear.gather [hbm4b:s12+s30], $0x400, $0x38;
	[tilespmem:$0x1F000] =	vst v63  }
0xf1: {  	s3 =	sadd.s32 $0x2000, s3;
	s12 =	sadd.s32 $0x100, s12  }
.LBB2_5:
.Ltmp5:
0xf2: {  	(pc) =	sbr.rel .LBB2_7-.Ltmp5, $3  }
0xf3: {  	_ = 	snop  }
0xf4: {  	[bflag:$0x0] =	sbarrier.arrive $0xFFFF  }
0xf5: {  	[bflag:$0x0] =	sbarrier.arrive $0xFFFF;
	_ =	sdelay $0x1  }
.LBB2_8:
0xf6: {  	_ =	sfence.sel $0x180000  }
0xf7: {  	[bflag:$0x0] =	sbarrier.arrive $0xFFFF  }
0xf8: {  	_ =	strace $0x9000004D  }
0xf9: {  	s0 =	stileid.u32;
	[bflag:$0x2] =	sbarrier.arrive $0xFFFF  }
0xfa: {  	p0 =	sne.s32 s0, $0x0;
	s0 =	rddreg [dreg:$0x3]  }
0xfb: {  	s0 =	sadd.s32 @!p0 $0x100000, s0  }
0xfc: {  	[sflag:s0] =	ssyncadd.tile.s32 @!p0 $0x1;
	_ =	shalt  }
.Lfunc_end2:
_tile_overlayer_lowered:
.L_overlay_start_2:
0xfd: {  	(tag) =	ssettag $0x2  }
0xfe: {  	s0 =	rddreg [dreg:$0x0];
	s2 =	stileid.u32  }
0xff: {  	s1 =	rddreg [dreg:$0x1];
	p0 =	sne.s32 s2, $0x0  }
0x100: {  	s3 =	rddreg [dreg:$0x2];
	[bflag:$0x3] =	sbarrier.arrive $0xFFFF;
	s2 =	simm.s32 @!p0 $0x1C07  }
0x101: {  	[timem:s3], [sflag:s2] =	dma.local @!p0 [hbm:s0], s1  }
0x102: {  	s0 =	simm.s32 @!p0 $0x7  }
0x103: {  	_ =	swait.ge @!p0 [sflag:s0], s1  }
0x104: {  	s1 =	ssub.s32 @!p0 $0x0, s1;
	[sflag:s0] =	ssyncset.done @!p0 $0x0  }
0x105: {  	[sflag:s0] =	ssyncadd.s32 @!p0 s1  }
0x106: {  	[bflag:$0x3] =	sbarrier.arrive $0xFFFF  }
0x107: {  	_ =	shalt  }

// kernel: kernel.8.cloned.1.call-start
scs
__scs_entry_jumppad:
0x0: {  	(pc) =	sbr.rel $0x88, $3  }
0x1: {  	(tag) =	ssettag $0x0;
	lr =	simm.s32 $0x1  }
0x2: {  	[smem:$0x3F9D] =	sst lr;
	_ =	strace $0xD0000000  }
0x3: {  	_ = 	snop  }
0x4: {  	_ = 	snop  }
0x5: {  	_ = 	snop  }
0x6: {  	_ = 	snop  }
0x7: {  	_ = 	snop  }
__scs_overlays_trampoline_lowered:
0x8: {  	[smem:$0x3FAC] =	sst s0  }
0x9: {  	[smem:$0x3FAD] =	sst s1  }
0xa: {  	[smem:$0x3FAE] =	sst s2  }
0xb: {  	[smem:$0x3FAF] =	sst s3  }
0xc: {  	[smem:$0x3FB0] =	sst s4  }
0xd: {  	[smem:$0x3FB1] =	sst s5  }
0xe: {  	[smem:$0x3FB2] =	sst s6  }
0xf: {  	[smem:$0x3FB3] =	sst s7  }
0x10: {  	[smem:$0x3FB4] =	sst s8  }
0x11: {  	[smem:$0x3FB5] =	sst s9;
	s0 =	simm.s32 @!p0 $0x0  }
0x12: {  	s1 =	sld [smem:$0x3F9B];
	s0 =	simm.s32 @p0 $0x1  }
0x13: {  	[smem:$0x3FB6] =	sst s0;
	s0 =	simm.s32 @!p1 $0x0  }
0x14: {  	s2 =	sld [smem:$0x3F9A];
	s0 =	simm.s32 @p1 $0x1  }
0x15: {  	[smem:$0x3FB7] =	sst s0;
	s0 =	simm.s32 @!p2 $0x0  }
0x16: {  	s3 =	sld [smem:$0x3FDB];
	s0 =	simm.s32 @p2 $0x1  }
0x17: {  	s4 =	simm.s32 $0x1BF5;
	[smem:$0x3FB9] =	sst s0  }
0x18: {  	s0 =	sld [smem:$0x3F9C];
	_ =	swait.ge [sflag:s4], $0x0  }
0x19: {  	s7 =	sld [smem:$0x3F9D]  }
0x1a: {  	s8 =	sadd.s32 $0xFFFFE003, lr  }
0x1b: {  	s9 =	sadd.s32 $0xFFFFFEF7, lr;
	s5 =	simm.s32 $0xFFFFFFFF;
	p2 =	slt.u32 s8, $0xFFFFF086  }
0x1c: {  	p1 =	slt.u32 s9, $0xF7A;
	s5 =	simm.s32 @!p2 $0x0  }
0x1d: {  	s5 =	simm.s32 @p1 $0x1;
	p0 =	seq.s32 s7, s2  }
0x1e: {  	s7 =	smul.u32 @!p0 $0xF7A, s2;
	p2 =	seq.s32 @!p0 s5, $0x0  }
0x1f: {  	s9 =	smul.u32 $0xF7A, s1;
	s8 =	simm.s32 @!p0 $0x1BF5;
	p2 =	por !p2, p0  }
0x20: {  	[sflag:s8] =	ssyncset.s32 @!p0 $0xFFFFF086;
	s6 =	sadd.s32 @!p0 s3, s7;
	s7 =	simm.s32 @!p0 $0x108  }
0x21: {  	s3 =	sadd.s32 s3, s9;
	s6 =	sadd.s32 @!p0 $0x88, s6;
	s7 =	simm.s32 @p2 $0x1082  }
0x22: {  	[simem:s7], [sflag:s8] =	dma.local @!p0 [hbm:s6], $0xF7A  }
0x23: {  	s9 =	sor.u32 $0xD0000000, s2;
	s6 =	simm.s32 $0x108;
	_ =	swait.ge @!p0 [sflag:s8], $0x0  }
0x24: {  	s3 =	sadd.s32 $0x88, s3;
	s6 =	simm.s32 @!p1 $0x1082;
	[sflag:s4] =	ssyncset.s32 $0xFFFFF086  }
0x25: {  	[simem:s6], [sflag:s4] =	dma.local [hbm:s3], $0xF7A  }
0x26: {  	[smem:$0x3F9D] =	sst s1;
	(tag) =	ssettag s2;
	_ =	strace s9  }
0x27: {  	s1 =	sld [smem:$0x3FAD]  }
0x28: {  	s2 =	sld [smem:$0x3FAE]  }
0x29: {  	s4 =	sld [smem:$0x3FB0]  }
0x2a: {  	p0 =	seq.s32 s5, $0x0;
	s5 =	sld [smem:$0x3FB1]  }
0x2b: {  	s6 =	sld [smem:$0x3FB2]  }
0x2c: {  	s7 =	sld [smem:$0x3FB3]  }
0x2d: {  	s3 =	simm.s32 $0x108;
	s8 =	sld [smem:$0x3FB4]  }
0x2e: {  	s3 =	simm.s32 @!p0 $0x1082;
	s9 =	sld [smem:$0x3FB5]  }
0x2f: {  	lr =	sadd.s32 s0, s3;
	s0 =	sld [smem:$0x3FAC]  }
0x30: {  	s3 =	sld [smem:$0x3FAF]  }
0x31: {  	[smem:$0x3FB8] =	sst s10  }
0x32: {  	s10 =	sld [smem:$0x3FB6];
	_ =	sdelay $0x3  }
0x33: {  	p0 =	seq.s32 s10, $0x1;
	s10 =	sld [smem:$0x3FB8];
	_ =	sdelay $0x3  }
0x34: {  	[smem:$0x3FB8] =	sst s10  }
0x35: {  	s10 =	sld [smem:$0x3FB7];
	_ =	sdelay $0x3  }
0x36: {  	p1 =	seq.s32 s10, $0x1;
	s10 =	sld [smem:$0x3FB8];
	_ =	sdelay $0x3  }
0x37: {  	[smem:$0x3FB8] =	sst s10  }
0x38: {  	s10 =	sld [smem:$0x3FB9]  }
0x39: {  	_ = 	snop;
	(pc) =	sbr.ind lr, $3  }
0x3a: {  	_ = 	snop  }
0x3b: {  	_ = 	snop  }
0x3c: {  	p2 =	seq.s32 s10, $0x1;
	s10 =	sld [smem:$0x3FB8]  }
0x3d: {  	_ =	shalt  }
0x3e: {  	_ =	shalt  }
0x3f: {  	_ =	shalt  }
0x40: {  	_ =	shalt  }
0x41: {  	_ =	shalt  }
0x42: {  	_ =	shalt  }
0x43: {  	_ =	shalt  }
0x44: {  	_ =	shalt  }
0x45: {  	_ =	shalt  }
0x46: {  	_ =	shalt  }
0x47: {  	_ =	shalt  }
0x48: {  	_ =	shalt  }
0x49: {  	_ =	shalt  }
0x4a: {  	_ =	shalt  }
0x4b: {  	_ =	shalt  }
0x4c: {  	_ =	shalt  }
0x4d: {  	_ =	shalt  }
0x4e: {  	_ =	shalt  }
0x4f: {  	_ =	shalt  }
0x50: {  	_ =	shalt  }
0x51: {  	_ =	shalt  }
0x52: {  	_ =	shalt  }
0x53: {  	_ =	shalt  }
0x54: {  	_ =	shalt  }
0x55: {  	_ =	shalt  }
0x56: {  	_ =	shalt  }
0x57: {  	_ =	shalt  }
0x58: {  	_ =	shalt  }
0x59: {  	_ =	shalt  }
0x5a: {  	_ =	shalt  }
0x5b: {  	_ =	shalt  }
0x5c: {  	_ =	shalt  }
0x5d: {  	_ =	shalt  }
0x5e: {  	_ =	shalt  }
0x5f: {  	_ =	shalt  }
0x60: {  	_ =	shalt  }
0x61: {  	_ =	shalt  }
0x62: {  	_ =	shalt  }
0x63: {  	_ =	shalt  }
0x64: {  	_ =	shalt  }
0x65: {  	_ =	shalt  }
0x66: {  	_ =	shalt  }
0x67: {  	_ =	shalt  }
0x68: {  	_ =	shalt  }
0x69: {  	_ =	shalt  }
0x6a: {  	_ =	shalt  }
0x6b: {  	_ =	shalt  }
0x6c: {  	_ =	shalt  }
0x6d: {  	_ =	shalt  }
0x6e: {  	_ =	shalt  }
0x6f: {  	_ =	shalt  }
0x70: {  	_ =	shalt  }
0x71: {  	_ =	shalt  }
0x72: {  	_ =	shalt  }
0x73: {  	_ =	shalt  }
0x74: {  	_ =	shalt  }
0x75: {  	_ =	shalt  }
0x76: {  	_ =	shalt  }
0x77: {  	_ =	shalt  }
0x78: {  	_ =	shalt  }
0x79: {  	_ =	shalt  }
0x7a: {  	_ =	shalt  }
0x7b: {  	_ =	shalt  }
0x7c: {  	_ =	shalt  }
0x7d: {  	_ =	shalt  }
0x7e: {  	_ =	shalt  }
0x7f: {  	_ =	shalt  }
0x80: {  	_ =	shalt  }
0x81: {  	_ =	shalt  }
0x82: {  	_ =	shalt  }
0x83: {  	_ =	shalt  }
0x84: {  	_ =	shalt  }
0x85: {  	_ =	shalt  }
0x86: {  	_ =	shalt  }
0x87: {  	_ =	shalt  }
.Lfunc_end0:
.L_simem_size_0:
called_computation_lowered:
.L_overlay_start_0:
0x88: {  	s2 =	sld [smem:$0x3FD9]  }
0x89: {  	s3 =	sld [smem:$0x3FFE];
	_ =	sdelay $0x1  }
0x8a: {  	s1 =	srdreg.scid  }
0x8b: {  	s0 =	sand.u32 $0x1, s1  }
0x8c: {  	s16 =	sshll.u32 s0, $0xA;
	s2 =	sadd.s32 s3, s2  }
0x8d: {  	s2 =	sadd.s32 s2, s16  }
0x8e: {  	[smem:$0x3FC4] =	sst s2  }
0x8f: {  	_ = 	snop  }
0x90: {  	(tm) =	ssettm $0x1  }
0x91: {  	s17 =	sld [smem:$0x3FFB];
	_ =	sdelay $0x3  }
0x92: {  	_ =	strace s17  }
0x93: {  	s2 =	sld [smem:$0x3FFC];
	_ =	sdelay $0x3  }
0x94: {  	_ =	strace s2  }
0x95: {  	s2 =	sld [smem:$0x3FFD];
	_ =	sdelay $0x3  }
0x96: {  	_ =	strace s2  }
0x97: {  	_ =	strace $0x8FFFFFFF  }
0x98: {  	s18 =	sld [smem:$0x3FDB];
	_ =	sdelay $0x1  }
0x99: {  	s19 =	simm.s32 $_scs_section_size  }
0x9a: {  	s4 =	simm.s32 $_size__tile_overlayer_lowered;
	s5 =	simm.s32 $_tile_overlayer_lowered  }
0x9b: {  	s22 =	simm.s32 $0x1BFF;
	s21 =	sshll.u32 s5, $0x1;
	s2 =	sadd.s32 s19, s18  }
0x9c: {  	s6 =	simm.s32 $0x0;
	s20 =	sshll.u32 s4, $0x1;
	s4 =	sadd.s32 s21, s2  }
0x9d: {  	[timem:s6], [sflag:s22] =	dma.local [hbm:s4], s20  }
0x9e: {  	_ =	swait.ge [sflag:s22], s20  }
0x9f: {  	s3 =	ssub.s32 $0x0, s20;
	[sflag:s22] =	ssyncset.done $0x0  }
0xa0: {  	[sflag:s22] =	ssyncadd.s32 s3;
	_ =	sdelay $0x1  }
0xa1: {  	s23 =	simm.s32 $0x1B8B  }
0xa2: {  	_ =	swait.ge [sflag:s23], $0x1  }
0xa3: {  	[sflag:s23] =	ssyncset.done $0x0  }
0xa4: {  	s25 =	simm.s32 $0x1B8E;
	s24 =	sld [smem:$0x3FFE];
	[sflag:s23] =	ssyncadd.s32 $0xFFFFFFFF  }
0xa5: {  	s26 =	simm.s32 $execute0_lowered;
	[smem:$0x3FD2] =	sst s25  }
0xa6: {  	s4 =	sshll.u32 s26, $0x1;
	_ =	strace $0x80000046;
	[dreg:$0x1] =	wrdreg $0xFFFFFFFF  }
0xa7: {  	s28 =	simm.s32 $_size_execute0_lowered;
	s2 =	sadd.s32 s2, s4;
	[dreg:$0x0] =	wrdreg $0x0  }
0xa8: {  	s4 =	sshll.u32 s28, $0x1;
	[dreg:$0x2] =	wrdreg s2  }
0xa9: {  	[dreg:$0x3] =	wrdreg s4  }
0xaa: {  	[dreg:$0x4] =	wrdreg $0xC0  }
0xab: {  	_ =	task [dreg:s6], $0x5FFFF  }
0xac: {  	[dreg:$0x1] =	wrdreg $0xFFFFFFFF  }
0xad: {  	[dreg:$0x0] =	wrdreg $0x60  }
0xae: {  	[dreg:$0x2] =	wrdreg s24  }
0xaf: {  	[dreg:$0x3] =	wrdreg $0x28800  }
0xb0: {  	[dreg:$0x4] =	wrdreg $0x9  }
0xb1: {  	_ =	task.clear_ibuf [dreg:s6], $0x5FFFF;
	_ =	strace $0x90000046  }
0xb2: {  	s29 =	simm.s32 $0x9;
	_ =	strace $0x80000048  }
0xb3: {  	_ =	swait.ge [sflag:s29], $0x1  }
0xb4: {  	[sflag:s29] =	ssyncadd.s32 $0xFFFFFFFF  }
0xb5: {  	_ =	strace $0x90000048  }
0xb6: {  	_ =	sfence  }
0xb7: {  	s30 =	sld [smem:$0x0];
	_ =	sdelay $0x2  }
0xb8: {  	s31 =	sshll.u32 s1, $0xD;
	s1 =	sshrl.u32 s1, $0x2  }
0xb9: {  	s3 =	sand.u32 $0x4000, s31;
	s1 =	sadd.s32 s1, s30  }
0xba: {  	s0 =	sor.u32 s3, s0;
	s1 =	sshll.u32 s1, $0x11  }
0xbb: {  	s0 =	sor.u32 s1, s0  }
0xbc: {  	s0 =	sadd.s32 $0x8F2B, s0  }
0xbd: {  	[sflag:s0] =	ssyncadd.remote.s32 $0x1  }
0xbe: {  	_ =	sfence.sel $0xFFFF  }
0xbf: {  	[dreg:$0x0] =	wrdreg $0xFFFFFFFF;
	(pc) =	sbr.abs _section_cstart, $3  }
0xc0: {  	[dreg:$0x1] =	wrdreg $0xFFFFFFFF  }
0xc1: {  	_ =	task.clear_ibuf [dreg:s6], $0x2FFFF;
	_ =	strace $0x9FFFFFFF  }
0xc2: {  	(tm) =	ssettm $0x7FFFFFFF  }
0xc3: {  	_ =	shalt  }
tec
execute0_lowered:
.L_overlay_start_1:
0x0: {  	(tag) =	ssettag $0x1  }
0x1: {  	s4 =	rddreg [dreg:$0x0]  }
0x2: {  	s2 =	rddreg [dreg:$0x1]  }
0x3: {  	s0 =	rddreg [dreg:$0x2]  }
0x4: {  	s1 =	stileid.u32;
	s5 =	srdreg.scid;
	s3 =	simm.s32 $0x0  }
0x5: {  	s11 =	simm.s32 $0x80;
	s12 =	simm.s32 $0x2800;
	s6 =	smul.u32 $0x280, s1  }
0x6: {  	s8 =	sand.u32 $0x1, s5;
	[smem:$0x7FF] =	sst s3;
	s29 =	smul.u32 $0x500, s1  }
0x7: {  	s31 =	sshll.u32 s1, $0x6;
	s7 =	ssub.s32 $0x2, s8;
	_ =	strace $0x80000047  }
.Ltmp0:
0x8: {  	p0 =	sne.s32 s8, $0x0;
	s8 =	simm.s32 $0x1;
	(pc) =	sbr.rel .LBB2_1-.Ltmp0, $4  }
0x9: {  	s9 =	sshrl.u32 s6, $0x3;
	s10 =	sshrl.u32 s7, $0x1;
	s5 =	sadd.s32 s29, s4  }
0xa: {  	s30 =	sadd.s32 s6, s2;
	s9 =	sadd.s32 s9, s4;
	s7 =	ssub.s32 s7, s10  }
0xb: {  	s4 =	sadd.s32 $0x1800, s5;
	s10 =	sshrl.u32 s30, $0x3;
	s5 =	sadd.s32 $0x6800, s9  }
0xc: {  	v0 =	vimm.f32 $1.000000000e+00;
	s6 =	sadd.s32 $0x6E00, s9;
	s7 =	smax.u32 s7, $0x1;
	s9 =	sor.u32 $0x1C01, s31  }
.LBB2_7:
0xd: {  	[bflag:$0x0] =	sbarrier.arrive $0xFFFF  }
0xe: {  	[bflag:$0x0] =	sbarrier.arrive $0xFFFF  }
.LBB2_5:
0xf: {  	s3 =	sadd.s32 $0x1, s3  }
0x10: {  	p1 =	sne.s32 s3, s7  }
.Ltmp1:
0x11: {  	_ = 	snop;
	(pc) =	sbr.rel @!p1 .LBB2_6-.Ltmp1, $1  }
0x12: {  	_ =	sdelay $0x3  }
.LBB2_1:
.Ltmp2:
0x13: {  	(pc) =	sbr.rel @p0 .LBB2_7-.Ltmp2, $1  }
0x14: {  	_ =	sdelay $0x3  }
0x15: {  	[tilespmem:$0x2800] =	vst v0  }
0x16: {  	[tilespmem:$0x2810] =	vst v0  }
0x17: {  	[tilespmem:$0x2820] =	vst v0  }
0x18: {  	[tilespmem:$0x2830] =	vst v0  }
0x19: {  	[tilespmem:$0x2840] =	vst v0  }
0x1a: {  	[tilespmem:$0x2850] =	vst v0  }
0x1b: {  	[tilespmem:$0x2860] =	vst v0  }
0x1c: {  	[tilespmem:$0x2870] =	vst v0;
	s13 =	simm.s32 $0x0  }
0x1d: {  	[tilespmem:s13], [sflag:$0x1] =	stream.linear.gather [hbm4b:s4+s13], $0x2800, $0x38;
	[tilespmem:$0x2B00] =	vst v63  }
0x1e: {  	_ =	swait.ge [sflag:s8], $0x2800  }
0x1f: {  	[sflag:s8] =	ssyncset.done $0x0  }
0x20: {  	[sflag:s8] =	ssyncadd.s32 $0xFFFFD800  }
0x21: {  	[spmem:s10], [sflag:s9] =	dma.local [hbm:s5], $0x50  }
0x22: {  	_ =	swait.ge [sflag:s8], $0x50  }
0x23: {  	[sflag:s8] =	ssyncset.done $0x0  }
0x24: {  	[sflag:s8] =	ssyncadd.s32 $0xFFFFFFB0  }
0x25: {  	s31 =	simm.s32 $0x0;
	[bflag:$0x0] =	sbarrier.arrive $0xFFFF  }
0x26: {  	[spmem:s2] =	stream.indirect.scatter.add.f32 [tilespmem:s12], [sflag:$0x1], $0x1, s31, s11, $0xb8;
	[tilespmem:$0x2B00] =	vst v63  }
0x27: {  	_ =	swait.ge [sflag:s8], $0x80  }
0x28: {  	s13 =	simm.s32 $0x200;
	[sflag:s8] =	ssyncset.done $0x0  }
.LBB2_3:
0x29: {  	s14 =	sshra.s32 s13, $0x2;
	[sflag:s8] =	ssyncadd.s32 $0xFFFFFF80;
	p1 =	seq.s32 s13, $0x9E00  }
0x2a: {  	[spmem:s2] =	stream.indirect.scatter.add.f32 [tilespmem:s12], [sflag:$0x1], $0x1, s14, s11, $0xb8;
	[tilespmem:$0x2B00] =	vst v63  }
.Ltmp3:
0x2b: {  	_ = 	snop;
	(pc) =	sbr.rel @!p1 .LBB2_3-.Ltmp3, $4  }
0x2c: {  	_ = 	snop  }
0x2d: {  	s13 =	sadd.s32 $0x200, s13  }
0x2e: {  	_ =	swait.ge [sflag:s8], $0x80  }
0x2f: {  	[sflag:s8] =	ssyncset.done $0x0  }
0x30: {  	[sflag:s8] =	ssyncadd.s32 $0xFFFFFF80  }
.Ltmp4:
0x31: {  	[bflag:$0x0] =	sbarrier.arrive $0xFFFF;
	(pc) =	sbr.rel .LBB2_5-.Ltmp4, $4  }
0x32: {  	[hbm:s6], [sflag:s9] =	dma.local [spmem:s10], $0x50  }
0x33: {  	_ =	swait.ge [sflag:s8], $0x50  }
0x34: {  	[sflag:s8] =	ssyncset.done $0x0  }
0x35: {  	[sflag:s8] =	ssyncadd.s32 $0xFFFFFFB0  }
.LBB2_6:
0x36: {  	_ =	sfence.sel $0x180000  }
0x37: {  	[bflag:$0x0] =	sbarrier.arrive $0xFFFF  }
0x38: {  	p0 =	sne.s32 s1, $0x0;
	_ =	strace $0x90000047  }
0x39: {  	s0 =	sadd.s32 @!p0 $0x100000, s0;
	[bflag:$0x2] =	sbarrier.arrive $0xFFFF  }
0x3a: {  	[sflag:s0] =	ssyncadd.tile.s32 @!p0 $0x1;
	_ =	shalt  }
.Lfunc_end2:
_tile_overlayer_lowered:
.L_overlay_start_2:
0x3b: {  	(tag) =	ssettag $0x2  }
0x3c: {  	s0 =	rddreg [dreg:$0x0];
	s2 =	stileid.u32  }
0x3d: {  	s1 =	rddreg [dreg:$0x1];
	p0 =	sne.s32 s2, $0x0  }
0x3e: {  	s3 =	rddreg [dreg:$0x2];
	[bflag:$0x3] =	sbarrier.arrive $0xFFFF;
	s2 =	simm.s32 @!p0 $0x1C01  }
0x3f: {  	[timem:s3], [sflag:s2] =	dma.local @!p0 [hbm:s0], s1  }
0x40: {  	s0 =	simm.s32 @!p0 $0x1  }
0x41: {  	_ =	swait.ge @!p0 [sflag:s0], s1  }
0x42: {  	s1 =	ssub.s32 @!p0 $0x0, s1;
	[sflag:s0] =	ssyncset.done @!p0 $0x0  }
0x43: {  	[sflag:s0] =	ssyncadd.s32 @!p0 s1  }
0x44: {  	[bflag:$0x3] =	sbarrier.arrive $0xFFFF  }
0x45: {  	_ =	shalt  }

</sc_bundles>
